<compile_context>
chip_gen: v7x
topology: tpu7x:2x2x1
jax: 0.10.2.dev20260603
libtpu: 0.0.44.dev20260713+nightly
codegen_flags: <defaults>
</compile_context>

<pallas_src>
import dataclasses
import functools

import jax
import jax.numpy as jnp
from jax import lax
from jax.experimental import pallas as pl
from jax.experimental.pallas import tpu as pltpu
from jax.experimental.pallas import tpu_sc as plsc

NEG = -100000000.0
EPS = 1.1920929e-07
ONE_M_EPS = 1.0 - EPS
BIGI = 2**30
LN2 = 0.6931471805599453

NCHUNK = 4

NC = 2
NS = 16
NW = NC * NS
L = 16

C0 = 3.1930857718625794e-05
C1 = 1.4412670742163987
C2 = -0.7057026209301708
C3 = 0.4087189439212958
C4 = -0.18772049275789568
C5 = 0.04342836333161691



def _vm_chunk(vml, vmm_f):
    x = vml * (1.0 - vmm_f) + NEG * vmm_f
    m = jnp.max(x, axis=1, keepdims=True)
    e = jnp.exp(x - m)
    s = jnp.sum(e, axis=1, keepdims=True)
    sxe = jnp.sum(e * x, axis=1, keepdims=True)
    logs = jnp.log(s)
    lse = m + logs
    vm_lp = -logs[:, 0]
    vm_ent = jnp.where(m[:, 0] == NEG, 0.0, lse[:, 0] - sxe[:, 0] / s[:, 0])
    ii = lax.broadcasted_iota(jnp.int32, x.shape, 1)
    sel_vm = jnp.min(jnp.where(x == m, ii, BIGI), axis=1)
    return sel_vm, vm_lp, vm_ent


def _vm_kernel(vml_hbm, vmm_hbm, selvm_ref, lp_ref, ent_ref,
               xb0, xb1, mb0, mb1, sems):
    xb = (xb0, xb1)
    mb = (mb0, mb1)
    cr = xb0.shape[0]

    def start(c):
        buf = c % 2
        sl = pl.ds(c * cr, cr)
        cps = (
            pltpu.make_async_copy(vml_hbm.at[sl, :], xb[buf], sems.at[buf, 0]),
            pltpu.make_async_copy(vmm_hbm.at[sl, :], mb[buf], sems.at[buf, 1]),
        )
        for cp in cps:
            cp.start()
        return cps

    pending = start(0)
    for c in range(NCHUNK):
        for cp in pending:
            cp.wait()
        if c + 1 < NCHUNK:
            pending = start(c + 1)
        buf = c % 2
        sel_vm, vm_lp, vm_ent = _vm_chunk(
            xb[buf][...], mb[buf][...].astype(jnp.float32))
        sl = pl.ds(c * cr, cr)
        selvm_ref[sl] = sel_vm
        lp_ref[sl] = vm_lp
        ent_ref[sl] = vm_ent



def _softlog16(v):
    bits = lax.bitcast_convert_type(v, jnp.int32)
    ex = (bits >> 23) - 127
    exf = ex.astype(jnp.float32)
    mant = lax.bitcast_convert_type(
        (bits & 0x007FFFFF) | 0x3F800000, jnp.float32)
    t = mant - 1.0
    p = C5
    for c in (C4, C3, C2, C1, C0):
        p = p * t + c
    return (exf + p) * LN2


def _sc_row(pbuf, mbuf, nvec):
    zero = jnp.zeros((L,), jnp.float32)

    def pass_a(j, carry):
        sacc, cacc = carry
        mv = mbuf[pl.ds(j * L, L)]
        pv = pbuf[pl.ds(j * L, L)]
        un = 1.0 - mv
        return sacc + pv * un, cacc + un

    sacc, cacc = lax.fori_loop(0, nvec, pass_a, (zero, zero), unroll=8)
    S = jnp.sum(sacc)
    cnt = jnp.sum(cacc)
    small = S < 0.0001
    S2 = jnp.where(small, cnt, S)
    s2v = jnp.full((L,), S2)
    smallv = jnp.full((L,), jnp.where(small, 1.0, 0.0)) > 0.5
    iota = lax.iota(jnp.int32, L)

    def pass_b(j, carry):
        eacc, rmax, ridx = carry
        mv = mbuf[pl.ds(j * L, L)]
        pv = pbuf[pl.ds(j * L, L)]
        un = 1.0 - mv
        p2 = jnp.where(smallv, un, pv * un)
        q = p2 / s2v
        qc = jnp.minimum(jnp.maximum(q, EPS), ONE_M_EPS)
        lq = _softlog16(qc)
        eacc = eacc - q * lq
        gt = q > rmax
        rmax = jnp.where(gt, q, rmax)
        ridx = jnp.where(gt, iota + j * L, ridx)
        return eacc, rmax, ridx

    eacc, rmax, ridx = lax.fori_loop(
        0, nvec, pass_b,
        (zero, jnp.full((L,), -1.0), jnp.zeros((L,), jnp.int32)), unroll=8)

    ent = jnp.sum(eacc)
    M = jnp.max(rmax)
    sel = jnp.min(jnp.where(rmax == jnp.full((L,), M), ridx, BIGI))
    mc = jnp.minimum(jnp.maximum(jnp.full((L,), M), EPS), ONE_M_EPS)
    lp_bits = jnp.max(lax.bitcast_convert_type(_softlog16(mc), jnp.int32))
    ent_bits = jnp.max(
        lax.bitcast_convert_type(jnp.full((L,), ent), jnp.int32))
    return sel, lp_bits, ent_bits


def _make_sc_pm(B, NP):
    rpw = B // NW
    mesh = plsc.VectorSubcoreMesh(core_axis_name="c", subcore_axis_name="s")
    cp = pltpu.CompilerParams()
    if "needs_layout_passes" in pltpu.CompilerParams.__dataclass_fields__:
        cp = dataclasses.replace(cp, needs_layout_passes=False)

    @functools.partial(
        pl.kernel, mesh=mesh, compiler_params=cp,
        out_type=jax.ShapeDtypeStruct((NW, L), jnp.int32),
        scratch_types=[
            pltpu.VMEM((NP,), jnp.float32),
            pltpu.VMEM((NP,), jnp.float32),
            pltpu.VMEM((L,), jnp.int32),
            pltpu.SemaphoreType.DMA,
            pltpu.SemaphoreType.DMA,
        ],
    )
    def sc_pm(pp_hbm, mm_hbm, out_hbm, pbuf, mbuf, obuf, sem, sem2):
        wid = lax.axis_index("s") * NC + lax.axis_index("c")
        iota = lax.iota(jnp.int32, L)
        ovec = jnp.zeros((L,), jnp.int32)
        for r in range(rpw):
            row = wid * rpw + r
            cp1 = pltpu.async_copy(pp_hbm.at[row], pbuf, sem)
            cp2 = pltpu.async_copy(mm_hbm.at[row], mbuf, sem2)
            cp1.wait()
            cp2.wait()
            sel, lp_bits, ent_bits = _sc_row(pbuf, mbuf, NP // L)
            for k, val in ((0, sel), (1, lp_bits), (2, ent_bits)):
                ovec = jnp.where(iota == 3 * r + k, jnp.full((L,), val), ovec)
        obuf[...] = ovec
        pltpu.sync_copy(obuf, out_hbm.at[wid])

    return sc_pm



def kernel(vm_logits, vm_mask, pm_probs, pm_mask):
    B = vm_logits.shape[0]
    NV = vm_logits.shape[1]
    NP = pm_probs.shape[1]
    CR = B // NCHUNK
    rpw = B // NW

    sel_vm, vm_lp, vm_ent = pl.pallas_call(
        _vm_kernel,
        in_specs=[pl.BlockSpec(memory_space=pl.ANY)] * 2,
        out_shape=(
            jax.ShapeDtypeStruct((B,), jnp.int32),
            jax.ShapeDtypeStruct((B,), jnp.float32),
            jax.ShapeDtypeStruct((B,), jnp.float32),
        ),
        scratch_shapes=[
            pltpu.VMEM((CR, NV), jnp.float32),
            pltpu.VMEM((CR, NV), jnp.float32),
            pltpu.VMEM((CR, NV), jnp.int8),
            pltpu.VMEM((CR, NV), jnp.int8),
            pltpu.SemaphoreType.DMA((2, 2)),
        ],
    )(vm_logits, vm_mask.view(jnp.int8))

    sc_out = _make_sc_pm(B, NP)(pm_probs, pm_mask.astype(jnp.float32))
    sc = sc_out[:, :3 * rpw].reshape(NW, rpw, 3)
    sel_pm = sc[:, :, 0].reshape(B)
    pm_lp = lax.bitcast_convert_type(sc[:, :, 1], jnp.float32).reshape(B)
    pm_ent = lax.bitcast_convert_type(sc[:, :, 2], jnp.float32).reshape(B)
    return (sel_vm, sel_pm, vm_lp + pm_lp, vm_ent + pm_ent)

# --- scband reference (transcript-rebuilt; emitter-appended) ---
"""Pipeline reference for scband-agent-51367808860369 (READ-ONLY COPY).

The authoritative reference and input builder live on the scoring server;
editing this copy changes nothing except your own understanding.
"""

import jax, jax.numpy as jnp
import numpy as np

B = 128
NUM_VM = 8192
NUM_PM = 2048
NEG = -100000000.0
EPS = 1.1920929e-07  # float32 eps, matches torch clamp_probs


def setup_inputs(seed: int = 0) -> dict:
    key = jax.random.key(seed)
    k1, k2, k3, k4 = jax.random.split(key, 4)
    vm_logits = jax.random.normal(k1, (B, NUM_VM), dtype=jnp.float32)
    vm_mask = jax.random.randint(k2, (B, NUM_VM), 0, 2).astype(bool)
    pm_probs = jax.random.uniform(k3, (B, NUM_PM), dtype=jnp.float32)
    pm_mask = jax.random.randint(k4, (B, NUM_PM), 0, 2).astype(bool)
    return {"vm_logits": vm_logits, "vm_mask": vm_mask, "pm_probs": pm_probs, "pm_mask": pm_mask}


def reference(vm_logits, vm_mask, pm_probs, pm_mask):
    # ---- VM head: CategoricalMasked(logits=vm_logits, masks=vm_mask) ----
    masked_logits = jnp.where(vm_mask, NEG, vm_logits)
    vm_logp = masked_logits - jax.scipy.special.logsumexp(masked_logits, axis=-1, keepdims=True)
    vm_p = jnp.exp(vm_logp)
    # deterministic mode sample (stand-in for Categorical.sample)
    selected_vm = jnp.argmax(masked_logits, axis=-1)
    vm_log_prob = jnp.take_along_axis(vm_logp, selected_vm[:, None], axis=-1)[:, 0]
    vm_plogp = jnp.where(vm_mask, 0.0, vm_logp * vm_p)
    vm_entropy = -jnp.sum(vm_plogp, axis=-1)

    # ---- PM head: CategoricalMasked(probs=pm_probs, masks=pm_mask) ----
    p = jnp.where(pm_mask, 0.0, pm_probs)
    small = jnp.sum(p, axis=1) < 0.0001
    fallback = jnp.where(pm_mask, 0.0, 1.0)
    p = jnp.where(small[:, None], fallback, p)
    p_norm = p / jnp.sum(p, axis=-1, keepdims=True)
    pm_logits = jnp.log(jnp.clip(p_norm, EPS, 1.0 - EPS))
    selected_pm = jnp.argmax(p_norm, axis=-1)
    pm_log_prob = jnp.take_along_axis(pm_logits, selected_pm[:, None], axis=-1)[:, 0]
    pm_plogp = jnp.where(pm_mask, 0.0, pm_logits * p_norm)
    pm_entropy = -jnp.sum(pm_plogp, axis=-1)

    log_prob = vm_log_prob + pm_log_prob
    entropy = vm_entropy + pm_entropy
    return (selected_vm, selected_pm, log_prob, entropy)

if __name__ == "__main__":
    import jax
    _d = setup_inputs()
    print(jax.jit(kernel)(*tuple(_d.values())))

</pallas_src>

<mosaic_0001>
#map = affine_map<(d0, d1) -> (0, 0)>
module attributes {stable_mosaic.version = 14 : i64} {
  func.func @sc_pm(%arg0: i32, %arg1: i32, %arg2: memref<128x2048xf32, #tpu.memory_space<hbm>>, %arg3: memref<128x2048xf32, #tpu.memory_space<hbm>>, %arg4: memref<32x16xi32, #tpu.memory_space<hbm>>, %arg5: memref<2048xf32, #tpu.memory_space<vmem>>, %arg6: memref<2048xf32, #tpu.memory_space<vmem>>, %arg7: memref<16xi32, #tpu.memory_space<vmem>>, %arg8: memref<!tpu.dma_semaphore, #tpu.memory_space<semaphore_mem>>, %arg9: memref<!tpu.dma_semaphore, #tpu.memory_space<semaphore_mem>>) attributes {dimension_semantics = [#tpu.dimension_semantics<core_parallel>, #tpu.dimension_semantics<subcore_parallel>], iteration_bounds = array<i64: 2, 16>, scalar_prefetch = 0 : i64, scratch_operands = 5 : i64, tpu.core_type = #tpu.core_type<sc_vector_subcore>, window_params = [{transform_indices = #map}, {transform_indices = #map}, {transform_indices = #map}]} {
    %mul3A = arith.constant 2 : i32
    %mul3A_0 = arith.muli %arg1, %mul3A : i32
    %add3A = arith.addi %mul3A_0, %arg0 : i32
    %iota3A = tpu.iota {dimensions = array<i32: 0>} : vector<16xi32>
    %broadcast_in_dim3A = arith.constant 0 : i32
    %broadcast_in_dim3A_1 = vector.broadcast %broadcast_in_dim3A : i32 to vector<16xi32>
    %mul3A_2 = arith.constant 4 : i32
    %mul3A_3 = arith.muli %add3A, %mul3A_2 : i32
    %add3A_4 = arith.constant 0 : i32
    %add3A_5 = arith.addi %mul3A_3, %add3A_4 : i32
    %dma_start3A = arith.constant 0 : i32
    %dma_start3A_6 = tpu.memref_slice %arg2[%add3A_5, %dma_start3A] : memref<128x2048xf32, #tpu.memory_space<hbm>> -> memref<1x2048xf32, #tpu.memory_space<hbm>>
    %dma_start3A_7 = tpu.memref_squeeze %dma_start3A_6 : memref<1x2048xf32, #tpu.memory_space<hbm>> -> memref<2048xf32, #tpu.memory_space<hbm>>
    %dma_start3A_8 = arith.constant 0 : i32
    %dma_start3A_9 = tpu.memref_slice %arg2[%add3A_5, %dma_start3A_8] : memref<128x2048xf32, #tpu.memory_space<hbm>> -> memref<1x2048xf32, #tpu.memory_space<hbm>>
    %dma_start3A_10 = tpu.memref_squeeze %dma_start3A_9 : memref<1x2048xf32, #tpu.memory_space<hbm>> -> memref<2048xf32, #tpu.memory_space<hbm>>
    tpu.enqueue_dma source(%dma_start3A_10 : memref<2048xf32, #tpu.memory_space<hbm>>) target(%arg5 : memref<2048xf32, #tpu.memory_space<vmem>>) target_semaphore(%arg8 : memref<!tpu.dma_semaphore, #tpu.memory_space<semaphore_mem>>)
    %dma_start3A_11 = arith.constant 0 : i32
    %dma_start3A_12 = tpu.memref_slice %arg3[%add3A_5, %dma_start3A_11] : memref<128x2048xf32, #tpu.memory_space<hbm>> -> memref<1x2048xf32, #tpu.memory_space<hbm>>
    %dma_start3A_13 = tpu.memref_squeeze %dma_start3A_12 : memref<1x2048xf32, #tpu.memory_space<hbm>> -> memref<2048xf32, #tpu.memory_space<hbm>>
    %dma_start3A_14 = arith.constant 0 : i32
    %dma_start3A_15 = tpu.memref_slice %arg3[%add3A_5, %dma_start3A_14] : memref<128x2048xf32, #tpu.memory_space<hbm>> -> memref<1x2048xf32, #tpu.memory_space<hbm>>
    %dma_start3A_16 = tpu.memref_squeeze %dma_start3A_15 : memref<1x2048xf32, #tpu.memory_space<hbm>> -> memref<2048xf32, #tpu.memory_space<hbm>>
    tpu.enqueue_dma source(%dma_start3A_16 : memref<2048xf32, #tpu.memory_space<hbm>>) target(%arg6 : memref<2048xf32, #tpu.memory_space<vmem>>) target_semaphore(%arg9 : memref<!tpu.dma_semaphore, #tpu.memory_space<semaphore_mem>>)
    %dma_wait3A = arith.constant 0 : i32
    %dma_wait3A_17 = tpu.memref_slice %arg2[%add3A_5, %dma_wait3A] : memref<128x2048xf32, #tpu.memory_space<hbm>> -> memref<1x2048xf32, #tpu.memory_space<hbm>>
    %dma_wait3A_18 = tpu.memref_squeeze %dma_wait3A_17 : memref<1x2048xf32, #tpu.memory_space<hbm>> -> memref<2048xf32, #tpu.memory_space<hbm>>
    %dma_wait3A_19 = arith.constant 0 : i32
    %dma_wait3A_20 = tpu.memref_slice %arg2[%add3A_5, %dma_wait3A_19] : memref<128x2048xf32, #tpu.memory_space<hbm>> -> memref<1x2048xf32, #tpu.memory_space<hbm>>
    %dma_wait3A_21 = tpu.memref_squeeze %dma_wait3A_20 : memref<1x2048xf32, #tpu.memory_space<hbm>> -> memref<2048xf32, #tpu.memory_space<hbm>>
    tpu.wait_dma2 semaphore(%arg8 : memref<!tpu.dma_semaphore, #tpu.memory_space<semaphore_mem>>) src(%dma_wait3A_21 : memref<2048xf32, #tpu.memory_space<hbm>>) dst(%arg5 : memref<2048xf32, #tpu.memory_space<vmem>>)
    %dma_wait3A_22 = arith.constant 0 : i32
    %dma_wait3A_23 = tpu.memref_slice %arg3[%add3A_5, %dma_wait3A_22] : memref<128x2048xf32, #tpu.memory_space<hbm>> -> memref<1x2048xf32, #tpu.memory_space<hbm>>
    %dma_wait3A_24 = tpu.memref_squeeze %dma_wait3A_23 : memref<1x2048xf32, #tpu.memory_space<hbm>> -> memref<2048xf32, #tpu.memory_space<hbm>>
    %dma_wait3A_25 = arith.constant 0 : i32
    %dma_wait3A_26 = tpu.memref_slice %arg3[%add3A_5, %dma_wait3A_25] : memref<128x2048xf32, #tpu.memory_space<hbm>> -> memref<1x2048xf32, #tpu.memory_space<hbm>>
    %dma_wait3A_27 = tpu.memref_squeeze %dma_wait3A_26 : memref<1x2048xf32, #tpu.memory_space<hbm>> -> memref<2048xf32, #tpu.memory_space<hbm>>
    tpu.wait_dma2 semaphore(%arg9 : memref<!tpu.dma_semaphore, #tpu.memory_space<semaphore_mem>>) src(%dma_wait3A_27 : memref<2048xf32, #tpu.memory_space<hbm>>) dst(%arg6 : memref<2048xf32, #tpu.memory_space<vmem>>)
    %broadcast_in_dim3A_28 = arith.constant 0.000000e+00 : f32
    %broadcast_in_dim3A_29 = vector.broadcast %broadcast_in_dim3A_28 : f32 to vector<16xf32>
    %scan3A = arith.constant 0 : i32
    %scan3A_30 = arith.constant 128 : i32
    %scan3A_31 = arith.addi %scan3A, %scan3A_30 : i32
    %scan3A_32 = arith.constant 8 : i32
    %scan3A_33:2 = scf.for %scan3A_672 = %scan3A to %scan3A_31 step %scan3A_32 iter_args(%scan3A_673 = %broadcast_in_dim3A_29, %scan3A_674 = %broadcast_in_dim3A_29) -> (vector<16xf32>, vector<16xf32>)  : i32 {
      %mul3A_675 = arith.constant 16 : i32
      %mul3A_676 = arith.muli %scan3A_672, %mul3A_675 : i32
      %get3A = arith.index_cast %mul3A_676 : i32 to index
      %get3A_677 = tpu.vector_load %arg6[%get3A] {strides = array<i32>} : memref<2048xf32, #tpu.memory_space<vmem>>, vector<16xf32>,
      %mul3A_678 = arith.constant 16 : i32
      %mul3A_679 = arith.muli %scan3A_672, %mul3A_678 : i32
      %get3A_680 = arith.index_cast %mul3A_679 : i32 to index
      %get3A_681 = tpu.vector_load %arg5[%get3A_680] {strides = array<i32>} : memref<2048xf32, #tpu.memory_space<vmem>>, vector<16xf32>,
      %sub3A_682 = arith.constant 1.000000e+00 : f32
      %sub3A_683 = vector.broadcast %sub3A_682 : f32 to vector<16xf32>
      %sub3A_684 = arith.subf %sub3A_683, %get3A_677 : vector<16xf32>
      %mul3A_685 = arith.mulf %get3A_681, %sub3A_684 : vector<16xf32>
      %add3A_686 = arith.addf %scan3A_673, %mul3A_685 : vector<16xf32>
      %add3A_687 = arith.addf %scan3A_674, %sub3A_684 : vector<16xf32>
      %scan3A_688 = arith.constant 1 : i32
      %scan3A_689 = arith.addi %scan3A_672, %scan3A_688 : i32
      %mul3A_690 = arith.constant 16 : i32
      %mul3A_691 = arith.muli %scan3A_689, %mul3A_690 : i32
      %get3A_692 = arith.index_cast %mul3A_691 : i32 to index
      %get3A_693 = tpu.vector_load %arg6[%get3A_692] {strides = array<i32>} : memref<2048xf32, #tpu.memory_space<vmem>>, vector<16xf32>,
      %mul3A_694 = arith.constant 16 : i32
      %mul3A_695 = arith.muli %scan3A_689, %mul3A_694 : i32
      %get3A_696 = arith.index_cast %mul3A_695 : i32 to index
      %get3A_697 = tpu.vector_load %arg5[%get3A_696] {strides = array<i32>} : memref<2048xf32, #tpu.memory_space<vmem>>, vector<16xf32>,
      %sub3A_698 = arith.constant 1.000000e+00 : f32
      %sub3A_699 = vector.broadcast %sub3A_698 : f32 to vector<16xf32>
      %sub3A_700 = arith.subf %sub3A_699, %get3A_693 : vector<16xf32>
      %mul3A_701 = arith.mulf %get3A_697, %sub3A_700 : vector<16xf32>
      %add3A_702 = arith.addf %add3A_686, %mul3A_701 : vector<16xf32>
      %add3A_703 = arith.addf %add3A_687, %sub3A_700 : vector<16xf32>
      %scan3A_704 = arith.constant 2 : i32
      %scan3A_705 = arith.addi %scan3A_672, %scan3A_704 : i32
      %mul3A_706 = arith.constant 16 : i32
      %mul3A_707 = arith.muli %scan3A_705, %mul3A_706 : i32
      %get3A_708 = arith.index_cast %mul3A_707 : i32 to index
      %get3A_709 = tpu.vector_load %arg6[%get3A_708] {strides = array<i32>} : memref<2048xf32, #tpu.memory_space<vmem>>, vector<16xf32>,
      %mul3A_710 = arith.constant 16 : i32
      %mul3A_711 = arith.muli %scan3A_705, %mul3A_710 : i32
      %get3A_712 = arith.index_cast %mul3A_711 : i32 to index
      %get3A_713 = tpu.vector_load %arg5[%get3A_712] {strides = array<i32>} : memref<2048xf32, #tpu.memory_space<vmem>>, vector<16xf32>,
      %sub3A_714 = arith.constant 1.000000e+00 : f32
      %sub3A_715 = vector.broadcast %sub3A_714 : f32 to vector<16xf32>
      %sub3A_716 = arith.subf %sub3A_715, %get3A_709 : vector<16xf32>
      %mul3A_717 = arith.mulf %get3A_713, %sub3A_716 : vector<16xf32>
      %add3A_718 = arith.addf %add3A_702, %mul3A_717 : vector<16xf32>
      %add3A_719 = arith.addf %add3A_703, %sub3A_716 : vector<16xf32>
      %scan3A_720 = arith.constant 3 : i32
      %scan3A_721 = arith.addi %scan3A_672, %scan3A_720 : i32
      %mul3A_722 = arith.constant 16 : i32
      %mul3A_723 = arith.muli %scan3A_721, %mul3A_722 : i32
      %get3A_724 = arith.index_cast %mul3A_723 : i32 to index
      %get3A_725 = tpu.vector_load %arg6[%get3A_724] {strides = array<i32>} : memref<2048xf32, #tpu.memory_space<vmem>>, vector<16xf32>,
      %mul3A_726 = arith.constant 16 : i32
      %mul3A_727 = arith.muli %scan3A_721, %mul3A_726 : i32
      %get3A_728 = arith.index_cast %mul3A_727 : i32 to index
      %get3A_729 = tpu.vector_load %arg5[%get3A_728] {strides = array<i32>} : memref<2048xf32, #tpu.memory_space<vmem>>, vector<16xf32>,
      %sub3A_730 = arith.constant 1.000000e+00 : f32
      %sub3A_731 = vector.broadcast %sub3A_730 : f32 to vector<16xf32>
      %sub3A_732 = arith.subf %sub3A_731, %get3A_725 : vector<16xf32>
      %mul3A_733 = arith.mulf %get3A_729, %sub3A_732 : vector<16xf32>
      %add3A_734 = arith.addf %add3A_718, %mul3A_733 : vector<16xf32>
      %add3A_735 = arith.addf %add3A_719, %sub3A_732 : vector<16xf32>
      %scan3A_736 = arith.constant 4 : i32
      %scan3A_737 = arith.addi %scan3A_672, %scan3A_736 : i32
      %mul3A_738 = arith.constant 16 : i32
      %mul3A_739 = arith.muli %scan3A_737, %mul3A_738 : i32
      %get3A_740 = arith.index_cast %mul3A_739 : i32 to index
      %get3A_741 = tpu.vector_load %arg6[%get3A_740] {strides = array<i32>} : memref<2048xf32, #tpu.memory_space<vmem>>, vector<16xf32>,
      %mul3A_742 = arith.constant 16 : i32
      %mul3A_743 = arith.muli %scan3A_737, %mul3A_742 : i32
      %get3A_744 = arith.index_cast %mul3A_743 : i32 to index
      %get3A_745 = tpu.vector_load %arg5[%get3A_744] {strides = array<i32>} : memref<2048xf32, #tpu.memory_space<vmem>>, vector<16xf32>,
      %sub3A_746 = arith.constant 1.000000e+00 : f32
      %sub3A_747 = vector.broadcast %sub3A_746 : f32 to vector<16xf32>
      %sub3A_748 = arith.subf %sub3A_747, %get3A_741 : vector<16xf32>
      %mul3A_749 = arith.mulf %get3A_745, %sub3A_748 : vector<16xf32>
      %add3A_750 = arith.addf %add3A_734, %mul3A_749 : vector<16xf32>
      %add3A_751 = arith.addf %add3A_735, %sub3A_748 : vector<16xf32>
      %scan3A_752 = arith.constant 5 : i32
      %scan3A_753 = arith.addi %scan3A_672, %scan3A_752 : i32
      %mul3A_754 = arith.constant 16 : i32
      %mul3A_755 = arith.muli %scan3A_753, %mul3A_754 : i32
      %get3A_756 = arith.index_cast %mul3A_755 : i32 to index
      %get3A_757 = tpu.vector_load %arg6[%get3A_756] {strides = array<i32>} : memref<2048xf32, #tpu.memory_space<vmem>>, vector<16xf32>,
      %mul3A_758 = arith.constant 16 : i32
      %mul3A_759 = arith.muli %scan3A_753, %mul3A_758 : i32
      %get3A_760 = arith.index_cast %mul3A_759 : i32 to index
      %get3A_761 = tpu.vector_load %arg5[%get3A_760] {strides = array<i32>} : memref<2048xf32, #tpu.memory_space<vmem>>, vector<16xf32>,
      %sub3A_762 = arith.constant 1.000000e+00 : f32
      %sub3A_763 = vector.broadcast %sub3A_762 : f32 to vector<16xf32>
      %sub3A_764 = arith.subf %sub3A_763, %get3A_757 : vector<16xf32>
      %mul3A_765 = arith.mulf %get3A_761, %sub3A_764 : vector<16xf32>
      %add3A_766 = arith.addf %add3A_750, %mul3A_765 : vector<16xf32>
      %add3A_767 = arith.addf %add3A_751, %sub3A_764 : vector<16xf32>
      %scan3A_768 = arith.constant 6 : i32
      %scan3A_769 = arith.addi %scan3A_672, %scan3A_768 : i32
      %mul3A_770 = arith.constant 16 : i32
      %mul3A_771 = arith.muli %scan3A_769, %mul3A_770 : i32
      %get3A_772 = arith.index_cast %mul3A_771 : i32 to index
      %get3A_773 = tpu.vector_load %arg6[%get3A_772] {strides = array<i32>} : memref<2048xf32, #tpu.memory_space<vmem>>, vector<16xf32>,
      %mul3A_774 = arith.constant 16 : i32
      %mul3A_775 = arith.muli %scan3A_769, %mul3A_774 : i32
      %get3A_776 = arith.index_cast %mul3A_775 : i32 to index
      %get3A_777 = tpu.vector_load %arg5[%get3A_776] {strides = array<i32>} : memref<2048xf32, #tpu.memory_space<vmem>>, vector<16xf32>,
      %sub3A_778 = arith.constant 1.000000e+00 : f32
      %sub3A_779 = vector.broadcast %sub3A_778 : f32 to vector<16xf32>
      %sub3A_780 = arith.subf %sub3A_779, %get3A_773 : vector<16xf32>
      %mul3A_781 = arith.mulf %get3A_777, %sub3A_780 : vector<16xf32>
      %add3A_782 = arith.addf %add3A_766, %mul3A_781 : vector<16xf32>
      %add3A_783 = arith.addf %add3A_767, %sub3A_780 : vector<16xf32>
      %scan3A_784 = arith.constant 7 : i32
      %scan3A_785 = arith.addi %scan3A_672, %scan3A_784 : i32
      %mul3A_786 = arith.constant 16 : i32
      %mul3A_787 = arith.muli %scan3A_785, %mul3A_786 : i32
      %get3A_788 = arith.index_cast %mul3A_787 : i32 to index
      %get3A_789 = tpu.vector_load %arg6[%get3A_788] {strides = array<i32>} : memref<2048xf32, #tpu.memory_space<vmem>>, vector<16xf32>,
      %mul3A_790 = arith.constant 16 : i32
      %mul3A_791 = arith.muli %scan3A_785, %mul3A_790 : i32
      %get3A_792 = arith.index_cast %mul3A_791 : i32 to index
      %get3A_793 = tpu.vector_load %arg5[%get3A_792] {strides = array<i32>} : memref<2048xf32, #tpu.memory_space<vmem>>, vector<16xf32>,
      %sub3A_794 = arith.constant 1.000000e+00 : f32
      %sub3A_795 = vector.broadcast %sub3A_794 : f32 to vector<16xf32>
      %sub3A_796 = arith.subf %sub3A_795, %get3A_789 : vector<16xf32>
      %mul3A_797 = arith.mulf %get3A_793, %sub3A_796 : vector<16xf32>
      %add3A_798 = arith.addf %add3A_782, %mul3A_797 : vector<16xf32>
      %add3A_799 = arith.addf %add3A_783, %sub3A_796 : vector<16xf32>
      scf.yield %add3A_798, %add3A_799 : vector<16xf32>, vector<16xf32>
    }
    %scan3A_34 = arith.constant 128 : i32
    %reduce_sum3A = arith.constant true
    %reduce_sum3A_35 = vector.broadcast %reduce_sum3A : i1 to vector<16xi1>
    %reduce_sum3A_36 = tpu.scan <sum>, %scan3A_33#0 masked %reduce_sum3A_35 : vector<16xf32>, vector<16xi1> -> vector<16xf32>
    %reduce_sum3A_37 = vector.extract %reduce_sum3A_36[15] : f32 from vector<16xf32>
    %reduce_sum3A_38 = arith.constant true
    %reduce_sum3A_39 = vector.broadcast %reduce_sum3A_38 : i1 to vector<16xi1>
    %reduce_sum3A_40 = tpu.scan <sum>, %scan3A_33#1 masked %reduce_sum3A_39 : vector<16xf32>, vector<16xi1> -> vector<16xf32>
    %reduce_sum3A_41 = vector.extract %reduce_sum3A_40[15] : f32 from vector<16xf32>
    %lt3A = arith.constant 9.99999974E-5 : f32
    %lt3A_42 = arith.cmpf olt, %reduce_sum3A_37, %lt3A : f32
    %select_n3A = arith.select %lt3A_42, %reduce_sum3A_41, %reduce_sum3A_37 : f32
    %broadcast_in_dim3A_43 = vector.broadcast %select_n3A : f32 to vector<16xf32>
    %jit3A = arith.constant 1.000000e+00 : f32
    %jit3A_44 = arith.constant 0.000000e+00 : f32
    %select_n3A_45 = arith.select %lt3A_42, %jit3A, %jit3A_44 : f32
    %broadcast_in_dim3A_46 = vector.broadcast %select_n3A_45 : f32 to vector<16xf32>
    %gt3A = arith.constant 5.000000e-01 : f32
    %gt3A_47 = vector.broadcast %gt3A : f32 to vector<16xf32>
    %gt3A_48 = arith.cmpf ogt, %broadcast_in_dim3A_46, %gt3A_47 : vector<16xf32>
    %iota3A_49 = tpu.iota {dimensions = array<i32: 0>} : vector<16xi32>
    %broadcast_in_dim3A_50 = arith.constant -1.000000e+00 : f32
    %broadcast_in_dim3A_51 = vector.broadcast %broadcast_in_dim3A_50 : f32 to vector<16xf32>
    %broadcast_in_dim3A_52 = arith.constant 0 : i32
    %broadcast_in_dim3A_53 = vector.broadcast %broadcast_in_dim3A_52 : i32 to vector<16xi32>
    %scan3A_54 = arith.constant 0 : i32
    %scan3A_55 = arith.constant 128 : i32
    %scan3A_56 = arith.addi %scan3A_54, %scan3A_55 : i32
    %scan3A_57 = arith.constant 8 : i32
    %scan3A_58:3 = scf.for %scan3A_672 = %scan3A_54 to %scan3A_56 step %scan3A_57 iter_args(%scan3A_673 = %broadcast_in_dim3A_29, %scan3A_674 = %broadcast_in_dim3A_51, %scan3A_675 = %broadcast_in_dim3A_53) -> (vector<16xf32>, vector<16xf32>, vector<16xi32>)  : i32 {
      %mul3A_676 = arith.constant 16 : i32
      %mul3A_677 = arith.muli %scan3A_672, %mul3A_676 : i32
      %get3A = arith.index_cast %mul3A_677 : i32 to index
      %get3A_678 = tpu.vector_load %arg6[%get3A] {strides = array<i32>} : memref<2048xf32, #tpu.memory_space<vmem>>, vector<16xf32>,
      %mul3A_679 = arith.constant 16 : i32
      %mul3A_680 = arith.muli %scan3A_672, %mul3A_679 : i32
      %get3A_681 = arith.index_cast %mul3A_680 : i32 to index
      %get3A_682 = tpu.vector_load %arg5[%get3A_681] {strides = array<i32>} : memref<2048xf32, #tpu.memory_space<vmem>>, vector<16xf32>,
      %sub3A_683 = arith.constant 1.000000e+00 : f32
      %sub3A_684 = vector.broadcast %sub3A_683 : f32 to vector<16xf32>
      %sub3A_685 = arith.subf %sub3A_684, %get3A_678 : vector<16xf32>
      %mul3A_686 = arith.mulf %get3A_682, %sub3A_685 : vector<16xf32>
      %select_n3A_687 = arith.select %gt3A_48, %sub3A_685, %mul3A_686 : vector<16xi1>, vector<16xf32>
      %div3A = arith.divf %select_n3A_687, %broadcast_in_dim3A_43 : vector<16xf32>
      %max3A_688 = arith.constant 1.1920929E-7 : f32
      %max3A_689 = vector.broadcast %max3A_688 : f32 to vector<16xf32>
      %max3A_690 = arith.maximumf %div3A, %max3A_689 : vector<16xf32>
      %min3A_691 = arith.constant 0.99999988 : f32
      %min3A_692 = vector.broadcast %min3A_691 : f32 to vector<16xf32>
      %min3A_693 = arith.minimumf %max3A_690, %min3A_692 : vector<16xf32>
      %bitcast_convert_type3A_694 = tpu.bitcast %min3A_693 : vector<16xf32> -> vector<16xi32>
      %shift_right_arithmetic3A_695 = arith.constant 23 : i32
      %shift_right_arithmetic3A_696 = vector.broadcast %shift_right_arithmetic3A_695 : i32 to vector<16xi32>
      %shift_right_arithmetic3A_697 = arith.shrsi %bitcast_convert_type3A_694, %shift_right_arithmetic3A_696 : vector<16xi32>
      %sub3A_698 = arith.constant 127 : i32
      %sub3A_699 = vector.broadcast %sub3A_698 : i32 to vector<16xi32>
      %sub3A_700 = arith.subi %shift_right_arithmetic3A_697, %sub3A_699 : vector<16xi32>
      %convert_element_type3A_701 = arith.sitofp %sub3A_700 : vector<16xi32> to vector<16xf32>
      %and3A_702 = arith.constant 8388607 : i32
      %and3A_703 = vector.broadcast %and3A_702 : i32 to vector<16xi32>
      %and3A_704 = arith.andi %bitcast_convert_type3A_694, %and3A_703 : vector<16xi32>
      %or3A_705 = arith.constant 1065353216 : i32
      %or3A_706 = vector.broadcast %or3A_705 : i32 to vector<16xi32>
      %or3A_707 = arith.ori %and3A_704, %or3A_706 : vector<16xi32>
      %bitcast_convert_type3A_708 = tpu.bitcast %or3A_707 : vector<16xi32> -> vector<16xf32>
      %sub3A_709 = arith.constant 1.000000e+00 : f32
      %sub3A_710 = vector.broadcast %sub3A_709 : f32 to vector<16xf32>
      %sub3A_711 = arith.subf %bitcast_convert_type3A_708, %sub3A_710 : vector<16xf32>
      %mul3A_712 = arith.constant 0.0434283651 : f32
      %mul3A_713 = vector.broadcast %mul3A_712 : f32 to vector<16xf32>
      %mul3A_714 = arith.mulf %mul3A_713, %sub3A_711 : vector<16xf32>
      %add3A_715 = arith.constant -0.187720492 : f32
      %add3A_716 = vector.broadcast %add3A_715 : f32 to vector<16xf32>
      %add3A_717 = arith.addf %mul3A_714, %add3A_716 : vector<16xf32>
      %mul3A_718 = arith.mulf %add3A_717, %sub3A_711 : vector<16xf32>
      %add3A_719 = arith.constant 0.408718944 : f32
      %add3A_720 = vector.broadcast %add3A_719 : f32 to vector<16xf32>
      %add3A_721 = arith.addf %mul3A_718, %add3A_720 : vector<16xf32>
      %mul3A_722 = arith.mulf %add3A_721, %sub3A_711 : vector<16xf32>
      %add3A_723 = arith.constant -0.705702602 : f32
      %add3A_724 = vector.broadcast %add3A_723 : f32 to vector<16xf32>
      %add3A_725 = arith.addf %mul3A_722, %add3A_724 : vector<16xf32>
      %mul3A_726 = arith.mulf %add3A_725, %sub3A_711 : vector<16xf32>
      %add3A_727 = arith.constant 1.44126713 : f32
      %add3A_728 = vector.broadcast %add3A_727 : f32 to vector<16xf32>
      %add3A_729 = arith.addf %mul3A_726, %add3A_728 : vector<16xf32>
      %mul3A_730 = arith.mulf %add3A_729, %sub3A_711 : vector<16xf32>
      %add3A_731 = arith.constant 3.19308565E-5 : f32
      %add3A_732 = vector.broadcast %add3A_731 : f32 to vector<16xf32>
      %add3A_733 = arith.addf %mul3A_730, %add3A_732 : vector<16xf32>
      %add3A_734 = arith.addf %convert_element_type3A_701, %add3A_733 : vector<16xf32>
      %mul3A_735 = arith.constant 0.693147182 : f32
      %mul3A_736 = vector.broadcast %mul3A_735 : f32 to vector<16xf32>
      %mul3A_737 = arith.mulf %add3A_734, %mul3A_736 : vector<16xf32>
      %mul3A_738 = arith.mulf %div3A, %mul3A_737 : vector<16xf32>
      %sub3A_739 = arith.subf %scan3A_673, %mul3A_738 : vector<16xf32>
      %gt3A_740 = arith.cmpf ogt, %div3A, %scan3A_674 : vector<16xf32>
      %select_n3A_741 = arith.select %gt3A_740, %div3A, %scan3A_674 : vector<16xi1>, vector<16xf32>
      %mul3A_742 = arith.constant 16 : i32
      %mul3A_743 = arith.muli %scan3A_672, %mul3A_742 : i32
      %add3A_744 = vector.broadcast %mul3A_743 : i32 to vector<16xi32>
      %add3A_745 = arith.addi %iota3A_49, %add3A_744 : vector<16xi32>
      %select_n3A_746 = arith.select %gt3A_740, %add3A_745, %scan3A_675 : vector<16xi1>, vector<16xi32>
      %scan3A_747 = arith.constant 1 : i32
      %scan3A_748 = arith.addi %scan3A_672, %scan3A_747 : i32
      %mul3A_749 = arith.constant 16 : i32
      %mul3A_750 = arith.muli %scan3A_748, %mul3A_749 : i32
      %get3A_751 = arith.index_cast %mul3A_750 : i32 to index
      %get3A_752 = tpu.vector_load %arg6[%get3A_751] {strides = array<i32>} : memref<2048xf32, #tpu.memory_space<vmem>>, vector<16xf32>,
      %mul3A_753 = arith.constant 16 : i32
      %mul3A_754 = arith.muli %scan3A_748, %mul3A_753 : i32
      %get3A_755 = arith.index_cast %mul3A_754 : i32 to index
      %get3A_756 = tpu.vector_load %arg5[%get3A_755] {strides = array<i32>} : memref<2048xf32, #tpu.memory_space<vmem>>, vector<16xf32>,
      %sub3A_757 = arith.constant 1.000000e+00 : f32
      %sub3A_758 = vector.broadcast %sub3A_757 : f32 to vector<16xf32>
      %sub3A_759 = arith.subf %sub3A_758, %get3A_752 : vector<16xf32>
      %mul3A_760 = arith.mulf %get3A_756, %sub3A_759 : vector<16xf32>
      %select_n3A_761 = arith.select %gt3A_48, %sub3A_759, %mul3A_760 : vector<16xi1>, vector<16xf32>
      %div3A_762 = arith.divf %select_n3A_761, %broadcast_in_dim3A_43 : vector<16xf32>
      %max3A_763 = arith.constant 1.1920929E-7 : f32
      %max3A_764 = vector.broadcast %max3A_763 : f32 to vector<16xf32>
      %max3A_765 = arith.maximumf %div3A_762, %max3A_764 : vector<16xf32>
      %min3A_766 = arith.constant 0.99999988 : f32
      %min3A_767 = vector.broadcast %min3A_766 : f32 to vector<16xf32>
      %min3A_768 = arith.minimumf %max3A_765, %min3A_767 : vector<16xf32>
      %bitcast_convert_type3A_769 = tpu.bitcast %min3A_768 : vector<16xf32> -> vector<16xi32>
      %shift_right_arithmetic3A_770 = arith.constant 23 : i32
      %shift_right_arithmetic3A_771 = vector.broadcast %shift_right_arithmetic3A_770 : i32 to vector<16xi32>
      %shift_right_arithmetic3A_772 = arith.shrsi %bitcast_convert_type3A_769, %shift_right_arithmetic3A_771 : vector<16xi32>
      %sub3A_773 = arith.constant 127 : i32
      %sub3A_774 = vector.broadcast %sub3A_773 : i32 to vector<16xi32>
      %sub3A_775 = arith.subi %shift_right_arithmetic3A_772, %sub3A_774 : vector<16xi32>
      %convert_element_type3A_776 = arith.sitofp %sub3A_775 : vector<16xi32> to vector<16xf32>
      %and3A_777 = arith.constant 8388607 : i32
      %and3A_778 = vector.broadcast %and3A_777 : i32 to vector<16xi32>
      %and3A_779 = arith.andi %bitcast_convert_type3A_769, %and3A_778 : vector<16xi32>
      %or3A_780 = arith.constant 1065353216 : i32
      %or3A_781 = vector.broadcast %or3A_780 : i32 to vector<16xi32>
      %or3A_782 = arith.ori %and3A_779, %or3A_781 : vector<16xi32>
      %bitcast_convert_type3A_783 = tpu.bitcast %or3A_782 : vector<16xi32> -> vector<16xf32>
      %sub3A_784 = arith.constant 1.000000e+00 : f32
      %sub3A_785 = vector.broadcast %sub3A_784 : f32 to vector<16xf32>
      %sub3A_786 = arith.subf %bitcast_convert_type3A_783, %sub3A_785 : vector<16xf32>
      %mul3A_787 = arith.constant 0.0434283651 : f32
      %mul3A_788 = vector.broadcast %mul3A_787 : f32 to vector<16xf32>
      %mul3A_789 = arith.mulf %mul3A_788, %sub3A_786 : vector<16xf32>
      %add3A_790 = arith.constant -0.187720492 : f32
      %add3A_791 = vector.broadcast %add3A_790 : f32 to vector<16xf32>
      %add3A_792 = arith.addf %mul3A_789, %add3A_791 : vector<16xf32>
      %mul3A_793 = arith.mulf %add3A_792, %sub3A_786 : vector<16xf32>
      %add3A_794 = arith.constant 0.408718944 : f32
      %add3A_795 = vector.broadcast %add3A_794 : f32 to vector<16xf32>
      %add3A_796 = arith.addf %mul3A_793, %add3A_795 : vector<16xf32>
      %mul3A_797 = arith.mulf %add3A_796, %sub3A_786 : vector<16xf32>
      %add3A_798 = arith.constant -0.705702602 : f32
      %add3A_799 = vector.broadcast %add3A_798 : f32 to vector<16xf32>
      %add3A_800 = arith.addf %mul3A_797, %add3A_799 : vector<16xf32>
      %mul3A_801 = arith.mulf %add3A_800, %sub3A_786 : vector<16xf32>
      %add3A_802 = arith.constant 1.44126713 : f32
      %add3A_803 = vector.broadcast %add3A_802 : f32 to vector<16xf32>
      %add3A_804 = arith.addf %mul3A_801, %add3A_803 : vector<16xf32>
      %mul3A_805 = arith.mulf %add3A_804, %sub3A_786 : vector<16xf32>
      %add3A_806 = arith.constant 3.19308565E-5 : f32
      %add3A_807 = vector.broadcast %add3A_806 : f32 to vector<16xf32>
      %add3A_808 = arith.addf %mul3A_805, %add3A_807 : vector<16xf32>
      %add3A_809 = arith.addf %convert_element_type3A_776, %add3A_808 : vector<16xf32>
      %mul3A_810 = arith.constant 0.693147182 : f32
      %mul3A_811 = vector.broadcast %mul3A_810 : f32 to vector<16xf32>
      %mul3A_812 = arith.mulf %add3A_809, %mul3A_811 : vector<16xf32>
      %mul3A_813 = arith.mulf %div3A_762, %mul3A_812 : vector<16xf32>
      %sub3A_814 = arith.subf %sub3A_739, %mul3A_813 : vector<16xf32>
      %gt3A_815 = arith.cmpf ogt, %div3A_762, %select_n3A_741 : vector<16xf32>
      %select_n3A_816 = arith.select %gt3A_815, %div3A_762, %select_n3A_741 : vector<16xi1>, vector<16xf32>
      %mul3A_817 = arith.constant 16 : i32
      %mul3A_818 = arith.muli %scan3A_748, %mul3A_817 : i32
      %add3A_819 = vector.broadcast %mul3A_818 : i32 to vector<16xi32>
      %add3A_820 = arith.addi %iota3A_49, %add3A_819 : vector<16xi32>
      %select_n3A_821 = arith.select %gt3A_815, %add3A_820, %select_n3A_746 : vector<16xi1>, vector<16xi32>
      %scan3A_822 = arith.constant 2 : i32
      %scan3A_823 = arith.addi %scan3A_672, %scan3A_822 : i32
      %mul3A_824 = arith.constant 16 : i32
      %mul3A_825 = arith.muli %scan3A_823, %mul3A_824 : i32
      %get3A_826 = arith.index_cast %mul3A_825 : i32 to index
      %get3A_827 = tpu.vector_load %arg6[%get3A_826] {strides = array<i32>} : memref<2048xf32, #tpu.memory_space<vmem>>, vector<16xf32>,
      %mul3A_828 = arith.constant 16 : i32
      %mul3A_829 = arith.muli %scan3A_823, %mul3A_828 : i32
      %get3A_830 = arith.index_cast %mul3A_829 : i32 to index
      %get3A_831 = tpu.vector_load %arg5[%get3A_830] {strides = array<i32>} : memref<2048xf32, #tpu.memory_space<vmem>>, vector<16xf32>,
      %sub3A_832 = arith.constant 1.000000e+00 : f32
      %sub3A_833 = vector.broadcast %sub3A_832 : f32 to vector<16xf32>
      %sub3A_834 = arith.subf %sub3A_833, %get3A_827 : vector<16xf32>
      %mul3A_835 = arith.mulf %get3A_831, %sub3A_834 : vector<16xf32>
      %select_n3A_836 = arith.select %gt3A_48, %sub3A_834, %mul3A_835 : vector<16xi1>, vector<16xf32>
      %div3A_837 = arith.divf %select_n3A_836, %broadcast_in_dim3A_43 : vector<16xf32>
      %max3A_838 = arith.constant 1.1920929E-7 : f32
      %max3A_839 = vector.broadcast %max3A_838 : f32 to vector<16xf32>
      %max3A_840 = arith.maximumf %div3A_837, %max3A_839 : vector<16xf32>
      %min3A_841 = arith.constant 0.99999988 : f32
      %min3A_842 = vector.broadcast %min3A_841 : f32 to vector<16xf32>
      %min3A_843 = arith.minimumf %max3A_840, %min3A_842 : vector<16xf32>
      %bitcast_convert_type3A_844 = tpu.bitcast %min3A_843 : vector<16xf32> -> vector<16xi32>
      %shift_right_arithmetic3A_845 = arith.constant 23 : i32
      %shift_right_arithmetic3A_846 = vector.broadcast %shift_right_arithmetic3A_845 : i32 to vector<16xi32>
      %shift_right_arithmetic3A_847 = arith.shrsi %bitcast_convert_type3A_844, %shift_right_arithmetic3A_846 : vector<16xi32>
      %sub3A_848 = arith.constant 127 : i32
      %sub3A_849 = vector.broadcast %sub3A_848 : i32 to vector<16xi32>
      %sub3A_850 = arith.subi %shift_right_arithmetic3A_847, %sub3A_849 : vector<16xi32>
      %convert_element_type3A_851 = arith.sitofp %sub3A_850 : vector<16xi32> to vector<16xf32>
      %and3A_852 = arith.constant 8388607 : i32
      %and3A_853 = vector.broadcast %and3A_852 : i32 to vector<16xi32>
      %and3A_854 = arith.andi %bitcast_convert_type3A_844, %and3A_853 : vector<16xi32>
      %or3A_855 = arith.constant 1065353216 : i32
      %or3A_856 = vector.broadcast %or3A_855 : i32 to vector<16xi32>
      %or3A_857 = arith.ori %and3A_854, %or3A_856 : vector<16xi32>
      %bitcast_convert_type3A_858 = tpu.bitcast %or3A_857 : vector<16xi32> -> vector<16xf32>
      %sub3A_859 = arith.constant 1.000000e+00 : f32
      %sub3A_860 = vector.broadcast %sub3A_859 : f32 to vector<16xf32>
      %sub3A_861 = arith.subf %bitcast_convert_type3A_858, %sub3A_860 : vector<16xf32>
      %mul3A_862 = arith.constant 0.0434283651 : f32
      %mul3A_863 = vector.broadcast %mul3A_862 : f32 to vector<16xf32>
      %mul3A_864 = arith.mulf %mul3A_863, %sub3A_861 : vector<16xf32>
      %add3A_865 = arith.constant -0.187720492 : f32
      %add3A_866 = vector.broadcast %add3A_865 : f32 to vector<16xf32>
      %add3A_867 = arith.addf %mul3A_864, %add3A_866 : vector<16xf32>
      %mul3A_868 = arith.mulf %add3A_867, %sub3A_861 : vector<16xf32>
      %add3A_869 = arith.constant 0.408718944 : f32
      %add3A_870 = vector.broadcast %add3A_869 : f32 to vector<16xf32>
      %add3A_871 = arith.addf %mul3A_868, %add3A_870 : vector<16xf32>
      %mul3A_872 = arith.mulf %add3A_871, %sub3A_861 : vector<16xf32>
      %add3A_873 = arith.constant -0.705702602 : f32
      %add3A_874 = vector.broadcast %add3A_873 : f32 to vector<16xf32>
      %add3A_875 = arith.addf %mul3A_872, %add3A_874 : vector<16xf32>
      %mul3A_876 = arith.mulf %add3A_875, %sub3A_861 : vector<16xf32>
      %add3A_877 = arith.constant 1.44126713 : f32
      %add3A_878 = vector.broadcast %add3A_877 : f32 to vector<16xf32>
      %add3A_879 = arith.addf %mul3A_876, %add3A_878 : vector<16xf32>
      %mul3A_880 = arith.mulf %add3A_879, %sub3A_861 : vector<16xf32>
      %add3A_881 = arith.constant 3.19308565E-5 : f32
      %add3A_882 = vector.broadcast %add3A_881 : f32 to vector<16xf32>
      %add3A_883 = arith.addf %mul3A_880, %add3A_882 : vector<16xf32>
      %add3A_884 = arith.addf %convert_element_type3A_851, %add3A_883 : vector<16xf32>
      %mul3A_885 = arith.constant 0.693147182 : f32
      %mul3A_886 = vector.broadcast %mul3A_885 : f32 to vector<16xf32>
      %mul3A_887 = arith.mulf %add3A_884, %mul3A_886 : vector<16xf32>
      %mul3A_888 = arith.mulf %div3A_837, %mul3A_887 : vector<16xf32>
      %sub3A_889 = arith.subf %sub3A_814, %mul3A_888 : vector<16xf32>
      %gt3A_890 = arith.cmpf ogt, %div3A_837, %select_n3A_816 : vector<16xf32>
      %select_n3A_891 = arith.select %gt3A_890, %div3A_837, %select_n3A_816 : vector<16xi1>, vector<16xf32>
      %mul3A_892 = arith.constant 16 : i32
      %mul3A_893 = arith.muli %scan3A_823, %mul3A_892 : i32
      %add3A_894 = vector.broadcast %mul3A_893 : i32 to vector<16xi32>
      %add3A_895 = arith.addi %iota3A_49, %add3A_894 : vector<16xi32>
      %select_n3A_896 = arith.select %gt3A_890, %add3A_895, %select_n3A_821 : vector<16xi1>, vector<16xi32>
      %scan3A_897 = arith.constant 3 : i32
      %scan3A_898 = arith.addi %scan3A_672, %scan3A_897 : i32
      %mul3A_899 = arith.constant 16 : i32
      %mul3A_900 = arith.muli %scan3A_898, %mul3A_899 : i32
      %get3A_901 = arith.index_cast %mul3A_900 : i32 to index
      %get3A_902 = tpu.vector_load %arg6[%get3A_901] {strides = array<i32>} : memref<2048xf32, #tpu.memory_space<vmem>>, vector<16xf32>,
      %mul3A_903 = arith.constant 16 : i32
      %mul3A_904 = arith.muli %scan3A_898, %mul3A_903 : i32
      %get3A_905 = arith.index_cast %mul3A_904 : i32 to index
      %get3A_906 = tpu.vector_load %arg5[%get3A_905] {strides = array<i32>} : memref<2048xf32, #tpu.memory_space<vmem>>, vector<16xf32>,
      %sub3A_907 = arith.constant 1.000000e+00 : f32
      %sub3A_908 = vector.broadcast %sub3A_907 : f32 to vector<16xf32>
      %sub3A_909 = arith.subf %sub3A_908, %get3A_902 : vector<16xf32>
      %mul3A_910 = arith.mulf %get3A_906, %sub3A_909 : vector<16xf32>
      %select_n3A_911 = arith.select %gt3A_48, %sub3A_909, %mul3A_910 : vector<16xi1>, vector<16xf32>
      %div3A_912 = arith.divf %select_n3A_911, %broadcast_in_dim3A_43 : vector<16xf32>
      %max3A_913 = arith.constant 1.1920929E-7 : f32
      %max3A_914 = vector.broadcast %max3A_913 : f32 to vector<16xf32>
      %max3A_915 = arith.maximumf %div3A_912, %max3A_914 : vector<16xf32>
      %min3A_916 = arith.constant 0.99999988 : f32
      %min3A_917 = vector.broadcast %min3A_916 : f32 to vector<16xf32>
      %min3A_918 = arith.minimumf %max3A_915, %min3A_917 : vector<16xf32>
      %bitcast_convert_type3A_919 = tpu.bitcast %min3A_918 : vector<16xf32> -> vector<16xi32>
      %shift_right_arithmetic3A_920 = arith.constant 23 : i32
      %shift_right_arithmetic3A_921 = vector.broadcast %shift_right_arithmetic3A_920 : i32 to vector<16xi32>
      %shift_right_arithmetic3A_922 = arith.shrsi %bitcast_convert_type3A_919, %shift_right_arithmetic3A_921 : vector<16xi32>
      %sub3A_923 = arith.constant 127 : i32
      %sub3A_924 = vector.broadcast %sub3A_923 : i32 to vector<16xi32>
      %sub3A_925 = arith.subi %shift_right_arithmetic3A_922, %sub3A_924 : vector<16xi32>
      %convert_element_type3A_926 = arith.sitofp %sub3A_925 : vector<16xi32> to vector<16xf32>
      %and3A_927 = arith.constant 8388607 : i32
      %and3A_928 = vector.broadcast %and3A_927 : i32 to vector<16xi32>
      %and3A_929 = arith.andi %bitcast_convert_type3A_919, %and3A_928 : vector<16xi32>
      %or3A_930 = arith.constant 1065353216 : i32
      %or3A_931 = vector.broadcast %or3A_930 : i32 to vector<16xi32>
      %or3A_932 = arith.ori %and3A_929, %or3A_931 : vector<16xi32>
      %bitcast_convert_type3A_933 = tpu.bitcast %or3A_932 : vector<16xi32> -> vector<16xf32>
      %sub3A_934 = arith.constant 1.000000e+00 : f32
      %sub3A_935 = vector.broadcast %sub3A_934 : f32 to vector<16xf32>
      %sub3A_936 = arith.subf %bitcast_convert_type3A_933, %sub3A_935 : vector<16xf32>
      %mul3A_937 = arith.constant 0.0434283651 : f32
      %mul3A_938 = vector.broadcast %mul3A_937 : f32 to vector<16xf32>
      %mul3A_939 = arith.mulf %mul3A_938, %sub3A_936 : vector<16xf32>
      %add3A_940 = arith.constant -0.187720492 : f32
      %add3A_941 = vector.broadcast %add3A_940 : f32 to vector<16xf32>
      %add3A_942 = arith.addf %mul3A_939, %add3A_941 : vector<16xf32>
      %mul3A_943 = arith.mulf %add3A_942, %sub3A_936 : vector<16xf32>
      %add3A_944 = arith.constant 0.408718944 : f32
      %add3A_945 = vector.broadcast %add3A_944 : f32 to vector<16xf32>
      %add3A_946 = arith.addf %mul3A_943, %add3A_945 : vector<16xf32>
      %mul3A_947 = arith.mulf %add3A_946, %sub3A_936 : vector<16xf32>
      %add3A_948 = arith.constant -0.705702602 : f32
      %add3A_949 = vector.broadcast %add3A_948 : f32 to vector<16xf32>
      %add3A_950 = arith.addf %mul3A_947, %add3A_949 : vector<16xf32>
      %mul3A_951 = arith.mulf %add3A_950, %sub3A_936 : vector<16xf32>
      %add3A_952 = arith.constant 1.44126713 : f32
      %add3A_953 = vector.broadcast %add3A_952 : f32 to vector<16xf32>
      %add3A_954 = arith.addf %mul3A_951, %add3A_953 : vector<16xf32>
      %mul3A_955 = arith.mulf %add3A_954, %sub3A_936 : vector<16xf32>
      %add3A_956 = arith.constant 3.19308565E-5 : f32
      %add3A_957 = vector.broadcast %add3A_956 : f32 to vector<16xf32>
      %add3A_958 = arith.addf %mul3A_955, %add3A_957 : vector<16xf32>
      %add3A_959 = arith.addf %convert_element_type3A_926, %add3A_958 : vector<16xf32>
      %mul3A_960 = arith.constant 0.693147182 : f32
      %mul3A_961 = vector.broadcast %mul3A_960 : f32 to vector<16xf32>
      %mul3A_962 = arith.mulf %add3A_959, %mul3A_961 : vector<16xf32>
      %mul3A_963 = arith.mulf %div3A_912, %mul3A_962 : vector<16xf32>
      %sub3A_964 = arith.subf %sub3A_889, %mul3A_963 : vector<16xf32>
      %gt3A_965 = arith.cmpf ogt, %div3A_912, %select_n3A_891 : vector<16xf32>
      %select_n3A_966 = arith.select %gt3A_965, %div3A_912, %select_n3A_891 : vector<16xi1>, vector<16xf32>
      %mul3A_967 = arith.constant 16 : i32
      %mul3A_968 = arith.muli %scan3A_898, %mul3A_967 : i32
      %add3A_969 = vector.broadcast %mul3A_968 : i32 to vector<16xi32>
      %add3A_970 = arith.addi %iota3A_49, %add3A_969 : vector<16xi32>
      %select_n3A_971 = arith.select %gt3A_965, %add3A_970, %select_n3A_896 : vector<16xi1>, vector<16xi32>
      %scan3A_972 = arith.constant 4 : i32
      %scan3A_973 = arith.addi %scan3A_672, %scan3A_972 : i32
      %mul3A_974 = arith.constant 16 : i32
      %mul3A_975 = arith.muli %scan3A_973, %mul3A_974 : i32
      %get3A_976 = arith.index_cast %mul3A_975 : i32 to index
      %get3A_977 = tpu.vector_load %arg6[%get3A_976] {strides = array<i32>} : memref<2048xf32, #tpu.memory_space<vmem>>, vector<16xf32>,
      %mul3A_978 = arith.constant 16 : i32
      %mul3A_979 = arith.muli %scan3A_973, %mul3A_978 : i32
      %get3A_980 = arith.index_cast %mul3A_979 : i32 to index
      %get3A_981 = tpu.vector_load %arg5[%get3A_980] {strides = array<i32>} : memref<2048xf32, #tpu.memory_space<vmem>>, vector<16xf32>,
      %sub3A_982 = arith.constant 1.000000e+00 : f32
      %sub3A_983 = vector.broadcast %sub3A_982 : f32 to vector<16xf32>
      %sub3A_984 = arith.subf %sub3A_983, %get3A_977 : vector<16xf32>
      %mul3A_985 = arith.mulf %get3A_981, %sub3A_984 : vector<16xf32>
      %select_n3A_986 = arith.select %gt3A_48, %sub3A_984, %mul3A_985 : vector<16xi1>, vector<16xf32>
      %div3A_987 = arith.divf %select_n3A_986, %broadcast_in_dim3A_43 : vector<16xf32>
      %max3A_988 = arith.constant 1.1920929E-7 : f32
      %max3A_989 = vector.broadcast %max3A_988 : f32 to vector<16xf32>
      %max3A_990 = arith.maximumf %div3A_987, %max3A_989 : vector<16xf32>
      %min3A_991 = arith.constant 0.99999988 : f32
      %min3A_992 = vector.broadcast %min3A_991 : f32 to vector<16xf32>
      %min3A_993 = arith.minimumf %max3A_990, %min3A_992 : vector<16xf32>
      %bitcast_convert_type3A_994 = tpu.bitcast %min3A_993 : vector<16xf32> -> vector<16xi32>
      %shift_right_arithmetic3A_995 = arith.constant 23 : i32
      %shift_right_arithmetic3A_996 = vector.broadcast %shift_right_arithmetic3A_995 : i32 to vector<16xi32>
      %shift_right_arithmetic3A_997 = arith.shrsi %bitcast_convert_type3A_994, %shift_right_arithmetic3A_996 : vector<16xi32>
      %sub3A_998 = arith.constant 127 : i32
      %sub3A_999 = vector.broadcast %sub3A_998 : i32 to vector<16xi32>
      %sub3A_1000 = arith.subi %shift_right_arithmetic3A_997, %sub3A_999 : vector<16xi32>
      %convert_element_type3A_1001 = arith.sitofp %sub3A_1000 : vector<16xi32> to vector<16xf32>
      %and3A_1002 = arith.constant 8388607 : i32
      %and3A_1003 = vector.broadcast %and3A_1002 : i32 to vector<16xi32>
      %and3A_1004 = arith.andi %bitcast_convert_type3A_994, %and3A_1003 : vector<16xi32>
      %or3A_1005 = arith.constant 1065353216 : i32
      %or3A_1006 = vector.broadcast %or3A_1005 : i32 to vector<16xi32>
      %or3A_1007 = arith.ori %and3A_1004, %or3A_1006 : vector<16xi32>
      %bitcast_convert_type3A_1008 = tpu.bitcast %or3A_1007 : vector<16xi32> -> vector<16xf32>
      %sub3A_1009 = arith.constant 1.000000e+00 : f32
      %sub3A_1010 = vector.broadcast %sub3A_1009 : f32 to vector<16xf32>
      %sub3A_1011 = arith.subf %bitcast_convert_type3A_1008, %sub3A_1010 : vector<16xf32>
      %mul3A_1012 = arith.constant 0.0434283651 : f32
      %mul3A_1013 = vector.broadcast %mul3A_1012 : f32 to vector<16xf32>
      %mul3A_1014 = arith.mulf %mul3A_1013, %sub3A_1011 : vector<16xf32>
      %add3A_1015 = arith.constant -0.187720492 : f32
      %add3A_1016 = vector.broadcast %add3A_1015 : f32 to vector<16xf32>
      %add3A_1017 = arith.addf %mul3A_1014, %add3A_1016 : vector<16xf32>
      %mul3A_1018 = arith.mulf %add3A_1017, %sub3A_1011 : vector<16xf32>
      %add3A_1019 = arith.constant 0.408718944 : f32
      %add3A_1020 = vector.broadcast %add3A_1019 : f32 to vector<16xf32>
      %add3A_1021 = arith.addf %mul3A_1018, %add3A_1020 : vector<16xf32>
      %mul3A_1022 = arith.mulf %add3A_1021, %sub3A_1011 : vector<16xf32>
      %add3A_1023 = arith.constant -0.705702602 : f32
      %add3A_1024 = vector.broadcast %add3A_1023 : f32 to vector<16xf32>
      %add3A_1025 = arith.addf %mul3A_1022, %add3A_1024 : vector<16xf32>
      %mul3A_1026 = arith.mulf %add3A_1025, %sub3A_1011 : vector<16xf32>
      %add3A_1027 = arith.constant 1.44126713 : f32
      %add3A_1028 = vector.broadcast %add3A_1027 : f32 to vector<16xf32>
      %add3A_1029 = arith.addf %mul3A_1026, %add3A_1028 : vector<16xf32>
      %mul3A_1030 = arith.mulf %add3A_1029, %sub3A_1011 : vector<16xf32>
      %add3A_1031 = arith.constant 3.19308565E-5 : f32
      %add3A_1032 = vector.broadcast %add3A_1031 : f32 to vector<16xf32>
      %add3A_1033 = arith.addf %mul3A_1030, %add3A_1032 : vector<16xf32>
      %add3A_1034 = arith.addf %convert_element_type3A_1001, %add3A_1033 : vector<16xf32>
      %mul3A_1035 = arith.constant 0.693147182 : f32
      %mul3A_1036 = vector.broadcast %mul3A_1035 : f32 to vector<16xf32>
      %mul3A_1037 = arith.mulf %add3A_1034, %mul3A_1036 : vector<16xf32>
      %mul3A_1038 = arith.mulf %div3A_987, %mul3A_1037 : vector<16xf32>
      %sub3A_1039 = arith.subf %sub3A_964, %mul3A_1038 : vector<16xf32>
      %gt3A_1040 = arith.cmpf ogt, %div3A_987, %select_n3A_966 : vector<16xf32>
      %select_n3A_1041 = arith.select %gt3A_1040, %div3A_987, %select_n3A_966 : vector<16xi1>, vector<16xf32>
      %mul3A_1042 = arith.constant 16 : i32
      %mul3A_1043 = arith.muli %scan3A_973, %mul3A_1042 : i32
      %add3A_1044 = vector.broadcast %mul3A_1043 : i32 to vector<16xi32>
      %add3A_1045 = arith.addi %iota3A_49, %add3A_1044 : vector<16xi32>
      %select_n3A_1046 = arith.select %gt3A_1040, %add3A_1045, %select_n3A_971 : vector<16xi1>, vector<16xi32>
      %scan3A_1047 = arith.constant 5 : i32
      %scan3A_1048 = arith.addi %scan3A_672, %scan3A_1047 : i32
      %mul3A_1049 = arith.constant 16 : i32
      %mul3A_1050 = arith.muli %scan3A_1048, %mul3A_1049 : i32
      %get3A_1051 = arith.index_cast %mul3A_1050 : i32 to index
      %get3A_1052 = tpu.vector_load %arg6[%get3A_1051] {strides = array<i32>} : memref<2048xf32, #tpu.memory_space<vmem>>, vector<16xf32>,
      %mul3A_1053 = arith.constant 16 : i32
      %mul3A_1054 = arith.muli %scan3A_1048, %mul3A_1053 : i32
      %get3A_1055 = arith.index_cast %mul3A_1054 : i32 to index
      %get3A_1056 = tpu.vector_load %arg5[%get3A_1055] {strides = array<i32>} : memref<2048xf32, #tpu.memory_space<vmem>>, vector<16xf32>,
      %sub3A_1057 = arith.constant 1.000000e+00 : f32
      %sub3A_1058 = vector.broadcast %sub3A_1057 : f32 to vector<16xf32>
      %sub3A_1059 = arith.subf %sub3A_1058, %get3A_1052 : vector<16xf32>
      %mul3A_1060 = arith.mulf %get3A_1056, %sub3A_1059 : vector<16xf32>
      %select_n3A_1061 = arith.select %gt3A_48, %sub3A_1059, %mul3A_1060 : vector<16xi1>, vector<16xf32>
      %div3A_1062 = arith.divf %select_n3A_1061, %broadcast_in_dim3A_43 : vector<16xf32>
      %max3A_1063 = arith.constant 1.1920929E-7 : f32
      %max3A_1064 = vector.broadcast %max3A_1063 : f32 to vector<16xf32>
      %max3A_1065 = arith.maximumf %div3A_1062, %max3A_1064 : vector<16xf32>
      %min3A_1066 = arith.constant 0.99999988 : f32
      %min3A_1067 = vector.broadcast %min3A_1066 : f32 to vector<16xf32>
      %min3A_1068 = arith.minimumf %max3A_1065, %min3A_1067 : vector<16xf32>
      %bitcast_convert_type3A_1069 = tpu.bitcast %min3A_1068 : vector<16xf32> -> vector<16xi32>
      %shift_right_arithmetic3A_1070 = arith.constant 23 : i32
      %shift_right_arithmetic3A_1071 = vector.broadcast %shift_right_arithmetic3A_1070 : i32 to vector<16xi32>
      %shift_right_arithmetic3A_1072 = arith.shrsi %bitcast_convert_type3A_1069, %shift_right_arithmetic3A_1071 : vector<16xi32>
      %sub3A_1073 = arith.constant 127 : i32
      %sub3A_1074 = vector.broadcast %sub3A_1073 : i32 to vector<16xi32>
      %sub3A_1075 = arith.subi %shift_right_arithmetic3A_1072, %sub3A_1074 : vector<16xi32>
      %convert_element_type3A_1076 = arith.sitofp %sub3A_1075 : vector<16xi32> to vector<16xf32>
      %and3A_1077 = arith.constant 8388607 : i32
      %and3A_1078 = vector.broadcast %and3A_1077 : i32 to vector<16xi32>
      %and3A_1079 = arith.andi %bitcast_convert_type3A_1069, %and3A_1078 : vector<16xi32>
      %or3A_1080 = arith.constant 1065353216 : i32
      %or3A_1081 = vector.broadcast %or3A_1080 : i32 to vector<16xi32>
      %or3A_1082 = arith.ori %and3A_1079, %or3A_1081 : vector<16xi32>
      %bitcast_convert_type3A_1083 = tpu.bitcast %or3A_1082 : vector<16xi32> -> vector<16xf32>
      %sub3A_1084 = arith.constant 1.000000e+00 : f32
      %sub3A_1085 = vector.broadcast %sub3A_1084 : f32 to vector<16xf32>
      %sub3A_1086 = arith.subf %bitcast_convert_type3A_1083, %sub3A_1085 : vector<16xf32>
      %mul3A_1087 = arith.constant 0.0434283651 : f32
      %mul3A_1088 = vector.broadcast %mul3A_1087 : f32 to vector<16xf32>
      %mul3A_1089 = arith.mulf %mul3A_1088, %sub3A_1086 : vector<16xf32>
      %add3A_1090 = arith.constant -0.187720492 : f32
      %add3A_1091 = vector.broadcast %add3A_1090 : f32 to vector<16xf32>
      %add3A_1092 = arith.addf %mul3A_1089, %add3A_1091 : vector<16xf32>
      %mul3A_1093 = arith.mulf %add3A_1092, %sub3A_1086 : vector<16xf32>
      %add3A_1094 = arith.constant 0.408718944 : f32
      %add3A_1095 = vector.broadcast %add3A_1094 : f32 to vector<16xf32>
      %add3A_1096 = arith.addf %mul3A_1093, %add3A_1095 : vector<16xf32>
      %mul3A_1097 = arith.mulf %add3A_1096, %sub3A_1086 : vector<16xf32>
      %add3A_1098 = arith.constant -0.705702602 : f32
      %add3A_1099 = vector.broadcast %add3A_1098 : f32 to vector<16xf32>
      %add3A_1100 = arith.addf %mul3A_1097, %add3A_1099 : vector<16xf32>
      %mul3A_1101 = arith.mulf %add3A_1100, %sub3A_1086 : vector<16xf32>
      %add3A_1102 = arith.constant 1.44126713 : f32
      %add3A_1103 = vector.broadcast %add3A_1102 : f32 to vector<16xf32>
      %add3A_1104 = arith.addf %mul3A_1101, %add3A_1103 : vector<16xf32>
      %mul3A_1105 = arith.mulf %add3A_1104, %sub3A_1086 : vector<16xf32>
      %add3A_1106 = arith.constant 3.19308565E-5 : f32
      %add3A_1107 = vector.broadcast %add3A_1106 : f32 to vector<16xf32>
      %add3A_1108 = arith.addf %mul3A_1105, %add3A_1107 : vector<16xf32>
      %add3A_1109 = arith.addf %convert_element_type3A_1076, %add3A_1108 : vector<16xf32>
      %mul3A_1110 = arith.constant 0.693147182 : f32
      %mul3A_1111 = vector.broadcast %mul3A_1110 : f32 to vector<16xf32>
      %mul3A_1112 = arith.mulf %add3A_1109, %mul3A_1111 : vector<16xf32>
      %mul3A_1113 = arith.mulf %div3A_1062, %mul3A_1112 : vector<16xf32>
      %sub3A_1114 = arith.subf %sub3A_1039, %mul3A_1113 : vector<16xf32>
      %gt3A_1115 = arith.cmpf ogt, %div3A_1062, %select_n3A_1041 : vector<16xf32>
      %select_n3A_1116 = arith.select %gt3A_1115, %div3A_1062, %select_n3A_1041 : vector<16xi1>, vector<16xf32>
      %mul3A_1117 = arith.constant 16 : i32
      %mul3A_1118 = arith.muli %scan3A_1048, %mul3A_1117 : i32
      %add3A_1119 = vector.broadcast %mul3A_1118 : i32 to vector<16xi32>
      %add3A_1120 = arith.addi %iota3A_49, %add3A_1119 : vector<16xi32>
      %select_n3A_1121 = arith.select %gt3A_1115, %add3A_1120, %select_n3A_1046 : vector<16xi1>, vector<16xi32>
      %scan3A_1122 = arith.constant 6 : i32
      %scan3A_1123 = arith.addi %scan3A_672, %scan3A_1122 : i32
      %mul3A_1124 = arith.constant 16 : i32
      %mul3A_1125 = arith.muli %scan3A_1123, %mul3A_1124 : i32
      %get3A_1126 = arith.index_cast %mul3A_1125 : i32 to index
      %get3A_1127 = tpu.vector_load %arg6[%get3A_1126] {strides = array<i32>} : memref<2048xf32, #tpu.memory_space<vmem>>, vector<16xf32>,
      %mul3A_1128 = arith.constant 16 : i32
      %mul3A_1129 = arith.muli %scan3A_1123, %mul3A_1128 : i32
      %get3A_1130 = arith.index_cast %mul3A_1129 : i32 to index
      %get3A_1131 = tpu.vector_load %arg5[%get3A_1130] {strides = array<i32>} : memref<2048xf32, #tpu.memory_space<vmem>>, vector<16xf32>,
      %sub3A_1132 = arith.constant 1.000000e+00 : f32
      %sub3A_1133 = vector.broadcast %sub3A_1132 : f32 to vector<16xf32>
      %sub3A_1134 = arith.subf %sub3A_1133, %get3A_1127 : vector<16xf32>
      %mul3A_1135 = arith.mulf %get3A_1131, %sub3A_1134 : vector<16xf32>
      %select_n3A_1136 = arith.select %gt3A_48, %sub3A_1134, %mul3A_1135 : vector<16xi1>, vector<16xf32>
      %div3A_1137 = arith.divf %select_n3A_1136, %broadcast_in_dim3A_43 : vector<16xf32>
      %max3A_1138 = arith.constant 1.1920929E-7 : f32
      %max3A_1139 = vector.broadcast %max3A_1138 : f32 to vector<16xf32>
      %max3A_1140 = arith.maximumf %div3A_1137, %max3A_1139 : vector<16xf32>
      %min3A_1141 = arith.constant 0.99999988 : f32
      %min3A_1142 = vector.broadcast %min3A_1141 : f32 to vector<16xf32>
      %min3A_1143 = arith.minimumf %max3A_1140, %min3A_1142 : vector<16xf32>
      %bitcast_convert_type3A_1144 = tpu.bitcast %min3A_1143 : vector<16xf32> -> vector<16xi32>
      %shift_right_arithmetic3A_1145 = arith.constant 23 : i32
      %shift_right_arithmetic3A_1146 = vector.broadcast %shift_right_arithmetic3A_1145 : i32 to vector<16xi32>
      %shift_right_arithmetic3A_1147 = arith.shrsi %bitcast_convert_type3A_1144, %shift_right_arithmetic3A_1146 : vector<16xi32>
      %sub3A_1148 = arith.constant 127 : i32
      %sub3A_1149 = vector.broadcast %sub3A_1148 : i32 to vector<16xi32>
      %sub3A_1150 = arith.subi %shift_right_arithmetic3A_1147, %sub3A_1149 : vector<16xi32>
      %convert_element_type3A_1151 = arith.sitofp %sub3A_1150 : vector<16xi32> to vector<16xf32>
      %and3A_1152 = arith.constant 8388607 : i32
      %and3A_1153 = vector.broadcast %and3A_1152 : i32 to vector<16xi32>
      %and3A_1154 = arith.andi %bitcast_convert_type3A_1144, %and3A_1153 : vector<16xi32>
      %or3A_1155 = arith.constant 1065353216 : i32
      %or3A_1156 = vector.broadcast %or3A_1155 : i32 to vector<16xi32>
      %or3A_1157 = arith.ori %and3A_1154, %or3A_1156 : vector<16xi32>
      %bitcast_convert_type3A_1158 = tpu.bitcast %or3A_1157 : vector<16xi32> -> vector<16xf32>
      %sub3A_1159 = arith.constant 1.000000e+00 : f32
      %sub3A_1160 = vector.broadcast %sub3A_1159 : f32 to vector<16xf32>
      %sub3A_1161 = arith.subf %bitcast_convert_type3A_1158, %sub3A_1160 : vector<16xf32>
      %mul3A_1162 = arith.constant 0.0434283651 : f32
      %mul3A_1163 = vector.broadcast %mul3A_1162 : f32 to vector<16xf32>
      %mul3A_1164 = arith.mulf %mul3A_1163, %sub3A_1161 : vector<16xf32>
      %add3A_1165 = arith.constant -0.187720492 : f32
      %add3A_1166 = vector.broadcast %add3A_1165 : f32 to vector<16xf32>
      %add3A_1167 = arith.addf %mul3A_1164, %add3A_1166 : vector<16xf32>
      %mul3A_1168 = arith.mulf %add3A_1167, %sub3A_1161 : vector<16xf32>
      %add3A_1169 = arith.constant 0.408718944 : f32
      %add3A_1170 = vector.broadcast %add3A_1169 : f32 to vector<16xf32>
      %add3A_1171 = arith.addf %mul3A_1168, %add3A_1170 : vector<16xf32>
      %mul3A_1172 = arith.mulf %add3A_1171, %sub3A_1161 : vector<16xf32>
      %add3A_1173 = arith.constant -0.705702602 : f32
      %add3A_1174 = vector.broadcast %add3A_1173 : f32 to vector<16xf32>
      %add3A_1175 = arith.addf %mul3A_1172, %add3A_1174 : vector<16xf32>
      %mul3A_1176 = arith.mulf %add3A_1175, %sub3A_1161 : vector<16xf32>
      %add3A_1177 = arith.constant 1.44126713 : f32
      %add3A_1178 = vector.broadcast %add3A_1177 : f32 to vector<16xf32>
      %add3A_1179 = arith.addf %mul3A_1176, %add3A_1178 : vector<16xf32>
      %mul3A_1180 = arith.mulf %add3A_1179, %sub3A_1161 : vector<16xf32>
      %add3A_1181 = arith.constant 3.19308565E-5 : f32
      %add3A_1182 = vector.broadcast %add3A_1181 : f32 to vector<16xf32>
      %add3A_1183 = arith.addf %mul3A_1180, %add3A_1182 : vector<16xf32>
      %add3A_1184 = arith.addf %convert_element_type3A_1151, %add3A_1183 : vector<16xf32>
      %mul3A_1185 = arith.constant 0.693147182 : f32
      %mul3A_1186 = vector.broadcast %mul3A_1185 : f32 to vector<16xf32>
      %mul3A_1187 = arith.mulf %add3A_1184, %mul3A_1186 : vector<16xf32>
      %mul3A_1188 = arith.mulf %div3A_1137, %mul3A_1187 : vector<16xf32>
      %sub3A_1189 = arith.subf %sub3A_1114, %mul3A_1188 : vector<16xf32>
      %gt3A_1190 = arith.cmpf ogt, %div3A_1137, %select_n3A_1116 : vector<16xf32>
      %select_n3A_1191 = arith.select %gt3A_1190, %div3A_1137, %select_n3A_1116 : vector<16xi1>, vector<16xf32>
      %mul3A_1192 = arith.constant 16 : i32
      %mul3A_1193 = arith.muli %scan3A_1123, %mul3A_1192 : i32
      %add3A_1194 = vector.broadcast %mul3A_1193 : i32 to vector<16xi32>
      %add3A_1195 = arith.addi %iota3A_49, %add3A_1194 : vector<16xi32>
      %select_n3A_1196 = arith.select %gt3A_1190, %add3A_1195, %select_n3A_1121 : vector<16xi1>, vector<16xi32>
      %scan3A_1197 = arith.constant 7 : i32
      %scan3A_1198 = arith.addi %scan3A_672, %scan3A_1197 : i32
      %mul3A_1199 = arith.constant 16 : i32
      %mul3A_1200 = arith.muli %scan3A_1198, %mul3A_1199 : i32
      %get3A_1201 = arith.index_cast %mul3A_1200 : i32 to index
      %get3A_1202 = tpu.vector_load %arg6[%get3A_1201] {strides = array<i32>} : memref<2048xf32, #tpu.memory_space<vmem>>, vector<16xf32>,
      %mul3A_1203 = arith.constant 16 : i32
      %mul3A_1204 = arith.muli %scan3A_1198, %mul3A_1203 : i32
      %get3A_1205 = arith.index_cast %mul3A_1204 : i32 to index
      %get3A_1206 = tpu.vector_load %arg5[%get3A_1205] {strides = array<i32>} : memref<2048xf32, #tpu.memory_space<vmem>>, vector<16xf32>,
      %sub3A_1207 = arith.constant 1.000000e+00 : f32
      %sub3A_1208 = vector.broadcast %sub3A_1207 : f32 to vector<16xf32>
      %sub3A_1209 = arith.subf %sub3A_1208, %get3A_1202 : vector<16xf32>
      %mul3A_1210 = arith.mulf %get3A_1206, %sub3A_1209 : vector<16xf32>
      %select_n3A_1211 = arith.select %gt3A_48, %sub3A_1209, %mul3A_1210 : vector<16xi1>, vector<16xf32>
      %div3A_1212 = arith.divf %select_n3A_1211, %broadcast_in_dim3A_43 : vector<16xf32>
      %max3A_1213 = arith.constant 1.1920929E-7 : f32
      %max3A_1214 = vector.broadcast %max3A_1213 : f32 to vector<16xf32>
      %max3A_1215 = arith.maximumf %div3A_1212, %max3A_1214 : vector<16xf32>
      %min3A_1216 = arith.constant 0.99999988 : f32
      %min3A_1217 = vector.broadcast %min3A_1216 : f32 to vector<16xf32>
      %min3A_1218 = arith.minimumf %max3A_1215, %min3A_1217 : vector<16xf32>
      %bitcast_convert_type3A_1219 = tpu.bitcast %min3A_1218 : vector<16xf32> -> vector<16xi32>
      %shift_right_arithmetic3A_1220 = arith.constant 23 : i32
      %shift_right_arithmetic3A_1221 = vector.broadcast %shift_right_arithmetic3A_1220 : i32 to vector<16xi32>
      %shift_right_arithmetic3A_1222 = arith.shrsi %bitcast_convert_type3A_1219, %shift_right_arithmetic3A_1221 : vector<16xi32>
      %sub3A_1223 = arith.constant 127 : i32
      %sub3A_1224 = vector.broadcast %sub3A_1223 : i32 to vector<16xi32>
      %sub3A_1225 = arith.subi %shift_right_arithmetic3A_1222, %sub3A_1224 : vector<16xi32>
      %convert_element_type3A_1226 = arith.sitofp %sub3A_1225 : vector<16xi32> to vector<16xf32>
      %and3A_1227 = arith.constant 8388607 : i32
      %and3A_1228 = vector.broadcast %and3A_1227 : i32 to vector<16xi32>
      %and3A_1229 = arith.andi %bitcast_convert_type3A_1219, %and3A_1228 : vector<16xi32>
      %or3A_1230 = arith.constant 1065353216 : i32
      %or3A_1231 = vector.broadcast %or3A_1230 : i32 to vector<16xi32>
      %or3A_1232 = arith.ori %and3A_1229, %or3A_1231 : vector<16xi32>
      %bitcast_convert_type3A_1233 = tpu.bitcast %or3A_1232 : vector<16xi32> -> vector<16xf32>
      %sub3A_1234 = arith.constant 1.000000e+00 : f32
      %sub3A_1235 = vector.broadcast %sub3A_1234 : f32 to vector<16xf32>
      %sub3A_1236 = arith.subf %bitcast_convert_type3A_1233, %sub3A_1235 : vector<16xf32>
      %mul3A_1237 = arith.constant 0.0434283651 : f32
      %mul3A_1238 = vector.broadcast %mul3A_1237 : f32 to vector<16xf32>
      %mul3A_1239 = arith.mulf %mul3A_1238, %sub3A_1236 : vector<16xf32>
      %add3A_1240 = arith.constant -0.187720492 : f32
      %add3A_1241 = vector.broadcast %add3A_1240 : f32 to vector<16xf32>
      %add3A_1242 = arith.addf %mul3A_1239, %add3A_1241 : vector<16xf32>
      %mul3A_1243 = arith.mulf %add3A_1242, %sub3A_1236 : vector<16xf32>
      %add3A_1244 = arith.constant 0.408718944 : f32
      %add3A_1245 = vector.broadcast %add3A_1244 : f32 to vector<16xf32>
      %add3A_1246 = arith.addf %mul3A_1243, %add3A_1245 : vector<16xf32>
      %mul3A_1247 = arith.mulf %add3A_1246, %sub3A_1236 : vector<16xf32>
      %add3A_1248 = arith.constant -0.705702602 : f32
      %add3A_1249 = vector.broadcast %add3A_1248 : f32 to vector<16xf32>
      %add3A_1250 = arith.addf %mul3A_1247, %add3A_1249 : vector<16xf32>
      %mul3A_1251 = arith.mulf %add3A_1250, %sub3A_1236 : vector<16xf32>
      %add3A_1252 = arith.constant 1.44126713 : f32
      %add3A_1253 = vector.broadcast %add3A_1252 : f32 to vector<16xf32>
      %add3A_1254 = arith.addf %mul3A_1251, %add3A_1253 : vector<16xf32>
      %mul3A_1255 = arith.mulf %add3A_1254, %sub3A_1236 : vector<16xf32>
      %add3A_1256 = arith.constant 3.19308565E-5 : f32
      %add3A_1257 = vector.broadcast %add3A_1256 : f32 to vector<16xf32>
      %add3A_1258 = arith.addf %mul3A_1255, %add3A_1257 : vector<16xf32>
      %add3A_1259 = arith.addf %convert_element_type3A_1226, %add3A_1258 : vector<16xf32>
      %mul3A_1260 = arith.constant 0.693147182 : f32
      %mul3A_1261 = vector.broadcast %mul3A_1260 : f32 to vector<16xf32>
      %mul3A_1262 = arith.mulf %add3A_1259, %mul3A_1261 : vector<16xf32>
      %mul3A_1263 = arith.mulf %div3A_1212, %mul3A_1262 : vector<16xf32>
      %sub3A_1264 = arith.subf %sub3A_1189, %mul3A_1263 : vector<16xf32>
      %gt3A_1265 = arith.cmpf ogt, %div3A_1212, %select_n3A_1191 : vector<16xf32>
      %select_n3A_1266 = arith.select %gt3A_1265, %div3A_1212, %select_n3A_1191 : vector<16xi1>, vector<16xf32>
      %mul3A_1267 = arith.constant 16 : i32
      %mul3A_1268 = arith.muli %scan3A_1198, %mul3A_1267 : i32
      %add3A_1269 = vector.broadcast %mul3A_1268 : i32 to vector<16xi32>
      %add3A_1270 = arith.addi %iota3A_49, %add3A_1269 : vector<16xi32>
      %select_n3A_1271 = arith.select %gt3A_1265, %add3A_1270, %select_n3A_1196 : vector<16xi1>, vector<16xi32>
      scf.yield %sub3A_1264, %select_n3A_1266, %select_n3A_1271 : vector<16xf32>, vector<16xf32>, vector<16xi32>
    }
    %scan3A_59 = arith.constant 128 : i32
    %reduce_sum3A_60 = arith.constant true
    %reduce_sum3A_61 = vector.broadcast %reduce_sum3A_60 : i1 to vector<16xi1>
    %reduce_sum3A_62 = tpu.scan <sum>, %scan3A_58#0 masked %reduce_sum3A_61 : vector<16xf32>, vector<16xi1> -> vector<16xf32>
    %reduce_sum3A_63 = vector.extract %reduce_sum3A_62[15] : f32 from vector<16xf32>
    %reduce_max3A = arith.constant true
    %reduce_max3A_64 = vector.broadcast %reduce_max3A : i1 to vector<16xi1>
    %reduce_max3A_65 = tpu.scan <max>, %scan3A_58#1 masked %reduce_max3A_64 : vector<16xf32>, vector<16xi1> -> vector<16xf32>
    %reduce_max3A_66 = vector.extract %reduce_max3A_65[15] : f32 from vector<16xf32>
    %broadcast_in_dim3A_67 = vector.broadcast %reduce_max3A_66 : f32 to vector<16xf32>
    %eq3A = arith.cmpf oeq, %scan3A_58#1, %broadcast_in_dim3A_67 : vector<16xf32>
    %jit3A_68 = arith.constant 1073741824 : i32
    %broadcast_in_dim3A_69 = vector.broadcast %jit3A_68 : i32 to vector<16xi32>
    %select_n3A_70 = arith.select %eq3A, %scan3A_58#2, %broadcast_in_dim3A_69 : vector<16xi1>, vector<16xi32>
    %reduce_min3A = arith.constant true
    %reduce_min3A_71 = vector.broadcast %reduce_min3A : i1 to vector<16xi1>
    %reduce_min3A_72 = arith.constant -2147483648 : i32
    %reduce_min3A_73 = vector.broadcast %reduce_min3A_72 : i32 to vector<16xi32>
    %reduce_min3A_74 = arith.xori %select_n3A_70, %reduce_min3A_73 : vector<16xi32>
    %reduce_min3A_75 = tpu.scan <min>, %reduce_min3A_74 masked %reduce_min3A_71 : vector<16xi32>, vector<16xi1> -> vector<16xi32>
    %reduce_min3A_76 = arith.xori %reduce_min3A_75, %reduce_min3A_73 : vector<16xi32>
    %reduce_min3A_77 = vector.extract %reduce_min3A_76[15] : i32 from vector<16xi32>
    %broadcast_in_dim3A_78 = vector.broadcast %reduce_max3A_66 : f32 to vector<16xf32>
    %max3A = arith.constant 1.1920929E-7 : f32
    %max3A_79 = vector.broadcast %max3A : f32 to vector<16xf32>
    %max3A_80 = arith.maximumf %broadcast_in_dim3A_78, %max3A_79 : vector<16xf32>
    %min3A = arith.constant 0.99999988 : f32
    %min3A_81 = vector.broadcast %min3A : f32 to vector<16xf32>
    %min3A_82 = arith.minimumf %max3A_80, %min3A_81 : vector<16xf32>
    %bitcast_convert_type3A = tpu.bitcast %min3A_82 : vector<16xf32> -> vector<16xi32>
    %shift_right_arithmetic3A = arith.constant 23 : i32
    %shift_right_arithmetic3A_83 = vector.broadcast %shift_right_arithmetic3A : i32 to vector<16xi32>
    %shift_right_arithmetic3A_84 = arith.shrsi %bitcast_convert_type3A, %shift_right_arithmetic3A_83 : vector<16xi32>
    %sub3A = arith.constant 127 : i32
    %sub3A_85 = vector.broadcast %sub3A : i32 to vector<16xi32>
    %sub3A_86 = arith.subi %shift_right_arithmetic3A_84, %sub3A_85 : vector<16xi32>
    %convert_element_type3A = arith.sitofp %sub3A_86 : vector<16xi32> to vector<16xf32>
    %and3A = arith.constant 8388607 : i32
    %and3A_87 = vector.broadcast %and3A : i32 to vector<16xi32>
    %and3A_88 = arith.andi %bitcast_convert_type3A, %and3A_87 : vector<16xi32>
    %or3A = arith.constant 1065353216 : i32
    %or3A_89 = vector.broadcast %or3A : i32 to vector<16xi32>
    %or3A_90 = arith.ori %and3A_88, %or3A_89 : vector<16xi32>
    %bitcast_convert_type3A_91 = tpu.bitcast %or3A_90 : vector<16xi32> -> vector<16xf32>
    %sub3A_92 = arith.constant 1.000000e+00 : f32
    %sub3A_93 = vector.broadcast %sub3A_92 : f32 to vector<16xf32>
    %sub3A_94 = arith.subf %bitcast_convert_type3A_91, %sub3A_93 : vector<16xf32>
    %mul3A_95 = arith.constant 0.0434283651 : f32
    %mul3A_96 = vector.broadcast %mul3A_95 : f32 to vector<16xf32>
    %mul3A_97 = arith.mulf %mul3A_96, %sub3A_94 : vector<16xf32>
    %add3A_98 = arith.constant -0.187720492 : f32
    %add3A_99 = vector.broadcast %add3A_98 : f32 to vector<16xf32>
    %add3A_100 = arith.addf %mul3A_97, %add3A_99 : vector<16xf32>
    %mul3A_101 = arith.mulf %add3A_100, %sub3A_94 : vector<16xf32>
    %add3A_102 = arith.constant 0.408718944 : f32
    %add3A_103 = vector.broadcast %add3A_102 : f32 to vector<16xf32>
    %add3A_104 = arith.addf %mul3A_101, %add3A_103 : vector<16xf32>
    %mul3A_105 = arith.mulf %add3A_104, %sub3A_94 : vector<16xf32>
    %add3A_106 = arith.constant -0.705702602 : f32
    %add3A_107 = vector.broadcast %add3A_106 : f32 to vector<16xf32>
    %add3A_108 = arith.addf %mul3A_105, %add3A_107 : vector<16xf32>
    %mul3A_109 = arith.mulf %add3A_108, %sub3A_94 : vector<16xf32>
    %add3A_110 = arith.constant 1.44126713 : f32
    %add3A_111 = vector.broadcast %add3A_110 : f32 to vector<16xf32>
    %add3A_112 = arith.addf %mul3A_109, %add3A_111 : vector<16xf32>
    %mul3A_113 = arith.mulf %add3A_112, %sub3A_94 : vector<16xf32>
    %add3A_114 = arith.constant 3.19308565E-5 : f32
    %add3A_115 = vector.broadcast %add3A_114 : f32 to vector<16xf32>
    %add3A_116 = arith.addf %mul3A_113, %add3A_115 : vector<16xf32>
    %add3A_117 = arith.addf %convert_element_type3A, %add3A_116 : vector<16xf32>
    %mul3A_118 = arith.constant 0.693147182 : f32
    %mul3A_119 = vector.broadcast %mul3A_118 : f32 to vector<16xf32>
    %mul3A_120 = arith.mulf %add3A_117, %mul3A_119 : vector<16xf32>
    %bitcast_convert_type3A_121 = tpu.bitcast %mul3A_120 : vector<16xf32> -> vector<16xi32>
    %reduce_max3A_122 = arith.constant true
    %reduce_max3A_123 = vector.broadcast %reduce_max3A_122 : i1 to vector<16xi1>
    %reduce_max3A_124 = arith.constant -2147483648 : i32
    %reduce_max3A_125 = vector.broadcast %reduce_max3A_124 : i32 to vector<16xi32>
    %reduce_max3A_126 = arith.xori %bitcast_convert_type3A_121, %reduce_max3A_125 : vector<16xi32>
    %reduce_max3A_127 = tpu.scan <max>, %reduce_max3A_126 masked %reduce_max3A_123 : vector<16xi32>, vector<16xi1> -> vector<16xi32>
    %reduce_max3A_128 = arith.xori %reduce_max3A_127, %reduce_max3A_125 : vector<16xi32>
    %reduce_max3A_129 = vector.extract %reduce_max3A_128[15] : i32 from vector<16xi32>
    %broadcast_in_dim3A_130 = vector.broadcast %reduce_sum3A_63 : f32 to vector<16xf32>
    %bitcast_convert_type3A_131 = tpu.bitcast %broadcast_in_dim3A_130 : vector<16xf32> -> vector<16xi32>
    %reduce_max3A_132 = arith.constant true
    %reduce_max3A_133 = vector.broadcast %reduce_max3A_132 : i1 to vector<16xi1>
    %reduce_max3A_134 = arith.constant -2147483648 : i32
    %reduce_max3A_135 = vector.broadcast %reduce_max3A_134 : i32 to vector<16xi32>
    %reduce_max3A_136 = arith.xori %bitcast_convert_type3A_131, %reduce_max3A_135 : vector<16xi32>
    %reduce_max3A_137 = tpu.scan <max>, %reduce_max3A_136 masked %reduce_max3A_133 : vector<16xi32>, vector<16xi1> -> vector<16xi32>
    %reduce_max3A_138 = arith.xori %reduce_max3A_137, %reduce_max3A_135 : vector<16xi32>
    %reduce_max3A_139 = vector.extract %reduce_max3A_138[15] : i32 from vector<16xi32>
    %eq3A_140 = arith.constant 0 : i32
    %eq3A_141 = vector.broadcast %eq3A_140 : i32 to vector<16xi32>
    %eq3A_142 = arith.cmpi eq, %iota3A, %eq3A_141 : vector<16xi32>
    %broadcast_in_dim3A_143 = vector.broadcast %reduce_min3A_77 : i32 to vector<16xi32>
    %select_n3A_144 = arith.select %eq3A_142, %broadcast_in_dim3A_143, %broadcast_in_dim3A_1 : vector<16xi1>, vector<16xi32>
    %eq3A_145 = arith.constant 1 : i32
    %eq3A_146 = vector.broadcast %eq3A_145 : i32 to vector<16xi32>
    %eq3A_147 = arith.cmpi eq, %iota3A, %eq3A_146 : vector<16xi32>
    %broadcast_in_dim3A_148 = vector.broadcast %reduce_max3A_129 : i32 to vector<16xi32>
    %select_n3A_149 = arith.select %eq3A_147, %broadcast_in_dim3A_148, %select_n3A_144 : vector<16xi1>, vector<16xi32>
    %eq3A_150 = arith.constant 2 : i32
    %eq3A_151 = vector.broadcast %eq3A_150 : i32 to vector<16xi32>
    %eq3A_152 = arith.cmpi eq, %iota3A, %eq3A_151 : vector<16xi32>
    %broadcast_in_dim3A_153 = vector.broadcast %reduce_max3A_139 : i32 to vector<16xi32>
    %select_n3A_154 = arith.select %eq3A_152, %broadcast_in_dim3A_153, %select_n3A_149 : vector<16xi1>, vector<16xi32>
    %mul3A_155 = arith.constant 4 : i32
    %mul3A_156 = arith.muli %add3A, %mul3A_155 : i32
    %add3A_157 = arith.constant 1 : i32
    %add3A_158 = arith.addi %mul3A_156, %add3A_157 : i32
    %dma_start3A_159 = arith.constant 0 : i32
    %dma_start3A_160 = tpu.memref_slice %arg2[%add3A_158, %dma_start3A_159] : memref<128x2048xf32, #tpu.memory_space<hbm>> -> memref<1x2048xf32, #tpu.memory_space<hbm>>
    %dma_start3A_161 = tpu.memref_squeeze %dma_start3A_160 : memref<1x2048xf32, #tpu.memory_space<hbm>> -> memref<2048xf32, #tpu.memory_space<hbm>>
    %dma_start3A_162 = arith.constant 0 : i32
    %dma_start3A_163 = tpu.memref_slice %arg2[%add3A_158, %dma_start3A_162] : memref<128x2048xf32, #tpu.memory_space<hbm>> -> memref<1x2048xf32, #tpu.memory_space<hbm>>
    %dma_start3A_164 = tpu.memref_squeeze %dma_start3A_163 : memref<1x2048xf32, #tpu.memory_space<hbm>> -> memref<2048xf32, #tpu.memory_space<hbm>>
    tpu.enqueue_dma source(%dma_start3A_164 : memref<2048xf32, #tpu.memory_space<hbm>>) target(%arg5 : memref<2048xf32, #tpu.memory_space<vmem>>) target_semaphore(%arg8 : memref<!tpu.dma_semaphore, #tpu.memory_space<semaphore_mem>>)
    %dma_start3A_165 = arith.constant 0 : i32
    %dma_start3A_166 = tpu.memref_slice %arg3[%add3A_158, %dma_start3A_165] : memref<128x2048xf32, #tpu.memory_space<hbm>> -> memref<1x2048xf32, #tpu.memory_space<hbm>>
    %dma_start3A_167 = tpu.memref_squeeze %dma_start3A_166 : memref<1x2048xf32, #tpu.memory_space<hbm>> -> memref<2048xf32, #tpu.memory_space<hbm>>
    %dma_start3A_168 = arith.constant 0 : i32
    %dma_start3A_169 = tpu.memref_slice %arg3[%add3A_158, %dma_start3A_168] : memref<128x2048xf32, #tpu.memory_space<hbm>> -> memref<1x2048xf32, #tpu.memory_space<hbm>>
    %dma_start3A_170 = tpu.memref_squeeze %dma_start3A_169 : memref<1x2048xf32, #tpu.memory_space<hbm>> -> memref<2048xf32, #tpu.memory_space<hbm>>
    tpu.enqueue_dma source(%dma_start3A_170 : memref<2048xf32, #tpu.memory_space<hbm>>) target(%arg6 : memref<2048xf32, #tpu.memory_space<vmem>>) target_semaphore(%arg9 : memref<!tpu.dma_semaphore, #tpu.memory_space<semaphore_mem>>)
    %dma_wait3A_171 = arith.constant 0 : i32
    %dma_wait3A_172 = tpu.memref_slice %arg2[%add3A_158, %dma_wait3A_171] : memref<128x2048xf32, #tpu.memory_space<hbm>> -> memref<1x2048xf32, #tpu.memory_space<hbm>>
    %dma_wait3A_173 = tpu.memref_squeeze %dma_wait3A_172 : memref<1x2048xf32, #tpu.memory_space<hbm>> -> memref<2048xf32, #tpu.memory_space<hbm>>
    %dma_wait3A_174 = arith.constant 0 : i32
    %dma_wait3A_175 = tpu.memref_slice %arg2[%add3A_158, %dma_wait3A_174] : memref<128x2048xf32, #tpu.memory_space<hbm>> -> memref<1x2048xf32, #tpu.memory_space<hbm>>
    %dma_wait3A_176 = tpu.memref_squeeze %dma_wait3A_175 : memref<1x2048xf32, #tpu.memory_space<hbm>> -> memref<2048xf32, #tpu.memory_space<hbm>>
    tpu.wait_dma2 semaphore(%arg8 : memref<!tpu.dma_semaphore, #tpu.memory_space<semaphore_mem>>) src(%dma_wait3A_176 : memref<2048xf32, #tpu.memory_space<hbm>>) dst(%arg5 : memref<2048xf32, #tpu.memory_space<vmem>>)
    %dma_wait3A_177 = arith.constant 0 : i32
    %dma_wait3A_178 = tpu.memref_slice %arg3[%add3A_158, %dma_wait3A_177] : memref<128x2048xf32, #tpu.memory_space<hbm>> -> memref<1x2048xf32, #tpu.memory_space<hbm>>
    %dma_wait3A_179 = tpu.memref_squeeze %dma_wait3A_178 : memref<1x2048xf32, #tpu.memory_space<hbm>> -> memref<2048xf32, #tpu.memory_space<hbm>>
    %dma_wait3A_180 = arith.constant 0 : i32
    %dma_wait3A_181 = tpu.memref_slice %arg3[%add3A_158, %dma_wait3A_180] : memref<128x2048xf32, #tpu.memory_space<hbm>> -> memref<1x2048xf32, #tpu.memory_space<hbm>>
    %dma_wait3A_182 = tpu.memref_squeeze %dma_wait3A_181 : memref<1x2048xf32, #tpu.memory_space<hbm>> -> memref<2048xf32, #tpu.memory_space<hbm>>
    tpu.wait_dma2 semaphore(%arg9 : memref<!tpu.dma_semaphore, #tpu.memory_space<semaphore_mem>>) src(%dma_wait3A_182 : memref<2048xf32, #tpu.memory_space<hbm>>) dst(%arg6 : memref<2048xf32, #tpu.memory_space<vmem>>)
    %broadcast_in_dim3A_183 = arith.constant 0.000000e+00 : f32
    %broadcast_in_dim3A_184 = vector.broadcast %broadcast_in_dim3A_183 : f32 to vector<16xf32>
    %scan3A_185 = arith.constant 0 : i32
    %scan3A_186 = arith.constant 128 : i32
    %scan3A_187 = arith.addi %scan3A_185, %scan3A_186 : i32
    %scan3A_188 = arith.constant 8 : i32
    %scan3A_189:2 = scf.for %scan3A_672 = %scan3A_185 to %scan3A_187 step %scan3A_188 iter_args(%scan3A_673 = %broadcast_in_dim3A_184, %scan3A_674 = %broadcast_in_dim3A_184) -> (vector<16xf32>, vector<16xf32>)  : i32 {
      %mul3A_675 = arith.constant 16 : i32
      %mul3A_676 = arith.muli %scan3A_672, %mul3A_675 : i32
      %get3A = arith.index_cast %mul3A_676 : i32 to index
      %get3A_677 = tpu.vector_load %arg6[%get3A] {strides = array<i32>} : memref<2048xf32, #tpu.memory_space<vmem>>, vector<16xf32>,
      %mul3A_678 = arith.constant 16 : i32
      %mul3A_679 = arith.muli %scan3A_672, %mul3A_678 : i32
      %get3A_680 = arith.index_cast %mul3A_679 : i32 to index
      %get3A_681 = tpu.vector_load %arg5[%get3A_680] {strides = array<i32>} : memref<2048xf32, #tpu.memory_space<vmem>>, vector<16xf32>,
      %sub3A_682 = arith.constant 1.000000e+00 : f32
      %sub3A_683 = vector.broadcast %sub3A_682 : f32 to vector<16xf32>
      %sub3A_684 = arith.subf %sub3A_683, %get3A_677 : vector<16xf32>
      %mul3A_685 = arith.mulf %get3A_681, %sub3A_684 : vector<16xf32>
      %add3A_686 = arith.addf %scan3A_673, %mul3A_685 : vector<16xf32>
      %add3A_687 = arith.addf %scan3A_674, %sub3A_684 : vector<16xf32>
      %scan3A_688 = arith.constant 1 : i32
      %scan3A_689 = arith.addi %scan3A_672, %scan3A_688 : i32
      %mul3A_690 = arith.constant 16 : i32
      %mul3A_691 = arith.muli %scan3A_689, %mul3A_690 : i32
      %get3A_692 = arith.index_cast %mul3A_691 : i32 to index
      %get3A_693 = tpu.vector_load %arg6[%get3A_692] {strides = array<i32>} : memref<2048xf32, #tpu.memory_space<vmem>>, vector<16xf32>,
      %mul3A_694 = arith.constant 16 : i32
      %mul3A_695 = arith.muli %scan3A_689, %mul3A_694 : i32
      %get3A_696 = arith.index_cast %mul3A_695 : i32 to index
      %get3A_697 = tpu.vector_load %arg5[%get3A_696] {strides = array<i32>} : memref<2048xf32, #tpu.memory_space<vmem>>, vector<16xf32>,
      %sub3A_698 = arith.constant 1.000000e+00 : f32
      %sub3A_699 = vector.broadcast %sub3A_698 : f32 to vector<16xf32>
      %sub3A_700 = arith.subf %sub3A_699, %get3A_693 : vector<16xf32>
      %mul3A_701 = arith.mulf %get3A_697, %sub3A_700 : vector<16xf32>
      %add3A_702 = arith.addf %add3A_686, %mul3A_701 : vector<16xf32>
      %add3A_703 = arith.addf %add3A_687, %sub3A_700 : vector<16xf32>
      %scan3A_704 = arith.constant 2 : i32
      %scan3A_705 = arith.addi %scan3A_672, %scan3A_704 : i32
      %mul3A_706 = arith.constant 16 : i32
      %mul3A_707 = arith.muli %scan3A_705, %mul3A_706 : i32
      %get3A_708 = arith.index_cast %mul3A_707 : i32 to index
      %get3A_709 = tpu.vector_load %arg6[%get3A_708] {strides = array<i32>} : memref<2048xf32, #tpu.memory_space<vmem>>, vector<16xf32>,
      %mul3A_710 = arith.constant 16 : i32
      %mul3A_711 = arith.muli %scan3A_705, %mul3A_710 : i32
      %get3A_712 = arith.index_cast %mul3A_711 : i32 to index
      %get3A_713 = tpu.vector_load %arg5[%get3A_712] {strides = array<i32>} : memref<2048xf32, #tpu.memory_space<vmem>>, vector<16xf32>,
      %sub3A_714 = arith.constant 1.000000e+00 : f32
      %sub3A_715 = vector.broadcast %sub3A_714 : f32 to vector<16xf32>
      %sub3A_716 = arith.subf %sub3A_715, %get3A_709 : vector<16xf32>
      %mul3A_717 = arith.mulf %get3A_713, %sub3A_716 : vector<16xf32>
      %add3A_718 = arith.addf %add3A_702, %mul3A_717 : vector<16xf32>
      %add3A_719 = arith.addf %add3A_703, %sub3A_716 : vector<16xf32>
      %scan3A_720 = arith.constant 3 : i32
      %scan3A_721 = arith.addi %scan3A_672, %scan3A_720 : i32
      %mul3A_722 = arith.constant 16 : i32
      %mul3A_723 = arith.muli %scan3A_721, %mul3A_722 : i32
      %get3A_724 = arith.index_cast %mul3A_723 : i32 to index
      %get3A_725 = tpu.vector_load %arg6[%get3A_724] {strides = array<i32>} : memref<2048xf32, #tpu.memory_space<vmem>>, vector<16xf32>,
      %mul3A_726 = arith.constant 16 : i32
      %mul3A_727 = arith.muli %scan3A_721, %mul3A_726 : i32
      %get3A_728 = arith.index_cast %mul3A_727 : i32 to index
      %get3A_729 = tpu.vector_load %arg5[%get3A_728] {strides = array<i32>} : memref<2048xf32, #tpu.memory_space<vmem>>, vector<16xf32>,
      %sub3A_730 = arith.constant 1.000000e+00 : f32
      %sub3A_731 = vector.broadcast %sub3A_730 : f32 to vector<16xf32>
      %sub3A_732 = arith.subf %sub3A_731, %get3A_725 : vector<16xf32>
      %mul3A_733 = arith.mulf %get3A_729, %sub3A_732 : vector<16xf32>
      %add3A_734 = arith.addf %add3A_718, %mul3A_733 : vector<16xf32>
      %add3A_735 = arith.addf %add3A_719, %sub3A_732 : vector<16xf32>
      %scan3A_736 = arith.constant 4 : i32
      %scan3A_737 = arith.addi %scan3A_672, %scan3A_736 : i32
      %mul3A_738 = arith.constant 16 : i32
      %mul3A_739 = arith.muli %scan3A_737, %mul3A_738 : i32
      %get3A_740 = arith.index_cast %mul3A_739 : i32 to index
      %get3A_741 = tpu.vector_load %arg6[%get3A_740] {strides = array<i32>} : memref<2048xf32, #tpu.memory_space<vmem>>, vector<16xf32>,
      %mul3A_742 = arith.constant 16 : i32
      %mul3A_743 = arith.muli %scan3A_737, %mul3A_742 : i32
      %get3A_744 = arith.index_cast %mul3A_743 : i32 to index
      %get3A_745 = tpu.vector_load %arg5[%get3A_744] {strides = array<i32>} : memref<2048xf32, #tpu.memory_space<vmem>>, vector<16xf32>,
      %sub3A_746 = arith.constant 1.000000e+00 : f32
      %sub3A_747 = vector.broadcast %sub3A_746 : f32 to vector<16xf32>
      %sub3A_748 = arith.subf %sub3A_747, %get3A_741 : vector<16xf32>
      %mul3A_749 = arith.mulf %get3A_745, %sub3A_748 : vector<16xf32>
      %add3A_750 = arith.addf %add3A_734, %mul3A_749 : vector<16xf32>
      %add3A_751 = arith.addf %add3A_735, %sub3A_748 : vector<16xf32>
      %scan3A_752 = arith.constant 5 : i32
      %scan3A_753 = arith.addi %scan3A_672, %scan3A_752 : i32
      %mul3A_754 = arith.constant 16 : i32
      %mul3A_755 = arith.muli %scan3A_753, %mul3A_754 : i32
      %get3A_756 = arith.index_cast %mul3A_755 : i32 to index
      %get3A_757 = tpu.vector_load %arg6[%get3A_756] {strides = array<i32>} : memref<2048xf32, #tpu.memory_space<vmem>>, vector<16xf32>,
      %mul3A_758 = arith.constant 16 : i32
      %mul3A_759 = arith.muli %scan3A_753, %mul3A_758 : i32
      %get3A_760 = arith.index_cast %mul3A_759 : i32 to index
      %get3A_761 = tpu.vector_load %arg5[%get3A_760] {strides = array<i32>} : memref<2048xf32, #tpu.memory_space<vmem>>, vector<16xf32>,
      %sub3A_762 = arith.constant 1.000000e+00 : f32
      %sub3A_763 = vector.broadcast %sub3A_762 : f32 to vector<16xf32>
      %sub3A_764 = arith.subf %sub3A_763, %get3A_757 : vector<16xf32>
      %mul3A_765 = arith.mulf %get3A_761, %sub3A_764 : vector<16xf32>
      %add3A_766 = arith.addf %add3A_750, %mul3A_765 : vector<16xf32>
      %add3A_767 = arith.addf %add3A_751, %sub3A_764 : vector<16xf32>
      %scan3A_768 = arith.constant 6 : i32
      %scan3A_769 = arith.addi %scan3A_672, %scan3A_768 : i32
      %mul3A_770 = arith.constant 16 : i32
      %mul3A_771 = arith.muli %scan3A_769, %mul3A_770 : i32
      %get3A_772 = arith.index_cast %mul3A_771 : i32 to index
      %get3A_773 = tpu.vector_load %arg6[%get3A_772] {strides = array<i32>} : memref<2048xf32, #tpu.memory_space<vmem>>, vector<16xf32>,
      %mul3A_774 = arith.constant 16 : i32
      %mul3A_775 = arith.muli %scan3A_769, %mul3A_774 : i32
      %get3A_776 = arith.index_cast %mul3A_775 : i32 to index
      %get3A_777 = tpu.vector_load %arg5[%get3A_776] {strides = array<i32>} : memref<2048xf32, #tpu.memory_space<vmem>>, vector<16xf32>,
      %sub3A_778 = arith.constant 1.000000e+00 : f32
      %sub3A_779 = vector.broadcast %sub3A_778 : f32 to vector<16xf32>
      %sub3A_780 = arith.subf %sub3A_779, %get3A_773 : vector<16xf32>
      %mul3A_781 = arith.mulf %get3A_777, %sub3A_780 : vector<16xf32>
      %add3A_782 = arith.addf %add3A_766, %mul3A_781 : vector<16xf32>
      %add3A_783 = arith.addf %add3A_767, %sub3A_780 : vector<16xf32>
      %scan3A_784 = arith.constant 7 : i32
      %scan3A_785 = arith.addi %scan3A_672, %scan3A_784 : i32
      %mul3A_786 = arith.constant 16 : i32
      %mul3A_787 = arith.muli %scan3A_785, %mul3A_786 : i32
      %get3A_788 = arith.index_cast %mul3A_787 : i32 to index
      %get3A_789 = tpu.vector_load %arg6[%get3A_788] {strides = array<i32>} : memref<2048xf32, #tpu.memory_space<vmem>>, vector<16xf32>,
      %mul3A_790 = arith.constant 16 : i32
      %mul3A_791 = arith.muli %scan3A_785, %mul3A_790 : i32
      %get3A_792 = arith.index_cast %mul3A_791 : i32 to index
      %get3A_793 = tpu.vector_load %arg5[%get3A_792] {strides = array<i32>} : memref<2048xf32, #tpu.memory_space<vmem>>, vector<16xf32>,
      %sub3A_794 = arith.constant 1.000000e+00 : f32
      %sub3A_795 = vector.broadcast %sub3A_794 : f32 to vector<16xf32>
      %sub3A_796 = arith.subf %sub3A_795, %get3A_789 : vector<16xf32>
      %mul3A_797 = arith.mulf %get3A_793, %sub3A_796 : vector<16xf32>
      %add3A_798 = arith.addf %add3A_782, %mul3A_797 : vector<16xf32>
      %add3A_799 = arith.addf %add3A_783, %sub3A_796 : vector<16xf32>
      scf.yield %add3A_798, %add3A_799 : vector<16xf32>, vector<16xf32>
    }
    %scan3A_190 = arith.constant 128 : i32
    %reduce_sum3A_191 = arith.constant true
    %reduce_sum3A_192 = vector.broadcast %reduce_sum3A_191 : i1 to vector<16xi1>
    %reduce_sum3A_193 = tpu.scan <sum>, %scan3A_189#0 masked %reduce_sum3A_192 : vector<16xf32>, vector<16xi1> -> vector<16xf32>
    %reduce_sum3A_194 = vector.extract %reduce_sum3A_193[15] : f32 from vector<16xf32>
    %reduce_sum3A_195 = arith.constant true
    %reduce_sum3A_196 = vector.broadcast %reduce_sum3A_195 : i1 to vector<16xi1>
    %reduce_sum3A_197 = tpu.scan <sum>, %scan3A_189#1 masked %reduce_sum3A_196 : vector<16xf32>, vector<16xi1> -> vector<16xf32>
    %reduce_sum3A_198 = vector.extract %reduce_sum3A_197[15] : f32 from vector<16xf32>
    %lt3A_199 = arith.constant 9.99999974E-5 : f32
    %lt3A_200 = arith.cmpf olt, %reduce_sum3A_194, %lt3A_199 : f32
    %select_n3A_201 = arith.select %lt3A_200, %reduce_sum3A_198, %reduce_sum3A_194 : f32
    %broadcast_in_dim3A_202 = vector.broadcast %select_n3A_201 : f32 to vector<16xf32>
    %jit3A_203 = arith.constant 1.000000e+00 : f32
    %jit3A_204 = arith.constant 0.000000e+00 : f32
    %select_n3A_205 = arith.select %lt3A_200, %jit3A_203, %jit3A_204 : f32
    %broadcast_in_dim3A_206 = vector.broadcast %select_n3A_205 : f32 to vector<16xf32>
    %gt3A_207 = arith.constant 5.000000e-01 : f32
    %gt3A_208 = vector.broadcast %gt3A_207 : f32 to vector<16xf32>
    %gt3A_209 = arith.cmpf ogt, %broadcast_in_dim3A_206, %gt3A_208 : vector<16xf32>
    %iota3A_210 = tpu.iota {dimensions = array<i32: 0>} : vector<16xi32>
    %broadcast_in_dim3A_211 = arith.constant -1.000000e+00 : f32
    %broadcast_in_dim3A_212 = vector.broadcast %broadcast_in_dim3A_211 : f32 to vector<16xf32>
    %broadcast_in_dim3A_213 = arith.constant 0 : i32
    %broadcast_in_dim3A_214 = vector.broadcast %broadcast_in_dim3A_213 : i32 to vector<16xi32>
    %scan3A_215 = arith.constant 0 : i32
    %scan3A_216 = arith.constant 128 : i32
    %scan3A_217 = arith.addi %scan3A_215, %scan3A_216 : i32
    %scan3A_218 = arith.constant 8 : i32
    %scan3A_219:3 = scf.for %scan3A_672 = %scan3A_215 to %scan3A_217 step %scan3A_218 iter_args(%scan3A_673 = %broadcast_in_dim3A_184, %scan3A_674 = %broadcast_in_dim3A_212, %scan3A_675 = %broadcast_in_dim3A_214) -> (vector<16xf32>, vector<16xf32>, vector<16xi32>)  : i32 {
      %mul3A_676 = arith.constant 16 : i32
      %mul3A_677 = arith.muli %scan3A_672, %mul3A_676 : i32
      %get3A = arith.index_cast %mul3A_677 : i32 to index
      %get3A_678 = tpu.vector_load %arg6[%get3A] {strides = array<i32>} : memref<2048xf32, #tpu.memory_space<vmem>>, vector<16xf32>,
      %mul3A_679 = arith.constant 16 : i32
      %mul3A_680 = arith.muli %scan3A_672, %mul3A_679 : i32
      %get3A_681 = arith.index_cast %mul3A_680 : i32 to index
      %get3A_682 = tpu.vector_load %arg5[%get3A_681] {strides = array<i32>} : memref<2048xf32, #tpu.memory_space<vmem>>, vector<16xf32>,
      %sub3A_683 = arith.constant 1.000000e+00 : f32
      %sub3A_684 = vector.broadcast %sub3A_683 : f32 to vector<16xf32>
      %sub3A_685 = arith.subf %sub3A_684, %get3A_678 : vector<16xf32>
      %mul3A_686 = arith.mulf %get3A_682, %sub3A_685 : vector<16xf32>
      %select_n3A_687 = arith.select %gt3A_209, %sub3A_685, %mul3A_686 : vector<16xi1>, vector<16xf32>
      %div3A = arith.divf %select_n3A_687, %broadcast_in_dim3A_202 : vector<16xf32>
      %max3A_688 = arith.constant 1.1920929E-7 : f32
      %max3A_689 = vector.broadcast %max3A_688 : f32 to vector<16xf32>
      %max3A_690 = arith.maximumf %div3A, %max3A_689 : vector<16xf32>
      %min3A_691 = arith.constant 0.99999988 : f32
      %min3A_692 = vector.broadcast %min3A_691 : f32 to vector<16xf32>
      %min3A_693 = arith.minimumf %max3A_690, %min3A_692 : vector<16xf32>
      %bitcast_convert_type3A_694 = tpu.bitcast %min3A_693 : vector<16xf32> -> vector<16xi32>
      %shift_right_arithmetic3A_695 = arith.constant 23 : i32
      %shift_right_arithmetic3A_696 = vector.broadcast %shift_right_arithmetic3A_695 : i32 to vector<16xi32>
      %shift_right_arithmetic3A_697 = arith.shrsi %bitcast_convert_type3A_694, %shift_right_arithmetic3A_696 : vector<16xi32>
      %sub3A_698 = arith.constant 127 : i32
      %sub3A_699 = vector.broadcast %sub3A_698 : i32 to vector<16xi32>
      %sub3A_700 = arith.subi %shift_right_arithmetic3A_697, %sub3A_699 : vector<16xi32>
      %convert_element_type3A_701 = arith.sitofp %sub3A_700 : vector<16xi32> to vector<16xf32>
      %and3A_702 = arith.constant 8388607 : i32
      %and3A_703 = vector.broadcast %and3A_702 : i32 to vector<16xi32>
      %and3A_704 = arith.andi %bitcast_convert_type3A_694, %and3A_703 : vector<16xi32>
      %or3A_705 = arith.constant 1065353216 : i32
      %or3A_706 = vector.broadcast %or3A_705 : i32 to vector<16xi32>
      %or3A_707 = arith.ori %and3A_704, %or3A_706 : vector<16xi32>
      %bitcast_convert_type3A_708 = tpu.bitcast %or3A_707 : vector<16xi32> -> vector<16xf32>
      %sub3A_709 = arith.constant 1.000000e+00 : f32
      %sub3A_710 = vector.broadcast %sub3A_709 : f32 to vector<16xf32>
      %sub3A_711 = arith.subf %bitcast_convert_type3A_708, %sub3A_710 : vector<16xf32>
      %mul3A_712 = arith.constant 0.0434283651 : f32
      %mul3A_713 = vector.broadcast %mul3A_712 : f32 to vector<16xf32>
      %mul3A_714 = arith.mulf %mul3A_713, %sub3A_711 : vector<16xf32>
      %add3A_715 = arith.constant -0.187720492 : f32
      %add3A_716 = vector.broadcast %add3A_715 : f32 to vector<16xf32>
      %add3A_717 = arith.addf %mul3A_714, %add3A_716 : vector<16xf32>
      %mul3A_718 = arith.mulf %add3A_717, %sub3A_711 : vector<16xf32>
      %add3A_719 = arith.constant 0.408718944 : f32
      %add3A_720 = vector.broadcast %add3A_719 : f32 to vector<16xf32>
      %add3A_721 = arith.addf %mul3A_718, %add3A_720 : vector<16xf32>
      %mul3A_722 = arith.mulf %add3A_721, %sub3A_711 : vector<16xf32>
      %add3A_723 = arith.constant -0.705702602 : f32
      %add3A_724 = vector.broadcast %add3A_723 : f32 to vector<16xf32>
      %add3A_725 = arith.addf %mul3A_722, %add3A_724 : vector<16xf32>
      %mul3A_726 = arith.mulf %add3A_725, %sub3A_711 : vector<16xf32>
      %add3A_727 = arith.constant 1.44126713 : f32
      %add3A_728 = vector.broadcast %add3A_727 : f32 to vector<16xf32>
      %add3A_729 = arith.addf %mul3A_726, %add3A_728 : vector<16xf32>
      %mul3A_730 = arith.mulf %add3A_729, %sub3A_711 : vector<16xf32>
      %add3A_731 = arith.constant 3.19308565E-5 : f32
      %add3A_732 = vector.broadcast %add3A_731 : f32 to vector<16xf32>
      %add3A_733 = arith.addf %mul3A_730, %add3A_732 : vector<16xf32>
      %add3A_734 = arith.addf %convert_element_type3A_701, %add3A_733 : vector<16xf32>
      %mul3A_735 = arith.constant 0.693147182 : f32
      %mul3A_736 = vector.broadcast %mul3A_735 : f32 to vector<16xf32>
      %mul3A_737 = arith.mulf %add3A_734, %mul3A_736 : vector<16xf32>
      %mul3A_738 = arith.mulf %div3A, %mul3A_737 : vector<16xf32>
      %sub3A_739 = arith.subf %scan3A_673, %mul3A_738 : vector<16xf32>
      %gt3A_740 = arith.cmpf ogt, %div3A, %scan3A_674 : vector<16xf32>
      %select_n3A_741 = arith.select %gt3A_740, %div3A, %scan3A_674 : vector<16xi1>, vector<16xf32>
      %mul3A_742 = arith.constant 16 : i32
      %mul3A_743 = arith.muli %scan3A_672, %mul3A_742 : i32
      %add3A_744 = vector.broadcast %mul3A_743 : i32 to vector<16xi32>
      %add3A_745 = arith.addi %iota3A_210, %add3A_744 : vector<16xi32>
      %select_n3A_746 = arith.select %gt3A_740, %add3A_745, %scan3A_675 : vector<16xi1>, vector<16xi32>
      %scan3A_747 = arith.constant 1 : i32
      %scan3A_748 = arith.addi %scan3A_672, %scan3A_747 : i32
      %mul3A_749 = arith.constant 16 : i32
      %mul3A_750 = arith.muli %scan3A_748, %mul3A_749 : i32
      %get3A_751 = arith.index_cast %mul3A_750 : i32 to index
      %get3A_752 = tpu.vector_load %arg6[%get3A_751] {strides = array<i32>} : memref<2048xf32, #tpu.memory_space<vmem>>, vector<16xf32>,
      %mul3A_753 = arith.constant 16 : i32
      %mul3A_754 = arith.muli %scan3A_748, %mul3A_753 : i32
      %get3A_755 = arith.index_cast %mul3A_754 : i32 to index
      %get3A_756 = tpu.vector_load %arg5[%get3A_755] {strides = array<i32>} : memref<2048xf32, #tpu.memory_space<vmem>>, vector<16xf32>,
      %sub3A_757 = arith.constant 1.000000e+00 : f32
      %sub3A_758 = vector.broadcast %sub3A_757 : f32 to vector<16xf32>
      %sub3A_759 = arith.subf %sub3A_758, %get3A_752 : vector<16xf32>
      %mul3A_760 = arith.mulf %get3A_756, %sub3A_759 : vector<16xf32>
      %select_n3A_761 = arith.select %gt3A_209, %sub3A_759, %mul3A_760 : vector<16xi1>, vector<16xf32>
      %div3A_762 = arith.divf %select_n3A_761, %broadcast_in_dim3A_202 : vector<16xf32>
      %max3A_763 = arith.constant 1.1920929E-7 : f32
      %max3A_764 = vector.broadcast %max3A_763 : f32 to vector<16xf32>
      %max3A_765 = arith.maximumf %div3A_762, %max3A_764 : vector<16xf32>
      %min3A_766 = arith.constant 0.99999988 : f32
      %min3A_767 = vector.broadcast %min3A_766 : f32 to vector<16xf32>
      %min3A_768 = arith.minimumf %max3A_765, %min3A_767 : vector<16xf32>
      %bitcast_convert_type3A_769 = tpu.bitcast %min3A_768 : vector<16xf32> -> vector<16xi32>
      %shift_right_arithmetic3A_770 = arith.constant 23 : i32
      %shift_right_arithmetic3A_771 = vector.broadcast %shift_right_arithmetic3A_770 : i32 to vector<16xi32>
      %shift_right_arithmetic3A_772 = arith.shrsi %bitcast_convert_type3A_769, %shift_right_arithmetic3A_771 : vector<16xi32>
      %sub3A_773 = arith.constant 127 : i32
      %sub3A_774 = vector.broadcast %sub3A_773 : i32 to vector<16xi32>
      %sub3A_775 = arith.subi %shift_right_arithmetic3A_772, %sub3A_774 : vector<16xi32>
      %convert_element_type3A_776 = arith.sitofp %sub3A_775 : vector<16xi32> to vector<16xf32>
      %and3A_777 = arith.constant 8388607 : i32
      %and3A_778 = vector.broadcast %and3A_777 : i32 to vector<16xi32>
      %and3A_779 = arith.andi %bitcast_convert_type3A_769, %and3A_778 : vector<16xi32>
      %or3A_780 = arith.constant 1065353216 : i32
      %or3A_781 = vector.broadcast %or3A_780 : i32 to vector<16xi32>
      %or3A_782 = arith.ori %and3A_779, %or3A_781 : vector<16xi32>
      %bitcast_convert_type3A_783 = tpu.bitcast %or3A_782 : vector<16xi32> -> vector<16xf32>
      %sub3A_784 = arith.constant 1.000000e+00 : f32
      %sub3A_785 = vector.broadcast %sub3A_784 : f32 to vector<16xf32>
      %sub3A_786 = arith.subf %bitcast_convert_type3A_783, %sub3A_785 : vector<16xf32>
      %mul3A_787 = arith.constant 0.0434283651 : f32
      %mul3A_788 = vector.broadcast %mul3A_787 : f32 to vector<16xf32>
      %mul3A_789 = arith.mulf %mul3A_788, %sub3A_786 : vector<16xf32>
      %add3A_790 = arith.constant -0.187720492 : f32
      %add3A_791 = vector.broadcast %add3A_790 : f32 to vector<16xf32>
      %add3A_792 = arith.addf %mul3A_789, %add3A_791 : vector<16xf32>
      %mul3A_793 = arith.mulf %add3A_792, %sub3A_786 : vector<16xf32>
      %add3A_794 = arith.constant 0.408718944 : f32
      %add3A_795 = vector.broadcast %add3A_794 : f32 to vector<16xf32>
      %add3A_796 = arith.addf %mul3A_793, %add3A_795 : vector<16xf32>
      %mul3A_797 = arith.mulf %add3A_796, %sub3A_786 : vector<16xf32>
      %add3A_798 = arith.constant -0.705702602 : f32
      %add3A_799 = vector.broadcast %add3A_798 : f32 to vector<16xf32>
      %add3A_800 = arith.addf %mul3A_797, %add3A_799 : vector<16xf32>
      %mul3A_801 = arith.mulf %add3A_800, %sub3A_786 : vector<16xf32>
      %add3A_802 = arith.constant 1.44126713 : f32
      %add3A_803 = vector.broadcast %add3A_802 : f32 to vector<16xf32>
      %add3A_804 = arith.addf %mul3A_801, %add3A_803 : vector<16xf32>
      %mul3A_805 = arith.mulf %add3A_804, %sub3A_786 : vector<16xf32>
      %add3A_806 = arith.constant 3.19308565E-5 : f32
      %add3A_807 = vector.broadcast %add3A_806 : f32 to vector<16xf32>
      %add3A_808 = arith.addf %mul3A_805, %add3A_807 : vector<16xf32>
      %add3A_809 = arith.addf %convert_element_type3A_776, %add3A_808 : vector<16xf32>
      %mul3A_810 = arith.constant 0.693147182 : f32
      %mul3A_811 = vector.broadcast %mul3A_810 : f32 to vector<16xf32>
      %mul3A_812 = arith.mulf %add3A_809, %mul3A_811 : vector<16xf32>
      %mul3A_813 = arith.mulf %div3A_762, %mul3A_812 : vector<16xf32>
      %sub3A_814 = arith.subf %sub3A_739, %mul3A_813 : vector<16xf32>
      %gt3A_815 = arith.cmpf ogt, %div3A_762, %select_n3A_741 : vector<16xf32>
      %select_n3A_816 = arith.select %gt3A_815, %div3A_762, %select_n3A_741 : vector<16xi1>, vector<16xf32>
      %mul3A_817 = arith.constant 16 : i32
      %mul3A_818 = arith.muli %scan3A_748, %mul3A_817 : i32
      %add3A_819 = vector.broadcast %mul3A_818 : i32 to vector<16xi32>
      %add3A_820 = arith.addi %iota3A_210, %add3A_819 : vector<16xi32>
      %select_n3A_821 = arith.select %gt3A_815, %add3A_820, %select_n3A_746 : vector<16xi1>, vector<16xi32>
      %scan3A_822 = arith.constant 2 : i32
      %scan3A_823 = arith.addi %scan3A_672, %scan3A_822 : i32
      %mul3A_824 = arith.constant 16 : i32
      %mul3A_825 = arith.muli %scan3A_823, %mul3A_824 : i32
      %get3A_826 = arith.index_cast %mul3A_825 : i32 to index
      %get3A_827 = tpu.vector_load %arg6[%get3A_826] {strides = array<i32>} : memref<2048xf32, #tpu.memory_space<vmem>>, vector<16xf32>,
      %mul3A_828 = arith.constant 16 : i32
      %mul3A_829 = arith.muli %scan3A_823, %mul3A_828 : i32
      %get3A_830 = arith.index_cast %mul3A_829 : i32 to index
      %get3A_831 = tpu.vector_load %arg5[%get3A_830] {strides = array<i32>} : memref<2048xf32, #tpu.memory_space<vmem>>, vector<16xf32>,
      %sub3A_832 = arith.constant 1.000000e+00 : f32
      %sub3A_833 = vector.broadcast %sub3A_832 : f32 to vector<16xf32>
      %sub3A_834 = arith.subf %sub3A_833, %get3A_827 : vector<16xf32>
      %mul3A_835 = arith.mulf %get3A_831, %sub3A_834 : vector<16xf32>
      %select_n3A_836 = arith.select %gt3A_209, %sub3A_834, %mul3A_835 : vector<16xi1>, vector<16xf32>
      %div3A_837 = arith.divf %select_n3A_836, %broadcast_in_dim3A_202 : vector<16xf32>
      %max3A_838 = arith.constant 1.1920929E-7 : f32
      %max3A_839 = vector.broadcast %max3A_838 : f32 to vector<16xf32>
      %max3A_840 = arith.maximumf %div3A_837, %max3A_839 : vector<16xf32>
      %min3A_841 = arith.constant 0.99999988 : f32
      %min3A_842 = vector.broadcast %min3A_841 : f32 to vector<16xf32>
      %min3A_843 = arith.minimumf %max3A_840, %min3A_842 : vector<16xf32>
      %bitcast_convert_type3A_844 = tpu.bitcast %min3A_843 : vector<16xf32> -> vector<16xi32>
      %shift_right_arithmetic3A_845 = arith.constant 23 : i32
      %shift_right_arithmetic3A_846 = vector.broadcast %shift_right_arithmetic3A_845 : i32 to vector<16xi32>
      %shift_right_arithmetic3A_847 = arith.shrsi %bitcast_convert_type3A_844, %shift_right_arithmetic3A_846 : vector<16xi32>
      %sub3A_848 = arith.constant 127 : i32
      %sub3A_849 = vector.broadcast %sub3A_848 : i32 to vector<16xi32>
      %sub3A_850 = arith.subi %shift_right_arithmetic3A_847, %sub3A_849 : vector<16xi32>
      %convert_element_type3A_851 = arith.sitofp %sub3A_850 : vector<16xi32> to vector<16xf32>
      %and3A_852 = arith.constant 8388607 : i32
      %and3A_853 = vector.broadcast %and3A_852 : i32 to vector<16xi32>
      %and3A_854 = arith.andi %bitcast_convert_type3A_844, %and3A_853 : vector<16xi32>
      %or3A_855 = arith.constant 1065353216 : i32
      %or3A_856 = vector.broadcast %or3A_855 : i32 to vector<16xi32>
      %or3A_857 = arith.ori %and3A_854, %or3A_856 : vector<16xi32>
      %bitcast_convert_type3A_858 = tpu.bitcast %or3A_857 : vector<16xi32> -> vector<16xf32>
      %sub3A_859 = arith.constant 1.000000e+00 : f32
      %sub3A_860 = vector.broadcast %sub3A_859 : f32 to vector<16xf32>
      %sub3A_861 = arith.subf %bitcast_convert_type3A_858, %sub3A_860 : vector<16xf32>
      %mul3A_862 = arith.constant 0.0434283651 : f32
      %mul3A_863 = vector.broadcast %mul3A_862 : f32 to vector<16xf32>
      %mul3A_864 = arith.mulf %mul3A_863, %sub3A_861 : vector<16xf32>
      %add3A_865 = arith.constant -0.187720492 : f32
      %add3A_866 = vector.broadcast %add3A_865 : f32 to vector<16xf32>
      %add3A_867 = arith.addf %mul3A_864, %add3A_866 : vector<16xf32>
      %mul3A_868 = arith.mulf %add3A_867, %sub3A_861 : vector<16xf32>
      %add3A_869 = arith.constant 0.408718944 : f32
      %add3A_870 = vector.broadcast %add3A_869 : f32 to vector<16xf32>
      %add3A_871 = arith.addf %mul3A_868, %add3A_870 : vector<16xf32>
      %mul3A_872 = arith.mulf %add3A_871, %sub3A_861 : vector<16xf32>
      %add3A_873 = arith.constant -0.705702602 : f32
      %add3A_874 = vector.broadcast %add3A_873 : f32 to vector<16xf32>
      %add3A_875 = arith.addf %mul3A_872, %add3A_874 : vector<16xf32>
      %mul3A_876 = arith.mulf %add3A_875, %sub3A_861 : vector<16xf32>
      %add3A_877 = arith.constant 1.44126713 : f32
      %add3A_878 = vector.broadcast %add3A_877 : f32 to vector<16xf32>
      %add3A_879 = arith.addf %mul3A_876, %add3A_878 : vector<16xf32>
      %mul3A_880 = arith.mulf %add3A_879, %sub3A_861 : vector<16xf32>
      %add3A_881 = arith.constant 3.19308565E-5 : f32
      %add3A_882 = vector.broadcast %add3A_881 : f32 to vector<16xf32>
      %add3A_883 = arith.addf %mul3A_880, %add3A_882 : vector<16xf32>
      %add3A_884 = arith.addf %convert_element_type3A_851, %add3A_883 : vector<16xf32>
      %mul3A_885 = arith.constant 0.693147182 : f32
      %mul3A_886 = vector.broadcast %mul3A_885 : f32 to vector<16xf32>
      %mul3A_887 = arith.mulf %add3A_884, %mul3A_886 : vector<16xf32>
      %mul3A_888 = arith.mulf %div3A_837, %mul3A_887 : vector<16xf32>
      %sub3A_889 = arith.subf %sub3A_814, %mul3A_888 : vector<16xf32>
      %gt3A_890 = arith.cmpf ogt, %div3A_837, %select_n3A_816 : vector<16xf32>
      %select_n3A_891 = arith.select %gt3A_890, %div3A_837, %select_n3A_816 : vector<16xi1>, vector<16xf32>
      %mul3A_892 = arith.constant 16 : i32
      %mul3A_893 = arith.muli %scan3A_823, %mul3A_892 : i32
      %add3A_894 = vector.broadcast %mul3A_893 : i32 to vector<16xi32>
      %add3A_895 = arith.addi %iota3A_210, %add3A_894 : vector<16xi32>
      %select_n3A_896 = arith.select %gt3A_890, %add3A_895, %select_n3A_821 : vector<16xi1>, vector<16xi32>
      %scan3A_897 = arith.constant 3 : i32
      %scan3A_898 = arith.addi %scan3A_672, %scan3A_897 : i32
      %mul3A_899 = arith.constant 16 : i32
      %mul3A_900 = arith.muli %scan3A_898, %mul3A_899 : i32
      %get3A_901 = arith.index_cast %mul3A_900 : i32 to index
      %get3A_902 = tpu.vector_load %arg6[%get3A_901] {strides = array<i32>} : memref<2048xf32, #tpu.memory_space<vmem>>, vector<16xf32>,
      %mul3A_903 = arith.constant 16 : i32
      %mul3A_904 = arith.muli %scan3A_898, %mul3A_903 : i32
      %get3A_905 = arith.index_cast %mul3A_904 : i32 to index
      %get3A_906 = tpu.vector_load %arg5[%get3A_905] {strides = array<i32>} : memref<2048xf32, #tpu.memory_space<vmem>>, vector<16xf32>,
      %sub3A_907 = arith.constant 1.000000e+00 : f32
      %sub3A_908 = vector.broadcast %sub3A_907 : f32 to vector<16xf32>
      %sub3A_909 = arith.subf %sub3A_908, %get3A_902 : vector<16xf32>
      %mul3A_910 = arith.mulf %get3A_906, %sub3A_909 : vector<16xf32>
      %select_n3A_911 = arith.select %gt3A_209, %sub3A_909, %mul3A_910 : vector<16xi1>, vector<16xf32>
      %div3A_912 = arith.divf %select_n3A_911, %broadcast_in_dim3A_202 : vector<16xf32>
      %max3A_913 = arith.constant 1.1920929E-7 : f32
      %max3A_914 = vector.broadcast %max3A_913 : f32 to vector<16xf32>
      %max3A_915 = arith.maximumf %div3A_912, %max3A_914 : vector<16xf32>
      %min3A_916 = arith.constant 0.99999988 : f32
      %min3A_917 = vector.broadcast %min3A_916 : f32 to vector<16xf32>
      %min3A_918 = arith.minimumf %max3A_915, %min3A_917 : vector<16xf32>
      %bitcast_convert_type3A_919 = tpu.bitcast %min3A_918 : vector<16xf32> -> vector<16xi32>
      %shift_right_arithmetic3A_920 = arith.constant 23 : i32
      %shift_right_arithmetic3A_921 = vector.broadcast %shift_right_arithmetic3A_920 : i32 to vector<16xi32>
      %shift_right_arithmetic3A_922 = arith.shrsi %bitcast_convert_type3A_919, %shift_right_arithmetic3A_921 : vector<16xi32>
      %sub3A_923 = arith.constant 127 : i32
      %sub3A_924 = vector.broadcast %sub3A_923 : i32 to vector<16xi32>
      %sub3A_925 = arith.subi %shift_right_arithmetic3A_922, %sub3A_924 : vector<16xi32>
      %convert_element_type3A_926 = arith.sitofp %sub3A_925 : vector<16xi32> to vector<16xf32>
      %and3A_927 = arith.constant 8388607 : i32
      %and3A_928 = vector.broadcast %and3A_927 : i32 to vector<16xi32>
      %and3A_929 = arith.andi %bitcast_convert_type3A_919, %and3A_928 : vector<16xi32>
      %or3A_930 = arith.constant 1065353216 : i32
      %or3A_931 = vector.broadcast %or3A_930 : i32 to vector<16xi32>
      %or3A_932 = arith.ori %and3A_929, %or3A_931 : vector<16xi32>
      %bitcast_convert_type3A_933 = tpu.bitcast %or3A_932 : vector<16xi32> -> vector<16xf32>
      %sub3A_934 = arith.constant 1.000000e+00 : f32
      %sub3A_935 = vector.broadcast %sub3A_934 : f32 to vector<16xf32>
      %sub3A_936 = arith.subf %bitcast_convert_type3A_933, %sub3A_935 : vector<16xf32>
      %mul3A_937 = arith.constant 0.0434283651 : f32
      %mul3A_938 = vector.broadcast %mul3A_937 : f32 to vector<16xf32>
      %mul3A_939 = arith.mulf %mul3A_938, %sub3A_936 : vector<16xf32>
      %add3A_940 = arith.constant -0.187720492 : f32
      %add3A_941 = vector.broadcast %add3A_940 : f32 to vector<16xf32>
      %add3A_942 = arith.addf %mul3A_939, %add3A_941 : vector<16xf32>
      %mul3A_943 = arith.mulf %add3A_942, %sub3A_936 : vector<16xf32>
      %add3A_944 = arith.constant 0.408718944 : f32
      %add3A_945 = vector.broadcast %add3A_944 : f32 to vector<16xf32>
      %add3A_946 = arith.addf %mul3A_943, %add3A_945 : vector<16xf32>
      %mul3A_947 = arith.mulf %add3A_946, %sub3A_936 : vector<16xf32>
      %add3A_948 = arith.constant -0.705702602 : f32
      %add3A_949 = vector.broadcast %add3A_948 : f32 to vector<16xf32>
      %add3A_950 = arith.addf %mul3A_947, %add3A_949 : vector<16xf32>
      %mul3A_951 = arith.mulf %add3A_950, %sub3A_936 : vector<16xf32>
      %add3A_952 = arith.constant 1.44126713 : f32
      %add3A_953 = vector.broadcast %add3A_952 : f32 to vector<16xf32>
      %add3A_954 = arith.addf %mul3A_951, %add3A_953 : vector<16xf32>
      %mul3A_955 = arith.mulf %add3A_954, %sub3A_936 : vector<16xf32>
      %add3A_956 = arith.constant 3.19308565E-5 : f32
      %add3A_957 = vector.broadcast %add3A_956 : f32 to vector<16xf32>
      %add3A_958 = arith.addf %mul3A_955, %add3A_957 : vector<16xf32>
      %add3A_959 = arith.addf %convert_element_type3A_926, %add3A_958 : vector<16xf32>
      %mul3A_960 = arith.constant 0.693147182 : f32
      %mul3A_961 = vector.broadcast %mul3A_960 : f32 to vector<16xf32>
      %mul3A_962 = arith.mulf %add3A_959, %mul3A_961 : vector<16xf32>
      %mul3A_963 = arith.mulf %div3A_912, %mul3A_962 : vector<16xf32>
      %sub3A_964 = arith.subf %sub3A_889, %mul3A_963 : vector<16xf32>
      %gt3A_965 = arith.cmpf ogt, %div3A_912, %select_n3A_891 : vector<16xf32>
      %select_n3A_966 = arith.select %gt3A_965, %div3A_912, %select_n3A_891 : vector<16xi1>, vector<16xf32>
      %mul3A_967 = arith.constant 16 : i32
      %mul3A_968 = arith.muli %scan3A_898, %mul3A_967 : i32
      %add3A_969 = vector.broadcast %mul3A_968 : i32 to vector<16xi32>
      %add3A_970 = arith.addi %iota3A_210, %add3A_969 : vector<16xi32>
      %select_n3A_971 = arith.select %gt3A_965, %add3A_970, %select_n3A_896 : vector<16xi1>, vector<16xi32>
      %scan3A_972 = arith.constant 4 : i32
      %scan3A_973 = arith.addi %scan3A_672, %scan3A_972 : i32
      %mul3A_974 = arith.constant 16 : i32
      %mul3A_975 = arith.muli %scan3A_973, %mul3A_974 : i32
      %get3A_976 = arith.index_cast %mul3A_975 : i32 to index
      %get3A_977 = tpu.vector_load %arg6[%get3A_976] {strides = array<i32>} : memref<2048xf32, #tpu.memory_space<vmem>>, vector<16xf32>,
      %mul3A_978 = arith.constant 16 : i32
      %mul3A_979 = arith.muli %scan3A_973, %mul3A_978 : i32
      %get3A_980 = arith.index_cast %mul3A_979 : i32 to index
      %get3A_981 = tpu.vector_load %arg5[%get3A_980] {strides = array<i32>} : memref<2048xf32, #tpu.memory_space<vmem>>, vector<16xf32>,
      %sub3A_982 = arith.constant 1.000000e+00 : f32
      %sub3A_983 = vector.broadcast %sub3A_982 : f32 to vector<16xf32>
      %sub3A_984 = arith.subf %sub3A_983, %get3A_977 : vector<16xf32>
      %mul3A_985 = arith.mulf %get3A_981, %sub3A_984 : vector<16xf32>
      %select_n3A_986 = arith.select %gt3A_209, %sub3A_984, %mul3A_985 : vector<16xi1>, vector<16xf32>
      %div3A_987 = arith.divf %select_n3A_986, %broadcast_in_dim3A_202 : vector<16xf32>
      %max3A_988 = arith.constant 1.1920929E-7 : f32
      %max3A_989 = vector.broadcast %max3A_988 : f32 to vector<16xf32>
      %max3A_990 = arith.maximumf %div3A_987, %max3A_989 : vector<16xf32>
      %min3A_991 = arith.constant 0.99999988 : f32
      %min3A_992 = vector.broadcast %min3A_991 : f32 to vector<16xf32>
      %min3A_993 = arith.minimumf %max3A_990, %min3A_992 : vector<16xf32>
      %bitcast_convert_type3A_994 = tpu.bitcast %min3A_993 : vector<16xf32> -> vector<16xi32>
      %shift_right_arithmetic3A_995 = arith.constant 23 : i32
      %shift_right_arithmetic3A_996 = vector.broadcast %shift_right_arithmetic3A_995 : i32 to vector<16xi32>
      %shift_right_arithmetic3A_997 = arith.shrsi %bitcast_convert_type3A_994, %shift_right_arithmetic3A_996 : vector<16xi32>
      %sub3A_998 = arith.constant 127 : i32
      %sub3A_999 = vector.broadcast %sub3A_998 : i32 to vector<16xi32>
      %sub3A_1000 = arith.subi %shift_right_arithmetic3A_997, %sub3A_999 : vector<16xi32>
      %convert_element_type3A_1001 = arith.sitofp %sub3A_1000 : vector<16xi32> to vector<16xf32>
      %and3A_1002 = arith.constant 8388607 : i32
      %and3A_1003 = vector.broadcast %and3A_1002 : i32 to vector<16xi32>
      %and3A_1004 = arith.andi %bitcast_convert_type3A_994, %and3A_1003 : vector<16xi32>
      %or3A_1005 = arith.constant 1065353216 : i32
      %or3A_1006 = vector.broadcast %or3A_1005 : i32 to vector<16xi32>
      %or3A_1007 = arith.ori %and3A_1004, %or3A_1006 : vector<16xi32>
      %bitcast_convert_type3A_1008 = tpu.bitcast %or3A_1007 : vector<16xi32> -> vector<16xf32>
      %sub3A_1009 = arith.constant 1.000000e+00 : f32
      %sub3A_1010 = vector.broadcast %sub3A_1009 : f32 to vector<16xf32>
      %sub3A_1011 = arith.subf %bitcast_convert_type3A_1008, %sub3A_1010 : vector<16xf32>
      %mul3A_1012 = arith.constant 0.0434283651 : f32
      %mul3A_1013 = vector.broadcast %mul3A_1012 : f32 to vector<16xf32>
      %mul3A_1014 = arith.mulf %mul3A_1013, %sub3A_1011 : vector<16xf32>
      %add3A_1015 = arith.constant -0.187720492 : f32
      %add3A_1016 = vector.broadcast %add3A_1015 : f32 to vector<16xf32>
      %add3A_1017 = arith.addf %mul3A_1014, %add3A_1016 : vector<16xf32>
      %mul3A_1018 = arith.mulf %add3A_1017, %sub3A_1011 : vector<16xf32>
      %add3A_1019 = arith.constant 0.408718944 : f32
      %add3A_1020 = vector.broadcast %add3A_1019 : f32 to vector<16xf32>
      %add3A_1021 = arith.addf %mul3A_1018, %add3A_1020 : vector<16xf32>
      %mul3A_1022 = arith.mulf %add3A_1021, %sub3A_1011 : vector<16xf32>
      %add3A_1023 = arith.constant -0.705702602 : f32
      %add3A_1024 = vector.broadcast %add3A_1023 : f32 to vector<16xf32>
      %add3A_1025 = arith.addf %mul3A_1022, %add3A_1024 : vector<16xf32>
      %mul3A_1026 = arith.mulf %add3A_1025, %sub3A_1011 : vector<16xf32>
      %add3A_1027 = arith.constant 1.44126713 : f32
      %add3A_1028 = vector.broadcast %add3A_1027 : f32 to vector<16xf32>
      %add3A_1029 = arith.addf %mul3A_1026, %add3A_1028 : vector<16xf32>
      %mul3A_1030 = arith.mulf %add3A_1029, %sub3A_1011 : vector<16xf32>
      %add3A_1031 = arith.constant 3.19308565E-5 : f32
      %add3A_1032 = vector.broadcast %add3A_1031 : f32 to vector<16xf32>
      %add3A_1033 = arith.addf %mul3A_1030, %add3A_1032 : vector<16xf32>
      %add3A_1034 = arith.addf %convert_element_type3A_1001, %add3A_1033 : vector<16xf32>
      %mul3A_1035 = arith.constant 0.693147182 : f32
      %mul3A_1036 = vector.broadcast %mul3A_1035 : f32 to vector<16xf32>
      %mul3A_1037 = arith.mulf %add3A_1034, %mul3A_1036 : vector<16xf32>
      %mul3A_1038 = arith.mulf %div3A_987, %mul3A_1037 : vector<16xf32>
      %sub3A_1039 = arith.subf %sub3A_964, %mul3A_1038 : vector<16xf32>
      %gt3A_1040 = arith.cmpf ogt, %div3A_987, %select_n3A_966 : vector<16xf32>
      %select_n3A_1041 = arith.select %gt3A_1040, %div3A_987, %select_n3A_966 : vector<16xi1>, vector<16xf32>
      %mul3A_1042 = arith.constant 16 : i32
      %mul3A_1043 = arith.muli %scan3A_973, %mul3A_1042 : i32
      %add3A_1044 = vector.broadcast %mul3A_1043 : i32 to vector<16xi32>
      %add3A_1045 = arith.addi %iota3A_210, %add3A_1044 : vector<16xi32>
      %select_n3A_1046 = arith.select %gt3A_1040, %add3A_1045, %select_n3A_971 : vector<16xi1>, vector<16xi32>
      %scan3A_1047 = arith.constant 5 : i32
      %scan3A_1048 = arith.addi %scan3A_672, %scan3A_1047 : i32
      %mul3A_1049 = arith.constant 16 : i32
      %mul3A_1050 = arith.muli %scan3A_1048, %mul3A_1049 : i32
      %get3A_1051 = arith.index_cast %mul3A_1050 : i32 to index
      %get3A_1052 = tpu.vector_load %arg6[%get3A_1051] {strides = array<i32>} : memref<2048xf32, #tpu.memory_space<vmem>>, vector<16xf32>,
      %mul3A_1053 = arith.constant 16 : i32
      %mul3A_1054 = arith.muli %scan3A_1048, %mul3A_1053 : i32
      %get3A_1055 = arith.index_cast %mul3A_1054 : i32 to index
      %get3A_1056 = tpu.vector_load %arg5[%get3A_1055] {strides = array<i32>} : memref<2048xf32, #tpu.memory_space<vmem>>, vector<16xf32>,
      %sub3A_1057 = arith.constant 1.000000e+00 : f32
      %sub3A_1058 = vector.broadcast %sub3A_1057 : f32 to vector<16xf32>
      %sub3A_1059 = arith.subf %sub3A_1058, %get3A_1052 : vector<16xf32>
      %mul3A_1060 = arith.mulf %get3A_1056, %sub3A_1059 : vector<16xf32>
      %select_n3A_1061 = arith.select %gt3A_209, %sub3A_1059, %mul3A_1060 : vector<16xi1>, vector<16xf32>
      %div3A_1062 = arith.divf %select_n3A_1061, %broadcast_in_dim3A_202 : vector<16xf32>
      %max3A_1063 = arith.constant 1.1920929E-7 : f32
      %max3A_1064 = vector.broadcast %max3A_1063 : f32 to vector<16xf32>
      %max3A_1065 = arith.maximumf %div3A_1062, %max3A_1064 : vector<16xf32>
      %min3A_1066 = arith.constant 0.99999988 : f32
      %min3A_1067 = vector.broadcast %min3A_1066 : f32 to vector<16xf32>
      %min3A_1068 = arith.minimumf %max3A_1065, %min3A_1067 : vector<16xf32>
      %bitcast_convert_type3A_1069 = tpu.bitcast %min3A_1068 : vector<16xf32> -> vector<16xi32>
      %shift_right_arithmetic3A_1070 = arith.constant 23 : i32
      %shift_right_arithmetic3A_1071 = vector.broadcast %shift_right_arithmetic3A_1070 : i32 to vector<16xi32>
      %shift_right_arithmetic3A_1072 = arith.shrsi %bitcast_convert_type3A_1069, %shift_right_arithmetic3A_1071 : vector<16xi32>
      %sub3A_1073 = arith.constant 127 : i32
      %sub3A_1074 = vector.broadcast %sub3A_1073 : i32 to vector<16xi32>
      %sub3A_1075 = arith.subi %shift_right_arithmetic3A_1072, %sub3A_1074 : vector<16xi32>
      %convert_element_type3A_1076 = arith.sitofp %sub3A_1075 : vector<16xi32> to vector<16xf32>
      %and3A_1077 = arith.constant 8388607 : i32
      %and3A_1078 = vector.broadcast %and3A_1077 : i32 to vector<16xi32>
      %and3A_1079 = arith.andi %bitcast_convert_type3A_1069, %and3A_1078 : vector<16xi32>
      %or3A_1080 = arith.constant 1065353216 : i32
      %or3A_1081 = vector.broadcast %or3A_1080 : i32 to vector<16xi32>
      %or3A_1082 = arith.ori %and3A_1079, %or3A_1081 : vector<16xi32>
      %bitcast_convert_type3A_1083 = tpu.bitcast %or3A_1082 : vector<16xi32> -> vector<16xf32>
      %sub3A_1084 = arith.constant 1.000000e+00 : f32
      %sub3A_1085 = vector.broadcast %sub3A_1084 : f32 to vector<16xf32>
      %sub3A_1086 = arith.subf %bitcast_convert_type3A_1083, %sub3A_1085 : vector<16xf32>
      %mul3A_1087 = arith.constant 0.0434283651 : f32
      %mul3A_1088 = vector.broadcast %mul3A_1087 : f32 to vector<16xf32>
      %mul3A_1089 = arith.mulf %mul3A_1088, %sub3A_1086 : vector<16xf32>
      %add3A_1090 = arith.constant -0.187720492 : f32
      %add3A_1091 = vector.broadcast %add3A_1090 : f32 to vector<16xf32>
      %add3A_1092 = arith.addf %mul3A_1089, %add3A_1091 : vector<16xf32>
      %mul3A_1093 = arith.mulf %add3A_1092, %sub3A_1086 : vector<16xf32>
      %add3A_1094 = arith.constant 0.408718944 : f32
      %add3A_1095 = vector.broadcast %add3A_1094 : f32 to vector<16xf32>
      %add3A_1096 = arith.addf %mul3A_1093, %add3A_1095 : vector<16xf32>
      %mul3A_1097 = arith.mulf %add3A_1096, %sub3A_1086 : vector<16xf32>
      %add3A_1098 = arith.constant -0.705702602 : f32
      %add3A_1099 = vector.broadcast %add3A_1098 : f32 to vector<16xf32>
      %add3A_1100 = arith.addf %mul3A_1097, %add3A_1099 : vector<16xf32>
      %mul3A_1101 = arith.mulf %add3A_1100, %sub3A_1086 : vector<16xf32>
      %add3A_1102 = arith.constant 1.44126713 : f32
      %add3A_1103 = vector.broadcast %add3A_1102 : f32 to vector<16xf32>
      %add3A_1104 = arith.addf %mul3A_1101, %add3A_1103 : vector<16xf32>
      %mul3A_1105 = arith.mulf %add3A_1104, %sub3A_1086 : vector<16xf32>
      %add3A_1106 = arith.constant 3.19308565E-5 : f32
      %add3A_1107 = vector.broadcast %add3A_1106 : f32 to vector<16xf32>
      %add3A_1108 = arith.addf %mul3A_1105, %add3A_1107 : vector<16xf32>
      %add3A_1109 = arith.addf %convert_element_type3A_1076, %add3A_1108 : vector<16xf32>
      %mul3A_1110 = arith.constant 0.693147182 : f32
      %mul3A_1111 = vector.broadcast %mul3A_1110 : f32 to vector<16xf32>
      %mul3A_1112 = arith.mulf %add3A_1109, %mul3A_1111 : vector<16xf32>
      %mul3A_1113 = arith.mulf %div3A_1062, %mul3A_1112 : vector<16xf32>
      %sub3A_1114 = arith.subf %sub3A_1039, %mul3A_1113 : vector<16xf32>
      %gt3A_1115 = arith.cmpf ogt, %div3A_1062, %select_n3A_1041 : vector<16xf32>
      %select_n3A_1116 = arith.select %gt3A_1115, %div3A_1062, %select_n3A_1041 : vector<16xi1>, vector<16xf32>
      %mul3A_1117 = arith.constant 16 : i32
      %mul3A_1118 = arith.muli %scan3A_1048, %mul3A_1117 : i32
      %add3A_1119 = vector.broadcast %mul3A_1118 : i32 to vector<16xi32>
      %add3A_1120 = arith.addi %iota3A_210, %add3A_1119 : vector<16xi32>
      %select_n3A_1121 = arith.select %gt3A_1115, %add3A_1120, %select_n3A_1046 : vector<16xi1>, vector<16xi32>
      %scan3A_1122 = arith.constant 6 : i32
      %scan3A_1123 = arith.addi %scan3A_672, %scan3A_1122 : i32
      %mul3A_1124 = arith.constant 16 : i32
      %mul3A_1125 = arith.muli %scan3A_1123, %mul3A_1124 : i32
      %get3A_1126 = arith.index_cast %mul3A_1125 : i32 to index
      %get3A_1127 = tpu.vector_load %arg6[%get3A_1126] {strides = array<i32>} : memref<2048xf32, #tpu.memory_space<vmem>>, vector<16xf32>,
      %mul3A_1128 = arith.constant 16 : i32
      %mul3A_1129 = arith.muli %scan3A_1123, %mul3A_1128 : i32
      %get3A_1130 = arith.index_cast %mul3A_1129 : i32 to index
      %get3A_1131 = tpu.vector_load %arg5[%get3A_1130] {strides = array<i32>} : memref<2048xf32, #tpu.memory_space<vmem>>, vector<16xf32>,
      %sub3A_1132 = arith.constant 1.000000e+00 : f32
      %sub3A_1133 = vector.broadcast %sub3A_1132 : f32 to vector<16xf32>
      %sub3A_1134 = arith.subf %sub3A_1133, %get3A_1127 : vector<16xf32>
      %mul3A_1135 = arith.mulf %get3A_1131, %sub3A_1134 : vector<16xf32>
      %select_n3A_1136 = arith.select %gt3A_209, %sub3A_1134, %mul3A_1135 : vector<16xi1>, vector<16xf32>
      %div3A_1137 = arith.divf %select_n3A_1136, %broadcast_in_dim3A_202 : vector<16xf32>
      %max3A_1138 = arith.constant 1.1920929E-7 : f32
      %max3A_1139 = vector.broadcast %max3A_1138 : f32 to vector<16xf32>
      %max3A_1140 = arith.maximumf %div3A_1137, %max3A_1139 : vector<16xf32>
      %min3A_1141 = arith.constant 0.99999988 : f32
      %min3A_1142 = vector.broadcast %min3A_1141 : f32 to vector<16xf32>
      %min3A_1143 = arith.minimumf %max3A_1140, %min3A_1142 : vector<16xf32>
      %bitcast_convert_type3A_1144 = tpu.bitcast %min3A_1143 : vector<16xf32> -> vector<16xi32>
      %shift_right_arithmetic3A_1145 = arith.constant 23 : i32
      %shift_right_arithmetic3A_1146 = vector.broadcast %shift_right_arithmetic3A_1145 : i32 to vector<16xi32>
      %shift_right_arithmetic3A_1147 = arith.shrsi %bitcast_convert_type3A_1144, %shift_right_arithmetic3A_1146 : vector<16xi32>
      %sub3A_1148 = arith.constant 127 : i32
      %sub3A_1149 = vector.broadcast %sub3A_1148 : i32 to vector<16xi32>
      %sub3A_1150 = arith.subi %shift_right_arithmetic3A_1147, %sub3A_1149 : vector<16xi32>
      %convert_element_type3A_1151 = arith.sitofp %sub3A_1150 : vector<16xi32> to vector<16xf32>
      %and3A_1152 = arith.constant 8388607 : i32
      %and3A_1153 = vector.broadcast %and3A_1152 : i32 to vector<16xi32>
      %and3A_1154 = arith.andi %bitcast_convert_type3A_1144, %and3A_1153 : vector<16xi32>
      %or3A_1155 = arith.constant 1065353216 : i32
      %or3A_1156 = vector.broadcast %or3A_1155 : i32 to vector<16xi32>
      %or3A_1157 = arith.ori %and3A_1154, %or3A_1156 : vector<16xi32>
      %bitcast_convert_type3A_1158 = tpu.bitcast %or3A_1157 : vector<16xi32> -> vector<16xf32>
      %sub3A_1159 = arith.constant 1.000000e+00 : f32
      %sub3A_1160 = vector.broadcast %sub3A_1159 : f32 to vector<16xf32>
      %sub3A_1161 = arith.subf %bitcast_convert_type3A_1158, %sub3A_1160 : vector<16xf32>
      %mul3A_1162 = arith.constant 0.0434283651 : f32
      %mul3A_1163 = vector.broadcast %mul3A_1162 : f32 to vector<16xf32>
      %mul3A_1164 = arith.mulf %mul3A_1163, %sub3A_1161 : vector<16xf32>
      %add3A_1165 = arith.constant -0.187720492 : f32
      %add3A_1166 = vector.broadcast %add3A_1165 : f32 to vector<16xf32>
      %add3A_1167 = arith.addf %mul3A_1164, %add3A_1166 : vector<16xf32>
      %mul3A_1168 = arith.mulf %add3A_1167, %sub3A_1161 : vector<16xf32>
      %add3A_1169 = arith.constant 0.408718944 : f32
      %add3A_1170 = vector.broadcast %add3A_1169 : f32 to vector<16xf32>
      %add3A_1171 = arith.addf %mul3A_1168, %add3A_1170 : vector<16xf32>
      %mul3A_1172 = arith.mulf %add3A_1171, %sub3A_1161 : vector<16xf32>
      %add3A_1173 = arith.constant -0.705702602 : f32
      %add3A_1174 = vector.broadcast %add3A_1173 : f32 to vector<16xf32>
      %add3A_1175 = arith.addf %mul3A_1172, %add3A_1174 : vector<16xf32>
      %mul3A_1176 = arith.mulf %add3A_1175, %sub3A_1161 : vector<16xf32>
      %add3A_1177 = arith.constant 1.44126713 : f32
      %add3A_1178 = vector.broadcast %add3A_1177 : f32 to vector<16xf32>
      %add3A_1179 = arith.addf %mul3A_1176, %add3A_1178 : vector<16xf32>
      %mul3A_1180 = arith.mulf %add3A_1179, %sub3A_1161 : vector<16xf32>
      %add3A_1181 = arith.constant 3.19308565E-5 : f32
      %add3A_1182 = vector.broadcast %add3A_1181 : f32 to vector<16xf32>
      %add3A_1183 = arith.addf %mul3A_1180, %add3A_1182 : vector<16xf32>
      %add3A_1184 = arith.addf %convert_element_type3A_1151, %add3A_1183 : vector<16xf32>
      %mul3A_1185 = arith.constant 0.693147182 : f32
      %mul3A_1186 = vector.broadcast %mul3A_1185 : f32 to vector<16xf32>
      %mul3A_1187 = arith.mulf %add3A_1184, %mul3A_1186 : vector<16xf32>
      %mul3A_1188 = arith.mulf %div3A_1137, %mul3A_1187 : vector<16xf32>
      %sub3A_1189 = arith.subf %sub3A_1114, %mul3A_1188 : vector<16xf32>
      %gt3A_1190 = arith.cmpf ogt, %div3A_1137, %select_n3A_1116 : vector<16xf32>
      %select_n3A_1191 = arith.select %gt3A_1190, %div3A_1137, %select_n3A_1116 : vector<16xi1>, vector<16xf32>
      %mul3A_1192 = arith.constant 16 : i32
      %mul3A_1193 = arith.muli %scan3A_1123, %mul3A_1192 : i32
      %add3A_1194 = vector.broadcast %mul3A_1193 : i32 to vector<16xi32>
      %add3A_1195 = arith.addi %iota3A_210, %add3A_1194 : vector<16xi32>
      %select_n3A_1196 = arith.select %gt3A_1190, %add3A_1195, %select_n3A_1121 : vector<16xi1>, vector<16xi32>
      %scan3A_1197 = arith.constant 7 : i32
      %scan3A_1198 = arith.addi %scan3A_672, %scan3A_1197 : i32
      %mul3A_1199 = arith.constant 16 : i32
      %mul3A_1200 = arith.muli %scan3A_1198, %mul3A_1199 : i32
      %get3A_1201 = arith.index_cast %mul3A_1200 : i32 to index
      %get3A_1202 = tpu.vector_load %arg6[%get3A_1201] {strides = array<i32>} : memref<2048xf32, #tpu.memory_space<vmem>>, vector<16xf32>,
      %mul3A_1203 = arith.constant 16 : i32
      %mul3A_1204 = arith.muli %scan3A_1198, %mul3A_1203 : i32
      %get3A_1205 = arith.index_cast %mul3A_1204 : i32 to index
      %get3A_1206 = tpu.vector_load %arg5[%get3A_1205] {strides = array<i32>} : memref<2048xf32, #tpu.memory_space<vmem>>, vector<16xf32>,
      %sub3A_1207 = arith.constant 1.000000e+00 : f32
      %sub3A_1208 = vector.broadcast %sub3A_1207 : f32 to vector<16xf32>
      %sub3A_1209 = arith.subf %sub3A_1208, %get3A_1202 : vector<16xf32>
      %mul3A_1210 = arith.mulf %get3A_1206, %sub3A_1209 : vector<16xf32>
      %select_n3A_1211 = arith.select %gt3A_209, %sub3A_1209, %mul3A_1210 : vector<16xi1>, vector<16xf32>
      %div3A_1212 = arith.divf %select_n3A_1211, %broadcast_in_dim3A_202 : vector<16xf32>
      %max3A_1213 = arith.constant 1.1920929E-7 : f32
      %max3A_1214 = vector.broadcast %max3A_1213 : f32 to vector<16xf32>
      %max3A_1215 = arith.maximumf %div3A_1212, %max3A_1214 : vector<16xf32>
      %min3A_1216 = arith.constant 0.99999988 : f32
      %min3A_1217 = vector.broadcast %min3A_1216 : f32 to vector<16xf32>
      %min3A_1218 = arith.minimumf %max3A_1215, %min3A_1217 : vector<16xf32>
      %bitcast_convert_type3A_1219 = tpu.bitcast %min3A_1218 : vector<16xf32> -> vector<16xi32>
      %shift_right_arithmetic3A_1220 = arith.constant 23 : i32
      %shift_right_arithmetic3A_1221 = vector.broadcast %shift_right_arithmetic3A_1220 : i32 to vector<16xi32>
      %shift_right_arithmetic3A_1222 = arith.shrsi %bitcast_convert_type3A_1219, %shift_right_arithmetic3A_1221 : vector<16xi32>
      %sub3A_1223 = arith.constant 127 : i32
      %sub3A_1224 = vector.broadcast %sub3A_1223 : i32 to vector<16xi32>
      %sub3A_1225 = arith.subi %shift_right_arithmetic3A_1222, %sub3A_1224 : vector<16xi32>
      %convert_element_type3A_1226 = arith.sitofp %sub3A_1225 : vector<16xi32> to vector<16xf32>
      %and3A_1227 = arith.constant 8388607 : i32
      %and3A_1228 = vector.broadcast %and3A_1227 : i32 to vector<16xi32>
      %and3A_1229 = arith.andi %bitcast_convert_type3A_1219, %and3A_1228 : vector<16xi32>
      %or3A_1230 = arith.constant 1065353216 : i32
      %or3A_1231 = vector.broadcast %or3A_1230 : i32 to vector<16xi32>
      %or3A_1232 = arith.ori %and3A_1229, %or3A_1231 : vector<16xi32>
      %bitcast_convert_type3A_1233 = tpu.bitcast %or3A_1232 : vector<16xi32> -> vector<16xf32>
      %sub3A_1234 = arith.constant 1.000000e+00 : f32
      %sub3A_1235 = vector.broadcast %sub3A_1234 : f32 to vector<16xf32>
      %sub3A_1236 = arith.subf %bitcast_convert_type3A_1233, %sub3A_1235 : vector<16xf32>
      %mul3A_1237 = arith.constant 0.0434283651 : f32
      %mul3A_1238 = vector.broadcast %mul3A_1237 : f32 to vector<16xf32>
      %mul3A_1239 = arith.mulf %mul3A_1238, %sub3A_1236 : vector<16xf32>
      %add3A_1240 = arith.constant -0.187720492 : f32
      %add3A_1241 = vector.broadcast %add3A_1240 : f32 to vector<16xf32>
      %add3A_1242 = arith.addf %mul3A_1239, %add3A_1241 : vector<16xf32>
      %mul3A_1243 = arith.mulf %add3A_1242, %sub3A_1236 : vector<16xf32>
      %add3A_1244 = arith.constant 0.408718944 : f32
      %add3A_1245 = vector.broadcast %add3A_1244 : f32 to vector<16xf32>
      %add3A_1246 = arith.addf %mul3A_1243, %add3A_1245 : vector<16xf32>
      %mul3A_1247 = arith.mulf %add3A_1246, %sub3A_1236 : vector<16xf32>
      %add3A_1248 = arith.constant -0.705702602 : f32
      %add3A_1249 = vector.broadcast %add3A_1248 : f32 to vector<16xf32>
      %add3A_1250 = arith.addf %mul3A_1247, %add3A_1249 : vector<16xf32>
      %mul3A_1251 = arith.mulf %add3A_1250, %sub3A_1236 : vector<16xf32>
      %add3A_1252 = arith.constant 1.44126713 : f32
      %add3A_1253 = vector.broadcast %add3A_1252 : f32 to vector<16xf32>
      %add3A_1254 = arith.addf %mul3A_1251, %add3A_1253 : vector<16xf32>
      %mul3A_1255 = arith.mulf %add3A_1254, %sub3A_1236 : vector<16xf32>
      %add3A_1256 = arith.constant 3.19308565E-5 : f32
      %add3A_1257 = vector.broadcast %add3A_1256 : f32 to vector<16xf32>
      %add3A_1258 = arith.addf %mul3A_1255, %add3A_1257 : vector<16xf32>
      %add3A_1259 = arith.addf %convert_element_type3A_1226, %add3A_1258 : vector<16xf32>
      %mul3A_1260 = arith.constant 0.693147182 : f32
      %mul3A_1261 = vector.broadcast %mul3A_1260 : f32 to vector<16xf32>
      %mul3A_1262 = arith.mulf %add3A_1259, %mul3A_1261 : vector<16xf32>
      %mul3A_1263 = arith.mulf %div3A_1212, %mul3A_1262 : vector<16xf32>
      %sub3A_1264 = arith.subf %sub3A_1189, %mul3A_1263 : vector<16xf32>
      %gt3A_1265 = arith.cmpf ogt, %div3A_1212, %select_n3A_1191 : vector<16xf32>
      %select_n3A_1266 = arith.select %gt3A_1265, %div3A_1212, %select_n3A_1191 : vector<16xi1>, vector<16xf32>
      %mul3A_1267 = arith.constant 16 : i32
      %mul3A_1268 = arith.muli %scan3A_1198, %mul3A_1267 : i32
      %add3A_1269 = vector.broadcast %mul3A_1268 : i32 to vector<16xi32>
      %add3A_1270 = arith.addi %iota3A_210, %add3A_1269 : vector<16xi32>
      %select_n3A_1271 = arith.select %gt3A_1265, %add3A_1270, %select_n3A_1196 : vector<16xi1>, vector<16xi32>
      scf.yield %sub3A_1264, %select_n3A_1266, %select_n3A_1271 : vector<16xf32>, vector<16xf32>, vector<16xi32>
    }
    %scan3A_220 = arith.constant 128 : i32
    %reduce_sum3A_221 = arith.constant true
    %reduce_sum3A_222 = vector.broadcast %reduce_sum3A_221 : i1 to vector<16xi1>
    %reduce_sum3A_223 = tpu.scan <sum>, %scan3A_219#0 masked %reduce_sum3A_222 : vector<16xf32>, vector<16xi1> -> vector<16xf32>
    %reduce_sum3A_224 = vector.extract %reduce_sum3A_223[15] : f32 from vector<16xf32>
    %reduce_max3A_225 = arith.constant true
    %reduce_max3A_226 = vector.broadcast %reduce_max3A_225 : i1 to vector<16xi1>
    %reduce_max3A_227 = tpu.scan <max>, %scan3A_219#1 masked %reduce_max3A_226 : vector<16xf32>, vector<16xi1> -> vector<16xf32>
    %reduce_max3A_228 = vector.extract %reduce_max3A_227[15] : f32 from vector<16xf32>
    %broadcast_in_dim3A_229 = vector.broadcast %reduce_max3A_228 : f32 to vector<16xf32>
    %eq3A_230 = arith.cmpf oeq, %scan3A_219#1, %broadcast_in_dim3A_229 : vector<16xf32>
    %jit3A_231 = arith.constant 1073741824 : i32
    %broadcast_in_dim3A_232 = vector.broadcast %jit3A_231 : i32 to vector<16xi32>
    %select_n3A_233 = arith.select %eq3A_230, %scan3A_219#2, %broadcast_in_dim3A_232 : vector<16xi1>, vector<16xi32>
    %reduce_min3A_234 = arith.constant true
    %reduce_min3A_235 = vector.broadcast %reduce_min3A_234 : i1 to vector<16xi1>
    %reduce_min3A_236 = arith.constant -2147483648 : i32
    %reduce_min3A_237 = vector.broadcast %reduce_min3A_236 : i32 to vector<16xi32>
    %reduce_min3A_238 = arith.xori %select_n3A_233, %reduce_min3A_237 : vector<16xi32>
    %reduce_min3A_239 = tpu.scan <min>, %reduce_min3A_238 masked %reduce_min3A_235 : vector<16xi32>, vector<16xi1> -> vector<16xi32>
    %reduce_min3A_240 = arith.xori %reduce_min3A_239, %reduce_min3A_237 : vector<16xi32>
    %reduce_min3A_241 = vector.extract %reduce_min3A_240[15] : i32 from vector<16xi32>
    %broadcast_in_dim3A_242 = vector.broadcast %reduce_max3A_228 : f32 to vector<16xf32>
    %max3A_243 = arith.constant 1.1920929E-7 : f32
    %max3A_244 = vector.broadcast %max3A_243 : f32 to vector<16xf32>
    %max3A_245 = arith.maximumf %broadcast_in_dim3A_242, %max3A_244 : vector<16xf32>
    %min3A_246 = arith.constant 0.99999988 : f32
    %min3A_247 = vector.broadcast %min3A_246 : f32 to vector<16xf32>
    %min3A_248 = arith.minimumf %max3A_245, %min3A_247 : vector<16xf32>
    %bitcast_convert_type3A_249 = tpu.bitcast %min3A_248 : vector<16xf32> -> vector<16xi32>
    %shift_right_arithmetic3A_250 = arith.constant 23 : i32
    %shift_right_arithmetic3A_251 = vector.broadcast %shift_right_arithmetic3A_250 : i32 to vector<16xi32>
    %shift_right_arithmetic3A_252 = arith.shrsi %bitcast_convert_type3A_249, %shift_right_arithmetic3A_251 : vector<16xi32>
    %sub3A_253 = arith.constant 127 : i32
    %sub3A_254 = vector.broadcast %sub3A_253 : i32 to vector<16xi32>
    %sub3A_255 = arith.subi %shift_right_arithmetic3A_252, %sub3A_254 : vector<16xi32>
    %convert_element_type3A_256 = arith.sitofp %sub3A_255 : vector<16xi32> to vector<16xf32>
    %and3A_257 = arith.constant 8388607 : i32
    %and3A_258 = vector.broadcast %and3A_257 : i32 to vector<16xi32>
    %and3A_259 = arith.andi %bitcast_convert_type3A_249, %and3A_258 : vector<16xi32>
    %or3A_260 = arith.constant 1065353216 : i32
    %or3A_261 = vector.broadcast %or3A_260 : i32 to vector<16xi32>
    %or3A_262 = arith.ori %and3A_259, %or3A_261 : vector<16xi32>
    %bitcast_convert_type3A_263 = tpu.bitcast %or3A_262 : vector<16xi32> -> vector<16xf32>
    %sub3A_264 = arith.constant 1.000000e+00 : f32
    %sub3A_265 = vector.broadcast %sub3A_264 : f32 to vector<16xf32>
    %sub3A_266 = arith.subf %bitcast_convert_type3A_263, %sub3A_265 : vector<16xf32>
    %mul3A_267 = arith.constant 0.0434283651 : f32
    %mul3A_268 = vector.broadcast %mul3A_267 : f32 to vector<16xf32>
    %mul3A_269 = arith.mulf %mul3A_268, %sub3A_266 : vector<16xf32>
    %add3A_270 = arith.constant -0.187720492 : f32
    %add3A_271 = vector.broadcast %add3A_270 : f32 to vector<16xf32>
    %add3A_272 = arith.addf %mul3A_269, %add3A_271 : vector<16xf32>
    %mul3A_273 = arith.mulf %add3A_272, %sub3A_266 : vector<16xf32>
    %add3A_274 = arith.constant 0.408718944 : f32
    %add3A_275 = vector.broadcast %add3A_274 : f32 to vector<16xf32>
    %add3A_276 = arith.addf %mul3A_273, %add3A_275 : vector<16xf32>
    %mul3A_277 = arith.mulf %add3A_276, %sub3A_266 : vector<16xf32>
    %add3A_278 = arith.constant -0.705702602 : f32
    %add3A_279 = vector.broadcast %add3A_278 : f32 to vector<16xf32>
    %add3A_280 = arith.addf %mul3A_277, %add3A_279 : vector<16xf32>
    %mul3A_281 = arith.mulf %add3A_280, %sub3A_266 : vector<16xf32>
    %add3A_282 = arith.constant 1.44126713 : f32
    %add3A_283 = vector.broadcast %add3A_282 : f32 to vector<16xf32>
    %add3A_284 = arith.addf %mul3A_281, %add3A_283 : vector<16xf32>
    %mul3A_285 = arith.mulf %add3A_284, %sub3A_266 : vector<16xf32>
    %add3A_286 = arith.constant 3.19308565E-5 : f32
    %add3A_287 = vector.broadcast %add3A_286 : f32 to vector<16xf32>
    %add3A_288 = arith.addf %mul3A_285, %add3A_287 : vector<16xf32>
    %add3A_289 = arith.addf %convert_element_type3A_256, %add3A_288 : vector<16xf32>
    %mul3A_290 = arith.constant 0.693147182 : f32
    %mul3A_291 = vector.broadcast %mul3A_290 : f32 to vector<16xf32>
    %mul3A_292 = arith.mulf %add3A_289, %mul3A_291 : vector<16xf32>
    %bitcast_convert_type3A_293 = tpu.bitcast %mul3A_292 : vector<16xf32> -> vector<16xi32>
    %reduce_max3A_294 = arith.constant true
    %reduce_max3A_295 = vector.broadcast %reduce_max3A_294 : i1 to vector<16xi1>
    %reduce_max3A_296 = arith.constant -2147483648 : i32
    %reduce_max3A_297 = vector.broadcast %reduce_max3A_296 : i32 to vector<16xi32>
    %reduce_max3A_298 = arith.xori %bitcast_convert_type3A_293, %reduce_max3A_297 : vector<16xi32>
    %reduce_max3A_299 = tpu.scan <max>, %reduce_max3A_298 masked %reduce_max3A_295 : vector<16xi32>, vector<16xi1> -> vector<16xi32>
    %reduce_max3A_300 = arith.xori %reduce_max3A_299, %reduce_max3A_297 : vector<16xi32>
    %reduce_max3A_301 = vector.extract %reduce_max3A_300[15] : i32 from vector<16xi32>
    %broadcast_in_dim3A_302 = vector.broadcast %reduce_sum3A_224 : f32 to vector<16xf32>
    %bitcast_convert_type3A_303 = tpu.bitcast %broadcast_in_dim3A_302 : vector<16xf32> -> vector<16xi32>
    %reduce_max3A_304 = arith.constant true
    %reduce_max3A_305 = vector.broadcast %reduce_max3A_304 : i1 to vector<16xi1>
    %reduce_max3A_306 = arith.constant -2147483648 : i32
    %reduce_max3A_307 = vector.broadcast %reduce_max3A_306 : i32 to vector<16xi32>
    %reduce_max3A_308 = arith.xori %bitcast_convert_type3A_303, %reduce_max3A_307 : vector<16xi32>
    %reduce_max3A_309 = tpu.scan <max>, %reduce_max3A_308 masked %reduce_max3A_305 : vector<16xi32>, vector<16xi1> -> vector<16xi32>
    %reduce_max3A_310 = arith.xori %reduce_max3A_309, %reduce_max3A_307 : vector<16xi32>
    %reduce_max3A_311 = vector.extract %reduce_max3A_310[15] : i32 from vector<16xi32>
    %eq3A_312 = arith.constant 3 : i32
    %eq3A_313 = vector.broadcast %eq3A_312 : i32 to vector<16xi32>
    %eq3A_314 = arith.cmpi eq, %iota3A, %eq3A_313 : vector<16xi32>
    %broadcast_in_dim3A_315 = vector.broadcast %reduce_min3A_241 : i32 to vector<16xi32>
    %select_n3A_316 = arith.select %eq3A_314, %broadcast_in_dim3A_315, %select_n3A_154 : vector<16xi1>, vector<16xi32>
    %eq3A_317 = arith.constant 4 : i32
    %eq3A_318 = vector.broadcast %eq3A_317 : i32 to vector<16xi32>
    %eq3A_319 = arith.cmpi eq, %iota3A, %eq3A_318 : vector<16xi32>
    %broadcast_in_dim3A_320 = vector.broadcast %reduce_max3A_301 : i32 to vector<16xi32>
    %select_n3A_321 = arith.select %eq3A_319, %broadcast_in_dim3A_320, %select_n3A_316 : vector<16xi1>, vector<16xi32>
    %eq3A_322 = arith.constant 5 : i32
    %eq3A_323 = vector.broadcast %eq3A_322 : i32 to vector<16xi32>
    %eq3A_324 = arith.cmpi eq, %iota3A, %eq3A_323 : vector<16xi32>
    %broadcast_in_dim3A_325 = vector.broadcast %reduce_max3A_311 : i32 to vector<16xi32>
    %select_n3A_326 = arith.select %eq3A_324, %broadcast_in_dim3A_325, %select_n3A_321 : vector<16xi1>, vector<16xi32>
    %mul3A_327 = arith.constant 4 : i32
    %mul3A_328 = arith.muli %add3A, %mul3A_327 : i32
    %add3A_329 = arith.constant 2 : i32
    %add3A_330 = arith.addi %mul3A_328, %add3A_329 : i32
    %dma_start3A_331 = arith.constant 0 : i32
    %dma_start3A_332 = tpu.memref_slice %arg2[%add3A_330, %dma_start3A_331] : memref<128x2048xf32, #tpu.memory_space<hbm>> -> memref<1x2048xf32, #tpu.memory_space<hbm>>
    %dma_start3A_333 = tpu.memref_squeeze %dma_start3A_332 : memref<1x2048xf32, #tpu.memory_space<hbm>> -> memref<2048xf32, #tpu.memory_space<hbm>>
    %dma_start3A_334 = arith.constant 0 : i32
    %dma_start3A_335 = tpu.memref_slice %arg2[%add3A_330, %dma_start3A_334] : memref<128x2048xf32, #tpu.memory_space<hbm>> -> memref<1x2048xf32, #tpu.memory_space<hbm>>
    %dma_start3A_336 = tpu.memref_squeeze %dma_start3A_335 : memref<1x2048xf32, #tpu.memory_space<hbm>> -> memref<2048xf32, #tpu.memory_space<hbm>>
    tpu.enqueue_dma source(%dma_start3A_336 : memref<2048xf32, #tpu.memory_space<hbm>>) target(%arg5 : memref<2048xf32, #tpu.memory_space<vmem>>) target_semaphore(%arg8 : memref<!tpu.dma_semaphore, #tpu.memory_space<semaphore_mem>>)
    %dma_start3A_337 = arith.constant 0 : i32
    %dma_start3A_338 = tpu.memref_slice %arg3[%add3A_330, %dma_start3A_337] : memref<128x2048xf32, #tpu.memory_space<hbm>> -> memref<1x2048xf32, #tpu.memory_space<hbm>>
    %dma_start3A_339 = tpu.memref_squeeze %dma_start3A_338 : memref<1x2048xf32, #tpu.memory_space<hbm>> -> memref<2048xf32, #tpu.memory_space<hbm>>
    %dma_start3A_340 = arith.constant 0 : i32
    %dma_start3A_341 = tpu.memref_slice %arg3[%add3A_330, %dma_start3A_340] : memref<128x2048xf32, #tpu.memory_space<hbm>> -> memref<1x2048xf32, #tpu.memory_space<hbm>>
    %dma_start3A_342 = tpu.memref_squeeze %dma_start3A_341 : memref<1x2048xf32, #tpu.memory_space<hbm>> -> memref<2048xf32, #tpu.memory_space<hbm>>
    tpu.enqueue_dma source(%dma_start3A_342 : memref<2048xf32, #tpu.memory_space<hbm>>) target(%arg6 : memref<2048xf32, #tpu.memory_space<vmem>>) target_semaphore(%arg9 : memref<!tpu.dma_semaphore, #tpu.memory_space<semaphore_mem>>)
    %dma_wait3A_343 = arith.constant 0 : i32
    %dma_wait3A_344 = tpu.memref_slice %arg2[%add3A_330, %dma_wait3A_343] : memref<128x2048xf32, #tpu.memory_space<hbm>> -> memref<1x2048xf32, #tpu.memory_space<hbm>>
    %dma_wait3A_345 = tpu.memref_squeeze %dma_wait3A_344 : memref<1x2048xf32, #tpu.memory_space<hbm>> -> memref<2048xf32, #tpu.memory_space<hbm>>
    %dma_wait3A_346 = arith.constant 0 : i32
    %dma_wait3A_347 = tpu.memref_slice %arg2[%add3A_330, %dma_wait3A_346] : memref<128x2048xf32, #tpu.memory_space<hbm>> -> memref<1x2048xf32, #tpu.memory_space<hbm>>
    %dma_wait3A_348 = tpu.memref_squeeze %dma_wait3A_347 : memref<1x2048xf32, #tpu.memory_space<hbm>> -> memref<2048xf32, #tpu.memory_space<hbm>>
    tpu.wait_dma2 semaphore(%arg8 : memref<!tpu.dma_semaphore, #tpu.memory_space<semaphore_mem>>) src(%dma_wait3A_348 : memref<2048xf32, #tpu.memory_space<hbm>>) dst(%arg5 : memref<2048xf32, #tpu.memory_space<vmem>>)
    %dma_wait3A_349 = arith.constant 0 : i32
    %dma_wait3A_350 = tpu.memref_slice %arg3[%add3A_330, %dma_wait3A_349] : memref<128x2048xf32, #tpu.memory_space<hbm>> -> memref<1x2048xf32, #tpu.memory_space<hbm>>
    %dma_wait3A_351 = tpu.memref_squeeze %dma_wait3A_350 : memref<1x2048xf32, #tpu.memory_space<hbm>> -> memref<2048xf32, #tpu.memory_space<hbm>>
    %dma_wait3A_352 = arith.constant 0 : i32
    %dma_wait3A_353 = tpu.memref_slice %arg3[%add3A_330, %dma_wait3A_352] : memref<128x2048xf32, #tpu.memory_space<hbm>> -> memref<1x2048xf32, #tpu.memory_space<hbm>>
    %dma_wait3A_354 = tpu.memref_squeeze %dma_wait3A_353 : memref<1x2048xf32, #tpu.memory_space<hbm>> -> memref<2048xf32, #tpu.memory_space<hbm>>
    tpu.wait_dma2 semaphore(%arg9 : memref<!tpu.dma_semaphore, #tpu.memory_space<semaphore_mem>>) src(%dma_wait3A_354 : memref<2048xf32, #tpu.memory_space<hbm>>) dst(%arg6 : memref<2048xf32, #tpu.memory_space<vmem>>)
    %broadcast_in_dim3A_355 = arith.constant 0.000000e+00 : f32
    %broadcast_in_dim3A_356 = vector.broadcast %broadcast_in_dim3A_355 : f32 to vector<16xf32>
    %scan3A_357 = arith.constant 0 : i32
    %scan3A_358 = arith.constant 128 : i32
    %scan3A_359 = arith.addi %scan3A_357, %scan3A_358 : i32
    %scan3A_360 = arith.constant 8 : i32
    %scan3A_361:2 = scf.for %scan3A_672 = %scan3A_357 to %scan3A_359 step %scan3A_360 iter_args(%scan3A_673 = %broadcast_in_dim3A_356, %scan3A_674 = %broadcast_in_dim3A_356) -> (vector<16xf32>, vector<16xf32>)  : i32 {
      %mul3A_675 = arith.constant 16 : i32
      %mul3A_676 = arith.muli %scan3A_672, %mul3A_675 : i32
      %get3A = arith.index_cast %mul3A_676 : i32 to index
      %get3A_677 = tpu.vector_load %arg6[%get3A] {strides = array<i32>} : memref<2048xf32, #tpu.memory_space<vmem>>, vector<16xf32>,
      %mul3A_678 = arith.constant 16 : i32
      %mul3A_679 = arith.muli %scan3A_672, %mul3A_678 : i32
      %get3A_680 = arith.index_cast %mul3A_679 : i32 to index
      %get3A_681 = tpu.vector_load %arg5[%get3A_680] {strides = array<i32>} : memref<2048xf32, #tpu.memory_space<vmem>>, vector<16xf32>,
      %sub3A_682 = arith.constant 1.000000e+00 : f32
      %sub3A_683 = vector.broadcast %sub3A_682 : f32 to vector<16xf32>
      %sub3A_684 = arith.subf %sub3A_683, %get3A_677 : vector<16xf32>
      %mul3A_685 = arith.mulf %get3A_681, %sub3A_684 : vector<16xf32>
      %add3A_686 = arith.addf %scan3A_673, %mul3A_685 : vector<16xf32>
      %add3A_687 = arith.addf %scan3A_674, %sub3A_684 : vector<16xf32>
      %scan3A_688 = arith.constant 1 : i32
      %scan3A_689 = arith.addi %scan3A_672, %scan3A_688 : i32
      %mul3A_690 = arith.constant 16 : i32
      %mul3A_691 = arith.muli %scan3A_689, %mul3A_690 : i32
      %get3A_692 = arith.index_cast %mul3A_691 : i32 to index
      %get3A_693 = tpu.vector_load %arg6[%get3A_692] {strides = array<i32>} : memref<2048xf32, #tpu.memory_space<vmem>>, vector<16xf32>,
      %mul3A_694 = arith.constant 16 : i32
      %mul3A_695 = arith.muli %scan3A_689, %mul3A_694 : i32
      %get3A_696 = arith.index_cast %mul3A_695 : i32 to index
      %get3A_697 = tpu.vector_load %arg5[%get3A_696] {strides = array<i32>} : memref<2048xf32, #tpu.memory_space<vmem>>, vector<16xf32>,
      %sub3A_698 = arith.constant 1.000000e+00 : f32
      %sub3A_699 = vector.broadcast %sub3A_698 : f32 to vector<16xf32>
      %sub3A_700 = arith.subf %sub3A_699, %get3A_693 : vector<16xf32>
      %mul3A_701 = arith.mulf %get3A_697, %sub3A_700 : vector<16xf32>
      %add3A_702 = arith.addf %add3A_686, %mul3A_701 : vector<16xf32>
      %add3A_703 = arith.addf %add3A_687, %sub3A_700 : vector<16xf32>
      %scan3A_704 = arith.constant 2 : i32
      %scan3A_705 = arith.addi %scan3A_672, %scan3A_704 : i32
      %mul3A_706 = arith.constant 16 : i32
      %mul3A_707 = arith.muli %scan3A_705, %mul3A_706 : i32
      %get3A_708 = arith.index_cast %mul3A_707 : i32 to index
      %get3A_709 = tpu.vector_load %arg6[%get3A_708] {strides = array<i32>} : memref<2048xf32, #tpu.memory_space<vmem>>, vector<16xf32>,
      %mul3A_710 = arith.constant 16 : i32
      %mul3A_711 = arith.muli %scan3A_705, %mul3A_710 : i32
      %get3A_712 = arith.index_cast %mul3A_711 : i32 to index
      %get3A_713 = tpu.vector_load %arg5[%get3A_712] {strides = array<i32>} : memref<2048xf32, #tpu.memory_space<vmem>>, vector<16xf32>,
      %sub3A_714 = arith.constant 1.000000e+00 : f32
      %sub3A_715 = vector.broadcast %sub3A_714 : f32 to vector<16xf32>
      %sub3A_716 = arith.subf %sub3A_715, %get3A_709 : vector<16xf32>
      %mul3A_717 = arith.mulf %get3A_713, %sub3A_716 : vector<16xf32>
      %add3A_718 = arith.addf %add3A_702, %mul3A_717 : vector<16xf32>
      %add3A_719 = arith.addf %add3A_703, %sub3A_716 : vector<16xf32>
      %scan3A_720 = arith.constant 3 : i32
      %scan3A_721 = arith.addi %scan3A_672, %scan3A_720 : i32
      %mul3A_722 = arith.constant 16 : i32
      %mul3A_723 = arith.muli %scan3A_721, %mul3A_722 : i32
      %get3A_724 = arith.index_cast %mul3A_723 : i32 to index
      %get3A_725 = tpu.vector_load %arg6[%get3A_724] {strides = array<i32>} : memref<2048xf32, #tpu.memory_space<vmem>>, vector<16xf32>,
      %mul3A_726 = arith.constant 16 : i32
      %mul3A_727 = arith.muli %scan3A_721, %mul3A_726 : i32
      %get3A_728 = arith.index_cast %mul3A_727 : i32 to index
      %get3A_729 = tpu.vector_load %arg5[%get3A_728] {strides = array<i32>} : memref<2048xf32, #tpu.memory_space<vmem>>, vector<16xf32>,
      %sub3A_730 = arith.constant 1.000000e+00 : f32
      %sub3A_731 = vector.broadcast %sub3A_730 : f32 to vector<16xf32>
      %sub3A_732 = arith.subf %sub3A_731, %get3A_725 : vector<16xf32>
      %mul3A_733 = arith.mulf %get3A_729, %sub3A_732 : vector<16xf32>
      %add3A_734 = arith.addf %add3A_718, %mul3A_733 : vector<16xf32>
      %add3A_735 = arith.addf %add3A_719, %sub3A_732 : vector<16xf32>
      %scan3A_736 = arith.constant 4 : i32
      %scan3A_737 = arith.addi %scan3A_672, %scan3A_736 : i32
      %mul3A_738 = arith.constant 16 : i32
      %mul3A_739 = arith.muli %scan3A_737, %mul3A_738 : i32
      %get3A_740 = arith.index_cast %mul3A_739 : i32 to index
      %get3A_741 = tpu.vector_load %arg6[%get3A_740] {strides = array<i32>} : memref<2048xf32, #tpu.memory_space<vmem>>, vector<16xf32>,
      %mul3A_742 = arith.constant 16 : i32
      %mul3A_743 = arith.muli %scan3A_737, %mul3A_742 : i32
      %get3A_744 = arith.index_cast %mul3A_743 : i32 to index
      %get3A_745 = tpu.vector_load %arg5[%get3A_744] {strides = array<i32>} : memref<2048xf32, #tpu.memory_space<vmem>>, vector<16xf32>,
      %sub3A_746 = arith.constant 1.000000e+00 : f32
      %sub3A_747 = vector.broadcast %sub3A_746 : f32 to vector<16xf32>
      %sub3A_748 = arith.subf %sub3A_747, %get3A_741 : vector<16xf32>
      %mul3A_749 = arith.mulf %get3A_745, %sub3A_748 : vector<16xf32>
      %add3A_750 = arith.addf %add3A_734, %mul3A_749 : vector<16xf32>
      %add3A_751 = arith.addf %add3A_735, %sub3A_748 : vector<16xf32>
      %scan3A_752 = arith.constant 5 : i32
      %scan3A_753 = arith.addi %scan3A_672, %scan3A_752 : i32
      %mul3A_754 = arith.constant 16 : i32
      %mul3A_755 = arith.muli %scan3A_753, %mul3A_754 : i32
      %get3A_756 = arith.index_cast %mul3A_755 : i32 to index
      %get3A_757 = tpu.vector_load %arg6[%get3A_756] {strides = array<i32>} : memref<2048xf32, #tpu.memory_space<vmem>>, vector<16xf32>,
      %mul3A_758 = arith.constant 16 : i32
      %mul3A_759 = arith.muli %scan3A_753, %mul3A_758 : i32
      %get3A_760 = arith.index_cast %mul3A_759 : i32 to index
      %get3A_761 = tpu.vector_load %arg5[%get3A_760] {strides = array<i32>} : memref<2048xf32, #tpu.memory_space<vmem>>, vector<16xf32>,
      %sub3A_762 = arith.constant 1.000000e+00 : f32
      %sub3A_763 = vector.broadcast %sub3A_762 : f32 to vector<16xf32>
      %sub3A_764 = arith.subf %sub3A_763, %get3A_757 : vector<16xf32>
      %mul3A_765 = arith.mulf %get3A_761, %sub3A_764 : vector<16xf32>
      %add3A_766 = arith.addf %add3A_750, %mul3A_765 : vector<16xf32>
      %add3A_767 = arith.addf %add3A_751, %sub3A_764 : vector<16xf32>
      %scan3A_768 = arith.constant 6 : i32
      %scan3A_769 = arith.addi %scan3A_672, %scan3A_768 : i32
      %mul3A_770 = arith.constant 16 : i32
      %mul3A_771 = arith.muli %scan3A_769, %mul3A_770 : i32
      %get3A_772 = arith.index_cast %mul3A_771 : i32 to index
      %get3A_773 = tpu.vector_load %arg6[%get3A_772] {strides = array<i32>} : memref<2048xf32, #tpu.memory_space<vmem>>, vector<16xf32>,
      %mul3A_774 = arith.constant 16 : i32
      %mul3A_775 = arith.muli %scan3A_769, %mul3A_774 : i32
      %get3A_776 = arith.index_cast %mul3A_775 : i32 to index
      %get3A_777 = tpu.vector_load %arg5[%get3A_776] {strides = array<i32>} : memref<2048xf32, #tpu.memory_space<vmem>>, vector<16xf32>,
      %sub3A_778 = arith.constant 1.000000e+00 : f32
      %sub3A_779 = vector.broadcast %sub3A_778 : f32 to vector<16xf32>
      %sub3A_780 = arith.subf %sub3A_779, %get3A_773 : vector<16xf32>
      %mul3A_781 = arith.mulf %get3A_777, %sub3A_780 : vector<16xf32>
      %add3A_782 = arith.addf %add3A_766, %mul3A_781 : vector<16xf32>
      %add3A_783 = arith.addf %add3A_767, %sub3A_780 : vector<16xf32>
      %scan3A_784 = arith.constant 7 : i32
      %scan3A_785 = arith.addi %scan3A_672, %scan3A_784 : i32
      %mul3A_786 = arith.constant 16 : i32
      %mul3A_787 = arith.muli %scan3A_785, %mul3A_786 : i32
      %get3A_788 = arith.index_cast %mul3A_787 : i32 to index
      %get3A_789 = tpu.vector_load %arg6[%get3A_788] {strides = array<i32>} : memref<2048xf32, #tpu.memory_space<vmem>>, vector<16xf32>,
      %mul3A_790 = arith.constant 16 : i32
      %mul3A_791 = arith.muli %scan3A_785, %mul3A_790 : i32
      %get3A_792 = arith.index_cast %mul3A_791 : i32 to index
      %get3A_793 = tpu.vector_load %arg5[%get3A_792] {strides = array<i32>} : memref<2048xf32, #tpu.memory_space<vmem>>, vector<16xf32>,
      %sub3A_794 = arith.constant 1.000000e+00 : f32
      %sub3A_795 = vector.broadcast %sub3A_794 : f32 to vector<16xf32>
      %sub3A_796 = arith.subf %sub3A_795, %get3A_789 : vector<16xf32>
      %mul3A_797 = arith.mulf %get3A_793, %sub3A_796 : vector<16xf32>
      %add3A_798 = arith.addf %add3A_782, %mul3A_797 : vector<16xf32>
      %add3A_799 = arith.addf %add3A_783, %sub3A_796 : vector<16xf32>
      scf.yield %add3A_798, %add3A_799 : vector<16xf32>, vector<16xf32>
    }
    %scan3A_362 = arith.constant 128 : i32
    %reduce_sum3A_363 = arith.constant true
    %reduce_sum3A_364 = vector.broadcast %reduce_sum3A_363 : i1 to vector<16xi1>
    %reduce_sum3A_365 = tpu.scan <sum>, %scan3A_361#0 masked %reduce_sum3A_364 : vector<16xf32>, vector<16xi1> -> vector<16xf32>
    %reduce_sum3A_366 = vector.extract %reduce_sum3A_365[15] : f32 from vector<16xf32>
    %reduce_sum3A_367 = arith.constant true
    %reduce_sum3A_368 = vector.broadcast %reduce_sum3A_367 : i1 to vector<16xi1>
    %reduce_sum3A_369 = tpu.scan <sum>, %scan3A_361#1 masked %reduce_sum3A_368 : vector<16xf32>, vector<16xi1> -> vector<16xf32>
    %reduce_sum3A_370 = vector.extract %reduce_sum3A_369[15] : f32 from vector<16xf32>
    %lt3A_371 = arith.constant 9.99999974E-5 : f32
    %lt3A_372 = arith.cmpf olt, %reduce_sum3A_366, %lt3A_371 : f32
    %select_n3A_373 = arith.select %lt3A_372, %reduce_sum3A_370, %reduce_sum3A_366 : f32
    %broadcast_in_dim3A_374 = vector.broadcast %select_n3A_373 : f32 to vector<16xf32>
    %jit3A_375 = arith.constant 1.000000e+00 : f32
    %jit3A_376 = arith.constant 0.000000e+00 : f32
    %select_n3A_377 = arith.select %lt3A_372, %jit3A_375, %jit3A_376 : f32
    %broadcast_in_dim3A_378 = vector.broadcast %select_n3A_377 : f32 to vector<16xf32>
    %gt3A_379 = arith.constant 5.000000e-01 : f32
    %gt3A_380 = vector.broadcast %gt3A_379 : f32 to vector<16xf32>
    %gt3A_381 = arith.cmpf ogt, %broadcast_in_dim3A_378, %gt3A_380 : vector<16xf32>
    %iota3A_382 = tpu.iota {dimensions = array<i32: 0>} : vector<16xi32>
    %broadcast_in_dim3A_383 = arith.constant -1.000000e+00 : f32
    %broadcast_in_dim3A_384 = vector.broadcast %broadcast_in_dim3A_383 : f32 to vector<16xf32>
    %broadcast_in_dim3A_385 = arith.constant 0 : i32
    %broadcast_in_dim3A_386 = vector.broadcast %broadcast_in_dim3A_385 : i32 to vector<16xi32>
    %scan3A_387 = arith.constant 0 : i32
    %scan3A_388 = arith.constant 128 : i32
    %scan3A_389 = arith.addi %scan3A_387, %scan3A_388 : i32
    %scan3A_390 = arith.constant 8 : i32
    %scan3A_391:3 = scf.for %scan3A_672 = %scan3A_387 to %scan3A_389 step %scan3A_390 iter_args(%scan3A_673 = %broadcast_in_dim3A_356, %scan3A_674 = %broadcast_in_dim3A_384, %scan3A_675 = %broadcast_in_dim3A_386) -> (vector<16xf32>, vector<16xf32>, vector<16xi32>)  : i32 {
      %mul3A_676 = arith.constant 16 : i32
      %mul3A_677 = arith.muli %scan3A_672, %mul3A_676 : i32
      %get3A = arith.index_cast %mul3A_677 : i32 to index
      %get3A_678 = tpu.vector_load %arg6[%get3A] {strides = array<i32>} : memref<2048xf32, #tpu.memory_space<vmem>>, vector<16xf32>,
      %mul3A_679 = arith.constant 16 : i32
      %mul3A_680 = arith.muli %scan3A_672, %mul3A_679 : i32
      %get3A_681 = arith.index_cast %mul3A_680 : i32 to index
      %get3A_682 = tpu.vector_load %arg5[%get3A_681] {strides = array<i32>} : memref<2048xf32, #tpu.memory_space<vmem>>, vector<16xf32>,
      %sub3A_683 = arith.constant 1.000000e+00 : f32
      %sub3A_684 = vector.broadcast %sub3A_683 : f32 to vector<16xf32>
      %sub3A_685 = arith.subf %sub3A_684, %get3A_678 : vector<16xf32>
      %mul3A_686 = arith.mulf %get3A_682, %sub3A_685 : vector<16xf32>
      %select_n3A_687 = arith.select %gt3A_381, %sub3A_685, %mul3A_686 : vector<16xi1>, vector<16xf32>
      %div3A = arith.divf %select_n3A_687, %broadcast_in_dim3A_374 : vector<16xf32>
      %max3A_688 = arith.constant 1.1920929E-7 : f32
      %max3A_689 = vector.broadcast %max3A_688 : f32 to vector<16xf32>
      %max3A_690 = arith.maximumf %div3A, %max3A_689 : vector<16xf32>
      %min3A_691 = arith.constant 0.99999988 : f32
      %min3A_692 = vector.broadcast %min3A_691 : f32 to vector<16xf32>
      %min3A_693 = arith.minimumf %max3A_690, %min3A_692 : vector<16xf32>
      %bitcast_convert_type3A_694 = tpu.bitcast %min3A_693 : vector<16xf32> -> vector<16xi32>
      %shift_right_arithmetic3A_695 = arith.constant 23 : i32
      %shift_right_arithmetic3A_696 = vector.broadcast %shift_right_arithmetic3A_695 : i32 to vector<16xi32>
      %shift_right_arithmetic3A_697 = arith.shrsi %bitcast_convert_type3A_694, %shift_right_arithmetic3A_696 : vector<16xi32>
      %sub3A_698 = arith.constant 127 : i32
      %sub3A_699 = vector.broadcast %sub3A_698 : i32 to vector<16xi32>
      %sub3A_700 = arith.subi %shift_right_arithmetic3A_697, %sub3A_699 : vector<16xi32>
      %convert_element_type3A_701 = arith.sitofp %sub3A_700 : vector<16xi32> to vector<16xf32>
      %and3A_702 = arith.constant 8388607 : i32
      %and3A_703 = vector.broadcast %and3A_702 : i32 to vector<16xi32>
      %and3A_704 = arith.andi %bitcast_convert_type3A_694, %and3A_703 : vector<16xi32>
      %or3A_705 = arith.constant 1065353216 : i32
      %or3A_706 = vector.broadcast %or3A_705 : i32 to vector<16xi32>
      %or3A_707 = arith.ori %and3A_704, %or3A_706 : vector<16xi32>
      %bitcast_convert_type3A_708 = tpu.bitcast %or3A_707 : vector<16xi32> -> vector<16xf32>
      %sub3A_709 = arith.constant 1.000000e+00 : f32
      %sub3A_710 = vector.broadcast %sub3A_709 : f32 to vector<16xf32>
      %sub3A_711 = arith.subf %bitcast_convert_type3A_708, %sub3A_710 : vector<16xf32>
      %mul3A_712 = arith.constant 0.0434283651 : f32
      %mul3A_713 = vector.broadcast %mul3A_712 : f32 to vector<16xf32>
      %mul3A_714 = arith.mulf %mul3A_713, %sub3A_711 : vector<16xf32>
      %add3A_715 = arith.constant -0.187720492 : f32
      %add3A_716 = vector.broadcast %add3A_715 : f32 to vector<16xf32>
      %add3A_717 = arith.addf %mul3A_714, %add3A_716 : vector<16xf32>
      %mul3A_718 = arith.mulf %add3A_717, %sub3A_711 : vector<16xf32>
      %add3A_719 = arith.constant 0.408718944 : f32
      %add3A_720 = vector.broadcast %add3A_719 : f32 to vector<16xf32>
      %add3A_721 = arith.addf %mul3A_718, %add3A_720 : vector<16xf32>
      %mul3A_722 = arith.mulf %add3A_721, %sub3A_711 : vector<16xf32>
      %add3A_723 = arith.constant -0.705702602 : f32
      %add3A_724 = vector.broadcast %add3A_723 : f32 to vector<16xf32>
      %add3A_725 = arith.addf %mul3A_722, %add3A_724 : vector<16xf32>
      %mul3A_726 = arith.mulf %add3A_725, %sub3A_711 : vector<16xf32>
      %add3A_727 = arith.constant 1.44126713 : f32
      %add3A_728 = vector.broadcast %add3A_727 : f32 to vector<16xf32>
      %add3A_729 = arith.addf %mul3A_726, %add3A_728 : vector<16xf32>
      %mul3A_730 = arith.mulf %add3A_729, %sub3A_711 : vector<16xf32>
      %add3A_731 = arith.constant 3.19308565E-5 : f32
      %add3A_732 = vector.broadcast %add3A_731 : f32 to vector<16xf32>
      %add3A_733 = arith.addf %mul3A_730, %add3A_732 : vector<16xf32>
      %add3A_734 = arith.addf %convert_element_type3A_701, %add3A_733 : vector<16xf32>
      %mul3A_735 = arith.constant 0.693147182 : f32
      %mul3A_736 = vector.broadcast %mul3A_735 : f32 to vector<16xf32>
      %mul3A_737 = arith.mulf %add3A_734, %mul3A_736 : vector<16xf32>
      %mul3A_738 = arith.mulf %div3A, %mul3A_737 : vector<16xf32>
      %sub3A_739 = arith.subf %scan3A_673, %mul3A_738 : vector<16xf32>
      %gt3A_740 = arith.cmpf ogt, %div3A, %scan3A_674 : vector<16xf32>
      %select_n3A_741 = arith.select %gt3A_740, %div3A, %scan3A_674 : vector<16xi1>, vector<16xf32>
      %mul3A_742 = arith.constant 16 : i32
      %mul3A_743 = arith.muli %scan3A_672, %mul3A_742 : i32
      %add3A_744 = vector.broadcast %mul3A_743 : i32 to vector<16xi32>
      %add3A_745 = arith.addi %iota3A_382, %add3A_744 : vector<16xi32>
      %select_n3A_746 = arith.select %gt3A_740, %add3A_745, %scan3A_675 : vector<16xi1>, vector<16xi32>
      %scan3A_747 = arith.constant 1 : i32
      %scan3A_748 = arith.addi %scan3A_672, %scan3A_747 : i32
      %mul3A_749 = arith.constant 16 : i32
      %mul3A_750 = arith.muli %scan3A_748, %mul3A_749 : i32
      %get3A_751 = arith.index_cast %mul3A_750 : i32 to index
      %get3A_752 = tpu.vector_load %arg6[%get3A_751] {strides = array<i32>} : memref<2048xf32, #tpu.memory_space<vmem>>, vector<16xf32>,
      %mul3A_753 = arith.constant 16 : i32
      %mul3A_754 = arith.muli %scan3A_748, %mul3A_753 : i32
      %get3A_755 = arith.index_cast %mul3A_754 : i32 to index
      %get3A_756 = tpu.vector_load %arg5[%get3A_755] {strides = array<i32>} : memref<2048xf32, #tpu.memory_space<vmem>>, vector<16xf32>,
      %sub3A_757 = arith.constant 1.000000e+00 : f32
      %sub3A_758 = vector.broadcast %sub3A_757 : f32 to vector<16xf32>
      %sub3A_759 = arith.subf %sub3A_758, %get3A_752 : vector<16xf32>
      %mul3A_760 = arith.mulf %get3A_756, %sub3A_759 : vector<16xf32>
      %select_n3A_761 = arith.select %gt3A_381, %sub3A_759, %mul3A_760 : vector<16xi1>, vector<16xf32>
      %div3A_762 = arith.divf %select_n3A_761, %broadcast_in_dim3A_374 : vector<16xf32>
      %max3A_763 = arith.constant 1.1920929E-7 : f32
      %max3A_764 = vector.broadcast %max3A_763 : f32 to vector<16xf32>
      %max3A_765 = arith.maximumf %div3A_762, %max3A_764 : vector<16xf32>
      %min3A_766 = arith.constant 0.99999988 : f32
      %min3A_767 = vector.broadcast %min3A_766 : f32 to vector<16xf32>
      %min3A_768 = arith.minimumf %max3A_765, %min3A_767 : vector<16xf32>
      %bitcast_convert_type3A_769 = tpu.bitcast %min3A_768 : vector<16xf32> -> vector<16xi32>
      %shift_right_arithmetic3A_770 = arith.constant 23 : i32
      %shift_right_arithmetic3A_771 = vector.broadcast %shift_right_arithmetic3A_770 : i32 to vector<16xi32>
      %shift_right_arithmetic3A_772 = arith.shrsi %bitcast_convert_type3A_769, %shift_right_arithmetic3A_771 : vector<16xi32>
      %sub3A_773 = arith.constant 127 : i32
      %sub3A_774 = vector.broadcast %sub3A_773 : i32 to vector<16xi32>
      %sub3A_775 = arith.subi %shift_right_arithmetic3A_772, %sub3A_774 : vector<16xi32>
      %convert_element_type3A_776 = arith.sitofp %sub3A_775 : vector<16xi32> to vector<16xf32>
      %and3A_777 = arith.constant 8388607 : i32
      %and3A_778 = vector.broadcast %and3A_777 : i32 to vector<16xi32>
      %and3A_779 = arith.andi %bitcast_convert_type3A_769, %and3A_778 : vector<16xi32>
      %or3A_780 = arith.constant 1065353216 : i32
      %or3A_781 = vector.broadcast %or3A_780 : i32 to vector<16xi32>
      %or3A_782 = arith.ori %and3A_779, %or3A_781 : vector<16xi32>
      %bitcast_convert_type3A_783 = tpu.bitcast %or3A_782 : vector<16xi32> -> vector<16xf32>
      %sub3A_784 = arith.constant 1.000000e+00 : f32
      %sub3A_785 = vector.broadcast %sub3A_784 : f32 to vector<16xf32>
      %sub3A_786 = arith.subf %bitcast_convert_type3A_783, %sub3A_785 : vector<16xf32>
      %mul3A_787 = arith.constant 0.0434283651 : f32
      %mul3A_788 = vector.broadcast %mul3A_787 : f32 to vector<16xf32>
      %mul3A_789 = arith.mulf %mul3A_788, %sub3A_786 : vector<16xf32>
      %add3A_790 = arith.constant -0.187720492 : f32
      %add3A_791 = vector.broadcast %add3A_790 : f32 to vector<16xf32>
      %add3A_792 = arith.addf %mul3A_789, %add3A_791 : vector<16xf32>
      %mul3A_793 = arith.mulf %add3A_792, %sub3A_786 : vector<16xf32>
      %add3A_794 = arith.constant 0.408718944 : f32
      %add3A_795 = vector.broadcast %add3A_794 : f32 to vector<16xf32>
      %add3A_796 = arith.addf %mul3A_793, %add3A_795 : vector<16xf32>
      %mul3A_797 = arith.mulf %add3A_796, %sub3A_786 : vector<16xf32>
      %add3A_798 = arith.constant -0.705702602 : f32
      %add3A_799 = vector.broadcast %add3A_798 : f32 to vector<16xf32>
      %add3A_800 = arith.addf %mul3A_797, %add3A_799 : vector<16xf32>
      %mul3A_801 = arith.mulf %add3A_800, %sub3A_786 : vector<16xf32>
      %add3A_802 = arith.constant 1.44126713 : f32
      %add3A_803 = vector.broadcast %add3A_802 : f32 to vector<16xf32>
      %add3A_804 = arith.addf %mul3A_801, %add3A_803 : vector<16xf32>
      %mul3A_805 = arith.mulf %add3A_804, %sub3A_786 : vector<16xf32>
      %add3A_806 = arith.constant 3.19308565E-5 : f32
      %add3A_807 = vector.broadcast %add3A_806 : f32 to vector<16xf32>
      %add3A_808 = arith.addf %mul3A_805, %add3A_807 : vector<16xf32>
      %add3A_809 = arith.addf %convert_element_type3A_776, %add3A_808 : vector<16xf32>
      %mul3A_810 = arith.constant 0.693147182 : f32
      %mul3A_811 = vector.broadcast %mul3A_810 : f32 to vector<16xf32>
      %mul3A_812 = arith.mulf %add3A_809, %mul3A_811 : vector<16xf32>
      %mul3A_813 = arith.mulf %div3A_762, %mul3A_812 : vector<16xf32>
      %sub3A_814 = arith.subf %sub3A_739, %mul3A_813 : vector<16xf32>
      %gt3A_815 = arith.cmpf ogt, %div3A_762, %select_n3A_741 : vector<16xf32>
      %select_n3A_816 = arith.select %gt3A_815, %div3A_762, %select_n3A_741 : vector<16xi1>, vector<16xf32>
      %mul3A_817 = arith.constant 16 : i32
      %mul3A_818 = arith.muli %scan3A_748, %mul3A_817 : i32
      %add3A_819 = vector.broadcast %mul3A_818 : i32 to vector<16xi32>
      %add3A_820 = arith.addi %iota3A_382, %add3A_819 : vector<16xi32>
      %select_n3A_821 = arith.select %gt3A_815, %add3A_820, %select_n3A_746 : vector<16xi1>, vector<16xi32>
      %scan3A_822 = arith.constant 2 : i32
      %scan3A_823 = arith.addi %scan3A_672, %scan3A_822 : i32
      %mul3A_824 = arith.constant 16 : i32
      %mul3A_825 = arith.muli %scan3A_823, %mul3A_824 : i32
      %get3A_826 = arith.index_cast %mul3A_825 : i32 to index
      %get3A_827 = tpu.vector_load %arg6[%get3A_826] {strides = array<i32>} : memref<2048xf32, #tpu.memory_space<vmem>>, vector<16xf32>,
      %mul3A_828 = arith.constant 16 : i32
      %mul3A_829 = arith.muli %scan3A_823, %mul3A_828 : i32
      %get3A_830 = arith.index_cast %mul3A_829 : i32 to index
      %get3A_831 = tpu.vector_load %arg5[%get3A_830] {strides = array<i32>} : memref<2048xf32, #tpu.memory_space<vmem>>, vector<16xf32>,
      %sub3A_832 = arith.constant 1.000000e+00 : f32
      %sub3A_833 = vector.broadcast %sub3A_832 : f32 to vector<16xf32>
      %sub3A_834 = arith.subf %sub3A_833, %get3A_827 : vector<16xf32>
      %mul3A_835 = arith.mulf %get3A_831, %sub3A_834 : vector<16xf32>
      %select_n3A_836 = arith.select %gt3A_381, %sub3A_834, %mul3A_835 : vector<16xi1>, vector<16xf32>
      %div3A_837 = arith.divf %select_n3A_836, %broadcast_in_dim3A_374 : vector<16xf32>
      %max3A_838 = arith.constant 1.1920929E-7 : f32
      %max3A_839 = vector.broadcast %max3A_838 : f32 to vector<16xf32>
      %max3A_840 = arith.maximumf %div3A_837, %max3A_839 : vector<16xf32>
      %min3A_841 = arith.constant 0.99999988 : f32
      %min3A_842 = vector.broadcast %min3A_841 : f32 to vector<16xf32>
      %min3A_843 = arith.minimumf %max3A_840, %min3A_842 : vector<16xf32>
      %bitcast_convert_type3A_844 = tpu.bitcast %min3A_843 : vector<16xf32> -> vector<16xi32>
      %shift_right_arithmetic3A_845 = arith.constant 23 : i32
      %shift_right_arithmetic3A_846 = vector.broadcast %shift_right_arithmetic3A_845 : i32 to vector<16xi32>
      %shift_right_arithmetic3A_847 = arith.shrsi %bitcast_convert_type3A_844, %shift_right_arithmetic3A_846 : vector<16xi32>
      %sub3A_848 = arith.constant 127 : i32
      %sub3A_849 = vector.broadcast %sub3A_848 : i32 to vector<16xi32>
      %sub3A_850 = arith.subi %shift_right_arithmetic3A_847, %sub3A_849 : vector<16xi32>
      %convert_element_type3A_851 = arith.sitofp %sub3A_850 : vector<16xi32> to vector<16xf32>
      %and3A_852 = arith.constant 8388607 : i32
      %and3A_853 = vector.broadcast %and3A_852 : i32 to vector<16xi32>
      %and3A_854 = arith.andi %bitcast_convert_type3A_844, %and3A_853 : vector<16xi32>
      %or3A_855 = arith.constant 1065353216 : i32
      %or3A_856 = vector.broadcast %or3A_855 : i32 to vector<16xi32>
      %or3A_857 = arith.ori %and3A_854, %or3A_856 : vector<16xi32>
      %bitcast_convert_type3A_858 = tpu.bitcast %or3A_857 : vector<16xi32> -> vector<16xf32>
      %sub3A_859 = arith.constant 1.000000e+00 : f32
      %sub3A_860 = vector.broadcast %sub3A_859 : f32 to vector<16xf32>
      %sub3A_861 = arith.subf %bitcast_convert_type3A_858, %sub3A_860 : vector<16xf32>
      %mul3A_862 = arith.constant 0.0434283651 : f32
      %mul3A_863 = vector.broadcast %mul3A_862 : f32 to vector<16xf32>
      %mul3A_864 = arith.mulf %mul3A_863, %sub3A_861 : vector<16xf32>
      %add3A_865 = arith.constant -0.187720492 : f32
      %add3A_866 = vector.broadcast %add3A_865 : f32 to vector<16xf32>
      %add3A_867 = arith.addf %mul3A_864, %add3A_866 : vector<16xf32>
      %mul3A_868 = arith.mulf %add3A_867, %sub3A_861 : vector<16xf32>
      %add3A_869 = arith.constant 0.408718944 : f32
      %add3A_870 = vector.broadcast %add3A_869 : f32 to vector<16xf32>
      %add3A_871 = arith.addf %mul3A_868, %add3A_870 : vector<16xf32>
      %mul3A_872 = arith.mulf %add3A_871, %sub3A_861 : vector<16xf32>
      %add3A_873 = arith.constant -0.705702602 : f32
      %add3A_874 = vector.broadcast %add3A_873 : f32 to vector<16xf32>
      %add3A_875 = arith.addf %mul3A_872, %add3A_874 : vector<16xf32>
      %mul3A_876 = arith.mulf %add3A_875, %sub3A_861 : vector<16xf32>
      %add3A_877 = arith.constant 1.44126713 : f32
      %add3A_878 = vector.broadcast %add3A_877 : f32 to vector<16xf32>
      %add3A_879 = arith.addf %mul3A_876, %add3A_878 : vector<16xf32>
      %mul3A_880 = arith.mulf %add3A_879, %sub3A_861 : vector<16xf32>
      %add3A_881 = arith.constant 3.19308565E-5 : f32
      %add3A_882 = vector.broadcast %add3A_881 : f32 to vector<16xf32>
      %add3A_883 = arith.addf %mul3A_880, %add3A_882 : vector<16xf32>
      %add3A_884 = arith.addf %convert_element_type3A_851, %add3A_883 : vector<16xf32>
      %mul3A_885 = arith.constant 0.693147182 : f32
      %mul3A_886 = vector.broadcast %mul3A_885 : f32 to vector<16xf32>
      %mul3A_887 = arith.mulf %add3A_884, %mul3A_886 : vector<16xf32>
      %mul3A_888 = arith.mulf %div3A_837, %mul3A_887 : vector<16xf32>
      %sub3A_889 = arith.subf %sub3A_814, %mul3A_888 : vector<16xf32>
      %gt3A_890 = arith.cmpf ogt, %div3A_837, %select_n3A_816 : vector<16xf32>
      %select_n3A_891 = arith.select %gt3A_890, %div3A_837, %select_n3A_816 : vector<16xi1>, vector<16xf32>
      %mul3A_892 = arith.constant 16 : i32
      %mul3A_893 = arith.muli %scan3A_823, %mul3A_892 : i32
      %add3A_894 = vector.broadcast %mul3A_893 : i32 to vector<16xi32>
      %add3A_895 = arith.addi %iota3A_382, %add3A_894 : vector<16xi32>
      %select_n3A_896 = arith.select %gt3A_890, %add3A_895, %select_n3A_821 : vector<16xi1>, vector<16xi32>
      %scan3A_897 = arith.constant 3 : i32
      %scan3A_898 = arith.addi %scan3A_672, %scan3A_897 : i32
      %mul3A_899 = arith.constant 16 : i32
      %mul3A_900 = arith.muli %scan3A_898, %mul3A_899 : i32
      %get3A_901 = arith.index_cast %mul3A_900 : i32 to index
      %get3A_902 = tpu.vector_load %arg6[%get3A_901] {strides = array<i32>} : memref<2048xf32, #tpu.memory_space<vmem>>, vector<16xf32>,
      %mul3A_903 = arith.constant 16 : i32
      %mul3A_904 = arith.muli %scan3A_898, %mul3A_903 : i32
      %get3A_905 = arith.index_cast %mul3A_904 : i32 to index
      %get3A_906 = tpu.vector_load %arg5[%get3A_905] {strides = array<i32>} : memref<2048xf32, #tpu.memory_space<vmem>>, vector<16xf32>,
      %sub3A_907 = arith.constant 1.000000e+00 : f32
      %sub3A_908 = vector.broadcast %sub3A_907 : f32 to vector<16xf32>
      %sub3A_909 = arith.subf %sub3A_908, %get3A_902 : vector<16xf32>
      %mul3A_910 = arith.mulf %get3A_906, %sub3A_909 : vector<16xf32>
      %select_n3A_911 = arith.select %gt3A_381, %sub3A_909, %mul3A_910 : vector<16xi1>, vector<16xf32>
      %div3A_912 = arith.divf %select_n3A_911, %broadcast_in_dim3A_374 : vector<16xf32>
      %max3A_913 = arith.constant 1.1920929E-7 : f32
      %max3A_914 = vector.broadcast %max3A_913 : f32 to vector<16xf32>
      %max3A_915 = arith.maximumf %div3A_912, %max3A_914 : vector<16xf32>
      %min3A_916 = arith.constant 0.99999988 : f32
      %min3A_917 = vector.broadcast %min3A_916 : f32 to vector<16xf32>
      %min3A_918 = arith.minimumf %max3A_915, %min3A_917 : vector<16xf32>
      %bitcast_convert_type3A_919 = tpu.bitcast %min3A_918 : vector<16xf32> -> vector<16xi32>
      %shift_right_arithmetic3A_920 = arith.constant 23 : i32
      %shift_right_arithmetic3A_921 = vector.broadcast %shift_right_arithmetic3A_920 : i32 to vector<16xi32>
      %shift_right_arithmetic3A_922 = arith.shrsi %bitcast_convert_type3A_919, %shift_right_arithmetic3A_921 : vector<16xi32>
      %sub3A_923 = arith.constant 127 : i32
      %sub3A_924 = vector.broadcast %sub3A_923 : i32 to vector<16xi32>
      %sub3A_925 = arith.subi %shift_right_arithmetic3A_922, %sub3A_924 : vector<16xi32>
      %convert_element_type3A_926 = arith.sitofp %sub3A_925 : vector<16xi32> to vector<16xf32>
      %and3A_927 = arith.constant 8388607 : i32
      %and3A_928 = vector.broadcast %and3A_927 : i32 to vector<16xi32>
      %and3A_929 = arith.andi %bitcast_convert_type3A_919, %and3A_928 : vector<16xi32>
      %or3A_930 = arith.constant 1065353216 : i32
      %or3A_931 = vector.broadcast %or3A_930 : i32 to vector<16xi32>
      %or3A_932 = arith.ori %and3A_929, %or3A_931 : vector<16xi32>
      %bitcast_convert_type3A_933 = tpu.bitcast %or3A_932 : vector<16xi32> -> vector<16xf32>
      %sub3A_934 = arith.constant 1.000000e+00 : f32
      %sub3A_935 = vector.broadcast %sub3A_934 : f32 to vector<16xf32>
      %sub3A_936 = arith.subf %bitcast_convert_type3A_933, %sub3A_935 : vector<16xf32>
      %mul3A_937 = arith.constant 0.0434283651 : f32
      %mul3A_938 = vector.broadcast %mul3A_937 : f32 to vector<16xf32>
      %mul3A_939 = arith.mulf %mul3A_938, %sub3A_936 : vector<16xf32>
      %add3A_940 = arith.constant -0.187720492 : f32
      %add3A_941 = vector.broadcast %add3A_940 : f32 to vector<16xf32>
      %add3A_942 = arith.addf %mul3A_939, %add3A_941 : vector<16xf32>
      %mul3A_943 = arith.mulf %add3A_942, %sub3A_936 : vector<16xf32>
      %add3A_944 = arith.constant 0.408718944 : f32
      %add3A_945 = vector.broadcast %add3A_944 : f32 to vector<16xf32>
      %add3A_946 = arith.addf %mul3A_943, %add3A_945 : vector<16xf32>
      %mul3A_947 = arith.mulf %add3A_946, %sub3A_936 : vector<16xf32>
      %add3A_948 = arith.constant -0.705702602 : f32
      %add3A_949 = vector.broadcast %add3A_948 : f32 to vector<16xf32>
      %add3A_950 = arith.addf %mul3A_947, %add3A_949 : vector<16xf32>
      %mul3A_951 = arith.mulf %add3A_950, %sub3A_936 : vector<16xf32>
      %add3A_952 = arith.constant 1.44126713 : f32
      %add3A_953 = vector.broadcast %add3A_952 : f32 to vector<16xf32>
      %add3A_954 = arith.addf %mul3A_951, %add3A_953 : vector<16xf32>
      %mul3A_955 = arith.mulf %add3A_954, %sub3A_936 : vector<16xf32>
      %add3A_956 = arith.constant 3.19308565E-5 : f32
      %add3A_957 = vector.broadcast %add3A_956 : f32 to vector<16xf32>
      %add3A_958 = arith.addf %mul3A_955, %add3A_957 : vector<16xf32>
      %add3A_959 = arith.addf %convert_element_type3A_926, %add3A_958 : vector<16xf32>
      %mul3A_960 = arith.constant 0.693147182 : f32
      %mul3A_961 = vector.broadcast %mul3A_960 : f32 to vector<16xf32>
      %mul3A_962 = arith.mulf %add3A_959, %mul3A_961 : vector<16xf32>
      %mul3A_963 = arith.mulf %div3A_912, %mul3A_962 : vector<16xf32>
      %sub3A_964 = arith.subf %sub3A_889, %mul3A_963 : vector<16xf32>
      %gt3A_965 = arith.cmpf ogt, %div3A_912, %select_n3A_891 : vector<16xf32>
      %select_n3A_966 = arith.select %gt3A_965, %div3A_912, %select_n3A_891 : vector<16xi1>, vector<16xf32>
      %mul3A_967 = arith.constant 16 : i32
      %mul3A_968 = arith.muli %scan3A_898, %mul3A_967 : i32
      %add3A_969 = vector.broadcast %mul3A_968 : i32 to vector<16xi32>
      %add3A_970 = arith.addi %iota3A_382, %add3A_969 : vector<16xi32>
      %select_n3A_971 = arith.select %gt3A_965, %add3A_970, %select_n3A_896 : vector<16xi1>, vector<16xi32>
      %scan3A_972 = arith.constant 4 : i32
      %scan3A_973 = arith.addi %scan3A_672, %scan3A_972 : i32
      %mul3A_974 = arith.constant 16 : i32
      %mul3A_975 = arith.muli %scan3A_973, %mul3A_974 : i32
      %get3A_976 = arith.index_cast %mul3A_975 : i32 to index
      %get3A_977 = tpu.vector_load %arg6[%get3A_976] {strides = array<i32>} : memref<2048xf32, #tpu.memory_space<vmem>>, vector<16xf32>,
      %mul3A_978 = arith.constant 16 : i32
      %mul3A_979 = arith.muli %scan3A_973, %mul3A_978 : i32
      %get3A_980 = arith.index_cast %mul3A_979 : i32 to index
      %get3A_981 = tpu.vector_load %arg5[%get3A_980] {strides = array<i32>} : memref<2048xf32, #tpu.memory_space<vmem>>, vector<16xf32>,
      %sub3A_982 = arith.constant 1.000000e+00 : f32
      %sub3A_983 = vector.broadcast %sub3A_982 : f32 to vector<16xf32>
      %sub3A_984 = arith.subf %sub3A_983, %get3A_977 : vector<16xf32>
      %mul3A_985 = arith.mulf %get3A_981, %sub3A_984 : vector<16xf32>
      %select_n3A_986 = arith.select %gt3A_381, %sub3A_984, %mul3A_985 : vector<16xi1>, vector<16xf32>
      %div3A_987 = arith.divf %select_n3A_986, %broadcast_in_dim3A_374 : vector<16xf32>
      %max3A_988 = arith.constant 1.1920929E-7 : f32
      %max3A_989 = vector.broadcast %max3A_988 : f32 to vector<16xf32>
      %max3A_990 = arith.maximumf %div3A_987, %max3A_989 : vector<16xf32>
      %min3A_991 = arith.constant 0.99999988 : f32
      %min3A_992 = vector.broadcast %min3A_991 : f32 to vector<16xf32>
      %min3A_993 = arith.minimumf %max3A_990, %min3A_992 : vector<16xf32>
      %bitcast_convert_type3A_994 = tpu.bitcast %min3A_993 : vector<16xf32> -> vector<16xi32>
      %shift_right_arithmetic3A_995 = arith.constant 23 : i32
      %shift_right_arithmetic3A_996 = vector.broadcast %shift_right_arithmetic3A_995 : i32 to vector<16xi32>
      %shift_right_arithmetic3A_997 = arith.shrsi %bitcast_convert_type3A_994, %shift_right_arithmetic3A_996 : vector<16xi32>
      %sub3A_998 = arith.constant 127 : i32
      %sub3A_999 = vector.broadcast %sub3A_998 : i32 to vector<16xi32>
      %sub3A_1000 = arith.subi %shift_right_arithmetic3A_997, %sub3A_999 : vector<16xi32>
      %convert_element_type3A_1001 = arith.sitofp %sub3A_1000 : vector<16xi32> to vector<16xf32>
      %and3A_1002 = arith.constant 8388607 : i32
      %and3A_1003 = vector.broadcast %and3A_1002 : i32 to vector<16xi32>
      %and3A_1004 = arith.andi %bitcast_convert_type3A_994, %and3A_1003 : vector<16xi32>
      %or3A_1005 = arith.constant 1065353216 : i32
      %or3A_1006 = vector.broadcast %or3A_1005 : i32 to vector<16xi32>
      %or3A_1007 = arith.ori %and3A_1004, %or3A_1006 : vector<16xi32>
      %bitcast_convert_type3A_1008 = tpu.bitcast %or3A_1007 : vector<16xi32> -> vector<16xf32>
      %sub3A_1009 = arith.constant 1.000000e+00 : f32
      %sub3A_1010 = vector.broadcast %sub3A_1009 : f32 to vector<16xf32>
      %sub3A_1011 = arith.subf %bitcast_convert_type3A_1008, %sub3A_1010 : vector<16xf32>
      %mul3A_1012 = arith.constant 0.0434283651 : f32
      %mul3A_1013 = vector.broadcast %mul3A_1012 : f32 to vector<16xf32>
      %mul3A_1014 = arith.mulf %mul3A_1013, %sub3A_1011 : vector<16xf32>
      %add3A_1015 = arith.constant -0.187720492 : f32
      %add3A_1016 = vector.broadcast %add3A_1015 : f32 to vector<16xf32>
      %add3A_1017 = arith.addf %mul3A_1014, %add3A_1016 : vector<16xf32>
      %mul3A_1018 = arith.mulf %add3A_1017, %sub3A_1011 : vector<16xf32>
      %add3A_1019 = arith.constant 0.408718944 : f32
      %add3A_1020 = vector.broadcast %add3A_1019 : f32 to vector<16xf32>
      %add3A_1021 = arith.addf %mul3A_1018, %add3A_1020 : vector<16xf32>
      %mul3A_1022 = arith.mulf %add3A_1021, %sub3A_1011 : vector<16xf32>
      %add3A_1023 = arith.constant -0.705702602 : f32
      %add3A_1024 = vector.broadcast %add3A_1023 : f32 to vector<16xf32>
      %add3A_1025 = arith.addf %mul3A_1022, %add3A_1024 : vector<16xf32>
      %mul3A_1026 = arith.mulf %add3A_1025, %sub3A_1011 : vector<16xf32>
      %add3A_1027 = arith.constant 1.44126713 : f32
      %add3A_1028 = vector.broadcast %add3A_1027 : f32 to vector<16xf32>
      %add3A_1029 = arith.addf %mul3A_1026, %add3A_1028 : vector<16xf32>
      %mul3A_1030 = arith.mulf %add3A_1029, %sub3A_1011 : vector<16xf32>
      %add3A_1031 = arith.constant 3.19308565E-5 : f32
      %add3A_1032 = vector.broadcast %add3A_1031 : f32 to vector<16xf32>
      %add3A_1033 = arith.addf %mul3A_1030, %add3A_1032 : vector<16xf32>
      %add3A_1034 = arith.addf %convert_element_type3A_1001, %add3A_1033 : vector<16xf32>
      %mul3A_1035 = arith.constant 0.693147182 : f32
      %mul3A_1036 = vector.broadcast %mul3A_1035 : f32 to vector<16xf32>
      %mul3A_1037 = arith.mulf %add3A_1034, %mul3A_1036 : vector<16xf32>
      %mul3A_1038 = arith.mulf %div3A_987, %mul3A_1037 : vector<16xf32>
      %sub3A_1039 = arith.subf %sub3A_964, %mul3A_1038 : vector<16xf32>
      %gt3A_1040 = arith.cmpf ogt, %div3A_987, %select_n3A_966 : vector<16xf32>
      %select_n3A_1041 = arith.select %gt3A_1040, %div3A_987, %select_n3A_966 : vector<16xi1>, vector<16xf32>
      %mul3A_1042 = arith.constant 16 : i32
      %mul3A_1043 = arith.muli %scan3A_973, %mul3A_1042 : i32
      %add3A_1044 = vector.broadcast %mul3A_1043 : i32 to vector<16xi32>
      %add3A_1045 = arith.addi %iota3A_382, %add3A_1044 : vector<16xi32>
      %select_n3A_1046 = arith.select %gt3A_1040, %add3A_1045, %select_n3A_971 : vector<16xi1>, vector<16xi32>
      %scan3A_1047 = arith.constant 5 : i32
      %scan3A_1048 = arith.addi %scan3A_672, %scan3A_1047 : i32
      %mul3A_1049 = arith.constant 16 : i32
      %mul3A_1050 = arith.muli %scan3A_1048, %mul3A_1049 : i32
      %get3A_1051 = arith.index_cast %mul3A_1050 : i32 to index
      %get3A_1052 = tpu.vector_load %arg6[%get3A_1051] {strides = array<i32>} : memref<2048xf32, #tpu.memory_space<vmem>>, vector<16xf32>,
      %mul3A_1053 = arith.constant 16 : i32
      %mul3A_1054 = arith.muli %scan3A_1048, %mul3A_1053 : i32
      %get3A_1055 = arith.index_cast %mul3A_1054 : i32 to index
      %get3A_1056 = tpu.vector_load %arg5[%get3A_1055] {strides = array<i32>} : memref<2048xf32, #tpu.memory_space<vmem>>, vector<16xf32>,
      %sub3A_1057 = arith.constant 1.000000e+00 : f32
      %sub3A_1058 = vector.broadcast %sub3A_1057 : f32 to vector<16xf32>
      %sub3A_1059 = arith.subf %sub3A_1058, %get3A_1052 : vector<16xf32>
      %mul3A_1060 = arith.mulf %get3A_1056, %sub3A_1059 : vector<16xf32>
      %select_n3A_1061 = arith.select %gt3A_381, %sub3A_1059, %mul3A_1060 : vector<16xi1>, vector<16xf32>
      %div3A_1062 = arith.divf %select_n3A_1061, %broadcast_in_dim3A_374 : vector<16xf32>
      %max3A_1063 = arith.constant 1.1920929E-7 : f32
      %max3A_1064 = vector.broadcast %max3A_1063 : f32 to vector<16xf32>
      %max3A_1065 = arith.maximumf %div3A_1062, %max3A_1064 : vector<16xf32>
      %min3A_1066 = arith.constant 0.99999988 : f32
      %min3A_1067 = vector.broadcast %min3A_1066 : f32 to vector<16xf32>
      %min3A_1068 = arith.minimumf %max3A_1065, %min3A_1067 : vector<16xf32>
      %bitcast_convert_type3A_1069 = tpu.bitcast %min3A_1068 : vector<16xf32> -> vector<16xi32>
      %shift_right_arithmetic3A_1070 = arith.constant 23 : i32
      %shift_right_arithmetic3A_1071 = vector.broadcast %shift_right_arithmetic3A_1070 : i32 to vector<16xi32>
      %shift_right_arithmetic3A_1072 = arith.shrsi %bitcast_convert_type3A_1069, %shift_right_arithmetic3A_1071 : vector<16xi32>
      %sub3A_1073 = arith.constant 127 : i32
      %sub3A_1074 = vector.broadcast %sub3A_1073 : i32 to vector<16xi32>
      %sub3A_1075 = arith.subi %shift_right_arithmetic3A_1072, %sub3A_1074 : vector<16xi32>
      %convert_element_type3A_1076 = arith.sitofp %sub3A_1075 : vector<16xi32> to vector<16xf32>
      %and3A_1077 = arith.constant 8388607 : i32
      %and3A_1078 = vector.broadcast %and3A_1077 : i32 to vector<16xi32>
      %and3A_1079 = arith.andi %bitcast_convert_type3A_1069, %and3A_1078 : vector<16xi32>
      %or3A_1080 = arith.constant 1065353216 : i32
      %or3A_1081 = vector.broadcast %or3A_1080 : i32 to vector<16xi32>
      %or3A_1082 = arith.ori %and3A_1079, %or3A_1081 : vector<16xi32>
      %bitcast_convert_type3A_1083 = tpu.bitcast %or3A_1082 : vector<16xi32> -> vector<16xf32>
      %sub3A_1084 = arith.constant 1.000000e+00 : f32
      %sub3A_1085 = vector.broadcast %sub3A_1084 : f32 to vector<16xf32>
      %sub3A_1086 = arith.subf %bitcast_convert_type3A_1083, %sub3A_1085 : vector<16xf32>
      %mul3A_1087 = arith.constant 0.0434283651 : f32
      %mul3A_1088 = vector.broadcast %mul3A_1087 : f32 to vector<16xf32>
      %mul3A_1089 = arith.mulf %mul3A_1088, %sub3A_1086 : vector<16xf32>
      %add3A_1090 = arith.constant -0.187720492 : f32
      %add3A_1091 = vector.broadcast %add3A_1090 : f32 to vector<16xf32>
      %add3A_1092 = arith.addf %mul3A_1089, %add3A_1091 : vector<16xf32>
      %mul3A_1093 = arith.mulf %add3A_1092, %sub3A_1086 : vector<16xf32>
      %add3A_1094 = arith.constant 0.408718944 : f32
      %add3A_1095 = vector.broadcast %add3A_1094 : f32 to vector<16xf32>
      %add3A_1096 = arith.addf %mul3A_1093, %add3A_1095 : vector<16xf32>
      %mul3A_1097 = arith.mulf %add3A_1096, %sub3A_1086 : vector<16xf32>
      %add3A_1098 = arith.constant -0.705702602 : f32
      %add3A_1099 = vector.broadcast %add3A_1098 : f32 to vector<16xf32>
      %add3A_1100 = arith.addf %mul3A_1097, %add3A_1099 : vector<16xf32>
      %mul3A_1101 = arith.mulf %add3A_1100, %sub3A_1086 : vector<16xf32>
      %add3A_1102 = arith.constant 1.44126713 : f32
      %add3A_1103 = vector.broadcast %add3A_1102 : f32 to vector<16xf32>
      %add3A_1104 = arith.addf %mul3A_1101, %add3A_1103 : vector<16xf32>
      %mul3A_1105 = arith.mulf %add3A_1104, %sub3A_1086 : vector<16xf32>
      %add3A_1106 = arith.constant 3.19308565E-5 : f32
      %add3A_1107 = vector.broadcast %add3A_1106 : f32 to vector<16xf32>
      %add3A_1108 = arith.addf %mul3A_1105, %add3A_1107 : vector<16xf32>
      %add3A_1109 = arith.addf %convert_element_type3A_1076, %add3A_1108 : vector<16xf32>
      %mul3A_1110 = arith.constant 0.693147182 : f32
      %mul3A_1111 = vector.broadcast %mul3A_1110 : f32 to vector<16xf32>
      %mul3A_1112 = arith.mulf %add3A_1109, %mul3A_1111 : vector<16xf32>
      %mul3A_1113 = arith.mulf %div3A_1062, %mul3A_1112 : vector<16xf32>
      %sub3A_1114 = arith.subf %sub3A_1039, %mul3A_1113 : vector<16xf32>
      %gt3A_1115 = arith.cmpf ogt, %div3A_1062, %select_n3A_1041 : vector<16xf32>
      %select_n3A_1116 = arith.select %gt3A_1115, %div3A_1062, %select_n3A_1041 : vector<16xi1>, vector<16xf32>
      %mul3A_1117 = arith.constant 16 : i32
      %mul3A_1118 = arith.muli %scan3A_1048, %mul3A_1117 : i32
      %add3A_1119 = vector.broadcast %mul3A_1118 : i32 to vector<16xi32>
      %add3A_1120 = arith.addi %iota3A_382, %add3A_1119 : vector<16xi32>
      %select_n3A_1121 = arith.select %gt3A_1115, %add3A_1120, %select_n3A_1046 : vector<16xi1>, vector<16xi32>
      %scan3A_1122 = arith.constant 6 : i32
      %scan3A_1123 = arith.addi %scan3A_672, %scan3A_1122 : i32
      %mul3A_1124 = arith.constant 16 : i32
      %mul3A_1125 = arith.muli %scan3A_1123, %mul3A_1124 : i32
      %get3A_1126 = arith.index_cast %mul3A_1125 : i32 to index
      %get3A_1127 = tpu.vector_load %arg6[%get3A_1126] {strides = array<i32>} : memref<2048xf32, #tpu.memory_space<vmem>>, vector<16xf32>,
      %mul3A_1128 = arith.constant 16 : i32
      %mul3A_1129 = arith.muli %scan3A_1123, %mul3A_1128 : i32
      %get3A_1130 = arith.index_cast %mul3A_1129 : i32 to index
      %get3A_1131 = tpu.vector_load %arg5[%get3A_1130] {strides = array<i32>} : memref<2048xf32, #tpu.memory_space<vmem>>, vector<16xf32>,
      %sub3A_1132 = arith.constant 1.000000e+00 : f32
      %sub3A_1133 = vector.broadcast %sub3A_1132 : f32 to vector<16xf32>
      %sub3A_1134 = arith.subf %sub3A_1133, %get3A_1127 : vector<16xf32>
      %mul3A_1135 = arith.mulf %get3A_1131, %sub3A_1134 : vector<16xf32>
      %select_n3A_1136 = arith.select %gt3A_381, %sub3A_1134, %mul3A_1135 : vector<16xi1>, vector<16xf32>
      %div3A_1137 = arith.divf %select_n3A_1136, %broadcast_in_dim3A_374 : vector<16xf32>
      %max3A_1138 = arith.constant 1.1920929E-7 : f32
      %max3A_1139 = vector.broadcast %max3A_1138 : f32 to vector<16xf32>
      %max3A_1140 = arith.maximumf %div3A_1137, %max3A_1139 : vector<16xf32>
      %min3A_1141 = arith.constant 0.99999988 : f32
      %min3A_1142 = vector.broadcast %min3A_1141 : f32 to vector<16xf32>
      %min3A_1143 = arith.minimumf %max3A_1140, %min3A_1142 : vector<16xf32>
      %bitcast_convert_type3A_1144 = tpu.bitcast %min3A_1143 : vector<16xf32> -> vector<16xi32>
      %shift_right_arithmetic3A_1145 = arith.constant 23 : i32
      %shift_right_arithmetic3A_1146 = vector.broadcast %shift_right_arithmetic3A_1145 : i32 to vector<16xi32>
      %shift_right_arithmetic3A_1147 = arith.shrsi %bitcast_convert_type3A_1144, %shift_right_arithmetic3A_1146 : vector<16xi32>
      %sub3A_1148 = arith.constant 127 : i32
      %sub3A_1149 = vector.broadcast %sub3A_1148 : i32 to vector<16xi32>
      %sub3A_1150 = arith.subi %shift_right_arithmetic3A_1147, %sub3A_1149 : vector<16xi32>
      %convert_element_type3A_1151 = arith.sitofp %sub3A_1150 : vector<16xi32> to vector<16xf32>
      %and3A_1152 = arith.constant 8388607 : i32
      %and3A_1153 = vector.broadcast %and3A_1152 : i32 to vector<16xi32>
      %and3A_1154 = arith.andi %bitcast_convert_type3A_1144, %and3A_1153 : vector<16xi32>
      %or3A_1155 = arith.constant 1065353216 : i32
      %or3A_1156 = vector.broadcast %or3A_1155 : i32 to vector<16xi32>
      %or3A_1157 = arith.ori %and3A_1154, %or3A_1156 : vector<16xi32>
      %bitcast_convert_type3A_1158 = tpu.bitcast %or3A_1157 : vector<16xi32> -> vector<16xf32>
      %sub3A_1159 = arith.constant 1.000000e+00 : f32
      %sub3A_1160 = vector.broadcast %sub3A_1159 : f32 to vector<16xf32>
      %sub3A_1161 = arith.subf %bitcast_convert_type3A_1158, %sub3A_1160 : vector<16xf32>
      %mul3A_1162 = arith.constant 0.0434283651 : f32
      %mul3A_1163 = vector.broadcast %mul3A_1162 : f32 to vector<16xf32>
      %mul3A_1164 = arith.mulf %mul3A_1163, %sub3A_1161 : vector<16xf32>
      %add3A_1165 = arith.constant -0.187720492 : f32
      %add3A_1166 = vector.broadcast %add3A_1165 : f32 to vector<16xf32>
      %add3A_1167 = arith.addf %mul3A_1164, %add3A_1166 : vector<16xf32>
      %mul3A_1168 = arith.mulf %add3A_1167, %sub3A_1161 : vector<16xf32>
      %add3A_1169 = arith.constant 0.408718944 : f32
      %add3A_1170 = vector.broadcast %add3A_1169 : f32 to vector<16xf32>
      %add3A_1171 = arith.addf %mul3A_1168, %add3A_1170 : vector<16xf32>
      %mul3A_1172 = arith.mulf %add3A_1171, %sub3A_1161 : vector<16xf32>
      %add3A_1173 = arith.constant -0.705702602 : f32
      %add3A_1174 = vector.broadcast %add3A_1173 : f32 to vector<16xf32>
      %add3A_1175 = arith.addf %mul3A_1172, %add3A_1174 : vector<16xf32>
      %mul3A_1176 = arith.mulf %add3A_1175, %sub3A_1161 : vector<16xf32>
      %add3A_1177 = arith.constant 1.44126713 : f32
      %add3A_1178 = vector.broadcast %add3A_1177 : f32 to vector<16xf32>
      %add3A_1179 = arith.addf %mul3A_1176, %add3A_1178 : vector<16xf32>
      %mul3A_1180 = arith.mulf %add3A_1179, %sub3A_1161 : vector<16xf32>
      %add3A_1181 = arith.constant 3.19308565E-5 : f32
      %add3A_1182 = vector.broadcast %add3A_1181 : f32 to vector<16xf32>
      %add3A_1183 = arith.addf %mul3A_1180, %add3A_1182 : vector<16xf32>
      %add3A_1184 = arith.addf %convert_element_type3A_1151, %add3A_1183 : vector<16xf32>
      %mul3A_1185 = arith.constant 0.693147182 : f32
      %mul3A_1186 = vector.broadcast %mul3A_1185 : f32 to vector<16xf32>
      %mul3A_1187 = arith.mulf %add3A_1184, %mul3A_1186 : vector<16xf32>
      %mul3A_1188 = arith.mulf %div3A_1137, %mul3A_1187 : vector<16xf32>
      %sub3A_1189 = arith.subf %sub3A_1114, %mul3A_1188 : vector<16xf32>
      %gt3A_1190 = arith.cmpf ogt, %div3A_1137, %select_n3A_1116 : vector<16xf32>
      %select_n3A_1191 = arith.select %gt3A_1190, %div3A_1137, %select_n3A_1116 : vector<16xi1>, vector<16xf32>
      %mul3A_1192 = arith.constant 16 : i32
      %mul3A_1193 = arith.muli %scan3A_1123, %mul3A_1192 : i32
      %add3A_1194 = vector.broadcast %mul3A_1193 : i32 to vector<16xi32>
      %add3A_1195 = arith.addi %iota3A_382, %add3A_1194 : vector<16xi32>
      %select_n3A_1196 = arith.select %gt3A_1190, %add3A_1195, %select_n3A_1121 : vector<16xi1>, vector<16xi32>
      %scan3A_1197 = arith.constant 7 : i32
      %scan3A_1198 = arith.addi %scan3A_672, %scan3A_1197 : i32
      %mul3A_1199 = arith.constant 16 : i32
      %mul3A_1200 = arith.muli %scan3A_1198, %mul3A_1199 : i32
      %get3A_1201 = arith.index_cast %mul3A_1200 : i32 to index
      %get3A_1202 = tpu.vector_load %arg6[%get3A_1201] {strides = array<i32>} : memref<2048xf32, #tpu.memory_space<vmem>>, vector<16xf32>,
      %mul3A_1203 = arith.constant 16 : i32
      %mul3A_1204 = arith.muli %scan3A_1198, %mul3A_1203 : i32
      %get3A_1205 = arith.index_cast %mul3A_1204 : i32 to index
      %get3A_1206 = tpu.vector_load %arg5[%get3A_1205] {strides = array<i32>} : memref<2048xf32, #tpu.memory_space<vmem>>, vector<16xf32>,
      %sub3A_1207 = arith.constant 1.000000e+00 : f32
      %sub3A_1208 = vector.broadcast %sub3A_1207 : f32 to vector<16xf32>
      %sub3A_1209 = arith.subf %sub3A_1208, %get3A_1202 : vector<16xf32>
      %mul3A_1210 = arith.mulf %get3A_1206, %sub3A_1209 : vector<16xf32>
      %select_n3A_1211 = arith.select %gt3A_381, %sub3A_1209, %mul3A_1210 : vector<16xi1>, vector<16xf32>
      %div3A_1212 = arith.divf %select_n3A_1211, %broadcast_in_dim3A_374 : vector<16xf32>
      %max3A_1213 = arith.constant 1.1920929E-7 : f32
      %max3A_1214 = vector.broadcast %max3A_1213 : f32 to vector<16xf32>
      %max3A_1215 = arith.maximumf %div3A_1212, %max3A_1214 : vector<16xf32>
      %min3A_1216 = arith.constant 0.99999988 : f32
      %min3A_1217 = vector.broadcast %min3A_1216 : f32 to vector<16xf32>
      %min3A_1218 = arith.minimumf %max3A_1215, %min3A_1217 : vector<16xf32>
      %bitcast_convert_type3A_1219 = tpu.bitcast %min3A_1218 : vector<16xf32> -> vector<16xi32>
      %shift_right_arithmetic3A_1220 = arith.constant 23 : i32
      %shift_right_arithmetic3A_1221 = vector.broadcast %shift_right_arithmetic3A_1220 : i32 to vector<16xi32>
      %shift_right_arithmetic3A_1222 = arith.shrsi %bitcast_convert_type3A_1219, %shift_right_arithmetic3A_1221 : vector<16xi32>
      %sub3A_1223 = arith.constant 127 : i32
      %sub3A_1224 = vector.broadcast %sub3A_1223 : i32 to vector<16xi32>
      %sub3A_1225 = arith.subi %shift_right_arithmetic3A_1222, %sub3A_1224 : vector<16xi32>
      %convert_element_type3A_1226 = arith.sitofp %sub3A_1225 : vector<16xi32> to vector<16xf32>
      %and3A_1227 = arith.constant 8388607 : i32
      %and3A_1228 = vector.broadcast %and3A_1227 : i32 to vector<16xi32>
      %and3A_1229 = arith.andi %bitcast_convert_type3A_1219, %and3A_1228 : vector<16xi32>
      %or3A_1230 = arith.constant 1065353216 : i32
      %or3A_1231 = vector.broadcast %or3A_1230 : i32 to vector<16xi32>
      %or3A_1232 = arith.ori %and3A_1229, %or3A_1231 : vector<16xi32>
      %bitcast_convert_type3A_1233 = tpu.bitcast %or3A_1232 : vector<16xi32> -> vector<16xf32>
      %sub3A_1234 = arith.constant 1.000000e+00 : f32
      %sub3A_1235 = vector.broadcast %sub3A_1234 : f32 to vector<16xf32>
      %sub3A_1236 = arith.subf %bitcast_convert_type3A_1233, %sub3A_1235 : vector<16xf32>
      %mul3A_1237 = arith.constant 0.0434283651 : f32
      %mul3A_1238 = vector.broadcast %mul3A_1237 : f32 to vector<16xf32>
      %mul3A_1239 = arith.mulf %mul3A_1238, %sub3A_1236 : vector<16xf32>
      %add3A_1240 = arith.constant -0.187720492 : f32
      %add3A_1241 = vector.broadcast %add3A_1240 : f32 to vector<16xf32>
      %add3A_1242 = arith.addf %mul3A_1239, %add3A_1241 : vector<16xf32>
      %mul3A_1243 = arith.mulf %add3A_1242, %sub3A_1236 : vector<16xf32>
      %add3A_1244 = arith.constant 0.408718944 : f32
      %add3A_1245 = vector.broadcast %add3A_1244 : f32 to vector<16xf32>
      %add3A_1246 = arith.addf %mul3A_1243, %add3A_1245 : vector<16xf32>
      %mul3A_1247 = arith.mulf %add3A_1246, %sub3A_1236 : vector<16xf32>
      %add3A_1248 = arith.constant -0.705702602 : f32
      %add3A_1249 = vector.broadcast %add3A_1248 : f32 to vector<16xf32>
      %add3A_1250 = arith.addf %mul3A_1247, %add3A_1249 : vector<16xf32>
      %mul3A_1251 = arith.mulf %add3A_1250, %sub3A_1236 : vector<16xf32>
      %add3A_1252 = arith.constant 1.44126713 : f32
      %add3A_1253 = vector.broadcast %add3A_1252 : f32 to vector<16xf32>
      %add3A_1254 = arith.addf %mul3A_1251, %add3A_1253 : vector<16xf32>
      %mul3A_1255 = arith.mulf %add3A_1254, %sub3A_1236 : vector<16xf32>
      %add3A_1256 = arith.constant 3.19308565E-5 : f32
      %add3A_1257 = vector.broadcast %add3A_1256 : f32 to vector<16xf32>
      %add3A_1258 = arith.addf %mul3A_1255, %add3A_1257 : vector<16xf32>
      %add3A_1259 = arith.addf %convert_element_type3A_1226, %add3A_1258 : vector<16xf32>
      %mul3A_1260 = arith.constant 0.693147182 : f32
      %mul3A_1261 = vector.broadcast %mul3A_1260 : f32 to vector<16xf32>
      %mul3A_1262 = arith.mulf %add3A_1259, %mul3A_1261 : vector<16xf32>
      %mul3A_1263 = arith.mulf %div3A_1212, %mul3A_1262 : vector<16xf32>
      %sub3A_1264 = arith.subf %sub3A_1189, %mul3A_1263 : vector<16xf32>
      %gt3A_1265 = arith.cmpf ogt, %div3A_1212, %select_n3A_1191 : vector<16xf32>
      %select_n3A_1266 = arith.select %gt3A_1265, %div3A_1212, %select_n3A_1191 : vector<16xi1>, vector<16xf32>
      %mul3A_1267 = arith.constant 16 : i32
      %mul3A_1268 = arith.muli %scan3A_1198, %mul3A_1267 : i32
      %add3A_1269 = vector.broadcast %mul3A_1268 : i32 to vector<16xi32>
      %add3A_1270 = arith.addi %iota3A_382, %add3A_1269 : vector<16xi32>
      %select_n3A_1271 = arith.select %gt3A_1265, %add3A_1270, %select_n3A_1196 : vector<16xi1>, vector<16xi32>
      scf.yield %sub3A_1264, %select_n3A_1266, %select_n3A_1271 : vector<16xf32>, vector<16xf32>, vector<16xi32>
    }
    %scan3A_392 = arith.constant 128 : i32
    %reduce_sum3A_393 = arith.constant true
    %reduce_sum3A_394 = vector.broadcast %reduce_sum3A_393 : i1 to vector<16xi1>
    %reduce_sum3A_395 = tpu.scan <sum>, %scan3A_391#0 masked %reduce_sum3A_394 : vector<16xf32>, vector<16xi1> -> vector<16xf32>
    %reduce_sum3A_396 = vector.extract %reduce_sum3A_395[15] : f32 from vector<16xf32>
    %reduce_max3A_397 = arith.constant true
    %reduce_max3A_398 = vector.broadcast %reduce_max3A_397 : i1 to vector<16xi1>
    %reduce_max3A_399 = tpu.scan <max>, %scan3A_391#1 masked %reduce_max3A_398 : vector<16xf32>, vector<16xi1> -> vector<16xf32>
    %reduce_max3A_400 = vector.extract %reduce_max3A_399[15] : f32 from vector<16xf32>
    %broadcast_in_dim3A_401 = vector.broadcast %reduce_max3A_400 : f32 to vector<16xf32>
    %eq3A_402 = arith.cmpf oeq, %scan3A_391#1, %broadcast_in_dim3A_401 : vector<16xf32>
    %jit3A_403 = arith.constant 1073741824 : i32
    %broadcast_in_dim3A_404 = vector.broadcast %jit3A_403 : i32 to vector<16xi32>
    %select_n3A_405 = arith.select %eq3A_402, %scan3A_391#2, %broadcast_in_dim3A_404 : vector<16xi1>, vector<16xi32>
    %reduce_min3A_406 = arith.constant true
    %reduce_min3A_407 = vector.broadcast %reduce_min3A_406 : i1 to vector<16xi1>
    %reduce_min3A_408 = arith.constant -2147483648 : i32
    %reduce_min3A_409 = vector.broadcast %reduce_min3A_408 : i32 to vector<16xi32>
    %reduce_min3A_410 = arith.xori %select_n3A_405, %reduce_min3A_409 : vector<16xi32>
    %reduce_min3A_411 = tpu.scan <min>, %reduce_min3A_410 masked %reduce_min3A_407 : vector<16xi32>, vector<16xi1> -> vector<16xi32>
    %reduce_min3A_412 = arith.xori %reduce_min3A_411, %reduce_min3A_409 : vector<16xi32>
    %reduce_min3A_413 = vector.extract %reduce_min3A_412[15] : i32 from vector<16xi32>
    %broadcast_in_dim3A_414 = vector.broadcast %reduce_max3A_400 : f32 to vector<16xf32>
    %max3A_415 = arith.constant 1.1920929E-7 : f32
    %max3A_416 = vector.broadcast %max3A_415 : f32 to vector<16xf32>
    %max3A_417 = arith.maximumf %broadcast_in_dim3A_414, %max3A_416 : vector<16xf32>
    %min3A_418 = arith.constant 0.99999988 : f32
    %min3A_419 = vector.broadcast %min3A_418 : f32 to vector<16xf32>
    %min3A_420 = arith.minimumf %max3A_417, %min3A_419 : vector<16xf32>
    %bitcast_convert_type3A_421 = tpu.bitcast %min3A_420 : vector<16xf32> -> vector<16xi32>
    %shift_right_arithmetic3A_422 = arith.constant 23 : i32
    %shift_right_arithmetic3A_423 = vector.broadcast %shift_right_arithmetic3A_422 : i32 to vector<16xi32>
    %shift_right_arithmetic3A_424 = arith.shrsi %bitcast_convert_type3A_421, %shift_right_arithmetic3A_423 : vector<16xi32>
    %sub3A_425 = arith.constant 127 : i32
    %sub3A_426 = vector.broadcast %sub3A_425 : i32 to vector<16xi32>
    %sub3A_427 = arith.subi %shift_right_arithmetic3A_424, %sub3A_426 : vector<16xi32>
    %convert_element_type3A_428 = arith.sitofp %sub3A_427 : vector<16xi32> to vector<16xf32>
    %and3A_429 = arith.constant 8388607 : i32
    %and3A_430 = vector.broadcast %and3A_429 : i32 to vector<16xi32>
    %and3A_431 = arith.andi %bitcast_convert_type3A_421, %and3A_430 : vector<16xi32>
    %or3A_432 = arith.constant 1065353216 : i32
    %or3A_433 = vector.broadcast %or3A_432 : i32 to vector<16xi32>
    %or3A_434 = arith.ori %and3A_431, %or3A_433 : vector<16xi32>
    %bitcast_convert_type3A_435 = tpu.bitcast %or3A_434 : vector<16xi32> -> vector<16xf32>
    %sub3A_436 = arith.constant 1.000000e+00 : f32
    %sub3A_437 = vector.broadcast %sub3A_436 : f32 to vector<16xf32>
    %sub3A_438 = arith.subf %bitcast_convert_type3A_435, %sub3A_437 : vector<16xf32>
    %mul3A_439 = arith.constant 0.0434283651 : f32
    %mul3A_440 = vector.broadcast %mul3A_439 : f32 to vector<16xf32>
    %mul3A_441 = arith.mulf %mul3A_440, %sub3A_438 : vector<16xf32>
    %add3A_442 = arith.constant -0.187720492 : f32
    %add3A_443 = vector.broadcast %add3A_442 : f32 to vector<16xf32>
    %add3A_444 = arith.addf %mul3A_441, %add3A_443 : vector<16xf32>
    %mul3A_445 = arith.mulf %add3A_444, %sub3A_438 : vector<16xf32>
    %add3A_446 = arith.constant 0.408718944 : f32
    %add3A_447 = vector.broadcast %add3A_446 : f32 to vector<16xf32>
    %add3A_448 = arith.addf %mul3A_445, %add3A_447 : vector<16xf32>
    %mul3A_449 = arith.mulf %add3A_448, %sub3A_438 : vector<16xf32>
    %add3A_450 = arith.constant -0.705702602 : f32
    %add3A_451 = vector.broadcast %add3A_450 : f32 to vector<16xf32>
    %add3A_452 = arith.addf %mul3A_449, %add3A_451 : vector<16xf32>
    %mul3A_453 = arith.mulf %add3A_452, %sub3A_438 : vector<16xf32>
    %add3A_454 = arith.constant 1.44126713 : f32
    %add3A_455 = vector.broadcast %add3A_454 : f32 to vector<16xf32>
    %add3A_456 = arith.addf %mul3A_453, %add3A_455 : vector<16xf32>
    %mul3A_457 = arith.mulf %add3A_456, %sub3A_438 : vector<16xf32>
    %add3A_458 = arith.constant 3.19308565E-5 : f32
    %add3A_459 = vector.broadcast %add3A_458 : f32 to vector<16xf32>
    %add3A_460 = arith.addf %mul3A_457, %add3A_459 : vector<16xf32>
    %add3A_461 = arith.addf %convert_element_type3A_428, %add3A_460 : vector<16xf32>
    %mul3A_462 = arith.constant 0.693147182 : f32
    %mul3A_463 = vector.broadcast %mul3A_462 : f32 to vector<16xf32>
    %mul3A_464 = arith.mulf %add3A_461, %mul3A_463 : vector<16xf32>
    %bitcast_convert_type3A_465 = tpu.bitcast %mul3A_464 : vector<16xf32> -> vector<16xi32>
    %reduce_max3A_466 = arith.constant true
    %reduce_max3A_467 = vector.broadcast %reduce_max3A_466 : i1 to vector<16xi1>
    %reduce_max3A_468 = arith.constant -2147483648 : i32
    %reduce_max3A_469 = vector.broadcast %reduce_max3A_468 : i32 to vector<16xi32>
    %reduce_max3A_470 = arith.xori %bitcast_convert_type3A_465, %reduce_max3A_469 : vector<16xi32>
    %reduce_max3A_471 = tpu.scan <max>, %reduce_max3A_470 masked %reduce_max3A_467 : vector<16xi32>, vector<16xi1> -> vector<16xi32>
    %reduce_max3A_472 = arith.xori %reduce_max3A_471, %reduce_max3A_469 : vector<16xi32>
    %reduce_max3A_473 = vector.extract %reduce_max3A_472[15] : i32 from vector<16xi32>
    %broadcast_in_dim3A_474 = vector.broadcast %reduce_sum3A_396 : f32 to vector<16xf32>
    %bitcast_convert_type3A_475 = tpu.bitcast %broadcast_in_dim3A_474 : vector<16xf32> -> vector<16xi32>
    %reduce_max3A_476 = arith.constant true
    %reduce_max3A_477 = vector.broadcast %reduce_max3A_476 : i1 to vector<16xi1>
    %reduce_max3A_478 = arith.constant -2147483648 : i32
    %reduce_max3A_479 = vector.broadcast %reduce_max3A_478 : i32 to vector<16xi32>
    %reduce_max3A_480 = arith.xori %bitcast_convert_type3A_475, %reduce_max3A_479 : vector<16xi32>
    %reduce_max3A_481 = tpu.scan <max>, %reduce_max3A_480 masked %reduce_max3A_477 : vector<16xi32>, vector<16xi1> -> vector<16xi32>
    %reduce_max3A_482 = arith.xori %reduce_max3A_481, %reduce_max3A_479 : vector<16xi32>
    %reduce_max3A_483 = vector.extract %reduce_max3A_482[15] : i32 from vector<16xi32>
    %eq3A_484 = arith.constant 6 : i32
    %eq3A_485 = vector.broadcast %eq3A_484 : i32 to vector<16xi32>
    %eq3A_486 = arith.cmpi eq, %iota3A, %eq3A_485 : vector<16xi32>
    %broadcast_in_dim3A_487 = vector.broadcast %reduce_min3A_413 : i32 to vector<16xi32>
    %select_n3A_488 = arith.select %eq3A_486, %broadcast_in_dim3A_487, %select_n3A_326 : vector<16xi1>, vector<16xi32>
    %eq3A_489 = arith.constant 7 : i32
    %eq3A_490 = vector.broadcast %eq3A_489 : i32 to vector<16xi32>
    %eq3A_491 = arith.cmpi eq, %iota3A, %eq3A_490 : vector<16xi32>
    %broadcast_in_dim3A_492 = vector.broadcast %reduce_max3A_473 : i32 to vector<16xi32>
    %select_n3A_493 = arith.select %eq3A_491, %broadcast_in_dim3A_492, %select_n3A_488 : vector<16xi1>, vector<16xi32>
    %eq3A_494 = arith.constant 8 : i32
    %eq3A_495 = vector.broadcast %eq3A_494 : i32 to vector<16xi32>
    %eq3A_496 = arith.cmpi eq, %iota3A, %eq3A_495 : vector<16xi32>
    %broadcast_in_dim3A_497 = vector.broadcast %reduce_max3A_483 : i32 to vector<16xi32>
    %select_n3A_498 = arith.select %eq3A_496, %broadcast_in_dim3A_497, %select_n3A_493 : vector<16xi1>, vector<16xi32>
    %mul3A_499 = arith.constant 4 : i32
    %mul3A_500 = arith.muli %add3A, %mul3A_499 : i32
    %add3A_501 = arith.constant 3 : i32
    %add3A_502 = arith.addi %mul3A_500, %add3A_501 : i32
    %dma_start3A_503 = arith.constant 0 : i32
    %dma_start3A_504 = tpu.memref_slice %arg2[%add3A_502, %dma_start3A_503] : memref<128x2048xf32, #tpu.memory_space<hbm>> -> memref<1x2048xf32, #tpu.memory_space<hbm>>
    %dma_start3A_505 = tpu.memref_squeeze %dma_start3A_504 : memref<1x2048xf32, #tpu.memory_space<hbm>> -> memref<2048xf32, #tpu.memory_space<hbm>>
    %dma_start3A_506 = arith.constant 0 : i32
    %dma_start3A_507 = tpu.memref_slice %arg2[%add3A_502, %dma_start3A_506] : memref<128x2048xf32, #tpu.memory_space<hbm>> -> memref<1x2048xf32, #tpu.memory_space<hbm>>
    %dma_start3A_508 = tpu.memref_squeeze %dma_start3A_507 : memref<1x2048xf32, #tpu.memory_space<hbm>> -> memref<2048xf32, #tpu.memory_space<hbm>>
    tpu.enqueue_dma source(%dma_start3A_508 : memref<2048xf32, #tpu.memory_space<hbm>>) target(%arg5 : memref<2048xf32, #tpu.memory_space<vmem>>) target_semaphore(%arg8 : memref<!tpu.dma_semaphore, #tpu.memory_space<semaphore_mem>>)
    %dma_start3A_509 = arith.constant 0 : i32
    %dma_start3A_510 = tpu.memref_slice %arg3[%add3A_502, %dma_start3A_509] : memref<128x2048xf32, #tpu.memory_space<hbm>> -> memref<1x2048xf32, #tpu.memory_space<hbm>>
    %dma_start3A_511 = tpu.memref_squeeze %dma_start3A_510 : memref<1x2048xf32, #tpu.memory_space<hbm>> -> memref<2048xf32, #tpu.memory_space<hbm>>
    %dma_start3A_512 = arith.constant 0 : i32
    %dma_start3A_513 = tpu.memref_slice %arg3[%add3A_502, %dma_start3A_512] : memref<128x2048xf32, #tpu.memory_space<hbm>> -> memref<1x2048xf32, #tpu.memory_space<hbm>>
    %dma_start3A_514 = tpu.memref_squeeze %dma_start3A_513 : memref<1x2048xf32, #tpu.memory_space<hbm>> -> memref<2048xf32, #tpu.memory_space<hbm>>
    tpu.enqueue_dma source(%dma_start3A_514 : memref<2048xf32, #tpu.memory_space<hbm>>) target(%arg6 : memref<2048xf32, #tpu.memory_space<vmem>>) target_semaphore(%arg9 : memref<!tpu.dma_semaphore, #tpu.memory_space<semaphore_mem>>)
    %dma_wait3A_515 = arith.constant 0 : i32
    %dma_wait3A_516 = tpu.memref_slice %arg2[%add3A_502, %dma_wait3A_515] : memref<128x2048xf32, #tpu.memory_space<hbm>> -> memref<1x2048xf32, #tpu.memory_space<hbm>>
    %dma_wait3A_517 = tpu.memref_squeeze %dma_wait3A_516 : memref<1x2048xf32, #tpu.memory_space<hbm>> -> memref<2048xf32, #tpu.memory_space<hbm>>
    %dma_wait3A_518 = arith.constant 0 : i32
    %dma_wait3A_519 = tpu.memref_slice %arg2[%add3A_502, %dma_wait3A_518] : memref<128x2048xf32, #tpu.memory_space<hbm>> -> memref<1x2048xf32, #tpu.memory_space<hbm>>
    %dma_wait3A_520 = tpu.memref_squeeze %dma_wait3A_519 : memref<1x2048xf32, #tpu.memory_space<hbm>> -> memref<2048xf32, #tpu.memory_space<hbm>>
    tpu.wait_dma2 semaphore(%arg8 : memref<!tpu.dma_semaphore, #tpu.memory_space<semaphore_mem>>) src(%dma_wait3A_520 : memref<2048xf32, #tpu.memory_space<hbm>>) dst(%arg5 : memref<2048xf32, #tpu.memory_space<vmem>>)
    %dma_wait3A_521 = arith.constant 0 : i32
    %dma_wait3A_522 = tpu.memref_slice %arg3[%add3A_502, %dma_wait3A_521] : memref<128x2048xf32, #tpu.memory_space<hbm>> -> memref<1x2048xf32, #tpu.memory_space<hbm>>
    %dma_wait3A_523 = tpu.memref_squeeze %dma_wait3A_522 : memref<1x2048xf32, #tpu.memory_space<hbm>> -> memref<2048xf32, #tpu.memory_space<hbm>>
    %dma_wait3A_524 = arith.constant 0 : i32
    %dma_wait3A_525 = tpu.memref_slice %arg3[%add3A_502, %dma_wait3A_524] : memref<128x2048xf32, #tpu.memory_space<hbm>> -> memref<1x2048xf32, #tpu.memory_space<hbm>>
    %dma_wait3A_526 = tpu.memref_squeeze %dma_wait3A_525 : memref<1x2048xf32, #tpu.memory_space<hbm>> -> memref<2048xf32, #tpu.memory_space<hbm>>
    tpu.wait_dma2 semaphore(%arg9 : memref<!tpu.dma_semaphore, #tpu.memory_space<semaphore_mem>>) src(%dma_wait3A_526 : memref<2048xf32, #tpu.memory_space<hbm>>) dst(%arg6 : memref<2048xf32, #tpu.memory_space<vmem>>)
    %broadcast_in_dim3A_527 = arith.constant 0.000000e+00 : f32
    %broadcast_in_dim3A_528 = vector.broadcast %broadcast_in_dim3A_527 : f32 to vector<16xf32>
    %scan3A_529 = arith.constant 0 : i32
    %scan3A_530 = arith.constant 128 : i32
    %scan3A_531 = arith.addi %scan3A_529, %scan3A_530 : i32
    %scan3A_532 = arith.constant 8 : i32
    %scan3A_533:2 = scf.for %scan3A_672 = %scan3A_529 to %scan3A_531 step %scan3A_532 iter_args(%scan3A_673 = %broadcast_in_dim3A_528, %scan3A_674 = %broadcast_in_dim3A_528) -> (vector<16xf32>, vector<16xf32>)  : i32 {
      %mul3A_675 = arith.constant 16 : i32
      %mul3A_676 = arith.muli %scan3A_672, %mul3A_675 : i32
      %get3A = arith.index_cast %mul3A_676 : i32 to index
      %get3A_677 = tpu.vector_load %arg6[%get3A] {strides = array<i32>} : memref<2048xf32, #tpu.memory_space<vmem>>, vector<16xf32>,
      %mul3A_678 = arith.constant 16 : i32
      %mul3A_679 = arith.muli %scan3A_672, %mul3A_678 : i32
      %get3A_680 = arith.index_cast %mul3A_679 : i32 to index
      %get3A_681 = tpu.vector_load %arg5[%get3A_680] {strides = array<i32>} : memref<2048xf32, #tpu.memory_space<vmem>>, vector<16xf32>,
      %sub3A_682 = arith.constant 1.000000e+00 : f32
      %sub3A_683 = vector.broadcast %sub3A_682 : f32 to vector<16xf32>
      %sub3A_684 = arith.subf %sub3A_683, %get3A_677 : vector<16xf32>
      %mul3A_685 = arith.mulf %get3A_681, %sub3A_684 : vector<16xf32>
      %add3A_686 = arith.addf %scan3A_673, %mul3A_685 : vector<16xf32>
      %add3A_687 = arith.addf %scan3A_674, %sub3A_684 : vector<16xf32>
      %scan3A_688 = arith.constant 1 : i32
      %scan3A_689 = arith.addi %scan3A_672, %scan3A_688 : i32
      %mul3A_690 = arith.constant 16 : i32
      %mul3A_691 = arith.muli %scan3A_689, %mul3A_690 : i32
      %get3A_692 = arith.index_cast %mul3A_691 : i32 to index
      %get3A_693 = tpu.vector_load %arg6[%get3A_692] {strides = array<i32>} : memref<2048xf32, #tpu.memory_space<vmem>>, vector<16xf32>,
      %mul3A_694 = arith.constant 16 : i32
      %mul3A_695 = arith.muli %scan3A_689, %mul3A_694 : i32
      %get3A_696 = arith.index_cast %mul3A_695 : i32 to index
      %get3A_697 = tpu.vector_load %arg5[%get3A_696] {strides = array<i32>} : memref<2048xf32, #tpu.memory_space<vmem>>, vector<16xf32>,
      %sub3A_698 = arith.constant 1.000000e+00 : f32
      %sub3A_699 = vector.broadcast %sub3A_698 : f32 to vector<16xf32>
      %sub3A_700 = arith.subf %sub3A_699, %get3A_693 : vector<16xf32>
      %mul3A_701 = arith.mulf %get3A_697, %sub3A_700 : vector<16xf32>
      %add3A_702 = arith.addf %add3A_686, %mul3A_701 : vector<16xf32>
      %add3A_703 = arith.addf %add3A_687, %sub3A_700 : vector<16xf32>
      %scan3A_704 = arith.constant 2 : i32
      %scan3A_705 = arith.addi %scan3A_672, %scan3A_704 : i32
      %mul3A_706 = arith.constant 16 : i32
      %mul3A_707 = arith.muli %scan3A_705, %mul3A_706 : i32
      %get3A_708 = arith.index_cast %mul3A_707 : i32 to index
      %get3A_709 = tpu.vector_load %arg6[%get3A_708] {strides = array<i32>} : memref<2048xf32, #tpu.memory_space<vmem>>, vector<16xf32>,
      %mul3A_710 = arith.constant 16 : i32
      %mul3A_711 = arith.muli %scan3A_705, %mul3A_710 : i32
      %get3A_712 = arith.index_cast %mul3A_711 : i32 to index
      %get3A_713 = tpu.vector_load %arg5[%get3A_712] {strides = array<i32>} : memref<2048xf32, #tpu.memory_space<vmem>>, vector<16xf32>,
      %sub3A_714 = arith.constant 1.000000e+00 : f32
      %sub3A_715 = vector.broadcast %sub3A_714 : f32 to vector<16xf32>
      %sub3A_716 = arith.subf %sub3A_715, %get3A_709 : vector<16xf32>
      %mul3A_717 = arith.mulf %get3A_713, %sub3A_716 : vector<16xf32>
      %add3A_718 = arith.addf %add3A_702, %mul3A_717 : vector<16xf32>
      %add3A_719 = arith.addf %add3A_703, %sub3A_716 : vector<16xf32>
      %scan3A_720 = arith.constant 3 : i32
      %scan3A_721 = arith.addi %scan3A_672, %scan3A_720 : i32
      %mul3A_722 = arith.constant 16 : i32
      %mul3A_723 = arith.muli %scan3A_721, %mul3A_722 : i32
      %get3A_724 = arith.index_cast %mul3A_723 : i32 to index
      %get3A_725 = tpu.vector_load %arg6[%get3A_724] {strides = array<i32>} : memref<2048xf32, #tpu.memory_space<vmem>>, vector<16xf32>,
      %mul3A_726 = arith.constant 16 : i32
      %mul3A_727 = arith.muli %scan3A_721, %mul3A_726 : i32
      %get3A_728 = arith.index_cast %mul3A_727 : i32 to index
      %get3A_729 = tpu.vector_load %arg5[%get3A_728] {strides = array<i32>} : memref<2048xf32, #tpu.memory_space<vmem>>, vector<16xf32>,
      %sub3A_730 = arith.constant 1.000000e+00 : f32
      %sub3A_731 = vector.broadcast %sub3A_730 : f32 to vector<16xf32>
      %sub3A_732 = arith.subf %sub3A_731, %get3A_725 : vector<16xf32>
      %mul3A_733 = arith.mulf %get3A_729, %sub3A_732 : vector<16xf32>
      %add3A_734 = arith.addf %add3A_718, %mul3A_733 : vector<16xf32>
      %add3A_735 = arith.addf %add3A_719, %sub3A_732 : vector<16xf32>
      %scan3A_736 = arith.constant 4 : i32
      %scan3A_737 = arith.addi %scan3A_672, %scan3A_736 : i32
      %mul3A_738 = arith.constant 16 : i32
      %mul3A_739 = arith.muli %scan3A_737, %mul3A_738 : i32
      %get3A_740 = arith.index_cast %mul3A_739 : i32 to index
      %get3A_741 = tpu.vector_load %arg6[%get3A_740] {strides = array<i32>} : memref<2048xf32, #tpu.memory_space<vmem>>, vector<16xf32>,
      %mul3A_742 = arith.constant 16 : i32
      %mul3A_743 = arith.muli %scan3A_737, %mul3A_742 : i32
      %get3A_744 = arith.index_cast %mul3A_743 : i32 to index
      %get3A_745 = tpu.vector_load %arg5[%get3A_744] {strides = array<i32>} : memref<2048xf32, #tpu.memory_space<vmem>>, vector<16xf32>,
      %sub3A_746 = arith.constant 1.000000e+00 : f32
      %sub3A_747 = vector.broadcast %sub3A_746 : f32 to vector<16xf32>
      %sub3A_748 = arith.subf %sub3A_747, %get3A_741 : vector<16xf32>
      %mul3A_749 = arith.mulf %get3A_745, %sub3A_748 : vector<16xf32>
      %add3A_750 = arith.addf %add3A_734, %mul3A_749 : vector<16xf32>
      %add3A_751 = arith.addf %add3A_735, %sub3A_748 : vector<16xf32>
      %scan3A_752 = arith.constant 5 : i32
      %scan3A_753 = arith.addi %scan3A_672, %scan3A_752 : i32
      %mul3A_754 = arith.constant 16 : i32
      %mul3A_755 = arith.muli %scan3A_753, %mul3A_754 : i32
      %get3A_756 = arith.index_cast %mul3A_755 : i32 to index
      %get3A_757 = tpu.vector_load %arg6[%get3A_756] {strides = array<i32>} : memref<2048xf32, #tpu.memory_space<vmem>>, vector<16xf32>,
      %mul3A_758 = arith.constant 16 : i32
      %mul3A_759 = arith.muli %scan3A_753, %mul3A_758 : i32
      %get3A_760 = arith.index_cast %mul3A_759 : i32 to index
      %get3A_761 = tpu.vector_load %arg5[%get3A_760] {strides = array<i32>} : memref<2048xf32, #tpu.memory_space<vmem>>, vector<16xf32>,
      %sub3A_762 = arith.constant 1.000000e+00 : f32
      %sub3A_763 = vector.broadcast %sub3A_762 : f32 to vector<16xf32>
      %sub3A_764 = arith.subf %sub3A_763, %get3A_757 : vector<16xf32>
      %mul3A_765 = arith.mulf %get3A_761, %sub3A_764 : vector<16xf32>
      %add3A_766 = arith.addf %add3A_750, %mul3A_765 : vector<16xf32>
      %add3A_767 = arith.addf %add3A_751, %sub3A_764 : vector<16xf32>
      %scan3A_768 = arith.constant 6 : i32
      %scan3A_769 = arith.addi %scan3A_672, %scan3A_768 : i32
      %mul3A_770 = arith.constant 16 : i32
      %mul3A_771 = arith.muli %scan3A_769, %mul3A_770 : i32
      %get3A_772 = arith.index_cast %mul3A_771 : i32 to index
      %get3A_773 = tpu.vector_load %arg6[%get3A_772] {strides = array<i32>} : memref<2048xf32, #tpu.memory_space<vmem>>, vector<16xf32>,
      %mul3A_774 = arith.constant 16 : i32
      %mul3A_775 = arith.muli %scan3A_769, %mul3A_774 : i32
      %get3A_776 = arith.index_cast %mul3A_775 : i32 to index
      %get3A_777 = tpu.vector_load %arg5[%get3A_776] {strides = array<i32>} : memref<2048xf32, #tpu.memory_space<vmem>>, vector<16xf32>,
      %sub3A_778 = arith.constant 1.000000e+00 : f32
      %sub3A_779 = vector.broadcast %sub3A_778 : f32 to vector<16xf32>
      %sub3A_780 = arith.subf %sub3A_779, %get3A_773 : vector<16xf32>
      %mul3A_781 = arith.mulf %get3A_777, %sub3A_780 : vector<16xf32>
      %add3A_782 = arith.addf %add3A_766, %mul3A_781 : vector<16xf32>
      %add3A_783 = arith.addf %add3A_767, %sub3A_780 : vector<16xf32>
      %scan3A_784 = arith.constant 7 : i32
      %scan3A_785 = arith.addi %scan3A_672, %scan3A_784 : i32
      %mul3A_786 = arith.constant 16 : i32
      %mul3A_787 = arith.muli %scan3A_785, %mul3A_786 : i32
      %get3A_788 = arith.index_cast %mul3A_787 : i32 to index
      %get3A_789 = tpu.vector_load %arg6[%get3A_788] {strides = array<i32>} : memref<2048xf32, #tpu.memory_space<vmem>>, vector<16xf32>,
      %mul3A_790 = arith.constant 16 : i32
      %mul3A_791 = arith.muli %scan3A_785, %mul3A_790 : i32
      %get3A_792 = arith.index_cast %mul3A_791 : i32 to index
      %get3A_793 = tpu.vector_load %arg5[%get3A_792] {strides = array<i32>} : memref<2048xf32, #tpu.memory_space<vmem>>, vector<16xf32>,
      %sub3A_794 = arith.constant 1.000000e+00 : f32
      %sub3A_795 = vector.broadcast %sub3A_794 : f32 to vector<16xf32>
      %sub3A_796 = arith.subf %sub3A_795, %get3A_789 : vector<16xf32>
      %mul3A_797 = arith.mulf %get3A_793, %sub3A_796 : vector<16xf32>
      %add3A_798 = arith.addf %add3A_782, %mul3A_797 : vector<16xf32>
      %add3A_799 = arith.addf %add3A_783, %sub3A_796 : vector<16xf32>
      scf.yield %add3A_798, %add3A_799 : vector<16xf32>, vector<16xf32>
    }
    %scan3A_534 = arith.constant 128 : i32
    %reduce_sum3A_535 = arith.constant true
    %reduce_sum3A_536 = vector.broadcast %reduce_sum3A_535 : i1 to vector<16xi1>
    %reduce_sum3A_537 = tpu.scan <sum>, %scan3A_533#0 masked %reduce_sum3A_536 : vector<16xf32>, vector<16xi1> -> vector<16xf32>
    %reduce_sum3A_538 = vector.extract %reduce_sum3A_537[15] : f32 from vector<16xf32>
    %reduce_sum3A_539 = arith.constant true
    %reduce_sum3A_540 = vector.broadcast %reduce_sum3A_539 : i1 to vector<16xi1>
    %reduce_sum3A_541 = tpu.scan <sum>, %scan3A_533#1 masked %reduce_sum3A_540 : vector<16xf32>, vector<16xi1> -> vector<16xf32>
    %reduce_sum3A_542 = vector.extract %reduce_sum3A_541[15] : f32 from vector<16xf32>
    %lt3A_543 = arith.constant 9.99999974E-5 : f32
    %lt3A_544 = arith.cmpf olt, %reduce_sum3A_538, %lt3A_543 : f32
    %select_n3A_545 = arith.select %lt3A_544, %reduce_sum3A_542, %reduce_sum3A_538 : f32
    %broadcast_in_dim3A_546 = vector.broadcast %select_n3A_545 : f32 to vector<16xf32>
    %jit3A_547 = arith.constant 1.000000e+00 : f32
    %jit3A_548 = arith.constant 0.000000e+00 : f32
    %select_n3A_549 = arith.select %lt3A_544, %jit3A_547, %jit3A_548 : f32
    %broadcast_in_dim3A_550 = vector.broadcast %select_n3A_549 : f32 to vector<16xf32>
    %gt3A_551 = arith.constant 5.000000e-01 : f32
    %gt3A_552 = vector.broadcast %gt3A_551 : f32 to vector<16xf32>
    %gt3A_553 = arith.cmpf ogt, %broadcast_in_dim3A_550, %gt3A_552 : vector<16xf32>
    %iota3A_554 = tpu.iota {dimensions = array<i32: 0>} : vector<16xi32>
    %broadcast_in_dim3A_555 = arith.constant -1.000000e+00 : f32
    %broadcast_in_dim3A_556 = vector.broadcast %broadcast_in_dim3A_555 : f32 to vector<16xf32>
    %broadcast_in_dim3A_557 = arith.constant 0 : i32
    %broadcast_in_dim3A_558 = vector.broadcast %broadcast_in_dim3A_557 : i32 to vector<16xi32>
    %scan3A_559 = arith.constant 0 : i32
    %scan3A_560 = arith.constant 128 : i32
    %scan3A_561 = arith.addi %scan3A_559, %scan3A_560 : i32
    %scan3A_562 = arith.constant 8 : i32
    %scan3A_563:3 = scf.for %scan3A_672 = %scan3A_559 to %scan3A_561 step %scan3A_562 iter_args(%scan3A_673 = %broadcast_in_dim3A_528, %scan3A_674 = %broadcast_in_dim3A_556, %scan3A_675 = %broadcast_in_dim3A_558) -> (vector<16xf32>, vector<16xf32>, vector<16xi32>)  : i32 {
      %mul3A_676 = arith.constant 16 : i32
      %mul3A_677 = arith.muli %scan3A_672, %mul3A_676 : i32
      %get3A = arith.index_cast %mul3A_677 : i32 to index
      %get3A_678 = tpu.vector_load %arg6[%get3A] {strides = array<i32>} : memref<2048xf32, #tpu.memory_space<vmem>>, vector<16xf32>,
      %mul3A_679 = arith.constant 16 : i32
      %mul3A_680 = arith.muli %scan3A_672, %mul3A_679 : i32
      %get3A_681 = arith.index_cast %mul3A_680 : i32 to index
      %get3A_682 = tpu.vector_load %arg5[%get3A_681] {strides = array<i32>} : memref<2048xf32, #tpu.memory_space<vmem>>, vector<16xf32>,
      %sub3A_683 = arith.constant 1.000000e+00 : f32
      %sub3A_684 = vector.broadcast %sub3A_683 : f32 to vector<16xf32>
      %sub3A_685 = arith.subf %sub3A_684, %get3A_678 : vector<16xf32>
      %mul3A_686 = arith.mulf %get3A_682, %sub3A_685 : vector<16xf32>
      %select_n3A_687 = arith.select %gt3A_553, %sub3A_685, %mul3A_686 : vector<16xi1>, vector<16xf32>
      %div3A = arith.divf %select_n3A_687, %broadcast_in_dim3A_546 : vector<16xf32>
      %max3A_688 = arith.constant 1.1920929E-7 : f32
      %max3A_689 = vector.broadcast %max3A_688 : f32 to vector<16xf32>
      %max3A_690 = arith.maximumf %div3A, %max3A_689 : vector<16xf32>
      %min3A_691 = arith.constant 0.99999988 : f32
      %min3A_692 = vector.broadcast %min3A_691 : f32 to vector<16xf32>
      %min3A_693 = arith.minimumf %max3A_690, %min3A_692 : vector<16xf32>
      %bitcast_convert_type3A_694 = tpu.bitcast %min3A_693 : vector<16xf32> -> vector<16xi32>
      %shift_right_arithmetic3A_695 = arith.constant 23 : i32
      %shift_right_arithmetic3A_696 = vector.broadcast %shift_right_arithmetic3A_695 : i32 to vector<16xi32>
      %shift_right_arithmetic3A_697 = arith.shrsi %bitcast_convert_type3A_694, %shift_right_arithmetic3A_696 : vector<16xi32>
      %sub3A_698 = arith.constant 127 : i32
      %sub3A_699 = vector.broadcast %sub3A_698 : i32 to vector<16xi32>
      %sub3A_700 = arith.subi %shift_right_arithmetic3A_697, %sub3A_699 : vector<16xi32>
      %convert_element_type3A_701 = arith.sitofp %sub3A_700 : vector<16xi32> to vector<16xf32>
      %and3A_702 = arith.constant 8388607 : i32
      %and3A_703 = vector.broadcast %and3A_702 : i32 to vector<16xi32>
      %and3A_704 = arith.andi %bitcast_convert_type3A_694, %and3A_703 : vector<16xi32>
      %or3A_705 = arith.constant 1065353216 : i32
      %or3A_706 = vector.broadcast %or3A_705 : i32 to vector<16xi32>
      %or3A_707 = arith.ori %and3A_704, %or3A_706 : vector<16xi32>
      %bitcast_convert_type3A_708 = tpu.bitcast %or3A_707 : vector<16xi32> -> vector<16xf32>
      %sub3A_709 = arith.constant 1.000000e+00 : f32
      %sub3A_710 = vector.broadcast %sub3A_709 : f32 to vector<16xf32>
      %sub3A_711 = arith.subf %bitcast_convert_type3A_708, %sub3A_710 : vector<16xf32>
      %mul3A_712 = arith.constant 0.0434283651 : f32
      %mul3A_713 = vector.broadcast %mul3A_712 : f32 to vector<16xf32>
      %mul3A_714 = arith.mulf %mul3A_713, %sub3A_711 : vector<16xf32>
      %add3A_715 = arith.constant -0.187720492 : f32
      %add3A_716 = vector.broadcast %add3A_715 : f32 to vector<16xf32>
      %add3A_717 = arith.addf %mul3A_714, %add3A_716 : vector<16xf32>
      %mul3A_718 = arith.mulf %add3A_717, %sub3A_711 : vector<16xf32>
      %add3A_719 = arith.constant 0.408718944 : f32
      %add3A_720 = vector.broadcast %add3A_719 : f32 to vector<16xf32>
      %add3A_721 = arith.addf %mul3A_718, %add3A_720 : vector<16xf32>
      %mul3A_722 = arith.mulf %add3A_721, %sub3A_711 : vector<16xf32>
      %add3A_723 = arith.constant -0.705702602 : f32
      %add3A_724 = vector.broadcast %add3A_723 : f32 to vector<16xf32>
      %add3A_725 = arith.addf %mul3A_722, %add3A_724 : vector<16xf32>
      %mul3A_726 = arith.mulf %add3A_725, %sub3A_711 : vector<16xf32>
      %add3A_727 = arith.constant 1.44126713 : f32
      %add3A_728 = vector.broadcast %add3A_727 : f32 to vector<16xf32>
      %add3A_729 = arith.addf %mul3A_726, %add3A_728 : vector<16xf32>
      %mul3A_730 = arith.mulf %add3A_729, %sub3A_711 : vector<16xf32>
      %add3A_731 = arith.constant 3.19308565E-5 : f32
      %add3A_732 = vector.broadcast %add3A_731 : f32 to vector<16xf32>
      %add3A_733 = arith.addf %mul3A_730, %add3A_732 : vector<16xf32>
      %add3A_734 = arith.addf %convert_element_type3A_701, %add3A_733 : vector<16xf32>
      %mul3A_735 = arith.constant 0.693147182 : f32
      %mul3A_736 = vector.broadcast %mul3A_735 : f32 to vector<16xf32>
      %mul3A_737 = arith.mulf %add3A_734, %mul3A_736 : vector<16xf32>
      %mul3A_738 = arith.mulf %div3A, %mul3A_737 : vector<16xf32>
      %sub3A_739 = arith.subf %scan3A_673, %mul3A_738 : vector<16xf32>
      %gt3A_740 = arith.cmpf ogt, %div3A, %scan3A_674 : vector<16xf32>
      %select_n3A_741 = arith.select %gt3A_740, %div3A, %scan3A_674 : vector<16xi1>, vector<16xf32>
      %mul3A_742 = arith.constant 16 : i32
      %mul3A_743 = arith.muli %scan3A_672, %mul3A_742 : i32
      %add3A_744 = vector.broadcast %mul3A_743 : i32 to vector<16xi32>
      %add3A_745 = arith.addi %iota3A_554, %add3A_744 : vector<16xi32>
      %select_n3A_746 = arith.select %gt3A_740, %add3A_745, %scan3A_675 : vector<16xi1>, vector<16xi32>
      %scan3A_747 = arith.constant 1 : i32
      %scan3A_748 = arith.addi %scan3A_672, %scan3A_747 : i32
      %mul3A_749 = arith.constant 16 : i32
      %mul3A_750 = arith.muli %scan3A_748, %mul3A_749 : i32
      %get3A_751 = arith.index_cast %mul3A_750 : i32 to index
      %get3A_752 = tpu.vector_load %arg6[%get3A_751] {strides = array<i32>} : memref<2048xf32, #tpu.memory_space<vmem>>, vector<16xf32>,
      %mul3A_753 = arith.constant 16 : i32
      %mul3A_754 = arith.muli %scan3A_748, %mul3A_753 : i32
      %get3A_755 = arith.index_cast %mul3A_754 : i32 to index
      %get3A_756 = tpu.vector_load %arg5[%get3A_755] {strides = array<i32>} : memref<2048xf32, #tpu.memory_space<vmem>>, vector<16xf32>,
      %sub3A_757 = arith.constant 1.000000e+00 : f32
      %sub3A_758 = vector.broadcast %sub3A_757 : f32 to vector<16xf32>
      %sub3A_759 = arith.subf %sub3A_758, %get3A_752 : vector<16xf32>
      %mul3A_760 = arith.mulf %get3A_756, %sub3A_759 : vector<16xf32>
      %select_n3A_761 = arith.select %gt3A_553, %sub3A_759, %mul3A_760 : vector<16xi1>, vector<16xf32>
      %div3A_762 = arith.divf %select_n3A_761, %broadcast_in_dim3A_546 : vector<16xf32>
      %max3A_763 = arith.constant 1.1920929E-7 : f32
      %max3A_764 = vector.broadcast %max3A_763 : f32 to vector<16xf32>
      %max3A_765 = arith.maximumf %div3A_762, %max3A_764 : vector<16xf32>
      %min3A_766 = arith.constant 0.99999988 : f32
      %min3A_767 = vector.broadcast %min3A_766 : f32 to vector<16xf32>
      %min3A_768 = arith.minimumf %max3A_765, %min3A_767 : vector<16xf32>
      %bitcast_convert_type3A_769 = tpu.bitcast %min3A_768 : vector<16xf32> -> vector<16xi32>
      %shift_right_arithmetic3A_770 = arith.constant 23 : i32
      %shift_right_arithmetic3A_771 = vector.broadcast %shift_right_arithmetic3A_770 : i32 to vector<16xi32>
      %shift_right_arithmetic3A_772 = arith.shrsi %bitcast_convert_type3A_769, %shift_right_arithmetic3A_771 : vector<16xi32>
      %sub3A_773 = arith.constant 127 : i32
      %sub3A_774 = vector.broadcast %sub3A_773 : i32 to vector<16xi32>
      %sub3A_775 = arith.subi %shift_right_arithmetic3A_772, %sub3A_774 : vector<16xi32>
      %convert_element_type3A_776 = arith.sitofp %sub3A_775 : vector<16xi32> to vector<16xf32>
      %and3A_777 = arith.constant 8388607 : i32
      %and3A_778 = vector.broadcast %and3A_777 : i32 to vector<16xi32>
      %and3A_779 = arith.andi %bitcast_convert_type3A_769, %and3A_778 : vector<16xi32>
      %or3A_780 = arith.constant 1065353216 : i32
      %or3A_781 = vector.broadcast %or3A_780 : i32 to vector<16xi32>
      %or3A_782 = arith.ori %and3A_779, %or3A_781 : vector<16xi32>
      %bitcast_convert_type3A_783 = tpu.bitcast %or3A_782 : vector<16xi32> -> vector<16xf32>
      %sub3A_784 = arith.constant 1.000000e+00 : f32
      %sub3A_785 = vector.broadcast %sub3A_784 : f32 to vector<16xf32>
      %sub3A_786 = arith.subf %bitcast_convert_type3A_783, %sub3A_785 : vector<16xf32>
      %mul3A_787 = arith.constant 0.0434283651 : f32
      %mul3A_788 = vector.broadcast %mul3A_787 : f32 to vector<16xf32>
      %mul3A_789 = arith.mulf %mul3A_788, %sub3A_786 : vector<16xf32>
      %add3A_790 = arith.constant -0.187720492 : f32
      %add3A_791 = vector.broadcast %add3A_790 : f32 to vector<16xf32>
      %add3A_792 = arith.addf %mul3A_789, %add3A_791 : vector<16xf32>
      %mul3A_793 = arith.mulf %add3A_792, %sub3A_786 : vector<16xf32>
      %add3A_794 = arith.constant 0.408718944 : f32
      %add3A_795 = vector.broadcast %add3A_794 : f32 to vector<16xf32>
      %add3A_796 = arith.addf %mul3A_793, %add3A_795 : vector<16xf32>
      %mul3A_797 = arith.mulf %add3A_796, %sub3A_786 : vector<16xf32>
      %add3A_798 = arith.constant -0.705702602 : f32
      %add3A_799 = vector.broadcast %add3A_798 : f32 to vector<16xf32>
      %add3A_800 = arith.addf %mul3A_797, %add3A_799 : vector<16xf32>
      %mul3A_801 = arith.mulf %add3A_800, %sub3A_786 : vector<16xf32>
      %add3A_802 = arith.constant 1.44126713 : f32
      %add3A_803 = vector.broadcast %add3A_802 : f32 to vector<16xf32>
      %add3A_804 = arith.addf %mul3A_801, %add3A_803 : vector<16xf32>
      %mul3A_805 = arith.mulf %add3A_804, %sub3A_786 : vector<16xf32>
      %add3A_806 = arith.constant 3.19308565E-5 : f32
      %add3A_807 = vector.broadcast %add3A_806 : f32 to vector<16xf32>
      %add3A_808 = arith.addf %mul3A_805, %add3A_807 : vector<16xf32>
      %add3A_809 = arith.addf %convert_element_type3A_776, %add3A_808 : vector<16xf32>
      %mul3A_810 = arith.constant 0.693147182 : f32
      %mul3A_811 = vector.broadcast %mul3A_810 : f32 to vector<16xf32>
      %mul3A_812 = arith.mulf %add3A_809, %mul3A_811 : vector<16xf32>
      %mul3A_813 = arith.mulf %div3A_762, %mul3A_812 : vector<16xf32>
      %sub3A_814 = arith.subf %sub3A_739, %mul3A_813 : vector<16xf32>
      %gt3A_815 = arith.cmpf ogt, %div3A_762, %select_n3A_741 : vector<16xf32>
      %select_n3A_816 = arith.select %gt3A_815, %div3A_762, %select_n3A_741 : vector<16xi1>, vector<16xf32>
      %mul3A_817 = arith.constant 16 : i32
      %mul3A_818 = arith.muli %scan3A_748, %mul3A_817 : i32
      %add3A_819 = vector.broadcast %mul3A_818 : i32 to vector<16xi32>
      %add3A_820 = arith.addi %iota3A_554, %add3A_819 : vector<16xi32>
      %select_n3A_821 = arith.select %gt3A_815, %add3A_820, %select_n3A_746 : vector<16xi1>, vector<16xi32>
      %scan3A_822 = arith.constant 2 : i32
      %scan3A_823 = arith.addi %scan3A_672, %scan3A_822 : i32
      %mul3A_824 = arith.constant 16 : i32
      %mul3A_825 = arith.muli %scan3A_823, %mul3A_824 : i32
      %get3A_826 = arith.index_cast %mul3A_825 : i32 to index
      %get3A_827 = tpu.vector_load %arg6[%get3A_826] {strides = array<i32>} : memref<2048xf32, #tpu.memory_space<vmem>>, vector<16xf32>,
      %mul3A_828 = arith.constant 16 : i32
      %mul3A_829 = arith.muli %scan3A_823, %mul3A_828 : i32
      %get3A_830 = arith.index_cast %mul3A_829 : i32 to index
      %get3A_831 = tpu.vector_load %arg5[%get3A_830] {strides = array<i32>} : memref<2048xf32, #tpu.memory_space<vmem>>, vector<16xf32>,
      %sub3A_832 = arith.constant 1.000000e+00 : f32
      %sub3A_833 = vector.broadcast %sub3A_832 : f32 to vector<16xf32>
      %sub3A_834 = arith.subf %sub3A_833, %get3A_827 : vector<16xf32>
      %mul3A_835 = arith.mulf %get3A_831, %sub3A_834 : vector<16xf32>
      %select_n3A_836 = arith.select %gt3A_553, %sub3A_834, %mul3A_835 : vector<16xi1>, vector<16xf32>
      %div3A_837 = arith.divf %select_n3A_836, %broadcast_in_dim3A_546 : vector<16xf32>
      %max3A_838 = arith.constant 1.1920929E-7 : f32
      %max3A_839 = vector.broadcast %max3A_838 : f32 to vector<16xf32>
      %max3A_840 = arith.maximumf %div3A_837, %max3A_839 : vector<16xf32>
      %min3A_841 = arith.constant 0.99999988 : f32
      %min3A_842 = vector.broadcast %min3A_841 : f32 to vector<16xf32>
      %min3A_843 = arith.minimumf %max3A_840, %min3A_842 : vector<16xf32>
      %bitcast_convert_type3A_844 = tpu.bitcast %min3A_843 : vector<16xf32> -> vector<16xi32>
      %shift_right_arithmetic3A_845 = arith.constant 23 : i32
      %shift_right_arithmetic3A_846 = vector.broadcast %shift_right_arithmetic3A_845 : i32 to vector<16xi32>
      %shift_right_arithmetic3A_847 = arith.shrsi %bitcast_convert_type3A_844, %shift_right_arithmetic3A_846 : vector<16xi32>
      %sub3A_848 = arith.constant 127 : i32
      %sub3A_849 = vector.broadcast %sub3A_848 : i32 to vector<16xi32>
      %sub3A_850 = arith.subi %shift_right_arithmetic3A_847, %sub3A_849 : vector<16xi32>
      %convert_element_type3A_851 = arith.sitofp %sub3A_850 : vector<16xi32> to vector<16xf32>
      %and3A_852 = arith.constant 8388607 : i32
      %and3A_853 = vector.broadcast %and3A_852 : i32 to vector<16xi32>
      %and3A_854 = arith.andi %bitcast_convert_type3A_844, %and3A_853 : vector<16xi32>
      %or3A_855 = arith.constant 1065353216 : i32
      %or3A_856 = vector.broadcast %or3A_855 : i32 to vector<16xi32>
      %or3A_857 = arith.ori %and3A_854, %or3A_856 : vector<16xi32>
      %bitcast_convert_type3A_858 = tpu.bitcast %or3A_857 : vector<16xi32> -> vector<16xf32>
      %sub3A_859 = arith.constant 1.000000e+00 : f32
      %sub3A_860 = vector.broadcast %sub3A_859 : f32 to vector<16xf32>
      %sub3A_861 = arith.subf %bitcast_convert_type3A_858, %sub3A_860 : vector<16xf32>
      %mul3A_862 = arith.constant 0.0434283651 : f32
      %mul3A_863 = vector.broadcast %mul3A_862 : f32 to vector<16xf32>
      %mul3A_864 = arith.mulf %mul3A_863, %sub3A_861 : vector<16xf32>
      %add3A_865 = arith.constant -0.187720492 : f32
      %add3A_866 = vector.broadcast %add3A_865 : f32 to vector<16xf32>
      %add3A_867 = arith.addf %mul3A_864, %add3A_866 : vector<16xf32>
      %mul3A_868 = arith.mulf %add3A_867, %sub3A_861 : vector<16xf32>
      %add3A_869 = arith.constant 0.408718944 : f32
      %add3A_870 = vector.broadcast %add3A_869 : f32 to vector<16xf32>
      %add3A_871 = arith.addf %mul3A_868, %add3A_870 : vector<16xf32>
      %mul3A_872 = arith.mulf %add3A_871, %sub3A_861 : vector<16xf32>
      %add3A_873 = arith.constant -0.705702602 : f32
      %add3A_874 = vector.broadcast %add3A_873 : f32 to vector<16xf32>
      %add3A_875 = arith.addf %mul3A_872, %add3A_874 : vector<16xf32>
      %mul3A_876 = arith.mulf %add3A_875, %sub3A_861 : vector<16xf32>
      %add3A_877 = arith.constant 1.44126713 : f32
      %add3A_878 = vector.broadcast %add3A_877 : f32 to vector<16xf32>
      %add3A_879 = arith.addf %mul3A_876, %add3A_878 : vector<16xf32>
      %mul3A_880 = arith.mulf %add3A_879, %sub3A_861 : vector<16xf32>
      %add3A_881 = arith.constant 3.19308565E-5 : f32
      %add3A_882 = vector.broadcast %add3A_881 : f32 to vector<16xf32>
      %add3A_883 = arith.addf %mul3A_880, %add3A_882 : vector<16xf32>
      %add3A_884 = arith.addf %convert_element_type3A_851, %add3A_883 : vector<16xf32>
      %mul3A_885 = arith.constant 0.693147182 : f32
      %mul3A_886 = vector.broadcast %mul3A_885 : f32 to vector<16xf32>
      %mul3A_887 = arith.mulf %add3A_884, %mul3A_886 : vector<16xf32>
      %mul3A_888 = arith.mulf %div3A_837, %mul3A_887 : vector<16xf32>
      %sub3A_889 = arith.subf %sub3A_814, %mul3A_888 : vector<16xf32>
      %gt3A_890 = arith.cmpf ogt, %div3A_837, %select_n3A_816 : vector<16xf32>
      %select_n3A_891 = arith.select %gt3A_890, %div3A_837, %select_n3A_816 : vector<16xi1>, vector<16xf32>
      %mul3A_892 = arith.constant 16 : i32
      %mul3A_893 = arith.muli %scan3A_823, %mul3A_892 : i32
      %add3A_894 = vector.broadcast %mul3A_893 : i32 to vector<16xi32>
      %add3A_895 = arith.addi %iota3A_554, %add3A_894 : vector<16xi32>
      %select_n3A_896 = arith.select %gt3A_890, %add3A_895, %select_n3A_821 : vector<16xi1>, vector<16xi32>
      %scan3A_897 = arith.constant 3 : i32
      %scan3A_898 = arith.addi %scan3A_672, %scan3A_897 : i32
      %mul3A_899 = arith.constant 16 : i32
      %mul3A_900 = arith.muli %scan3A_898, %mul3A_899 : i32
      %get3A_901 = arith.index_cast %mul3A_900 : i32 to index
      %get3A_902 = tpu.vector_load %arg6[%get3A_901] {strides = array<i32>} : memref<2048xf32, #tpu.memory_space<vmem>>, vector<16xf32>,
      %mul3A_903 = arith.constant 16 : i32
      %mul3A_904 = arith.muli %scan3A_898, %mul3A_903 : i32
      %get3A_905 = arith.index_cast %mul3A_904 : i32 to index
      %get3A_906 = tpu.vector_load %arg5[%get3A_905] {strides = array<i32>} : memref<2048xf32, #tpu.memory_space<vmem>>, vector<16xf32>,
      %sub3A_907 = arith.constant 1.000000e+00 : f32
      %sub3A_908 = vector.broadcast %sub3A_907 : f32 to vector<16xf32>
      %sub3A_909 = arith.subf %sub3A_908, %get3A_902 : vector<16xf32>
      %mul3A_910 = arith.mulf %get3A_906, %sub3A_909 : vector<16xf32>
      %select_n3A_911 = arith.select %gt3A_553, %sub3A_909, %mul3A_910 : vector<16xi1>, vector<16xf32>
      %div3A_912 = arith.divf %select_n3A_911, %broadcast_in_dim3A_546 : vector<16xf32>
      %max3A_913 = arith.constant 1.1920929E-7 : f32
      %max3A_914 = vector.broadcast %max3A_913 : f32 to vector<16xf32>
      %max3A_915 = arith.maximumf %div3A_912, %max3A_914 : vector<16xf32>
      %min3A_916 = arith.constant 0.99999988 : f32
      %min3A_917 = vector.broadcast %min3A_916 : f32 to vector<16xf32>
      %min3A_918 = arith.minimumf %max3A_915, %min3A_917 : vector<16xf32>
      %bitcast_convert_type3A_919 = tpu.bitcast %min3A_918 : vector<16xf32> -> vector<16xi32>
      %shift_right_arithmetic3A_920 = arith.constant 23 : i32
      %shift_right_arithmetic3A_921 = vector.broadcast %shift_right_arithmetic3A_920 : i32 to vector<16xi32>
      %shift_right_arithmetic3A_922 = arith.shrsi %bitcast_convert_type3A_919, %shift_right_arithmetic3A_921 : vector<16xi32>
      %sub3A_923 = arith.constant 127 : i32
      %sub3A_924 = vector.broadcast %sub3A_923 : i32 to vector<16xi32>
      %sub3A_925 = arith.subi %shift_right_arithmetic3A_922, %sub3A_924 : vector<16xi32>
      %convert_element_type3A_926 = arith.sitofp %sub3A_925 : vector<16xi32> to vector<16xf32>
      %and3A_927 = arith.constant 8388607 : i32
      %and3A_928 = vector.broadcast %and3A_927 : i32 to vector<16xi32>
      %and3A_929 = arith.andi %bitcast_convert_type3A_919, %and3A_928 : vector<16xi32>
      %or3A_930 = arith.constant 1065353216 : i32
      %or3A_931 = vector.broadcast %or3A_930 : i32 to vector<16xi32>
      %or3A_932 = arith.ori %and3A_929, %or3A_931 : vector<16xi32>
      %bitcast_convert_type3A_933 = tpu.bitcast %or3A_932 : vector<16xi32> -> vector<16xf32>
      %sub3A_934 = arith.constant 1.000000e+00 : f32
      %sub3A_935 = vector.broadcast %sub3A_934 : f32 to vector<16xf32>
      %sub3A_936 = arith.subf %bitcast_convert_type3A_933, %sub3A_935 : vector<16xf32>
      %mul3A_937 = arith.constant 0.0434283651 : f32
      %mul3A_938 = vector.broadcast %mul3A_937 : f32 to vector<16xf32>
      %mul3A_939 = arith.mulf %mul3A_938, %sub3A_936 : vector<16xf32>
      %add3A_940 = arith.constant -0.187720492 : f32
      %add3A_941 = vector.broadcast %add3A_940 : f32 to vector<16xf32>
      %add3A_942 = arith.addf %mul3A_939, %add3A_941 : vector<16xf32>
      %mul3A_943 = arith.mulf %add3A_942, %sub3A_936 : vector<16xf32>
      %add3A_944 = arith.constant 0.408718944 : f32
      %add3A_945 = vector.broadcast %add3A_944 : f32 to vector<16xf32>
      %add3A_946 = arith.addf %mul3A_943, %add3A_945 : vector<16xf32>
      %mul3A_947 = arith.mulf %add3A_946, %sub3A_936 : vector<16xf32>
      %add3A_948 = arith.constant -0.705702602 : f32
      %add3A_949 = vector.broadcast %add3A_948 : f32 to vector<16xf32>
      %add3A_950 = arith.addf %mul3A_947, %add3A_949 : vector<16xf32>
      %mul3A_951 = arith.mulf %add3A_950, %sub3A_936 : vector<16xf32>
      %add3A_952 = arith.constant 1.44126713 : f32
      %add3A_953 = vector.broadcast %add3A_952 : f32 to vector<16xf32>
      %add3A_954 = arith.addf %mul3A_951, %add3A_953 : vector<16xf32>
      %mul3A_955 = arith.mulf %add3A_954, %sub3A_936 : vector<16xf32>
      %add3A_956 = arith.constant 3.19308565E-5 : f32
      %add3A_957 = vector.broadcast %add3A_956 : f32 to vector<16xf32>
      %add3A_958 = arith.addf %mul3A_955, %add3A_957 : vector<16xf32>
      %add3A_959 = arith.addf %convert_element_type3A_926, %add3A_958 : vector<16xf32>
      %mul3A_960 = arith.constant 0.693147182 : f32
      %mul3A_961 = vector.broadcast %mul3A_960 : f32 to vector<16xf32>
      %mul3A_962 = arith.mulf %add3A_959, %mul3A_961 : vector<16xf32>
      %mul3A_963 = arith.mulf %div3A_912, %mul3A_962 : vector<16xf32>
      %sub3A_964 = arith.subf %sub3A_889, %mul3A_963 : vector<16xf32>
      %gt3A_965 = arith.cmpf ogt, %div3A_912, %select_n3A_891 : vector<16xf32>
      %select_n3A_966 = arith.select %gt3A_965, %div3A_912, %select_n3A_891 : vector<16xi1>, vector<16xf32>
      %mul3A_967 = arith.constant 16 : i32
      %mul3A_968 = arith.muli %scan3A_898, %mul3A_967 : i32
      %add3A_969 = vector.broadcast %mul3A_968 : i32 to vector<16xi32>
      %add3A_970 = arith.addi %iota3A_554, %add3A_969 : vector<16xi32>
      %select_n3A_971 = arith.select %gt3A_965, %add3A_970, %select_n3A_896 : vector<16xi1>, vector<16xi32>
      %scan3A_972 = arith.constant 4 : i32
      %scan3A_973 = arith.addi %scan3A_672, %scan3A_972 : i32
      %mul3A_974 = arith.constant 16 : i32
      %mul3A_975 = arith.muli %scan3A_973, %mul3A_974 : i32
      %get3A_976 = arith.index_cast %mul3A_975 : i32 to index
      %get3A_977 = tpu.vector_load %arg6[%get3A_976] {strides = array<i32>} : memref<2048xf32, #tpu.memory_space<vmem>>, vector<16xf32>,
      %mul3A_978 = arith.constant 16 : i32
      %mul3A_979 = arith.muli %scan3A_973, %mul3A_978 : i32
      %get3A_980 = arith.index_cast %mul3A_979 : i32 to index
      %get3A_981 = tpu.vector_load %arg5[%get3A_980] {strides = array<i32>} : memref<2048xf32, #tpu.memory_space<vmem>>, vector<16xf32>,
      %sub3A_982 = arith.constant 1.000000e+00 : f32
      %sub3A_983 = vector.broadcast %sub3A_982 : f32 to vector<16xf32>
      %sub3A_984 = arith.subf %sub3A_983, %get3A_977 : vector<16xf32>
      %mul3A_985 = arith.mulf %get3A_981, %sub3A_984 : vector<16xf32>
      %select_n3A_986 = arith.select %gt3A_553, %sub3A_984, %mul3A_985 : vector<16xi1>, vector<16xf32>
      %div3A_987 = arith.divf %select_n3A_986, %broadcast_in_dim3A_546 : vector<16xf32>
      %max3A_988 = arith.constant 1.1920929E-7 : f32
      %max3A_989 = vector.broadcast %max3A_988 : f32 to vector<16xf32>
      %max3A_990 = arith.maximumf %div3A_987, %max3A_989 : vector<16xf32>
      %min3A_991 = arith.constant 0.99999988 : f32
      %min3A_992 = vector.broadcast %min3A_991 : f32 to vector<16xf32>
      %min3A_993 = arith.minimumf %max3A_990, %min3A_992 : vector<16xf32>
      %bitcast_convert_type3A_994 = tpu.bitcast %min3A_993 : vector<16xf32> -> vector<16xi32>
      %shift_right_arithmetic3A_995 = arith.constant 23 : i32
      %shift_right_arithmetic3A_996 = vector.broadcast %shift_right_arithmetic3A_995 : i32 to vector<16xi32>
      %shift_right_arithmetic3A_997 = arith.shrsi %bitcast_convert_type3A_994, %shift_right_arithmetic3A_996 : vector<16xi32>
      %sub3A_998 = arith.constant 127 : i32
      %sub3A_999 = vector.broadcast %sub3A_998 : i32 to vector<16xi32>
      %sub3A_1000 = arith.subi %shift_right_arithmetic3A_997, %sub3A_999 : vector<16xi32>
      %convert_element_type3A_1001 = arith.sitofp %sub3A_1000 : vector<16xi32> to vector<16xf32>
      %and3A_1002 = arith.constant 8388607 : i32
      %and3A_1003 = vector.broadcast %and3A_1002 : i32 to vector<16xi32>
      %and3A_1004 = arith.andi %bitcast_convert_type3A_994, %and3A_1003 : vector<16xi32>
      %or3A_1005 = arith.constant 1065353216 : i32
      %or3A_1006 = vector.broadcast %or3A_1005 : i32 to vector<16xi32>
      %or3A_1007 = arith.ori %and3A_1004, %or3A_1006 : vector<16xi32>
      %bitcast_convert_type3A_1008 = tpu.bitcast %or3A_1007 : vector<16xi32> -> vector<16xf32>
      %sub3A_1009 = arith.constant 1.000000e+00 : f32
      %sub3A_1010 = vector.broadcast %sub3A_1009 : f32 to vector<16xf32>
      %sub3A_1011 = arith.subf %bitcast_convert_type3A_1008, %sub3A_1010 : vector<16xf32>
      %mul3A_1012 = arith.constant 0.0434283651 : f32
      %mul3A_1013 = vector.broadcast %mul3A_1012 : f32 to vector<16xf32>
      %mul3A_1014 = arith.mulf %mul3A_1013, %sub3A_1011 : vector<16xf32>
      %add3A_1015 = arith.constant -0.187720492 : f32
      %add3A_1016 = vector.broadcast %add3A_1015 : f32 to vector<16xf32>
      %add3A_1017 = arith.addf %mul3A_1014, %add3A_1016 : vector<16xf32>
      %mul3A_1018 = arith.mulf %add3A_1017, %sub3A_1011 : vector<16xf32>
      %add3A_1019 = arith.constant 0.408718944 : f32
      %add3A_1020 = vector.broadcast %add3A_1019 : f32 to vector<16xf32>
      %add3A_1021 = arith.addf %mul3A_1018, %add3A_1020 : vector<16xf32>
      %mul3A_1022 = arith.mulf %add3A_1021, %sub3A_1011 : vector<16xf32>
      %add3A_1023 = arith.constant -0.705702602 : f32
      %add3A_1024 = vector.broadcast %add3A_1023 : f32 to vector<16xf32>
      %add3A_1025 = arith.addf %mul3A_1022, %add3A_1024 : vector<16xf32>
      %mul3A_1026 = arith.mulf %add3A_1025, %sub3A_1011 : vector<16xf32>
      %add3A_1027 = arith.constant 1.44126713 : f32
      %add3A_1028 = vector.broadcast %add3A_1027 : f32 to vector<16xf32>
      %add3A_1029 = arith.addf %mul3A_1026, %add3A_1028 : vector<16xf32>
      %mul3A_1030 = arith.mulf %add3A_1029, %sub3A_1011 : vector<16xf32>
      %add3A_1031 = arith.constant 3.19308565E-5 : f32
      %add3A_1032 = vector.broadcast %add3A_1031 : f32 to vector<16xf32>
      %add3A_1033 = arith.addf %mul3A_1030, %add3A_1032 : vector<16xf32>
      %add3A_1034 = arith.addf %convert_element_type3A_1001, %add3A_1033 : vector<16xf32>
      %mul3A_1035 = arith.constant 0.693147182 : f32
      %mul3A_1036 = vector.broadcast %mul3A_1035 : f32 to vector<16xf32>
      %mul3A_1037 = arith.mulf %add3A_1034, %mul3A_1036 : vector<16xf32>
      %mul3A_1038 = arith.mulf %div3A_987, %mul3A_1037 : vector<16xf32>
      %sub3A_1039 = arith.subf %sub3A_964, %mul3A_1038 : vector<16xf32>
      %gt3A_1040 = arith.cmpf ogt, %div3A_987, %select_n3A_966 : vector<16xf32>
      %select_n3A_1041 = arith.select %gt3A_1040, %div3A_987, %select_n3A_966 : vector<16xi1>, vector<16xf32>
      %mul3A_1042 = arith.constant 16 : i32
      %mul3A_1043 = arith.muli %scan3A_973, %mul3A_1042 : i32
      %add3A_1044 = vector.broadcast %mul3A_1043 : i32 to vector<16xi32>
      %add3A_1045 = arith.addi %iota3A_554, %add3A_1044 : vector<16xi32>
      %select_n3A_1046 = arith.select %gt3A_1040, %add3A_1045, %select_n3A_971 : vector<16xi1>, vector<16xi32>
      %scan3A_1047 = arith.constant 5 : i32
      %scan3A_1048 = arith.addi %scan3A_672, %scan3A_1047 : i32
      %mul3A_1049 = arith.constant 16 : i32
      %mul3A_1050 = arith.muli %scan3A_1048, %mul3A_1049 : i32
      %get3A_1051 = arith.index_cast %mul3A_1050 : i32 to index
      %get3A_1052 = tpu.vector_load %arg6[%get3A_1051] {strides = array<i32>} : memref<2048xf32, #tpu.memory_space<vmem>>, vector<16xf32>,
      %mul3A_1053 = arith.constant 16 : i32
      %mul3A_1054 = arith.muli %scan3A_1048, %mul3A_1053 : i32
      %get3A_1055 = arith.index_cast %mul3A_1054 : i32 to index
      %get3A_1056 = tpu.vector_load %arg5[%get3A_1055] {strides = array<i32>} : memref<2048xf32, #tpu.memory_space<vmem>>, vector<16xf32>,
      %sub3A_1057 = arith.constant 1.000000e+00 : f32
      %sub3A_1058 = vector.broadcast %sub3A_1057 : f32 to vector<16xf32>
      %sub3A_1059 = arith.subf %sub3A_1058, %get3A_1052 : vector<16xf32>
      %mul3A_1060 = arith.mulf %get3A_1056, %sub3A_1059 : vector<16xf32>
      %select_n3A_1061 = arith.select %gt3A_553, %sub3A_1059, %mul3A_1060 : vector<16xi1>, vector<16xf32>
      %div3A_1062 = arith.divf %select_n3A_1061, %broadcast_in_dim3A_546 : vector<16xf32>
      %max3A_1063 = arith.constant 1.1920929E-7 : f32
      %max3A_1064 = vector.broadcast %max3A_1063 : f32 to vector<16xf32>
      %max3A_1065 = arith.maximumf %div3A_1062, %max3A_1064 : vector<16xf32>
      %min3A_1066 = arith.constant 0.99999988 : f32
      %min3A_1067 = vector.broadcast %min3A_1066 : f32 to vector<16xf32>
      %min3A_1068 = arith.minimumf %max3A_1065, %min3A_1067 : vector<16xf32>
      %bitcast_convert_type3A_1069 = tpu.bitcast %min3A_1068 : vector<16xf32> -> vector<16xi32>
      %shift_right_arithmetic3A_1070 = arith.constant 23 : i32
      %shift_right_arithmetic3A_1071 = vector.broadcast %shift_right_arithmetic3A_1070 : i32 to vector<16xi32>
      %shift_right_arithmetic3A_1072 = arith.shrsi %bitcast_convert_type3A_1069, %shift_right_arithmetic3A_1071 : vector<16xi32>
      %sub3A_1073 = arith.constant 127 : i32
      %sub3A_1074 = vector.broadcast %sub3A_1073 : i32 to vector<16xi32>
      %sub3A_1075 = arith.subi %shift_right_arithmetic3A_1072, %sub3A_1074 : vector<16xi32>
      %convert_element_type3A_1076 = arith.sitofp %sub3A_1075 : vector<16xi32> to vector<16xf32>
      %and3A_1077 = arith.constant 8388607 : i32
      %and3A_1078 = vector.broadcast %and3A_1077 : i32 to vector<16xi32>
      %and3A_1079 = arith.andi %bitcast_convert_type3A_1069, %and3A_1078 : vector<16xi32>
      %or3A_1080 = arith.constant 1065353216 : i32
      %or3A_1081 = vector.broadcast %or3A_1080 : i32 to vector<16xi32>
      %or3A_1082 = arith.ori %and3A_1079, %or3A_1081 : vector<16xi32>
      %bitcast_convert_type3A_1083 = tpu.bitcast %or3A_1082 : vector<16xi32> -> vector<16xf32>
      %sub3A_1084 = arith.constant 1.000000e+00 : f32
      %sub3A_1085 = vector.broadcast %sub3A_1084 : f32 to vector<16xf32>
      %sub3A_1086 = arith.subf %bitcast_convert_type3A_1083, %sub3A_1085 : vector<16xf32>
      %mul3A_1087 = arith.constant 0.0434283651 : f32
      %mul3A_1088 = vector.broadcast %mul3A_1087 : f32 to vector<16xf32>
      %mul3A_1089 = arith.mulf %mul3A_1088, %sub3A_1086 : vector<16xf32>
      %add3A_1090 = arith.constant -0.187720492 : f32
      %add3A_1091 = vector.broadcast %add3A_1090 : f32 to vector<16xf32>
      %add3A_1092 = arith.addf %mul3A_1089, %add3A_1091 : vector<16xf32>
      %mul3A_1093 = arith.mulf %add3A_1092, %sub3A_1086 : vector<16xf32>
      %add3A_1094 = arith.constant 0.408718944 : f32
      %add3A_1095 = vector.broadcast %add3A_1094 : f32 to vector<16xf32>
      %add3A_1096 = arith.addf %mul3A_1093, %add3A_1095 : vector<16xf32>
      %mul3A_1097 = arith.mulf %add3A_1096, %sub3A_1086 : vector<16xf32>
      %add3A_1098 = arith.constant -0.705702602 : f32
      %add3A_1099 = vector.broadcast %add3A_1098 : f32 to vector<16xf32>
      %add3A_1100 = arith.addf %mul3A_1097, %add3A_1099 : vector<16xf32>
      %mul3A_1101 = arith.mulf %add3A_1100, %sub3A_1086 : vector<16xf32>
      %add3A_1102 = arith.constant 1.44126713 : f32
      %add3A_1103 = vector.broadcast %add3A_1102 : f32 to vector<16xf32>
      %add3A_1104 = arith.addf %mul3A_1101, %add3A_1103 : vector<16xf32>
      %mul3A_1105 = arith.mulf %add3A_1104, %sub3A_1086 : vector<16xf32>
      %add3A_1106 = arith.constant 3.19308565E-5 : f32
      %add3A_1107 = vector.broadcast %add3A_1106 : f32 to vector<16xf32>
      %add3A_1108 = arith.addf %mul3A_1105, %add3A_1107 : vector<16xf32>
      %add3A_1109 = arith.addf %convert_element_type3A_1076, %add3A_1108 : vector<16xf32>
      %mul3A_1110 = arith.constant 0.693147182 : f32
      %mul3A_1111 = vector.broadcast %mul3A_1110 : f32 to vector<16xf32>
      %mul3A_1112 = arith.mulf %add3A_1109, %mul3A_1111 : vector<16xf32>
      %mul3A_1113 = arith.mulf %div3A_1062, %mul3A_1112 : vector<16xf32>
      %sub3A_1114 = arith.subf %sub3A_1039, %mul3A_1113 : vector<16xf32>
      %gt3A_1115 = arith.cmpf ogt, %div3A_1062, %select_n3A_1041 : vector<16xf32>
      %select_n3A_1116 = arith.select %gt3A_1115, %div3A_1062, %select_n3A_1041 : vector<16xi1>, vector<16xf32>
      %mul3A_1117 = arith.constant 16 : i32
      %mul3A_1118 = arith.muli %scan3A_1048, %mul3A_1117 : i32
      %add3A_1119 = vector.broadcast %mul3A_1118 : i32 to vector<16xi32>
      %add3A_1120 = arith.addi %iota3A_554, %add3A_1119 : vector<16xi32>
      %select_n3A_1121 = arith.select %gt3A_1115, %add3A_1120, %select_n3A_1046 : vector<16xi1>, vector<16xi32>
      %scan3A_1122 = arith.constant 6 : i32
      %scan3A_1123 = arith.addi %scan3A_672, %scan3A_1122 : i32
      %mul3A_1124 = arith.constant 16 : i32
      %mul3A_1125 = arith.muli %scan3A_1123, %mul3A_1124 : i32
      %get3A_1126 = arith.index_cast %mul3A_1125 : i32 to index
      %get3A_1127 = tpu.vector_load %arg6[%get3A_1126] {strides = array<i32>} : memref<2048xf32, #tpu.memory_space<vmem>>, vector<16xf32>,
      %mul3A_1128 = arith.constant 16 : i32
      %mul3A_1129 = arith.muli %scan3A_1123, %mul3A_1128 : i32
      %get3A_1130 = arith.index_cast %mul3A_1129 : i32 to index
      %get3A_1131 = tpu.vector_load %arg5[%get3A_1130] {strides = array<i32>} : memref<2048xf32, #tpu.memory_space<vmem>>, vector<16xf32>,
      %sub3A_1132 = arith.constant 1.000000e+00 : f32
      %sub3A_1133 = vector.broadcast %sub3A_1132 : f32 to vector<16xf32>
      %sub3A_1134 = arith.subf %sub3A_1133, %get3A_1127 : vector<16xf32>
      %mul3A_1135 = arith.mulf %get3A_1131, %sub3A_1134 : vector<16xf32>
      %select_n3A_1136 = arith.select %gt3A_553, %sub3A_1134, %mul3A_1135 : vector<16xi1>, vector<16xf32>
      %div3A_1137 = arith.divf %select_n3A_1136, %broadcast_in_dim3A_546 : vector<16xf32>
      %max3A_1138 = arith.constant 1.1920929E-7 : f32
      %max3A_1139 = vector.broadcast %max3A_1138 : f32 to vector<16xf32>
      %max3A_1140 = arith.maximumf %div3A_1137, %max3A_1139 : vector<16xf32>
      %min3A_1141 = arith.constant 0.99999988 : f32
      %min3A_1142 = vector.broadcast %min3A_1141 : f32 to vector<16xf32>
      %min3A_1143 = arith.minimumf %max3A_1140, %min3A_1142 : vector<16xf32>
      %bitcast_convert_type3A_1144 = tpu.bitcast %min3A_1143 : vector<16xf32> -> vector<16xi32>
      %shift_right_arithmetic3A_1145 = arith.constant 23 : i32
      %shift_right_arithmetic3A_1146 = vector.broadcast %shift_right_arithmetic3A_1145 : i32 to vector<16xi32>
      %shift_right_arithmetic3A_1147 = arith.shrsi %bitcast_convert_type3A_1144, %shift_right_arithmetic3A_1146 : vector<16xi32>
      %sub3A_1148 = arith.constant 127 : i32
      %sub3A_1149 = vector.broadcast %sub3A_1148 : i32 to vector<16xi32>
      %sub3A_1150 = arith.subi %shift_right_arithmetic3A_1147, %sub3A_1149 : vector<16xi32>
      %convert_element_type3A_1151 = arith.sitofp %sub3A_1150 : vector<16xi32> to vector<16xf32>
      %and3A_1152 = arith.constant 8388607 : i32
      %and3A_1153 = vector.broadcast %and3A_1152 : i32 to vector<16xi32>
      %and3A_1154 = arith.andi %bitcast_convert_type3A_1144, %and3A_1153 : vector<16xi32>
      %or3A_1155 = arith.constant 1065353216 : i32
      %or3A_1156 = vector.broadcast %or3A_1155 : i32 to vector<16xi32>
      %or3A_1157 = arith.ori %and3A_1154, %or3A_1156 : vector<16xi32>
      %bitcast_convert_type3A_1158 = tpu.bitcast %or3A_1157 : vector<16xi32> -> vector<16xf32>
      %sub3A_1159 = arith.constant 1.000000e+00 : f32
      %sub3A_1160 = vector.broadcast %sub3A_1159 : f32 to vector<16xf32>
      %sub3A_1161 = arith.subf %bitcast_convert_type3A_1158, %sub3A_1160 : vector<16xf32>
      %mul3A_1162 = arith.constant 0.0434283651 : f32
      %mul3A_1163 = vector.broadcast %mul3A_1162 : f32 to vector<16xf32>
      %mul3A_1164 = arith.mulf %mul3A_1163, %sub3A_1161 : vector<16xf32>
      %add3A_1165 = arith.constant -0.187720492 : f32
      %add3A_1166 = vector.broadcast %add3A_1165 : f32 to vector<16xf32>
      %add3A_1167 = arith.addf %mul3A_1164, %add3A_1166 : vector<16xf32>
      %mul3A_1168 = arith.mulf %add3A_1167, %sub3A_1161 : vector<16xf32>
      %add3A_1169 = arith.constant 0.408718944 : f32
      %add3A_1170 = vector.broadcast %add3A_1169 : f32 to vector<16xf32>
      %add3A_1171 = arith.addf %mul3A_1168, %add3A_1170 : vector<16xf32>
      %mul3A_1172 = arith.mulf %add3A_1171, %sub3A_1161 : vector<16xf32>
      %add3A_1173 = arith.constant -0.705702602 : f32
      %add3A_1174 = vector.broadcast %add3A_1173 : f32 to vector<16xf32>
      %add3A_1175 = arith.addf %mul3A_1172, %add3A_1174 : vector<16xf32>
      %mul3A_1176 = arith.mulf %add3A_1175, %sub3A_1161 : vector<16xf32>
      %add3A_1177 = arith.constant 1.44126713 : f32
      %add3A_1178 = vector.broadcast %add3A_1177 : f32 to vector<16xf32>
      %add3A_1179 = arith.addf %mul3A_1176, %add3A_1178 : vector<16xf32>
      %mul3A_1180 = arith.mulf %add3A_1179, %sub3A_1161 : vector<16xf32>
      %add3A_1181 = arith.constant 3.19308565E-5 : f32
      %add3A_1182 = vector.broadcast %add3A_1181 : f32 to vector<16xf32>
      %add3A_1183 = arith.addf %mul3A_1180, %add3A_1182 : vector<16xf32>
      %add3A_1184 = arith.addf %convert_element_type3A_1151, %add3A_1183 : vector<16xf32>
      %mul3A_1185 = arith.constant 0.693147182 : f32
      %mul3A_1186 = vector.broadcast %mul3A_1185 : f32 to vector<16xf32>
      %mul3A_1187 = arith.mulf %add3A_1184, %mul3A_1186 : vector<16xf32>
      %mul3A_1188 = arith.mulf %div3A_1137, %mul3A_1187 : vector<16xf32>
      %sub3A_1189 = arith.subf %sub3A_1114, %mul3A_1188 : vector<16xf32>
      %gt3A_1190 = arith.cmpf ogt, %div3A_1137, %select_n3A_1116 : vector<16xf32>
      %select_n3A_1191 = arith.select %gt3A_1190, %div3A_1137, %select_n3A_1116 : vector<16xi1>, vector<16xf32>
      %mul3A_1192 = arith.constant 16 : i32
      %mul3A_1193 = arith.muli %scan3A_1123, %mul3A_1192 : i32
      %add3A_1194 = vector.broadcast %mul3A_1193 : i32 to vector<16xi32>
      %add3A_1195 = arith.addi %iota3A_554, %add3A_1194 : vector<16xi32>
      %select_n3A_1196 = arith.select %gt3A_1190, %add3A_1195, %select_n3A_1121 : vector<16xi1>, vector<16xi32>
      %scan3A_1197 = arith.constant 7 : i32
      %scan3A_1198 = arith.addi %scan3A_672, %scan3A_1197 : i32
      %mul3A_1199 = arith.constant 16 : i32
      %mul3A_1200 = arith.muli %scan3A_1198, %mul3A_1199 : i32
      %get3A_1201 = arith.index_cast %mul3A_1200 : i32 to index
      %get3A_1202 = tpu.vector_load %arg6[%get3A_1201] {strides = array<i32>} : memref<2048xf32, #tpu.memory_space<vmem>>, vector<16xf32>,
      %mul3A_1203 = arith.constant 16 : i32
      %mul3A_1204 = arith.muli %scan3A_1198, %mul3A_1203 : i32
      %get3A_1205 = arith.index_cast %mul3A_1204 : i32 to index
      %get3A_1206 = tpu.vector_load %arg5[%get3A_1205] {strides = array<i32>} : memref<2048xf32, #tpu.memory_space<vmem>>, vector<16xf32>,
      %sub3A_1207 = arith.constant 1.000000e+00 : f32
      %sub3A_1208 = vector.broadcast %sub3A_1207 : f32 to vector<16xf32>
      %sub3A_1209 = arith.subf %sub3A_1208, %get3A_1202 : vector<16xf32>
      %mul3A_1210 = arith.mulf %get3A_1206, %sub3A_1209 : vector<16xf32>
      %select_n3A_1211 = arith.select %gt3A_553, %sub3A_1209, %mul3A_1210 : vector<16xi1>, vector<16xf32>
      %div3A_1212 = arith.divf %select_n3A_1211, %broadcast_in_dim3A_546 : vector<16xf32>
      %max3A_1213 = arith.constant 1.1920929E-7 : f32
      %max3A_1214 = vector.broadcast %max3A_1213 : f32 to vector<16xf32>
      %max3A_1215 = arith.maximumf %div3A_1212, %max3A_1214 : vector<16xf32>
      %min3A_1216 = arith.constant 0.99999988 : f32
      %min3A_1217 = vector.broadcast %min3A_1216 : f32 to vector<16xf32>
      %min3A_1218 = arith.minimumf %max3A_1215, %min3A_1217 : vector<16xf32>
      %bitcast_convert_type3A_1219 = tpu.bitcast %min3A_1218 : vector<16xf32> -> vector<16xi32>
      %shift_right_arithmetic3A_1220 = arith.constant 23 : i32
      %shift_right_arithmetic3A_1221 = vector.broadcast %shift_right_arithmetic3A_1220 : i32 to vector<16xi32>
      %shift_right_arithmetic3A_1222 = arith.shrsi %bitcast_convert_type3A_1219, %shift_right_arithmetic3A_1221 : vector<16xi32>
      %sub3A_1223 = arith.constant 127 : i32
      %sub3A_1224 = vector.broadcast %sub3A_1223 : i32 to vector<16xi32>
      %sub3A_1225 = arith.subi %shift_right_arithmetic3A_1222, %sub3A_1224 : vector<16xi32>
      %convert_element_type3A_1226 = arith.sitofp %sub3A_1225 : vector<16xi32> to vector<16xf32>
      %and3A_1227 = arith.constant 8388607 : i32
      %and3A_1228 = vector.broadcast %and3A_1227 : i32 to vector<16xi32>
      %and3A_1229 = arith.andi %bitcast_convert_type3A_1219, %and3A_1228 : vector<16xi32>
      %or3A_1230 = arith.constant 1065353216 : i32
      %or3A_1231 = vector.broadcast %or3A_1230 : i32 to vector<16xi32>
      %or3A_1232 = arith.ori %and3A_1229, %or3A_1231 : vector<16xi32>
      %bitcast_convert_type3A_1233 = tpu.bitcast %or3A_1232 : vector<16xi32> -> vector<16xf32>
      %sub3A_1234 = arith.constant 1.000000e+00 : f32
      %sub3A_1235 = vector.broadcast %sub3A_1234 : f32 to vector<16xf32>
      %sub3A_1236 = arith.subf %bitcast_convert_type3A_1233, %sub3A_1235 : vector<16xf32>
      %mul3A_1237 = arith.constant 0.0434283651 : f32
      %mul3A_1238 = vector.broadcast %mul3A_1237 : f32 to vector<16xf32>
      %mul3A_1239 = arith.mulf %mul3A_1238, %sub3A_1236 : vector<16xf32>
      %add3A_1240 = arith.constant -0.187720492 : f32
      %add3A_1241 = vector.broadcast %add3A_1240 : f32 to vector<16xf32>
      %add3A_1242 = arith.addf %mul3A_1239, %add3A_1241 : vector<16xf32>
      %mul3A_1243 = arith.mulf %add3A_1242, %sub3A_1236 : vector<16xf32>
      %add3A_1244 = arith.constant 0.408718944 : f32
      %add3A_1245 = vector.broadcast %add3A_1244 : f32 to vector<16xf32>
      %add3A_1246 = arith.addf %mul3A_1243, %add3A_1245 : vector<16xf32>
      %mul3A_1247 = arith.mulf %add3A_1246, %sub3A_1236 : vector<16xf32>
      %add3A_1248 = arith.constant -0.705702602 : f32
      %add3A_1249 = vector.broadcast %add3A_1248 : f32 to vector<16xf32>
      %add3A_1250 = arith.addf %mul3A_1247, %add3A_1249 : vector<16xf32>
      %mul3A_1251 = arith.mulf %add3A_1250, %sub3A_1236 : vector<16xf32>
      %add3A_1252 = arith.constant 1.44126713 : f32
      %add3A_1253 = vector.broadcast %add3A_1252 : f32 to vector<16xf32>
      %add3A_1254 = arith.addf %mul3A_1251, %add3A_1253 : vector<16xf32>
      %mul3A_1255 = arith.mulf %add3A_1254, %sub3A_1236 : vector<16xf32>
      %add3A_1256 = arith.constant 3.19308565E-5 : f32
      %add3A_1257 = vector.broadcast %add3A_1256 : f32 to vector<16xf32>
      %add3A_1258 = arith.addf %mul3A_1255, %add3A_1257 : vector<16xf32>
      %add3A_1259 = arith.addf %convert_element_type3A_1226, %add3A_1258 : vector<16xf32>
      %mul3A_1260 = arith.constant 0.693147182 : f32
      %mul3A_1261 = vector.broadcast %mul3A_1260 : f32 to vector<16xf32>
      %mul3A_1262 = arith.mulf %add3A_1259, %mul3A_1261 : vector<16xf32>
      %mul3A_1263 = arith.mulf %div3A_1212, %mul3A_1262 : vector<16xf32>
      %sub3A_1264 = arith.subf %sub3A_1189, %mul3A_1263 : vector<16xf32>
      %gt3A_1265 = arith.cmpf ogt, %div3A_1212, %select_n3A_1191 : vector<16xf32>
      %select_n3A_1266 = arith.select %gt3A_1265, %div3A_1212, %select_n3A_1191 : vector<16xi1>, vector<16xf32>
      %mul3A_1267 = arith.constant 16 : i32
      %mul3A_1268 = arith.muli %scan3A_1198, %mul3A_1267 : i32
      %add3A_1269 = vector.broadcast %mul3A_1268 : i32 to vector<16xi32>
      %add3A_1270 = arith.addi %iota3A_554, %add3A_1269 : vector<16xi32>
      %select_n3A_1271 = arith.select %gt3A_1265, %add3A_1270, %select_n3A_1196 : vector<16xi1>, vector<16xi32>
      scf.yield %sub3A_1264, %select_n3A_1266, %select_n3A_1271 : vector<16xf32>, vector<16xf32>, vector<16xi32>
    }
    %scan3A_564 = arith.constant 128 : i32
    %reduce_sum3A_565 = arith.constant true
    %reduce_sum3A_566 = vector.broadcast %reduce_sum3A_565 : i1 to vector<16xi1>
    %reduce_sum3A_567 = tpu.scan <sum>, %scan3A_563#0 masked %reduce_sum3A_566 : vector<16xf32>, vector<16xi1> -> vector<16xf32>
    %reduce_sum3A_568 = vector.extract %reduce_sum3A_567[15] : f32 from vector<16xf32>
    %reduce_max3A_569 = arith.constant true
    %reduce_max3A_570 = vector.broadcast %reduce_max3A_569 : i1 to vector<16xi1>
    %reduce_max3A_571 = tpu.scan <max>, %scan3A_563#1 masked %reduce_max3A_570 : vector<16xf32>, vector<16xi1> -> vector<16xf32>
    %reduce_max3A_572 = vector.extract %reduce_max3A_571[15] : f32 from vector<16xf32>
    %broadcast_in_dim3A_573 = vector.broadcast %reduce_max3A_572 : f32 to vector<16xf32>
    %eq3A_574 = arith.cmpf oeq, %scan3A_563#1, %broadcast_in_dim3A_573 : vector<16xf32>
    %jit3A_575 = arith.constant 1073741824 : i32
    %broadcast_in_dim3A_576 = vector.broadcast %jit3A_575 : i32 to vector<16xi32>
    %select_n3A_577 = arith.select %eq3A_574, %scan3A_563#2, %broadcast_in_dim3A_576 : vector<16xi1>, vector<16xi32>
    %reduce_min3A_578 = arith.constant true
    %reduce_min3A_579 = vector.broadcast %reduce_min3A_578 : i1 to vector<16xi1>
    %reduce_min3A_580 = arith.constant -2147483648 : i32
    %reduce_min3A_581 = vector.broadcast %reduce_min3A_580 : i32 to vector<16xi32>
    %reduce_min3A_582 = arith.xori %select_n3A_577, %reduce_min3A_581 : vector<16xi32>
    %reduce_min3A_583 = tpu.scan <min>, %reduce_min3A_582 masked %reduce_min3A_579 : vector<16xi32>, vector<16xi1> -> vector<16xi32>
    %reduce_min3A_584 = arith.xori %reduce_min3A_583, %reduce_min3A_581 : vector<16xi32>
    %reduce_min3A_585 = vector.extract %reduce_min3A_584[15] : i32 from vector<16xi32>
    %broadcast_in_dim3A_586 = vector.broadcast %reduce_max3A_572 : f32 to vector<16xf32>
    %max3A_587 = arith.constant 1.1920929E-7 : f32
    %max3A_588 = vector.broadcast %max3A_587 : f32 to vector<16xf32>
    %max3A_589 = arith.maximumf %broadcast_in_dim3A_586, %max3A_588 : vector<16xf32>
    %min3A_590 = arith.constant 0.99999988 : f32
    %min3A_591 = vector.broadcast %min3A_590 : f32 to vector<16xf32>
    %min3A_592 = arith.minimumf %max3A_589, %min3A_591 : vector<16xf32>
    %bitcast_convert_type3A_593 = tpu.bitcast %min3A_592 : vector<16xf32> -> vector<16xi32>
    %shift_right_arithmetic3A_594 = arith.constant 23 : i32
    %shift_right_arithmetic3A_595 = vector.broadcast %shift_right_arithmetic3A_594 : i32 to vector<16xi32>
    %shift_right_arithmetic3A_596 = arith.shrsi %bitcast_convert_type3A_593, %shift_right_arithmetic3A_595 : vector<16xi32>
    %sub3A_597 = arith.constant 127 : i32
    %sub3A_598 = vector.broadcast %sub3A_597 : i32 to vector<16xi32>
    %sub3A_599 = arith.subi %shift_right_arithmetic3A_596, %sub3A_598 : vector<16xi32>
    %convert_element_type3A_600 = arith.sitofp %sub3A_599 : vector<16xi32> to vector<16xf32>
    %and3A_601 = arith.constant 8388607 : i32
    %and3A_602 = vector.broadcast %and3A_601 : i32 to vector<16xi32>
    %and3A_603 = arith.andi %bitcast_convert_type3A_593, %and3A_602 : vector<16xi32>
    %or3A_604 = arith.constant 1065353216 : i32
    %or3A_605 = vector.broadcast %or3A_604 : i32 to vector<16xi32>
    %or3A_606 = arith.ori %and3A_603, %or3A_605 : vector<16xi32>
    %bitcast_convert_type3A_607 = tpu.bitcast %or3A_606 : vector<16xi32> -> vector<16xf32>
    %sub3A_608 = arith.constant 1.000000e+00 : f32
    %sub3A_609 = vector.broadcast %sub3A_608 : f32 to vector<16xf32>
    %sub3A_610 = arith.subf %bitcast_convert_type3A_607, %sub3A_609 : vector<16xf32>
    %mul3A_611 = arith.constant 0.0434283651 : f32
    %mul3A_612 = vector.broadcast %mul3A_611 : f32 to vector<16xf32>
    %mul3A_613 = arith.mulf %mul3A_612, %sub3A_610 : vector<16xf32>
    %add3A_614 = arith.constant -0.187720492 : f32
    %add3A_615 = vector.broadcast %add3A_614 : f32 to vector<16xf32>
    %add3A_616 = arith.addf %mul3A_613, %add3A_615 : vector<16xf32>
    %mul3A_617 = arith.mulf %add3A_616, %sub3A_610 : vector<16xf32>
    %add3A_618 = arith.constant 0.408718944 : f32
    %add3A_619 = vector.broadcast %add3A_618 : f32 to vector<16xf32>
    %add3A_620 = arith.addf %mul3A_617, %add3A_619 : vector<16xf32>
    %mul3A_621 = arith.mulf %add3A_620, %sub3A_610 : vector<16xf32>
    %add3A_622 = arith.constant -0.705702602 : f32
    %add3A_623 = vector.broadcast %add3A_622 : f32 to vector<16xf32>
    %add3A_624 = arith.addf %mul3A_621, %add3A_623 : vector<16xf32>
    %mul3A_625 = arith.mulf %add3A_624, %sub3A_610 : vector<16xf32>
    %add3A_626 = arith.constant 1.44126713 : f32
    %add3A_627 = vector.broadcast %add3A_626 : f32 to vector<16xf32>
    %add3A_628 = arith.addf %mul3A_625, %add3A_627 : vector<16xf32>
    %mul3A_629 = arith.mulf %add3A_628, %sub3A_610 : vector<16xf32>
    %add3A_630 = arith.constant 3.19308565E-5 : f32
    %add3A_631 = vector.broadcast %add3A_630 : f32 to vector<16xf32>
    %add3A_632 = arith.addf %mul3A_629, %add3A_631 : vector<16xf32>
    %add3A_633 = arith.addf %convert_element_type3A_600, %add3A_632 : vector<16xf32>
    %mul3A_634 = arith.constant 0.693147182 : f32
    %mul3A_635 = vector.broadcast %mul3A_634 : f32 to vector<16xf32>
    %mul3A_636 = arith.mulf %add3A_633, %mul3A_635 : vector<16xf32>
    %bitcast_convert_type3A_637 = tpu.bitcast %mul3A_636 : vector<16xf32> -> vector<16xi32>
    %reduce_max3A_638 = arith.constant true
    %reduce_max3A_639 = vector.broadcast %reduce_max3A_638 : i1 to vector<16xi1>
    %reduce_max3A_640 = arith.constant -2147483648 : i32
    %reduce_max3A_641 = vector.broadcast %reduce_max3A_640 : i32 to vector<16xi32>
    %reduce_max3A_642 = arith.xori %bitcast_convert_type3A_637, %reduce_max3A_641 : vector<16xi32>
    %reduce_max3A_643 = tpu.scan <max>, %reduce_max3A_642 masked %reduce_max3A_639 : vector<16xi32>, vector<16xi1> -> vector<16xi32>
    %reduce_max3A_644 = arith.xori %reduce_max3A_643, %reduce_max3A_641 : vector<16xi32>
    %reduce_max3A_645 = vector.extract %reduce_max3A_644[15] : i32 from vector<16xi32>
    %broadcast_in_dim3A_646 = vector.broadcast %reduce_sum3A_568 : f32 to vector<16xf32>
    %bitcast_convert_type3A_647 = tpu.bitcast %broadcast_in_dim3A_646 : vector<16xf32> -> vector<16xi32>
    %reduce_max3A_648 = arith.constant true
    %reduce_max3A_649 = vector.broadcast %reduce_max3A_648 : i1 to vector<16xi1>
    %reduce_max3A_650 = arith.constant -2147483648 : i32
    %reduce_max3A_651 = vector.broadcast %reduce_max3A_650 : i32 to vector<16xi32>
    %reduce_max3A_652 = arith.xori %bitcast_convert_type3A_647, %reduce_max3A_651 : vector<16xi32>
    %reduce_max3A_653 = tpu.scan <max>, %reduce_max3A_652 masked %reduce_max3A_649 : vector<16xi32>, vector<16xi1> -> vector<16xi32>
    %reduce_max3A_654 = arith.xori %reduce_max3A_653, %reduce_max3A_651 : vector<16xi32>
    %reduce_max3A_655 = vector.extract %reduce_max3A_654[15] : i32 from vector<16xi32>
    %eq3A_656 = arith.constant 9 : i32
    %eq3A_657 = vector.broadcast %eq3A_656 : i32 to vector<16xi32>
    %eq3A_658 = arith.cmpi eq, %iota3A, %eq3A_657 : vector<16xi32>
    %broadcast_in_dim3A_659 = vector.broadcast %reduce_min3A_585 : i32 to vector<16xi32>
    %select_n3A_660 = arith.select %eq3A_658, %broadcast_in_dim3A_659, %select_n3A_498 : vector<16xi1>, vector<16xi32>
    %eq3A_661 = arith.constant 10 : i32
    %eq3A_662 = vector.broadcast %eq3A_661 : i32 to vector<16xi32>
    %eq3A_663 = arith.cmpi eq, %iota3A, %eq3A_662 : vector<16xi32>
    %broadcast_in_dim3A_664 = vector.broadcast %reduce_max3A_645 : i32 to vector<16xi32>
    %select_n3A_665 = arith.select %eq3A_663, %broadcast_in_dim3A_664, %select_n3A_660 : vector<16xi1>, vector<16xi32>
    %eq3A_666 = arith.constant 11 : i32
    %eq3A_667 = vector.broadcast %eq3A_666 : i32 to vector<16xi32>
    %eq3A_668 = arith.cmpi eq, %iota3A, %eq3A_667 : vector<16xi32>
    %broadcast_in_dim3A_669 = vector.broadcast %reduce_max3A_655 : i32 to vector<16xi32>
    %select_n3A_670 = arith.select %eq3A_668, %broadcast_in_dim3A_669, %select_n3A_665 : vector<16xi1>, vector<16xi32>
    %swap3A = arith.constant 0 : index
    %swap3A_671 = tpu.vector_load %arg7[%swap3A] {strides = array<i32>} : memref<16xi32, #tpu.memory_space<vmem>>, vector<16xi32>,
    tpu.vector_store %arg7[%swap3A], %select_n3A_670 {strides = array<i32>} : memref<16xi32, #tpu.memory_space<vmem>>, vector<16xi32>,
    "tpu.region"() ({
      %run_scoped3A = tpu.sem_alloc : memref<!tpu.dma_semaphore, #tpu.memory_space<semaphore_mem>>
      %dma_start3A_672 = arith.constant 0 : i32
      %dma_start3A_673 = tpu.memref_slice %arg4[%add3A, %dma_start3A_672] : memref<32x16xi32, #tpu.memory_space<hbm>> -> memref<1x16xi32, #tpu.memory_space<hbm>>
      %dma_start3A_674 = tpu.memref_squeeze %dma_start3A_673 : memref<1x16xi32, #tpu.memory_space<hbm>> -> memref<16xi32, #tpu.memory_space<hbm>>
      %dma_start3A_675 = arith.constant 0 : i32
      %dma_start3A_676 = tpu.memref_slice %arg4[%add3A, %dma_start3A_675] : memref<32x16xi32, #tpu.memory_space<hbm>> -> memref<1x16xi32, #tpu.memory_space<hbm>>
      %dma_start3A_677 = tpu.memref_squeeze %dma_start3A_676 : memref<1x16xi32, #tpu.memory_space<hbm>> -> memref<16xi32, #tpu.memory_space<hbm>>
      tpu.enqueue_dma source(%arg7 : memref<16xi32, #tpu.memory_space<vmem>>) target(%dma_start3A_677 : memref<16xi32, #tpu.memory_space<hbm>>) target_semaphore(%run_scoped3A : memref<!tpu.dma_semaphore, #tpu.memory_space<semaphore_mem>>)
      %dma_wait3A_678 = arith.constant 0 : i32
      %dma_wait3A_679 = tpu.memref_slice %arg4[%add3A, %dma_wait3A_678] : memref<32x16xi32, #tpu.memory_space<hbm>> -> memref<1x16xi32, #tpu.memory_space<hbm>>
      %dma_wait3A_680 = tpu.memref_squeeze %dma_wait3A_679 : memref<1x16xi32, #tpu.memory_space<hbm>> -> memref<16xi32, #tpu.memory_space<hbm>>
      %dma_wait3A_681 = arith.constant 0 : i32
      %dma_wait3A_682 = tpu.memref_slice %arg4[%add3A, %dma_wait3A_681] : memref<32x16xi32, #tpu.memory_space<hbm>> -> memref<1x16xi32, #tpu.memory_space<hbm>>
      %dma_wait3A_683 = tpu.memref_squeeze %dma_wait3A_682 : memref<1x16xi32, #tpu.memory_space<hbm>> -> memref<16xi32, #tpu.memory_space<hbm>>
      tpu.wait_dma2 semaphore(%run_scoped3A : memref<!tpu.dma_semaphore, #tpu.memory_space<semaphore_mem>>) src(%arg7 : memref<16xi32, #tpu.memory_space<vmem>>) dst(%dma_wait3A_683 : memref<16xi32, #tpu.memory_space<hbm>>)
      tpu.yield
    }) : () -> ()
    return
  }
}

module attributes {stable_mosaic.version = 14 : i64} {
  func.func @_vm_kernel(%arg0: memref<128x8192xf32, #tpu.memory_space<any>>, %arg1: memref<128x8192xi8, #tpu.memory_space<any>>, %arg2: memref<128xi32, #tpu.memory_space<vmem>>, %arg3: memref<128xf32, #tpu.memory_space<vmem>>, %arg4: memref<128xf32, #tpu.memory_space<vmem>>, %arg5: memref<32x8192xf32, #tpu.memory_space<vmem>>, %arg6: memref<32x8192xf32, #tpu.memory_space<vmem>>, %arg7: memref<32x8192xi8, #tpu.memory_space<vmem>>, %arg8: memref<32x8192xi8, #tpu.memory_space<vmem>>, %arg9: memref<2x2x!tpu.dma_semaphore, #tpu.memory_space<semaphore_mem>>) attributes {dimension_semantics = [], scalar_prefetch = 0 : i64, scratch_operands = 5 : i64, tpu.core_type = #tpu.core_type<tc>} {
    %dma_start3A = arith.constant 0 : i32
    %dma_start3A_0 = arith.constant 0 : i32
    %dma_start3A_1 = tpu.memref_slice %arg9[%dma_start3A, %dma_start3A_0] : memref<2x2x!tpu.dma_semaphore, #tpu.memory_space<semaphore_mem>> -> memref<1x1x!tpu.dma_semaphore, #tpu.memory_space<semaphore_mem>>
    %dma_start3A_2 = tpu.memref_squeeze %dma_start3A_1 : memref<1x1x!tpu.dma_semaphore, #tpu.memory_space<semaphore_mem>> -> memref<!tpu.dma_semaphore, #tpu.memory_space<semaphore_mem>>
    %dma_start3A_3 = arith.constant 0 : i32
    %dma_start3A_4 = arith.constant 0 : i32
    %dma_start3A_5 = tpu.memref_slice %arg0[%dma_start3A_3, %dma_start3A_4] : memref<128x8192xf32, #tpu.memory_space<any>> -> memref<32x8192xf32, #tpu.memory_space<any>>
    tpu.enqueue_dma source(%dma_start3A_5 : memref<32x8192xf32, #tpu.memory_space<any>>) target(%arg5 : memref<32x8192xf32, #tpu.memory_space<vmem>>) target_semaphore(%dma_start3A_2 : memref<!tpu.dma_semaphore, #tpu.memory_space<semaphore_mem>>)
    %dma_start3A_6 = arith.constant 0 : i32
    %dma_start3A_7 = arith.constant 1 : i32
    %dma_start3A_8 = tpu.memref_slice %arg9[%dma_start3A_6, %dma_start3A_7] : memref<2x2x!tpu.dma_semaphore, #tpu.memory_space<semaphore_mem>> -> memref<1x1x!tpu.dma_semaphore, #tpu.memory_space<semaphore_mem>>
    %dma_start3A_9 = tpu.memref_squeeze %dma_start3A_8 : memref<1x1x!tpu.dma_semaphore, #tpu.memory_space<semaphore_mem>> -> memref<!tpu.dma_semaphore, #tpu.memory_space<semaphore_mem>>
    %dma_start3A_10 = arith.constant 0 : i32
    %dma_start3A_11 = arith.constant 0 : i32
    %dma_start3A_12 = tpu.memref_slice %arg1[%dma_start3A_10, %dma_start3A_11] : memref<128x8192xi8, #tpu.memory_space<any>> -> memref<32x8192xi8, #tpu.memory_space<any>>
    tpu.enqueue_dma source(%dma_start3A_12 : memref<32x8192xi8, #tpu.memory_space<any>>) target(%arg7 : memref<32x8192xi8, #tpu.memory_space<vmem>>) target_semaphore(%dma_start3A_9 : memref<!tpu.dma_semaphore, #tpu.memory_space<semaphore_mem>>)
    %dma_wait3A = arith.constant 0 : i32
    %dma_wait3A_13 = arith.constant 0 : i32
    %dma_wait3A_14 = tpu.memref_slice %arg9[%dma_wait3A, %dma_wait3A_13] : memref<2x2x!tpu.dma_semaphore, #tpu.memory_space<semaphore_mem>> -> memref<1x1x!tpu.dma_semaphore, #tpu.memory_space<semaphore_mem>>
    %dma_wait3A_15 = tpu.memref_squeeze %dma_wait3A_14 : memref<1x1x!tpu.dma_semaphore, #tpu.memory_space<semaphore_mem>> -> memref<!tpu.dma_semaphore, #tpu.memory_space<semaphore_mem>>
    %dma_wait3A_16 = arith.constant 0 : i32
    %dma_wait3A_17 = arith.constant 0 : i32
    %dma_wait3A_18 = tpu.memref_slice %arg0[%dma_wait3A_16, %dma_wait3A_17] : memref<128x8192xf32, #tpu.memory_space<any>> -> memref<32x8192xf32, #tpu.memory_space<any>>
    tpu.wait_dma2 semaphore(%dma_wait3A_15 : memref<!tpu.dma_semaphore, #tpu.memory_space<semaphore_mem>>) src(%dma_wait3A_18 : memref<32x8192xf32, #tpu.memory_space<any>>) dst(%arg5 : memref<32x8192xf32, #tpu.memory_space<vmem>>)
    %dma_wait3A_19 = arith.constant 0 : i32
    %dma_wait3A_20 = arith.constant 1 : i32
    %dma_wait3A_21 = tpu.memref_slice %arg9[%dma_wait3A_19, %dma_wait3A_20] : memref<2x2x!tpu.dma_semaphore, #tpu.memory_space<semaphore_mem>> -> memref<1x1x!tpu.dma_semaphore, #tpu.memory_space<semaphore_mem>>
    %dma_wait3A_22 = tpu.memref_squeeze %dma_wait3A_21 : memref<1x1x!tpu.dma_semaphore, #tpu.memory_space<semaphore_mem>> -> memref<!tpu.dma_semaphore, #tpu.memory_space<semaphore_mem>>
    %dma_wait3A_23 = arith.constant 0 : i32
    %dma_wait3A_24 = arith.constant 0 : i32
    %dma_wait3A_25 = tpu.memref_slice %arg1[%dma_wait3A_23, %dma_wait3A_24] : memref<128x8192xi8, #tpu.memory_space<any>> -> memref<32x8192xi8, #tpu.memory_space<any>>
    tpu.wait_dma2 semaphore(%dma_wait3A_22 : memref<!tpu.dma_semaphore, #tpu.memory_space<semaphore_mem>>) src(%dma_wait3A_25 : memref<32x8192xi8, #tpu.memory_space<any>>) dst(%arg7 : memref<32x8192xi8, #tpu.memory_space<vmem>>)
    %dma_start3A_26 = arith.constant 1 : i32
    %dma_start3A_27 = arith.constant 0 : i32
    %dma_start3A_28 = tpu.memref_slice %arg9[%dma_start3A_26, %dma_start3A_27] : memref<2x2x!tpu.dma_semaphore, #tpu.memory_space<semaphore_mem>> -> memref<1x1x!tpu.dma_semaphore, #tpu.memory_space<semaphore_mem>>
    %dma_start3A_29 = tpu.memref_squeeze %dma_start3A_28 : memref<1x1x!tpu.dma_semaphore, #tpu.memory_space<semaphore_mem>> -> memref<!tpu.dma_semaphore, #tpu.memory_space<semaphore_mem>>
    %dma_start3A_30 = arith.constant 32 : i32
    %dma_start3A_31 = arith.constant 0 : i32
    %dma_start3A_32 = tpu.memref_slice %arg0[%dma_start3A_30, %dma_start3A_31] : memref<128x8192xf32, #tpu.memory_space<any>> -> memref<32x8192xf32, #tpu.memory_space<any>>
    tpu.enqueue_dma source(%dma_start3A_32 : memref<32x8192xf32, #tpu.memory_space<any>>) target(%arg6 : memref<32x8192xf32, #tpu.memory_space<vmem>>) target_semaphore(%dma_start3A_29 : memref<!tpu.dma_semaphore, #tpu.memory_space<semaphore_mem>>)
    %dma_start3A_33 = arith.constant 1 : i32
    %dma_start3A_34 = arith.constant 1 : i32
    %dma_start3A_35 = tpu.memref_slice %arg9[%dma_start3A_33, %dma_start3A_34] : memref<2x2x!tpu.dma_semaphore, #tpu.memory_space<semaphore_mem>> -> memref<1x1x!tpu.dma_semaphore, #tpu.memory_space<semaphore_mem>>
    %dma_start3A_36 = tpu.memref_squeeze %dma_start3A_35 : memref<1x1x!tpu.dma_semaphore, #tpu.memory_space<semaphore_mem>> -> memref<!tpu.dma_semaphore, #tpu.memory_space<semaphore_mem>>
    %dma_start3A_37 = arith.constant 32 : i32
    %dma_start3A_38 = arith.constant 0 : i32
    %dma_start3A_39 = tpu.memref_slice %arg1[%dma_start3A_37, %dma_start3A_38] : memref<128x8192xi8, #tpu.memory_space<any>> -> memref<32x8192xi8, #tpu.memory_space<any>>
    tpu.enqueue_dma source(%dma_start3A_39 : memref<32x8192xi8, #tpu.memory_space<any>>) target(%arg8 : memref<32x8192xi8, #tpu.memory_space<vmem>>) target_semaphore(%dma_start3A_36 : memref<!tpu.dma_semaphore, #tpu.memory_space<semaphore_mem>>)
    %get3A = arith.constant 0 : index
    %get3A_40 = arith.constant 0 : index
    %get3A_41 = vector.load %arg5[%get3A, %get3A_40] : memref<32x8192xf32, #tpu.memory_space<vmem>>, vector<32x8192xf32>
    %get3A_42 = arith.constant 0 : index
    %get3A_43 = arith.constant 0 : index
    %get3A_44 = vector.load %arg7[%get3A_42, %get3A_43] : memref<32x8192xi8, #tpu.memory_space<vmem>>, vector<32x8192xi8>
    %convert_element_type3A = arith.sitofp %get3A_44 : vector<32x8192xi8> to vector<32x8192xf32>
    %sub3A = arith.constant 1.000000e+00 : f32
    %sub3A_45 = vector.broadcast %sub3A : f32 to vector<32x8192xf32>
    %sub3A_46 = arith.subf %sub3A_45, %convert_element_type3A : vector<32x8192xf32>
    %mul3A = arith.mulf %get3A_41, %sub3A_46 : vector<32x8192xf32>
    %mul3A_47 = arith.constant -1.000000e+08 : f32
    %mul3A_48 = vector.broadcast %mul3A_47 : f32 to vector<32x8192xf32>
    %mul3A_49 = arith.mulf %mul3A_48, %convert_element_type3A : vector<32x8192xf32>
    %add3A = arith.addf %mul3A, %mul3A_49 : vector<32x8192xf32>
    %reduce_max3A = arith.constant dense<0xFF800000> : vector<32xf32>
    %reduce_max3A_50 = vector.multi_reduction <maximumf>, %add3A, %reduce_max3A [1] : vector<32x8192xf32> to vector<32xf32>
    %broadcast_in_dim3A = vector.shape_cast %reduce_max3A_50 : vector<32xf32> to vector<32x1xf32>
    %sub3A_51 = vector.broadcast %broadcast_in_dim3A : vector<32x1xf32> to vector<32x8192xf32>
    %sub3A_52 = arith.subf %add3A, %sub3A_51 : vector<32x8192xf32>
    %exp3A = math.exp %sub3A_52 : vector<32x8192xf32>
    %reduce_sum3A = arith.constant dense<0.000000e+00> : vector<32xf32>
    %reduce_sum3A_53 = vector.multi_reduction <add>, %exp3A, %reduce_sum3A [1] : vector<32x8192xf32> to vector<32xf32>
    %broadcast_in_dim3A_54 = vector.shape_cast %reduce_sum3A_53 : vector<32xf32> to vector<32x1xf32>
    %mul3A_55 = arith.mulf %exp3A, %add3A : vector<32x8192xf32>
    %reduce_sum3A_56 = arith.constant dense<0.000000e+00> : vector<32xf32>
    %reduce_sum3A_57 = vector.multi_reduction <add>, %mul3A_55, %reduce_sum3A_56 [1] : vector<32x8192xf32> to vector<32xf32>
    %broadcast_in_dim3A_58 = vector.shape_cast %reduce_sum3A_57 : vector<32xf32> to vector<32x1xf32>
    %log3A = math.log %broadcast_in_dim3A_54 : vector<32x1xf32>
    %add3A_59 = arith.addf %broadcast_in_dim3A, %log3A : vector<32x1xf32>
    %squeeze3A = vector.shape_cast %log3A : vector<32x1xf32> to vector<32xf32>
    %neg3A = arith.constant 0.000000e+00 : f32
    %neg3A_60 = vector.broadcast %neg3A : f32 to vector<32xf32>
    %neg3A_61 = arith.subf %neg3A_60, %squeeze3A : vector<32xf32>
    %squeeze3A_62 = vector.shape_cast %broadcast_in_dim3A : vector<32x1xf32> to vector<32xf32>
    %eq3A = arith.constant -1.000000e+08 : f32
    %eq3A_63 = vector.broadcast %eq3A : f32 to vector<32xf32>
    %eq3A_64 = arith.cmpf oeq, %squeeze3A_62, %eq3A_63 : vector<32xf32>
    %squeeze3A_65 = vector.shape_cast %add3A_59 : vector<32x1xf32> to vector<32xf32>
    %squeeze3A_66 = vector.shape_cast %broadcast_in_dim3A_58 : vector<32x1xf32> to vector<32xf32>
    %squeeze3A_67 = vector.shape_cast %broadcast_in_dim3A_54 : vector<32x1xf32> to vector<32xf32>
    %div3A = arith.divf %squeeze3A_66, %squeeze3A_67 : vector<32xf32>
    %sub3A_68 = arith.subf %squeeze3A_65, %div3A : vector<32xf32>
    %jit3A = arith.constant 0.000000e+00 : f32
    %broadcast_in_dim3A_69 = vector.broadcast %jit3A : f32 to vector<32xf32>
    %select_n3A = arith.select %eq3A_64, %broadcast_in_dim3A_69, %sub3A_68 : vector<32xi1>, vector<32xf32>
    %iota3A = tpu.iota {dimensions = array<i32: 1>} : vector<32x8192xi32>
    %eq3A_70 = vector.broadcast %broadcast_in_dim3A : vector<32x1xf32> to vector<32x8192xf32>
    %eq3A_71 = arith.cmpf oeq, %add3A, %eq3A_70 : vector<32x8192xf32>
    %jit3A_72 = arith.constant 1073741824 : i32
    %broadcast_in_dim3A_73 = vector.broadcast %jit3A_72 : i32 to vector<32x8192xi32>
    %select_n3A_74 = arith.select %eq3A_71, %iota3A, %broadcast_in_dim3A_73 : vector<32x8192xi1>, vector<32x8192xi32>
    %reduce_min3A = arith.constant dense<2147483647> : vector<32xi32>
    %reduce_min3A_75 = vector.multi_reduction <minsi>, %select_n3A_74, %reduce_min3A [1] : vector<32x8192xi32> to vector<32xi32>
    %swap3A = arith.constant 0 : index
    %swap3A_76 = vector.load %arg2[%swap3A] : memref<128xi32, #tpu.memory_space<vmem>>, vector<32xi32>
    tpu.vector_store %arg2[%swap3A], %reduce_min3A_75 {strides = array<i32>} : memref<128xi32, #tpu.memory_space<vmem>>, vector<32xi32>,
    %swap3A_77 = arith.constant 0 : index
    %swap3A_78 = vector.load %arg3[%swap3A_77] : memref<128xf32, #tpu.memory_space<vmem>>, vector<32xf32>
    tpu.vector_store %arg3[%swap3A_77], %neg3A_61 {strides = array<i32>} : memref<128xf32, #tpu.memory_space<vmem>>, vector<32xf32>,
    %swap3A_79 = arith.constant 0 : index
    %swap3A_80 = vector.load %arg4[%swap3A_79] : memref<128xf32, #tpu.memory_space<vmem>>, vector<32xf32>
    tpu.vector_store %arg4[%swap3A_79], %select_n3A {strides = array<i32>} : memref<128xf32, #tpu.memory_space<vmem>>, vector<32xf32>,
    %dma_wait3A_81 = arith.constant 1 : i32
    %dma_wait3A_82 = arith.constant 0 : i32
    %dma_wait3A_83 = tpu.memref_slice %arg9[%dma_wait3A_81, %dma_wait3A_82] : memref<2x2x!tpu.dma_semaphore, #tpu.memory_space<semaphore_mem>> -> memref<1x1x!tpu.dma_semaphore, #tpu.memory_space<semaphore_mem>>
    %dma_wait3A_84 = tpu.memref_squeeze %dma_wait3A_83 : memref<1x1x!tpu.dma_semaphore, #tpu.memory_space<semaphore_mem>> -> memref<!tpu.dma_semaphore, #tpu.memory_space<semaphore_mem>>
    %dma_wait3A_85 = arith.constant 32 : i32
    %dma_wait3A_86 = arith.constant 0 : i32
    %dma_wait3A_87 = tpu.memref_slice %arg0[%dma_wait3A_85, %dma_wait3A_86] : memref<128x8192xf32, #tpu.memory_space<any>> -> memref<32x8192xf32, #tpu.memory_space<any>>
    tpu.wait_dma2 semaphore(%dma_wait3A_84 : memref<!tpu.dma_semaphore, #tpu.memory_space<semaphore_mem>>) src(%dma_wait3A_87 : memref<32x8192xf32, #tpu.memory_space<any>>) dst(%arg6 : memref<32x8192xf32, #tpu.memory_space<vmem>>)
    %dma_wait3A_88 = arith.constant 1 : i32
    %dma_wait3A_89 = arith.constant 1 : i32
    %dma_wait3A_90 = tpu.memref_slice %arg9[%dma_wait3A_88, %dma_wait3A_89] : memref<2x2x!tpu.dma_semaphore, #tpu.memory_space<semaphore_mem>> -> memref<1x1x!tpu.dma_semaphore, #tpu.memory_space<semaphore_mem>>
    %dma_wait3A_91 = tpu.memref_squeeze %dma_wait3A_90 : memref<1x1x!tpu.dma_semaphore, #tpu.memory_space<semaphore_mem>> -> memref<!tpu.dma_semaphore, #tpu.memory_space<semaphore_mem>>
    %dma_wait3A_92 = arith.constant 32 : i32
    %dma_wait3A_93 = arith.constant 0 : i32
    %dma_wait3A_94 = tpu.memref_slice %arg1[%dma_wait3A_92, %dma_wait3A_93] : memref<128x8192xi8, #tpu.memory_space<any>> -> memref<32x8192xi8, #tpu.memory_space<any>>
    tpu.wait_dma2 semaphore(%dma_wait3A_91 : memref<!tpu.dma_semaphore, #tpu.memory_space<semaphore_mem>>) src(%dma_wait3A_94 : memref<32x8192xi8, #tpu.memory_space<any>>) dst(%arg8 : memref<32x8192xi8, #tpu.memory_space<vmem>>)
    %dma_start3A_95 = arith.constant 0 : i32
    %dma_start3A_96 = arith.constant 0 : i32
    %dma_start3A_97 = tpu.memref_slice %arg9[%dma_start3A_95, %dma_start3A_96] : memref<2x2x!tpu.dma_semaphore, #tpu.memory_space<semaphore_mem>> -> memref<1x1x!tpu.dma_semaphore, #tpu.memory_space<semaphore_mem>>
    %dma_start3A_98 = tpu.memref_squeeze %dma_start3A_97 : memref<1x1x!tpu.dma_semaphore, #tpu.memory_space<semaphore_mem>> -> memref<!tpu.dma_semaphore, #tpu.memory_space<semaphore_mem>>
    %dma_start3A_99 = arith.constant 64 : i32
    %dma_start3A_100 = arith.constant 0 : i32
    %dma_start3A_101 = tpu.memref_slice %arg0[%dma_start3A_99, %dma_start3A_100] : memref<128x8192xf32, #tpu.memory_space<any>> -> memref<32x8192xf32, #tpu.memory_space<any>>
    tpu.enqueue_dma source(%dma_start3A_101 : memref<32x8192xf32, #tpu.memory_space<any>>) target(%arg5 : memref<32x8192xf32, #tpu.memory_space<vmem>>) target_semaphore(%dma_start3A_98 : memref<!tpu.dma_semaphore, #tpu.memory_space<semaphore_mem>>)
    %dma_start3A_102 = arith.constant 0 : i32
    %dma_start3A_103 = arith.constant 1 : i32
    %dma_start3A_104 = tpu.memref_slice %arg9[%dma_start3A_102, %dma_start3A_103] : memref<2x2x!tpu.dma_semaphore, #tpu.memory_space<semaphore_mem>> -> memref<1x1x!tpu.dma_semaphore, #tpu.memory_space<semaphore_mem>>
    %dma_start3A_105 = tpu.memref_squeeze %dma_start3A_104 : memref<1x1x!tpu.dma_semaphore, #tpu.memory_space<semaphore_mem>> -> memref<!tpu.dma_semaphore, #tpu.memory_space<semaphore_mem>>
    %dma_start3A_106 = arith.constant 64 : i32
    %dma_start3A_107 = arith.constant 0 : i32
    %dma_start3A_108 = tpu.memref_slice %arg1[%dma_start3A_106, %dma_start3A_107] : memref<128x8192xi8, #tpu.memory_space<any>> -> memref<32x8192xi8, #tpu.memory_space<any>>
    tpu.enqueue_dma source(%dma_start3A_108 : memref<32x8192xi8, #tpu.memory_space<any>>) target(%arg7 : memref<32x8192xi8, #tpu.memory_space<vmem>>) target_semaphore(%dma_start3A_105 : memref<!tpu.dma_semaphore, #tpu.memory_space<semaphore_mem>>)
    %get3A_109 = arith.constant 0 : index
    %get3A_110 = arith.constant 0 : index
    %get3A_111 = vector.load %arg6[%get3A_109, %get3A_110] : memref<32x8192xf32, #tpu.memory_space<vmem>>, vector<32x8192xf32>
    %get3A_112 = arith.constant 0 : index
    %get3A_113 = arith.constant 0 : index
    %get3A_114 = vector.load %arg8[%get3A_112, %get3A_113] : memref<32x8192xi8, #tpu.memory_space<vmem>>, vector<32x8192xi8>
    %convert_element_type3A_115 = arith.sitofp %get3A_114 : vector<32x8192xi8> to vector<32x8192xf32>
    %sub3A_116 = arith.constant 1.000000e+00 : f32
    %sub3A_117 = vector.broadcast %sub3A_116 : f32 to vector<32x8192xf32>
    %sub3A_118 = arith.subf %sub3A_117, %convert_element_type3A_115 : vector<32x8192xf32>
    %mul3A_119 = arith.mulf %get3A_111, %sub3A_118 : vector<32x8192xf32>
    %mul3A_120 = arith.constant -1.000000e+08 : f32
    %mul3A_121 = vector.broadcast %mul3A_120 : f32 to vector<32x8192xf32>
    %mul3A_122 = arith.mulf %mul3A_121, %convert_element_type3A_115 : vector<32x8192xf32>
    %add3A_123 = arith.addf %mul3A_119, %mul3A_122 : vector<32x8192xf32>
    %reduce_max3A_124 = arith.constant dense<0xFF800000> : vector<32xf32>
    %reduce_max3A_125 = vector.multi_reduction <maximumf>, %add3A_123, %reduce_max3A_124 [1] : vector<32x8192xf32> to vector<32xf32>
    %broadcast_in_dim3A_126 = vector.shape_cast %reduce_max3A_125 : vector<32xf32> to vector<32x1xf32>
    %sub3A_127 = vector.broadcast %broadcast_in_dim3A_126 : vector<32x1xf32> to vector<32x8192xf32>
    %sub3A_128 = arith.subf %add3A_123, %sub3A_127 : vector<32x8192xf32>
    %exp3A_129 = math.exp %sub3A_128 : vector<32x8192xf32>
    %reduce_sum3A_130 = arith.constant dense<0.000000e+00> : vector<32xf32>
    %reduce_sum3A_131 = vector.multi_reduction <add>, %exp3A_129, %reduce_sum3A_130 [1] : vector<32x8192xf32> to vector<32xf32>
    %broadcast_in_dim3A_132 = vector.shape_cast %reduce_sum3A_131 : vector<32xf32> to vector<32x1xf32>
    %mul3A_133 = arith.mulf %exp3A_129, %add3A_123 : vector<32x8192xf32>
    %reduce_sum3A_134 = arith.constant dense<0.000000e+00> : vector<32xf32>
    %reduce_sum3A_135 = vector.multi_reduction <add>, %mul3A_133, %reduce_sum3A_134 [1] : vector<32x8192xf32> to vector<32xf32>
    %broadcast_in_dim3A_136 = vector.shape_cast %reduce_sum3A_135 : vector<32xf32> to vector<32x1xf32>
    %log3A_137 = math.log %broadcast_in_dim3A_132 : vector<32x1xf32>
    %add3A_138 = arith.addf %broadcast_in_dim3A_126, %log3A_137 : vector<32x1xf32>
    %squeeze3A_139 = vector.shape_cast %log3A_137 : vector<32x1xf32> to vector<32xf32>
    %neg3A_140 = arith.constant 0.000000e+00 : f32
    %neg3A_141 = vector.broadcast %neg3A_140 : f32 to vector<32xf32>
    %neg3A_142 = arith.subf %neg3A_141, %squeeze3A_139 : vector<32xf32>
    %squeeze3A_143 = vector.shape_cast %broadcast_in_dim3A_126 : vector<32x1xf32> to vector<32xf32>
    %eq3A_144 = arith.constant -1.000000e+08 : f32
    %eq3A_145 = vector.broadcast %eq3A_144 : f32 to vector<32xf32>
    %eq3A_146 = arith.cmpf oeq, %squeeze3A_143, %eq3A_145 : vector<32xf32>
    %squeeze3A_147 = vector.shape_cast %add3A_138 : vector<32x1xf32> to vector<32xf32>
    %squeeze3A_148 = vector.shape_cast %broadcast_in_dim3A_136 : vector<32x1xf32> to vector<32xf32>
    %squeeze3A_149 = vector.shape_cast %broadcast_in_dim3A_132 : vector<32x1xf32> to vector<32xf32>
    %div3A_150 = arith.divf %squeeze3A_148, %squeeze3A_149 : vector<32xf32>
    %sub3A_151 = arith.subf %squeeze3A_147, %div3A_150 : vector<32xf32>
    %jit3A_152 = arith.constant 0.000000e+00 : f32
    %broadcast_in_dim3A_153 = vector.broadcast %jit3A_152 : f32 to vector<32xf32>
    %select_n3A_154 = arith.select %eq3A_146, %broadcast_in_dim3A_153, %sub3A_151 : vector<32xi1>, vector<32xf32>
    %iota3A_155 = tpu.iota {dimensions = array<i32: 1>} : vector<32x8192xi32>
    %eq3A_156 = vector.broadcast %broadcast_in_dim3A_126 : vector<32x1xf32> to vector<32x8192xf32>
    %eq3A_157 = arith.cmpf oeq, %add3A_123, %eq3A_156 : vector<32x8192xf32>
    %jit3A_158 = arith.constant 1073741824 : i32
    %broadcast_in_dim3A_159 = vector.broadcast %jit3A_158 : i32 to vector<32x8192xi32>
    %select_n3A_160 = arith.select %eq3A_157, %iota3A_155, %broadcast_in_dim3A_159 : vector<32x8192xi1>, vector<32x8192xi32>
    %reduce_min3A_161 = arith.constant dense<2147483647> : vector<32xi32>
    %reduce_min3A_162 = vector.multi_reduction <minsi>, %select_n3A_160, %reduce_min3A_161 [1] : vector<32x8192xi32> to vector<32xi32>
    %swap3A_163 = arith.constant 32 : index
    %swap3A_164 = vector.load %arg2[%swap3A_163] : memref<128xi32, #tpu.memory_space<vmem>>, vector<32xi32>
    tpu.vector_store %arg2[%swap3A_163], %reduce_min3A_162 {strides = array<i32>} : memref<128xi32, #tpu.memory_space<vmem>>, vector<32xi32>,
    %swap3A_165 = arith.constant 32 : index
    %swap3A_166 = vector.load %arg3[%swap3A_165] : memref<128xf32, #tpu.memory_space<vmem>>, vector<32xf32>
    tpu.vector_store %arg3[%swap3A_165], %neg3A_142 {strides = array<i32>} : memref<128xf32, #tpu.memory_space<vmem>>, vector<32xf32>,
    %swap3A_167 = arith.constant 32 : index
    %swap3A_168 = vector.load %arg4[%swap3A_167] : memref<128xf32, #tpu.memory_space<vmem>>, vector<32xf32>
    tpu.vector_store %arg4[%swap3A_167], %select_n3A_154 {strides = array<i32>} : memref<128xf32, #tpu.memory_space<vmem>>, vector<32xf32>,
    %dma_wait3A_169 = arith.constant 0 : i32
    %dma_wait3A_170 = arith.constant 0 : i32
    %dma_wait3A_171 = tpu.memref_slice %arg9[%dma_wait3A_169, %dma_wait3A_170] : memref<2x2x!tpu.dma_semaphore, #tpu.memory_space<semaphore_mem>> -> memref<1x1x!tpu.dma_semaphore, #tpu.memory_space<semaphore_mem>>
    %dma_wait3A_172 = tpu.memref_squeeze %dma_wait3A_171 : memref<1x1x!tpu.dma_semaphore, #tpu.memory_space<semaphore_mem>> -> memref<!tpu.dma_semaphore, #tpu.memory_space<semaphore_mem>>
    %dma_wait3A_173 = arith.constant 64 : i32
    %dma_wait3A_174 = arith.constant 0 : i32
    %dma_wait3A_175 = tpu.memref_slice %arg0[%dma_wait3A_173, %dma_wait3A_174] : memref<128x8192xf32, #tpu.memory_space<any>> -> memref<32x8192xf32, #tpu.memory_space<any>>
    tpu.wait_dma2 semaphore(%dma_wait3A_172 : memref<!tpu.dma_semaphore, #tpu.memory_space<semaphore_mem>>) src(%dma_wait3A_175 : memref<32x8192xf32, #tpu.memory_space<any>>) dst(%arg5 : memref<32x8192xf32, #tpu.memory_space<vmem>>)
    %dma_wait3A_176 = arith.constant 0 : i32
    %dma_wait3A_177 = arith.constant 1 : i32
    %dma_wait3A_178 = tpu.memref_slice %arg9[%dma_wait3A_176, %dma_wait3A_177] : memref<2x2x!tpu.dma_semaphore, #tpu.memory_space<semaphore_mem>> -> memref<1x1x!tpu.dma_semaphore, #tpu.memory_space<semaphore_mem>>
    %dma_wait3A_179 = tpu.memref_squeeze %dma_wait3A_178 : memref<1x1x!tpu.dma_semaphore, #tpu.memory_space<semaphore_mem>> -> memref<!tpu.dma_semaphore, #tpu.memory_space<semaphore_mem>>
    %dma_wait3A_180 = arith.constant 64 : i32
    %dma_wait3A_181 = arith.constant 0 : i32
    %dma_wait3A_182 = tpu.memref_slice %arg1[%dma_wait3A_180, %dma_wait3A_181] : memref<128x8192xi8, #tpu.memory_space<any>> -> memref<32x8192xi8, #tpu.memory_space<any>>
    tpu.wait_dma2 semaphore(%dma_wait3A_179 : memref<!tpu.dma_semaphore, #tpu.memory_space<semaphore_mem>>) src(%dma_wait3A_182 : memref<32x8192xi8, #tpu.memory_space<any>>) dst(%arg7 : memref<32x8192xi8, #tpu.memory_space<vmem>>)
    %dma_start3A_183 = arith.constant 1 : i32
    %dma_start3A_184 = arith.constant 0 : i32
    %dma_start3A_185 = tpu.memref_slice %arg9[%dma_start3A_183, %dma_start3A_184] : memref<2x2x!tpu.dma_semaphore, #tpu.memory_space<semaphore_mem>> -> memref<1x1x!tpu.dma_semaphore, #tpu.memory_space<semaphore_mem>>
    %dma_start3A_186 = tpu.memref_squeeze %dma_start3A_185 : memref<1x1x!tpu.dma_semaphore, #tpu.memory_space<semaphore_mem>> -> memref<!tpu.dma_semaphore, #tpu.memory_space<semaphore_mem>>
    %dma_start3A_187 = arith.constant 96 : i32
    %dma_start3A_188 = arith.constant 0 : i32
    %dma_start3A_189 = tpu.memref_slice %arg0[%dma_start3A_187, %dma_start3A_188] : memref<128x8192xf32, #tpu.memory_space<any>> -> memref<32x8192xf32, #tpu.memory_space<any>>
    tpu.enqueue_dma source(%dma_start3A_189 : memref<32x8192xf32, #tpu.memory_space<any>>) target(%arg6 : memref<32x8192xf32, #tpu.memory_space<vmem>>) target_semaphore(%dma_start3A_186 : memref<!tpu.dma_semaphore, #tpu.memory_space<semaphore_mem>>)
    %dma_start3A_190 = arith.constant 1 : i32
    %dma_start3A_191 = arith.constant 1 : i32
    %dma_start3A_192 = tpu.memref_slice %arg9[%dma_start3A_190, %dma_start3A_191] : memref<2x2x!tpu.dma_semaphore, #tpu.memory_space<semaphore_mem>> -> memref<1x1x!tpu.dma_semaphore, #tpu.memory_space<semaphore_mem>>
    %dma_start3A_193 = tpu.memref_squeeze %dma_start3A_192 : memref<1x1x!tpu.dma_semaphore, #tpu.memory_space<semaphore_mem>> -> memref<!tpu.dma_semaphore, #tpu.memory_space<semaphore_mem>>
    %dma_start3A_194 = arith.constant 96 : i32
    %dma_start3A_195 = arith.constant 0 : i32
    %dma_start3A_196 = tpu.memref_slice %arg1[%dma_start3A_194, %dma_start3A_195] : memref<128x8192xi8, #tpu.memory_space<any>> -> memref<32x8192xi8, #tpu.memory_space<any>>
    tpu.enqueue_dma source(%dma_start3A_196 : memref<32x8192xi8, #tpu.memory_space<any>>) target(%arg8 : memref<32x8192xi8, #tpu.memory_space<vmem>>) target_semaphore(%dma_start3A_193 : memref<!tpu.dma_semaphore, #tpu.memory_space<semaphore_mem>>)
    %get3A_197 = arith.constant 0 : index
    %get3A_198 = arith.constant 0 : index
    %get3A_199 = vector.load %arg5[%get3A_197, %get3A_198] : memref<32x8192xf32, #tpu.memory_space<vmem>>, vector<32x8192xf32>
    %get3A_200 = arith.constant 0 : index
    %get3A_201 = arith.constant 0 : index
    %get3A_202 = vector.load %arg7[%get3A_200, %get3A_201] : memref<32x8192xi8, #tpu.memory_space<vmem>>, vector<32x8192xi8>
    %convert_element_type3A_203 = arith.sitofp %get3A_202 : vector<32x8192xi8> to vector<32x8192xf32>
    %sub3A_204 = arith.constant 1.000000e+00 : f32
    %sub3A_205 = vector.broadcast %sub3A_204 : f32 to vector<32x8192xf32>
    %sub3A_206 = arith.subf %sub3A_205, %convert_element_type3A_203 : vector<32x8192xf32>
    %mul3A_207 = arith.mulf %get3A_199, %sub3A_206 : vector<32x8192xf32>
    %mul3A_208 = arith.constant -1.000000e+08 : f32
    %mul3A_209 = vector.broadcast %mul3A_208 : f32 to vector<32x8192xf32>
    %mul3A_210 = arith.mulf %mul3A_209, %convert_element_type3A_203 : vector<32x8192xf32>
    %add3A_211 = arith.addf %mul3A_207, %mul3A_210 : vector<32x8192xf32>
    %reduce_max3A_212 = arith.constant dense<0xFF800000> : vector<32xf32>
    %reduce_max3A_213 = vector.multi_reduction <maximumf>, %add3A_211, %reduce_max3A_212 [1] : vector<32x8192xf32> to vector<32xf32>
    %broadcast_in_dim3A_214 = vector.shape_cast %reduce_max3A_213 : vector<32xf32> to vector<32x1xf32>
    %sub3A_215 = vector.broadcast %broadcast_in_dim3A_214 : vector<32x1xf32> to vector<32x8192xf32>
    %sub3A_216 = arith.subf %add3A_211, %sub3A_215 : vector<32x8192xf32>
    %exp3A_217 = math.exp %sub3A_216 : vector<32x8192xf32>
    %reduce_sum3A_218 = arith.constant dense<0.000000e+00> : vector<32xf32>
    %reduce_sum3A_219 = vector.multi_reduction <add>, %exp3A_217, %reduce_sum3A_218 [1] : vector<32x8192xf32> to vector<32xf32>
    %broadcast_in_dim3A_220 = vector.shape_cast %reduce_sum3A_219 : vector<32xf32> to vector<32x1xf32>
    %mul3A_221 = arith.mulf %exp3A_217, %add3A_211 : vector<32x8192xf32>
    %reduce_sum3A_222 = arith.constant dense<0.000000e+00> : vector<32xf32>
    %reduce_sum3A_223 = vector.multi_reduction <add>, %mul3A_221, %reduce_sum3A_222 [1] : vector<32x8192xf32> to vector<32xf32>
    %broadcast_in_dim3A_224 = vector.shape_cast %reduce_sum3A_223 : vector<32xf32> to vector<32x1xf32>
    %log3A_225 = math.log %broadcast_in_dim3A_220 : vector<32x1xf32>
    %add3A_226 = arith.addf %broadcast_in_dim3A_214, %log3A_225 : vector<32x1xf32>
    %squeeze3A_227 = vector.shape_cast %log3A_225 : vector<32x1xf32> to vector<32xf32>
    %neg3A_228 = arith.constant 0.000000e+00 : f32
    %neg3A_229 = vector.broadcast %neg3A_228 : f32 to vector<32xf32>
    %neg3A_230 = arith.subf %neg3A_229, %squeeze3A_227 : vector<32xf32>
    %squeeze3A_231 = vector.shape_cast %broadcast_in_dim3A_214 : vector<32x1xf32> to vector<32xf32>
    %eq3A_232 = arith.constant -1.000000e+08 : f32
    %eq3A_233 = vector.broadcast %eq3A_232 : f32 to vector<32xf32>
    %eq3A_234 = arith.cmpf oeq, %squeeze3A_231, %eq3A_233 : vector<32xf32>
    %squeeze3A_235 = vector.shape_cast %add3A_226 : vector<32x1xf32> to vector<32xf32>
    %squeeze3A_236 = vector.shape_cast %broadcast_in_dim3A_224 : vector<32x1xf32> to vector<32xf32>
    %squeeze3A_237 = vector.shape_cast %broadcast_in_dim3A_220 : vector<32x1xf32> to vector<32xf32>
    %div3A_238 = arith.divf %squeeze3A_236, %squeeze3A_237 : vector<32xf32>
    %sub3A_239 = arith.subf %squeeze3A_235, %div3A_238 : vector<32xf32>
    %jit3A_240 = arith.constant 0.000000e+00 : f32
    %broadcast_in_dim3A_241 = vector.broadcast %jit3A_240 : f32 to vector<32xf32>
    %select_n3A_242 = arith.select %eq3A_234, %broadcast_in_dim3A_241, %sub3A_239 : vector<32xi1>, vector<32xf32>
    %iota3A_243 = tpu.iota {dimensions = array<i32: 1>} : vector<32x8192xi32>
    %eq3A_244 = vector.broadcast %broadcast_in_dim3A_214 : vector<32x1xf32> to vector<32x8192xf32>
    %eq3A_245 = arith.cmpf oeq, %add3A_211, %eq3A_244 : vector<32x8192xf32>
    %jit3A_246 = arith.constant 1073741824 : i32
    %broadcast_in_dim3A_247 = vector.broadcast %jit3A_246 : i32 to vector<32x8192xi32>
    %select_n3A_248 = arith.select %eq3A_245, %iota3A_243, %broadcast_in_dim3A_247 : vector<32x8192xi1>, vector<32x8192xi32>
    %reduce_min3A_249 = arith.constant dense<2147483647> : vector<32xi32>
    %reduce_min3A_250 = vector.multi_reduction <minsi>, %select_n3A_248, %reduce_min3A_249 [1] : vector<32x8192xi32> to vector<32xi32>
    %swap3A_251 = arith.constant 64 : index
    %swap3A_252 = vector.load %arg2[%swap3A_251] : memref<128xi32, #tpu.memory_space<vmem>>, vector<32xi32>
    tpu.vector_store %arg2[%swap3A_251], %reduce_min3A_250 {strides = array<i32>} : memref<128xi32, #tpu.memory_space<vmem>>, vector<32xi32>,
    %swap3A_253 = arith.constant 64 : index
    %swap3A_254 = vector.load %arg3[%swap3A_253] : memref<128xf32, #tpu.memory_space<vmem>>, vector<32xf32>
    tpu.vector_store %arg3[%swap3A_253], %neg3A_230 {strides = array<i32>} : memref<128xf32, #tpu.memory_space<vmem>>, vector<32xf32>,
    %swap3A_255 = arith.constant 64 : index
    %swap3A_256 = vector.load %arg4[%swap3A_255] : memref<128xf32, #tpu.memory_space<vmem>>, vector<32xf32>
    tpu.vector_store %arg4[%swap3A_255], %select_n3A_242 {strides = array<i32>} : memref<128xf32, #tpu.memory_space<vmem>>, vector<32xf32>,
    %dma_wait3A_257 = arith.constant 1 : i32
    %dma_wait3A_258 = arith.constant 0 : i32
    %dma_wait3A_259 = tpu.memref_slice %arg9[%dma_wait3A_257, %dma_wait3A_258] : memref<2x2x!tpu.dma_semaphore, #tpu.memory_space<semaphore_mem>> -> memref<1x1x!tpu.dma_semaphore, #tpu.memory_space<semaphore_mem>>
    %dma_wait3A_260 = tpu.memref_squeeze %dma_wait3A_259 : memref<1x1x!tpu.dma_semaphore, #tpu.memory_space<semaphore_mem>> -> memref<!tpu.dma_semaphore, #tpu.memory_space<semaphore_mem>>
    %dma_wait3A_261 = arith.constant 96 : i32
    %dma_wait3A_262 = arith.constant 0 : i32
    %dma_wait3A_263 = tpu.memref_slice %arg0[%dma_wait3A_261, %dma_wait3A_262] : memref<128x8192xf32, #tpu.memory_space<any>> -> memref<32x8192xf32, #tpu.memory_space<any>>
    tpu.wait_dma2 semaphore(%dma_wait3A_260 : memref<!tpu.dma_semaphore, #tpu.memory_space<semaphore_mem>>) src(%dma_wait3A_263 : memref<32x8192xf32, #tpu.memory_space<any>>) dst(%arg6 : memref<32x8192xf32, #tpu.memory_space<vmem>>)
    %dma_wait3A_264 = arith.constant 1 : i32
    %dma_wait3A_265 = arith.constant 1 : i32
    %dma_wait3A_266 = tpu.memref_slice %arg9[%dma_wait3A_264, %dma_wait3A_265] : memref<2x2x!tpu.dma_semaphore, #tpu.memory_space<semaphore_mem>> -> memref<1x1x!tpu.dma_semaphore, #tpu.memory_space<semaphore_mem>>
    %dma_wait3A_267 = tpu.memref_squeeze %dma_wait3A_266 : memref<1x1x!tpu.dma_semaphore, #tpu.memory_space<semaphore_mem>> -> memref<!tpu.dma_semaphore, #tpu.memory_space<semaphore_mem>>
    %dma_wait3A_268 = arith.constant 96 : i32
    %dma_wait3A_269 = arith.constant 0 : i32
    %dma_wait3A_270 = tpu.memref_slice %arg1[%dma_wait3A_268, %dma_wait3A_269] : memref<128x8192xi8, #tpu.memory_space<any>> -> memref<32x8192xi8, #tpu.memory_space<any>>
    tpu.wait_dma2 semaphore(%dma_wait3A_267 : memref<!tpu.dma_semaphore, #tpu.memory_space<semaphore_mem>>) src(%dma_wait3A_270 : memref<32x8192xi8, #tpu.memory_space<any>>) dst(%arg8 : memref<32x8192xi8, #tpu.memory_space<vmem>>)
    %get3A_271 = arith.constant 0 : index
    %get3A_272 = arith.constant 0 : index
    %get3A_273 = vector.load %arg6[%get3A_271, %get3A_272] : memref<32x8192xf32, #tpu.memory_space<vmem>>, vector<32x8192xf32>
    %get3A_274 = arith.constant 0 : index
    %get3A_275 = arith.constant 0 : index
    %get3A_276 = vector.load %arg8[%get3A_274, %get3A_275] : memref<32x8192xi8, #tpu.memory_space<vmem>>, vector<32x8192xi8>
    %convert_element_type3A_277 = arith.sitofp %get3A_276 : vector<32x8192xi8> to vector<32x8192xf32>
    %sub3A_278 = arith.constant 1.000000e+00 : f32
    %sub3A_279 = vector.broadcast %sub3A_278 : f32 to vector<32x8192xf32>
    %sub3A_280 = arith.subf %sub3A_279, %convert_element_type3A_277 : vector<32x8192xf32>
    %mul3A_281 = arith.mulf %get3A_273, %sub3A_280 : vector<32x8192xf32>
    %mul3A_282 = arith.constant -1.000000e+08 : f32
    %mul3A_283 = vector.broadcast %mul3A_282 : f32 to vector<32x8192xf32>
    %mul3A_284 = arith.mulf %mul3A_283, %convert_element_type3A_277 : vector<32x8192xf32>
    %add3A_285 = arith.addf %mul3A_281, %mul3A_284 : vector<32x8192xf32>
    %reduce_max3A_286 = arith.constant dense<0xFF800000> : vector<32xf32>
    %reduce_max3A_287 = vector.multi_reduction <maximumf>, %add3A_285, %reduce_max3A_286 [1] : vector<32x8192xf32> to vector<32xf32>
    %broadcast_in_dim3A_288 = vector.shape_cast %reduce_max3A_287 : vector<32xf32> to vector<32x1xf32>
    %sub3A_289 = vector.broadcast %broadcast_in_dim3A_288 : vector<32x1xf32> to vector<32x8192xf32>
    %sub3A_290 = arith.subf %add3A_285, %sub3A_289 : vector<32x8192xf32>
    %exp3A_291 = math.exp %sub3A_290 : vector<32x8192xf32>
    %reduce_sum3A_292 = arith.constant dense<0.000000e+00> : vector<32xf32>
    %reduce_sum3A_293 = vector.multi_reduction <add>, %exp3A_291, %reduce_sum3A_292 [1] : vector<32x8192xf32> to vector<32xf32>
    %broadcast_in_dim3A_294 = vector.shape_cast %reduce_sum3A_293 : vector<32xf32> to vector<32x1xf32>
    %mul3A_295 = arith.mulf %exp3A_291, %add3A_285 : vector<32x8192xf32>
    %reduce_sum3A_296 = arith.constant dense<0.000000e+00> : vector<32xf32>
    %reduce_sum3A_297 = vector.multi_reduction <add>, %mul3A_295, %reduce_sum3A_296 [1] : vector<32x8192xf32> to vector<32xf32>
    %broadcast_in_dim3A_298 = vector.shape_cast %reduce_sum3A_297 : vector<32xf32> to vector<32x1xf32>
    %log3A_299 = math.log %broadcast_in_dim3A_294 : vector<32x1xf32>
    %add3A_300 = arith.addf %broadcast_in_dim3A_288, %log3A_299 : vector<32x1xf32>
    %squeeze3A_301 = vector.shape_cast %log3A_299 : vector<32x1xf32> to vector<32xf32>
    %neg3A_302 = arith.constant 0.000000e+00 : f32
    %neg3A_303 = vector.broadcast %neg3A_302 : f32 to vector<32xf32>
    %neg3A_304 = arith.subf %neg3A_303, %squeeze3A_301 : vector<32xf32>
    %squeeze3A_305 = vector.shape_cast %broadcast_in_dim3A_288 : vector<32x1xf32> to vector<32xf32>
    %eq3A_306 = arith.constant -1.000000e+08 : f32
    %eq3A_307 = vector.broadcast %eq3A_306 : f32 to vector<32xf32>
    %eq3A_308 = arith.cmpf oeq, %squeeze3A_305, %eq3A_307 : vector<32xf32>
    %squeeze3A_309 = vector.shape_cast %add3A_300 : vector<32x1xf32> to vector<32xf32>
    %squeeze3A_310 = vector.shape_cast %broadcast_in_dim3A_298 : vector<32x1xf32> to vector<32xf32>
    %squeeze3A_311 = vector.shape_cast %broadcast_in_dim3A_294 : vector<32x1xf32> to vector<32xf32>
    %div3A_312 = arith.divf %squeeze3A_310, %squeeze3A_311 : vector<32xf32>
    %sub3A_313 = arith.subf %squeeze3A_309, %div3A_312 : vector<32xf32>
    %jit3A_314 = arith.constant 0.000000e+00 : f32
    %broadcast_in_dim3A_315 = vector.broadcast %jit3A_314 : f32 to vector<32xf32>
    %select_n3A_316 = arith.select %eq3A_308, %broadcast_in_dim3A_315, %sub3A_313 : vector<32xi1>, vector<32xf32>
    %iota3A_317 = tpu.iota {dimensions = array<i32: 1>} : vector<32x8192xi32>
    %eq3A_318 = vector.broadcast %broadcast_in_dim3A_288 : vector<32x1xf32> to vector<32x8192xf32>
    %eq3A_319 = arith.cmpf oeq, %add3A_285, %eq3A_318 : vector<32x8192xf32>
    %jit3A_320 = arith.constant 1073741824 : i32
    %broadcast_in_dim3A_321 = vector.broadcast %jit3A_320 : i32 to vector<32x8192xi32>
    %select_n3A_322 = arith.select %eq3A_319, %iota3A_317, %broadcast_in_dim3A_321 : vector<32x8192xi1>, vector<32x8192xi32>
    %reduce_min3A_323 = arith.constant dense<2147483647> : vector<32xi32>
    %reduce_min3A_324 = vector.multi_reduction <minsi>, %select_n3A_322, %reduce_min3A_323 [1] : vector<32x8192xi32> to vector<32xi32>
    %swap3A_325 = arith.constant 96 : index
    %swap3A_326 = vector.load %arg2[%swap3A_325] : memref<128xi32, #tpu.memory_space<vmem>>, vector<32xi32>
    tpu.vector_store %arg2[%swap3A_325], %reduce_min3A_324 {strides = array<i32>} : memref<128xi32, #tpu.memory_space<vmem>>, vector<32xi32>,
    %swap3A_327 = arith.constant 96 : index
    %swap3A_328 = vector.load %arg3[%swap3A_327] : memref<128xf32, #tpu.memory_space<vmem>>, vector<32xf32>
    tpu.vector_store %arg3[%swap3A_327], %neg3A_304 {strides = array<i32>} : memref<128xf32, #tpu.memory_space<vmem>>, vector<32xf32>,
    %swap3A_329 = arith.constant 96 : index
    %swap3A_330 = vector.load %arg4[%swap3A_329] : memref<128xf32, #tpu.memory_space<vmem>>, vector<32xf32>
    tpu.vector_store %arg4[%swap3A_329], %select_n3A_316 {strides = array<i32>} : memref<128xf32, #tpu.memory_space<vmem>>, vector<32xf32>,
    return
  }
}

</mosaic_0001>

<sc_bundles>
// kernel: kernel.4.cloned.1.call-start
scs
__scs_entry_jumppad:
0x0: {  	(pc) =	sbr.rel $0x88, $3  }
0x1: {  	(tag) =	ssettag $0x0;
	lr =	simm.s32 $0x1  }
0x2: {  	[smem:$0x3F9D] =	sst lr;
	_ =	strace $0xD0000000  }
0x3: {  	_ = 	snop  }
0x4: {  	_ = 	snop  }
0x5: {  	_ = 	snop  }
0x6: {  	_ = 	snop  }
0x7: {  	_ = 	snop  }
__scs_overlays_trampoline_lowered:
0x8: {  	[smem:$0x3FAC] =	sst s0  }
0x9: {  	[smem:$0x3FAD] =	sst s1  }
0xa: {  	[smem:$0x3FAE] =	sst s2  }
0xb: {  	[smem:$0x3FAF] =	sst s3  }
0xc: {  	[smem:$0x3FB0] =	sst s4  }
0xd: {  	[smem:$0x3FB1] =	sst s5  }
0xe: {  	[smem:$0x3FB2] =	sst s6  }
0xf: {  	[smem:$0x3FB3] =	sst s7  }
0x10: {  	[smem:$0x3FB4] =	sst s8  }
0x11: {  	[smem:$0x3FB5] =	sst s9;
	s0 =	simm.s32 @!p0 $0x0  }
0x12: {  	s1 =	sld [smem:$0x3F9B];
	s0 =	simm.s32 @p0 $0x1  }
0x13: {  	[smem:$0x3FB6] =	sst s0;
	s0 =	simm.s32 @!p1 $0x0  }
0x14: {  	s2 =	sld [smem:$0x3F9A];
	s0 =	simm.s32 @p1 $0x1  }
0x15: {  	[smem:$0x3FB7] =	sst s0;
	s0 =	simm.s32 @!p2 $0x0  }
0x16: {  	s3 =	sld [smem:$0x3FDB];
	s0 =	simm.s32 @p2 $0x1  }
0x17: {  	s4 =	simm.s32 $0x1BF5;
	[smem:$0x3FB9] =	sst s0  }
0x18: {  	s0 =	sld [smem:$0x3F9C];
	_ =	swait.ge [sflag:s4], $0x0  }
0x19: {  	s7 =	sld [smem:$0x3F9D]  }
0x1a: {  	s8 =	sadd.s32 $0xFFFFE003, lr  }
0x1b: {  	s9 =	sadd.s32 $0xFFFFFEF7, lr;
	s5 =	simm.s32 $0xFFFFFFFF;
	p2 =	slt.u32 s8, $0xFFFFF086  }
0x1c: {  	p1 =	slt.u32 s9, $0xF7A;
	s5 =	simm.s32 @!p2 $0x0  }
0x1d: {  	s5 =	simm.s32 @p1 $0x1;
	p0 =	seq.s32 s7, s2  }
0x1e: {  	s7 =	smul.u32 @!p0 $0xF7A, s2;
	p2 =	seq.s32 @!p0 s5, $0x0  }
0x1f: {  	s9 =	smul.u32 $0xF7A, s1;
	s8 =	simm.s32 @!p0 $0x1BF5;
	p2 =	por !p2, p0  }
0x20: {  	[sflag:s8] =	ssyncset.s32 @!p0 $0xFFFFF086;
	s6 =	sadd.s32 @!p0 s3, s7;
	s7 =	simm.s32 @!p0 $0x108  }
0x21: {  	s3 =	sadd.s32 s3, s9;
	s6 =	sadd.s32 @!p0 $0x88, s6;
	s7 =	simm.s32 @p2 $0x1082  }
0x22: {  	[simem:s7], [sflag:s8] =	dma.local @!p0 [hbm:s6], $0xF7A  }
0x23: {  	s9 =	sor.u32 $0xD0000000, s2;
	s6 =	simm.s32 $0x108;
	_ =	swait.ge @!p0 [sflag:s8], $0x0  }
0x24: {  	s3 =	sadd.s32 $0x88, s3;
	s6 =	simm.s32 @!p1 $0x1082;
	[sflag:s4] =	ssyncset.s32 $0xFFFFF086  }
0x25: {  	[simem:s6], [sflag:s4] =	dma.local [hbm:s3], $0xF7A  }
0x26: {  	[smem:$0x3F9D] =	sst s1;
	(tag) =	ssettag s2;
	_ =	strace s9  }
0x27: {  	s1 =	sld [smem:$0x3FAD]  }
0x28: {  	s2 =	sld [smem:$0x3FAE]  }
0x29: {  	s4 =	sld [smem:$0x3FB0]  }
0x2a: {  	p0 =	seq.s32 s5, $0x0;
	s5 =	sld [smem:$0x3FB1]  }
0x2b: {  	s6 =	sld [smem:$0x3FB2]  }
0x2c: {  	s7 =	sld [smem:$0x3FB3]  }
0x2d: {  	s3 =	simm.s32 $0x108;
	s8 =	sld [smem:$0x3FB4]  }
0x2e: {  	s3 =	simm.s32 @!p0 $0x1082;
	s9 =	sld [smem:$0x3FB5]  }
0x2f: {  	lr =	sadd.s32 s0, s3;
	s0 =	sld [smem:$0x3FAC]  }
0x30: {  	s3 =	sld [smem:$0x3FAF]  }
0x31: {  	[smem:$0x3FB8] =	sst s10  }
0x32: {  	s10 =	sld [smem:$0x3FB6];
	_ =	sdelay $0x3  }
0x33: {  	p0 =	seq.s32 s10, $0x1;
	s10 =	sld [smem:$0x3FB8];
	_ =	sdelay $0x3  }
0x34: {  	[smem:$0x3FB8] =	sst s10  }
0x35: {  	s10 =	sld [smem:$0x3FB7];
	_ =	sdelay $0x3  }
0x36: {  	p1 =	seq.s32 s10, $0x1;
	s10 =	sld [smem:$0x3FB8];
	_ =	sdelay $0x3  }
0x37: {  	[smem:$0x3FB8] =	sst s10  }
0x38: {  	s10 =	sld [smem:$0x3FB9]  }
0x39: {  	_ = 	snop;
	(pc) =	sbr.ind lr, $3  }
0x3a: {  	_ = 	snop  }
0x3b: {  	_ = 	snop  }
0x3c: {  	p2 =	seq.s32 s10, $0x1;
	s10 =	sld [smem:$0x3FB8]  }
0x3d: {  	_ =	shalt  }
0x3e: {  	_ =	shalt  }
0x3f: {  	_ =	shalt  }
0x40: {  	_ =	shalt  }
0x41: {  	_ =	shalt  }
0x42: {  	_ =	shalt  }
0x43: {  	_ =	shalt  }
0x44: {  	_ =	shalt  }
0x45: {  	_ =	shalt  }
0x46: {  	_ =	shalt  }
0x47: {  	_ =	shalt  }
0x48: {  	_ =	shalt  }
0x49: {  	_ =	shalt  }
0x4a: {  	_ =	shalt  }
0x4b: {  	_ =	shalt  }
0x4c: {  	_ =	shalt  }
0x4d: {  	_ =	shalt  }
0x4e: {  	_ =	shalt  }
0x4f: {  	_ =	shalt  }
0x50: {  	_ =	shalt  }
0x51: {  	_ =	shalt  }
0x52: {  	_ =	shalt  }
0x53: {  	_ =	shalt  }
0x54: {  	_ =	shalt  }
0x55: {  	_ =	shalt  }
0x56: {  	_ =	shalt  }
0x57: {  	_ =	shalt  }
0x58: {  	_ =	shalt  }
0x59: {  	_ =	shalt  }
0x5a: {  	_ =	shalt  }
0x5b: {  	_ =	shalt  }
0x5c: {  	_ =	shalt  }
0x5d: {  	_ =	shalt  }
0x5e: {  	_ =	shalt  }
0x5f: {  	_ =	shalt  }
0x60: {  	_ =	shalt  }
0x61: {  	_ =	shalt  }
0x62: {  	_ =	shalt  }
0x63: {  	_ =	shalt  }
0x64: {  	_ =	shalt  }
0x65: {  	_ =	shalt  }
0x66: {  	_ =	shalt  }
0x67: {  	_ =	shalt  }
0x68: {  	_ =	shalt  }
0x69: {  	_ =	shalt  }
0x6a: {  	_ =	shalt  }
0x6b: {  	_ =	shalt  }
0x6c: {  	_ =	shalt  }
0x6d: {  	_ =	shalt  }
0x6e: {  	_ =	shalt  }
0x6f: {  	_ =	shalt  }
0x70: {  	_ =	shalt  }
0x71: {  	_ =	shalt  }
0x72: {  	_ =	shalt  }
0x73: {  	_ =	shalt  }
0x74: {  	_ =	shalt  }
0x75: {  	_ =	shalt  }
0x76: {  	_ =	shalt  }
0x77: {  	_ =	shalt  }
0x78: {  	_ =	shalt  }
0x79: {  	_ =	shalt  }
0x7a: {  	_ =	shalt  }
0x7b: {  	_ =	shalt  }
0x7c: {  	_ =	shalt  }
0x7d: {  	_ =	shalt  }
0x7e: {  	_ =	shalt  }
0x7f: {  	_ =	shalt  }
0x80: {  	_ =	shalt  }
0x81: {  	_ =	shalt  }
0x82: {  	_ =	shalt  }
0x83: {  	_ =	shalt  }
0x84: {  	_ =	shalt  }
0x85: {  	_ =	shalt  }
0x86: {  	_ =	shalt  }
0x87: {  	_ =	shalt  }
.Lfunc_end0:
.L_simem_size_0:
called_computation_lowered:
.L_overlay_start_0:
0x88: {  	s2 =	sld [smem:$0x3FD9]  }
0x89: {  	s3 =	sld [smem:$0x3FFE];
	_ =	sdelay $0x1  }
0x8a: {  	s1 =	srdreg.scid  }
0x8b: {  	s0 =	sand.u32 $0x1, s1  }
0x8c: {  	s17 =	sshll.u32 s0, $0xA;
	s2 =	sadd.s32 s3, s2  }
0x8d: {  	s2 =	sadd.s32 s2, s17  }
0x8e: {  	[smem:$0x3FC4] =	sst s2  }
0x8f: {  	_ = 	snop  }
0x90: {  	s2 =	sld [smem:$0x3FC7];
	(tm) =	ssettm $0x1  }
0x91: {  	s18 =	sld [smem:$0x3FFB];
	_ =	sdelay $0x3  }
0x92: {  	_ =	strace s18  }
0x93: {  	s3 =	sld [smem:$0x3FFC];
	_ =	sdelay $0x3  }
0x94: {  	_ =	strace s3  }
0x95: {  	s3 =	sld [smem:$0x3FFD];
	_ =	sdelay $0x3  }
0x96: {  	_ =	strace s3  }
0x97: {  	_ =	strace $0x8FFFFFFF  }
0x98: {  	s19 =	sld [smem:$0x3FDB];
	_ =	sdelay $0x1  }
0x99: {  	s4 =	simm.s32 $_scs_section_size  }
0x9a: {  	s5 =	simm.s32 $_size__tile_overlayer_lowered;
	s6 =	simm.s32 $_tile_overlayer_lowered  }
0x9b: {  	s22 =	simm.s32 $0x1BFF;
	s21 =	sshll.u32 s6, $0x1;
	s3 =	sadd.s32 s4, s19  }
0x9c: {  	s7 =	simm.s32 $0x0;
	s20 =	sshll.u32 s5, $0x1;
	s5 =	sadd.s32 s21, s3  }
0x9d: {  	[timem:s7], [sflag:s22] =	dma.local [hbm:s5], s20  }
0x9e: {  	_ =	swait.ge [sflag:s22], s20  }
0x9f: {  	s4 =	ssub.s32 $0x0, s20;
	[sflag:s22] =	ssyncset.done $0x0  }
0xa0: {  	[sflag:s22] =	ssyncadd.s32 s4;
	_ =	sdelay $0x1  }
0xa1: {  	s23 =	simm.s32 $0x1B8B  }
0xa2: {  	_ =	swait.ge [sflag:s23], $0x1  }
0xa3: {  	[sflag:s23] =	ssyncset.done $0x0  }
0xa4: {  	s25 =	simm.s32 $0x1B8E;
	s24 =	sld [smem:$0x3FFE];
	[sflag:s23] =	ssyncadd.s32 $0xFFFFFFFF  }
0xa5: {  	s26 =	simm.s32 $execute0_lowered;
	[smem:$0x3FD2] =	sst s25  }
0xa6: {  	s5 =	sshll.u32 s26, $0x1;
	_ =	strace $0x80000046;
	[dreg:$0x1] =	wrdreg $0xFFFFFFFF  }
0xa7: {  	s28 =	simm.s32 $_size_execute0_lowered;
	s3 =	sadd.s32 s3, s5;
	[dreg:$0x0] =	wrdreg $0x0  }
0xa8: {  	s5 =	sshll.u32 s28, $0x1;
	[dreg:$0x2] =	wrdreg s3  }
0xa9: {  	[dreg:$0x3] =	wrdreg s5  }
0xaa: {  	[dreg:$0x4] =	wrdreg $0xC0  }
0xab: {  	_ =	task [dreg:s7], $0x5FFFF  }
0xac: {  	[dreg:$0x1] =	wrdreg $0xFFFFFFFF  }
0xad: {  	[dreg:$0x0] =	wrdreg $0x60  }
0xae: {  	[dreg:$0x2] =	wrdreg s2  }
0xaf: {  	[dreg:$0x3] =	wrdreg s24  }
0xb0: {  	[dreg:$0x4] =	wrdreg $0x9  }
0xb1: {  	_ =	task.clear_ibuf [dreg:s7], $0x5FFFF;
	_ =	strace $0x90000046  }
0xb2: {  	s29 =	simm.s32 $0x9;
	_ =	strace $0x80000048  }
0xb3: {  	_ =	swait.ge [sflag:s29], $0x1  }
0xb4: {  	[sflag:s29] =	ssyncadd.s32 $0xFFFFFFFF  }
0xb5: {  	_ =	strace $0x90000048  }
0xb6: {  	_ =	sfence  }
0xb7: {  	s30 =	sld [smem:$0x0];
	_ =	sdelay $0x2  }
0xb8: {  	s31 =	sshll.u32 s1, $0xD;
	s1 =	sshrl.u32 s1, $0x2  }
0xb9: {  	s3 =	sand.u32 $0x4000, s31;
	s1 =	sadd.s32 s1, s30  }
0xba: {  	s0 =	sor.u32 s3, s0;
	s1 =	sshll.u32 s1, $0x11  }
0xbb: {  	s0 =	sor.u32 s1, s0  }
0xbc: {  	s0 =	sadd.s32 $0x8F2B, s0  }
0xbd: {  	[sflag:s0] =	ssyncadd.remote.s32 $0x1  }
0xbe: {  	_ =	sfence.sel $0xFFFF  }
0xbf: {  	[dreg:$0x0] =	wrdreg $0xFFFFFFFF;
	(pc) =	sbr.abs _section_cstart, $3  }
0xc0: {  	[dreg:$0x1] =	wrdreg $0xFFFFFFFF  }
0xc1: {  	_ =	task.clear_ibuf [dreg:s7], $0x2FFFF;
	_ =	strace $0x9FFFFFFF  }
0xc2: {  	(tm) =	ssettm $0x7FFFFFFF  }
0xc3: {  	_ =	shalt  }
tec
execute0_lowered:
.L_overlay_start_1:
0x0: {  	(tag) =	ssettag $0x1  }
0x1: {  	s9 =	rddreg [dreg:$0x0]  }
0x2: {  	s3 =	rddreg [dreg:$0x1]  }
0x3: {  	s0 =	rddreg [dreg:$0x2];
	s1 =	simm.s32 $0x0;
	s2 =	srdreg.scid  }
0x4: {  	s15 =	simm.s32 $0x800;
	s16 =	simm.s32 $0x1;
	s17 =	simm.s32 $0x2  }
0x5: {  	s18 =	simm.s32 $0x1000;
	s19 =	simm.s32 $0x3;
	s20 =	simm.s32 $0x0  }
0x6: {  	[smem:$0x7FF] =	sst s1;
	s4 =	sand.u32 $0x1, s2;
	s10 =	sadd.s32 $0xC00, s3  }
0x7: {  	s2 =	stileid.u32;
	_ =	strace $0x80000047;
	s5 =	sshll.u32 s4, $0x4  }
0x8: {  	s6 =	ssub.s32 $0x2, s4;
	s4 =	sshll.u32 s4, $0x6;
	s7 =	sshll.u32 s2, $0xB  }
0x9: {  	s14 =	sshll.u32 s2, $0x5;
	s30 =	sshrl.u32 s6, $0x1;
	s12 =	sor.u32 s4, s7  }
0xa: {  	s11 =	sadd.s32 s5, s3;
	s13 =	ssub.s32 s6, s30;
	s3 =	sadd.s32 s9, s12  }
0xb: {  	s31 =	sor.u32 $0x10, s12;
	s4 =	sadd.s32 s10, s12;
	s8 =	sor.u32 $0x20, s12  }
0xc: {  	v0 =	vimm.s32 $0x0;
	v1 =	vlaneseq.u32;
	s12 =	sor.u32 $0x30, s12;
	s11 =	sadd.s32 s14, s11;
	s14 =	simm.s32 $0x400  }
0xd: {  	vm3 =	vcmask $0xF0C;
	vm4 =	vcmask $0x1310;
	vm5 =	vcmask $0x1714;
	s5 =	sadd.s32 s9, s31;
	s6 =	sadd.s32 s10, s31;
	s7 =	sadd.s32 s9, s8  }
0xe: {  	vm6 =	vcmask $0x1B18;
	vm7 =	vcmask $0x1F1C;
	vm8 =	vcmask $0x2320;
	s8 =	sadd.s32 s10, s8;
	s9 =	sadd.s32 s9, s12;
	s10 =	sadd.s32 s10, s12  }
0xf: {  	vm9 =	vcmask $0x2724;
	vm10 =	vcmask $0x2B28;
	vm11 =	vcmask $0x2F2C;
	s11 =	sadd.s32 $0x8C00, s11;
	s12 =	smax.u32 s13, $0x1;
	s13 =	simm.s32 $0x80  }
.LBB2_1:
0x10: {  	[tilespmem:s1], [sflag:$0x1] =	stream.strided.gather [hbm4b:s3+s13], $0x800, s14, s13, $0x38;
	[tilespmem:$0x1080] =	vst v63  }
0x11: {  	_ = 	snop  }
0x12: {  	[tilespmem:s15], [sflag:$0x2] =	stream.strided.gather [hbm4b:s4+s13], $0x800, s14, s13, $0x38;
	[tilespmem:$0x1080] =	vst v63  }
0x13: {  	_ =	swait.ge [sflag:s16], $0x800  }
0x14: {  	[sflag:s16] =	ssyncset.done $0x0  }
0x15: {  	[sflag:s16] =	ssyncadd.s32 $0xFFFFF800  }
0x16: {  	_ =	swait.ge [sflag:s17], $0x800  }
0x17: {  	[sflag:s17] =	ssyncset.done $0x0  }
0x18: {  	s22 =	simm.s32 $0x840;
	[sflag:s17] =	ssyncadd.s32 $0xFFFFF800  }
0x19: {  	v2 =	vld [tilespmem:s22+$0xFFFFFFC0]  }
0x1a: {  	s21 =	simm.s32 $0x40;
	v3 =	vld [tilespmem:s22+$0xFFFFFFD0]  }
0x1b: {  	v4 =	vld [tilespmem:s21+$0xFFFFFFC0]  }
0x1c: {  	v5 =	vld [tilespmem:s22+$0xFFFFFFE0]  }
0x1d: {  	v6 =	vld [tilespmem:s21+$0xFFFFFFD0]  }
0x1e: {  	v8 =	vld [tilespmem:s22+$0xFFFFFFF0];
	v2 =	vsub.f32 $1.000000000e+00, v2  }
0x1f: {  	v7 =	vld [tilespmem:s21+$0xFFFFFFE0]  }
0x20: {  	v10 =	vimm.f32 $0.0e+00;
	v9 =	vsub.f32 $1.000000000e+00, v3;
	v3 =	vmul.f32 v2, v4;
	v4 =	vld [tilespmem:s22+$0x0]  }
0x21: {  	v12 =	vld [tilespmem:s21+$0xFFFFFFF0];
	v2 =	vadd.f32 v2, v10  }
0x22: {  	v14 =	vld [tilespmem:s22+$0x10];
	v13 =	vsub.f32 $1.000000000e+00, v5;
	v6 =	vmul.f32 v9, v6;
	v3 =	vadd.f32 v3, v10  }
0x23: {  	v5 =	vld [tilespmem:s21+$0x0];
	v9 =	vadd.f32 v9, v2  }
0x24: {  	v11 =	vmul.f32 v13, v7;
	v7 =	vld [tilespmem:s22+$0x20];
	v10 =	vadd.f32 v6, v3;
	v3 =	vsub.f32 $1.000000000e+00, v8  }
0x25: {  	v6 =	vld [tilespmem:s21+$0x10];
	v2 =	vsub.f32 $1.000000000e+00, v4  }
0x26: {  	v8 =	vld [tilespmem:s22+$0x30];
	v11 =	vadd.f32 v11, v10;
	v10 =	vadd.f32 v13, v9;
	v12 =	vmul.f32 v3, v12  }
0x27: {  	s23 =	simm.s32 $0x8C0;
	s22 =	simm.s32 $0x0;
	v4 =	vsub.f32 $1.000000000e+00, v14;
	v9 =	vld [tilespmem:s21+$0x20]  }
.LBB2_2:
0x28: {  	v13 =	vld [tilespmem:s23+$0xFFFFFFC0];
	v11 =	vadd.f32 v12, v11;
	v3 =	vadd.f32 v3, v10;
	v5 =	vmul.f32 v2, v5  }
0x29: {  	s22 =	sadd.s32 $0x8, s22;
	v7 =	vsub.f32 $1.000000000e+00, v7;
	v10 =	vld [tilespmem:s21+$0x30]  }
0x2a: {  	p0 =	slt.u32 s22, $0x78;
	s21 =	sadd.s32 $0x80, s21;
	v12 =	vld [tilespmem:s23+$0xFFFFFFD0];
	v5 =	vadd.f32 v5, v11;
	v2 =	vadd.f32 v2, v3;
	v3 =	vmul.f32 v4, v6  }
0x2b: {  	v6 =	vld [tilespmem:s21+$0xFFFFFFC0];
	v8 =	vsub.f32 $1.000000000e+00, v8  }
0x2c: {  	v11 =	vld [tilespmem:s23+$0xFFFFFFE0];
	v3 =	vadd.f32 v3, v5;
	v2 =	vadd.f32 v4, v2;
	v4 =	vmul.f32 v7, v9  }
0x2d: {  	v5 =	vsub.f32 $1.000000000e+00, v13;
	v9 =	vld [tilespmem:s21+$0xFFFFFFD0]  }
0x2e: {  	v13 =	vld [tilespmem:s23+$0xFFFFFFF0];
	v3 =	vadd.f32 v4, v3;
	v2 =	vadd.f32 v7, v2;
	v4 =	vmul.f32 v8, v10  }
0x2f: {  	v7 =	vsub.f32 $1.000000000e+00, v12;
	v10 =	vld [tilespmem:s21+$0xFFFFFFE0]  }
0x30: {  	v6 =	vmul.f32 v5, v6;
	v12 =	vld [tilespmem:s23+$0x0];
	v3 =	vadd.f32 v4, v3;
	v2 =	vadd.f32 v8, v2  }
0x31: {  	v4 =	vsub.f32 $1.000000000e+00, v11;
	v8 =	vld [tilespmem:s21+$0xFFFFFFF0]  }
0x32: {  	v6 =	vadd.f32 v6, v3;
	v2 =	vadd.f32 v5, v2;
	v9 =	vmul.f32 v7, v9;
	v14 =	vld [tilespmem:s23+$0x10]  }
.Ltmp0:
0x33: {  	v3 =	vsub.f32 $1.000000000e+00, v13;
	v5 =	vld [tilespmem:s21+$0x0];
	(pc) =	sbr.rel @p0 .LBB2_2-.Ltmp0, $4  }
0x34: {  	v9 =	vadd.f32 v9, v6;
	v13 =	vadd.f32 v7, v2;
	v10 =	vmul.f32 v4, v10;
	v7 =	vld [tilespmem:s23+$0x20]  }
0x35: {  	v2 =	vsub.f32 $1.000000000e+00, v12;
	v6 =	vld [tilespmem:s21+$0x10]  }
0x36: {  	v11 =	vadd.f32 v10, v9;
	v10 =	vadd.f32 v4, v13;
	v12 =	vmul.f32 v3, v8;
	v8 =	vld [tilespmem:s23+$0x30]  }
0x37: {  	s23 =	sadd.s32 $0x80, s23;
	v4 =	vsub.f32 $1.000000000e+00, v14;
	v9 =	vld [tilespmem:s21+$0x20]  }
0x38: {  	v11 =	vadd.f32 v12, v11;
	v5 =	vmul.f32 v2, v5  }
0x39: {  	v12 =	vld [tilespmem:s21+$0x30]  }
0x3a: {  	v7 =	vsub.f32 $1.000000000e+00, v7;
	v5 =	vadd.f32 v5, v11;
	v6 =	vmul.f32 v4, v6  }
0x3b: {  	v3 =	vadd.f32 v3, v10  }
0x3c: {  	v8 =	vsub.f32 $1.000000000e+00, v8;
	v5 =	vadd.f32 v6, v5;
	v6 =	vmul.f32 v7, v9;
	_ =	sdelay $0x1  }
0x3d: {  	v2 =	vadd.f32 v2, v3;
	v5 =	vadd.f32 v6, v5;
	v6 =	vmul.f32 v8, v12;
	_ =	sdelay $0x1  }
0x3e: {  	v2 =	vadd.f32 v4, v2;
	v5 =	vadd.f32 v6, v5;
	_ =	sdelay $0x1  }
0x3f: {  	v2 =	vadd.f32 v7, v2;
	(xrf2) =	vadd.scan.msk.f32 $0xffff, v5;
	_ =	sdelay $0x1  }
0x40: {  	v2 =	vadd.f32 v8, v2;
	_ =	sdelay $0x1  }
0x41: {  	(xrf2) =	vadd.scan.msk.f32 $0xffff, v2;
	_ =	sdelay $0x5  }
0x42: {  	v2, _, _ =	vpop (xrf2)  }
0x43: {  	(v2sf) =	vpush v2, $0xF;
	_ =	sdelay $0x2  }
0x44: {  	v2, _, _ =	vpop (xrf2)  }
0x45: {  	(v2sf) =	vpush v2, $0xF;
	_ =	sdelay $0x3  }
0x46: {  	s22 =	simm.s32 $0x40  }
0x47: {  	v10 =	vld [tilespmem:s22+$0x0]  }
0x48: {  	s21 =	simm.s32 $0x840;
	v13 =	vld [tilespmem:s22+$0xFFFFFFE0]  }
0x49: {  	v14 =	vld [tilespmem:s21+$0xFFFFFFF0]  }
0x4a: {  	v18 =	vld [tilespmem:s21+$0xFFFFFFE0]  }
0x4b: {  	v19 =	vld [tilespmem:s21+$0xFFFFFFD0]  }
0x4c: {  	v20 =	vld [tilespmem:s21+$0xFFFFFFC0]  }
0x4d: {  	v21 =	vld [tilespmem:s22+$0xFFFFFFD0];
	s23 =	spop (v2sf)  }
0x4e: {  	v23 =	vld [tilespmem:s22+$0xFFFFFFC0];
	p0 =	slt.f32 s23, $9.999999740e-05  }
0x4f: {  	s24 =	simm.f32 $1.000000000e+00;
	v11 =	vld [tilespmem:s21+$0x0]  }
0x50: {  	v4 =	vld [tilespmem:s22+$0x30];
	s24 =	simm.s32 @!p0 $0x0  }
0x51: {  	v9 =	vld [tilespmem:s21+$0x10];
	v2 =	vmov s24;
	s24 =	spop (v2sf)  }
0x52: {  	v15 =	vimm.f32 $0.0e+00;
	v17 =	vimm.f32 $-1.000000000e+00;
	v7 =	vld [tilespmem:s22+$0x10];
	s23 =	smov.u32 @p0 s24  }
0x53: {  	v16 =	vimm.s32 $0x0;
	v26 =	vsub.f32 $1.000000000e+00, v18;
	v6 =	vld [tilespmem:s21+$0x30];
	v3 =	vmov s23  }
0x54: {  	s31 =	simm.s32 $0x0;
	v14 =	vsub.f32 $1.000000000e+00, v14;
	v20 =	vsub.f32 $1.000000000e+00, v20;
	v8 =	vld [tilespmem:s21+$0x20];
	(erf) = vrcp.f32 v3  }
0x55: {  	s30 =	simm.s32 $0x10;
	v12 =	vld [tilespmem:s22+$0xFFFFFFF0];
	v19 =	vsub.f32 $1.000000000e+00, v19;
	v18 =	vor.u32 s31, v1;
	v24 =	vsub.f32 $1.000000000e+00, v11  }
0x56: {  	v11 =	vor.u32 s30, v1;
	v13 =	vmul.f32 v26, v13;
	v23 =	vmul.f32 v20, v23;
	v5 =	vld [tilespmem:s22+$0x20]  }
0x57: {  	s29 =	simm.s32 $0x20;
	v21 =	vmul.f32 v19, v21;
	v25 =	vsub.f32 $1.000000000e+00, v9;
	vm0 =	vgt.f32 v2, $5.000000000e-01  }
0x58: {  	v9 =	vor.u32 s29, v1;
	v10 =	vmul.f32 v24, v10;
	v2 =	vsel vm0, $0x1, v0  }
0x59: {  	s28 =	simm.s32 $0x30;
	v8 =	vsub.f32 $1.000000000e+00, v8;
	v22 =	vsub.f32 $1.000000000e+00, v6;
	v2 =	vbroadcast v2, $0x0  }
0x5a: {  	v7 =	vmul.f32 v25, v7;
	v12 =	vmul.f32 v14, v12;
	v6 =	vor.u32 s28, v1  }
0x5b: {  	s25 =	simm.s32 $0x50;
	s26 =	simm.s32 $0x40;
	v5 =	vmul.f32 v8, v5;
	v27 =	vmul.f32 v22, v4;
	v2 =	vand.u32 $0x1, v2  }
0x5c: {  	v3 =	vor.u32 s26, v1;
	vm12 =	veq.s32 v2, $0x1;
	v2 =	vor.u32 s25, v1  }
0x5d: {  	v7 =	vsel vm12, v25, v7;
	v25 =	vsel vm12, v8, v5;
	v5 =	vsel vm12, v22, v27;
	v4 =	vpop (erf)  }
0x5e: {  	v12 =	vsel vm12, v14, v12;
	v10 =	vsel vm12, v24, v10;
	v5 =	vmul.f32 v5, v4  }
0x5f: {  	v13 =	vsel vm12, v26, v13;
	v8 =	vmul.f32 v7, v4;
	v7 =	vmul.f32 v25, v4  }
0x60: {  	v14 =	vsel vm12, v19, v21;
	v12 =	vmul.f32 v12, v4;
	v10 =	vmul.f32 v10, v4  }
0x61: {  	v19 =	vsel vm12, v20, v23;
	v14 =	vmul.f32 v14, v4;
	v13 =	vmul.f32 v13, v4  }
0x62: {  	v19 =	vmul.f32 v19, v4;
	v20 =	vmax.f32 v7, $1.192092900e-07;
	v21 =	vmax.f32 v5, $1.192092900e-07  }
0x63: {  	v22 =	vmax.f32 v12, $1.192092900e-07;
	v23 =	vmax.f32 v10, $1.192092900e-07;
	v24 =	vmax.f32 v8, $1.192092900e-07  }
0x64: {  	v25 =	vmax.f32 v19, $1.192092900e-07;
	v26 =	vmax.f32 v14, $1.192092900e-07;
	v27 =	vmax.f32 v13, $1.192092900e-07  }
0x65: {  	vm0 =	vgt.f32 v19, v17;
	v24 =	vmin.f32 v24, $9.999998800e-01;
	v20 =	vmin.f32 v20, $9.999998800e-01  }
0x66: {  	v21 =	vmin.f32 v21, $9.999998800e-01;
	v27 =	vmin.f32 v27, $9.999998800e-01;
	v22 =	vmin.f32 v22, $9.999998800e-01  }
0x67: {  	v23 =	vmin.f32 v23, $9.999998800e-01;
	v25 =	vmin.f32 v25, $9.999998800e-01;
	v26 =	vmin.f32 v26, $9.999998800e-01  }
0x68: {  	v28 =	vshra.s32 v21, $0x17;
	v29 =	vshra.s32 v23, $0x17;
	v30 =	vshra.s32 v24, $0x17  }
0x69: {  	v31 =	vshra.s32 v20, $0x17;
	v32 =	vshra.s32 v26, $0x17;
	v33 =	vshra.s32 v27, $0x17  }
0x6a: {  	v34 =	vshra.s32 v22, $0x17;
	v35 =	vshra.s32 v25, $0x17;
	v20 =	vand.u32 $0x7FFFFF, v20  }
0x6b: {  	v21 =	vand.u32 $0x7FFFFF, v21;
	v22 =	vand.u32 $0x7FFFFF, v22;
	v23 =	vand.u32 $0x7FFFFF, v23  }
0x6c: {  	v24 =	vand.u32 $0x7FFFFF, v24;
	v25 =	vand.u32 $0x7FFFFF, v25;
	v26 =	vand.u32 $0x7FFFFF, v26  }
0x6d: {  	v27 =	vand.u32 $0x7FFFFF, v27;
	v30 =	vadd.s32 $0xFFFFFF81, v30;
	v31 =	vadd.s32 $0xFFFFFF81, v31  }
0x6e: {  	v28 =	vadd.s32 $0xFFFFFF81, v28;
	v33 =	vadd.s32 $0xFFFFFF81, v33;
	v34 =	vadd.s32 $0xFFFFFF81, v34  }
0x6f: {  	v29 =	vadd.s32 $0xFFFFFF81, v29;
	v35 =	vadd.s32 $0xFFFFFF81, v35;
	v32 =	vadd.s32 $0xFFFFFF81, v32  }
0x70: {  	v21 =	vor.u32 $0x3F800000, v21;
	v23 =	vor.u32 $0x3F800000, v23;
	v24 =	vor.u32 $0x3F800000, v24  }
0x71: {  	v20 =	vor.u32 $0x3F800000, v20;
	v26 =	vor.u32 $0x3F800000, v26;
	v27 =	vor.u32 $0x3F800000, v27  }
0x72: {  	v22 =	vor.u32 $0x3F800000, v22;
	v31 =	vcvt.s32.f32 v31;
	v28 =	vcvt.s32.f32 v28  }
0x73: {  	v25 =	vor.u32 $0x3F800000, v25;
	v29 =	vcvt.s32.f32 v29;
	v30 =	vcvt.s32.f32 v30  }
0x74: {  	v21 =	vadd.f32 $-1.000000000e+00, v21;
	v32 =	vcvt.s32.f32 v32;
	v24 =	vadd.f32 $-1.000000000e+00, v24  }
0x75: {  	v20 =	vadd.f32 $-1.000000000e+00, v20;
	v35 =	vcvt.s32.f32 v35;
	v22 =	vadd.f32 $-1.000000000e+00, v22  }
0x76: {  	v23 =	vadd.f32 $-1.000000000e+00, v23;
	v27 =	vadd.f32 $-1.000000000e+00, v27;
	v34 =	vcvt.s32.f32 v34  }
0x77: {  	v26 =	vadd.f32 $-1.000000000e+00, v26;
	v36 =	vmul.f32 $4.342836510e-02, v20;
	v37 =	vmul.f32 $4.342836510e-02, v21  }
0x78: {  	v25 =	vadd.f32 $-1.000000000e+00, v25;
	v38 =	vmul.f32 $4.342836510e-02, v23;
	v39 =	vmul.f32 $4.342836510e-02, v24  }
0x79: {  	v40 =	vmul.f32 $4.342836510e-02, v27;
	v41 =	vmul.f32 $4.342836510e-02, v22;
	v36 =	vadd.f32 $-1.877204920e-01, v36  }
0x7a: {  	v42 =	vmul.f32 $4.342836510e-02, v26;
	v37 =	vadd.f32 $-1.877204920e-01, v37;
	v39 =	vadd.f32 $-1.877204920e-01, v39  }
0x7b: {  	v43 =	vmul.f32 $4.342836510e-02, v25;
	v38 =	vadd.f32 $-1.877204920e-01, v38;
	v41 =	vadd.f32 $-1.877204920e-01, v41  }
0x7c: {  	v40 =	vadd.f32 $-1.877204920e-01, v40;
	v37 =	vmul.f32 v37, v21;
	v39 =	vmul.f32 v39, v24  }
0x7d: {  	v42 =	vadd.f32 $-1.877204920e-01, v42;
	v36 =	vmul.f32 v36, v20;
	v41 =	vmul.f32 v41, v22  }
0x7e: {  	v43 =	vadd.f32 $-1.877204920e-01, v43;
	v38 =	vmul.f32 v38, v23;
	v40 =	vmul.f32 v40, v27  }
0x7f: {  	v42 =	vmul.f32 v42, v26;
	v36 =	vadd.f32 $4.087189440e-01, v36;
	v37 =	vadd.f32 $4.087189440e-01, v37  }
0x80: {  	v43 =	vmul.f32 v43, v25;
	v38 =	vadd.f32 $4.087189440e-01, v38;
	v39 =	vadd.f32 $4.087189440e-01, v39  }
0x81: {  	v40 =	vadd.f32 $4.087189440e-01, v40;
	v41 =	vadd.f32 $4.087189440e-01, v41;
	v36 =	vmul.f32 v36, v20  }
0x82: {  	v42 =	vadd.f32 $4.087189440e-01, v42;
	v37 =	vmul.f32 v37, v21;
	v39 =	vmul.f32 v39, v24  }
0x83: {  	v43 =	vadd.f32 $4.087189440e-01, v43;
	v38 =	vmul.f32 v38, v23;
	v41 =	vmul.f32 v41, v22  }
0x84: {  	v40 =	vmul.f32 v40, v27;
	v37 =	vadd.f32 $-7.057026020e-01, v37;
	v39 =	vadd.f32 $-7.057026020e-01, v39  }
0x85: {  	v43 =	vmul.f32 v43, v25;
	v36 =	vadd.f32 $-7.057026020e-01, v36;
	v41 =	vadd.f32 $-7.057026020e-01, v41  }
0x86: {  	v42 =	vmul.f32 v42, v26;
	v38 =	vadd.f32 $-7.057026020e-01, v38;
	v40 =	vadd.f32 $-7.057026020e-01, v40  }
0x87: {  	v43 =	vadd.f32 $-7.057026020e-01, v43;
	v36 =	vmul.f32 v36, v20;
	v37 =	vmul.f32 v37, v21  }
0x88: {  	v42 =	vadd.f32 $-7.057026020e-01, v42;
	v38 =	vmul.f32 v38, v23;
	v39 =	vmul.f32 v39, v24  }
0x89: {  	v41 =	vmul.f32 v41, v22;
	v43 =	vmul.f32 v43, v25;
	v36 =	vadd.f32 $1.441267130e+00, v36  }
0x8a: {  	v42 =	vmul.f32 v42, v26;
	v37 =	vadd.f32 $1.441267130e+00, v37;
	v38 =	vadd.f32 $1.441267130e+00, v38  }
0x8b: {  	v40 =	vmul.f32 v40, v27;
	v39 =	vadd.f32 $1.441267130e+00, v39;
	v43 =	vadd.f32 $1.441267130e+00, v43  }
0x8c: {  	v41 =	vadd.f32 $1.441267130e+00, v41;
	v59 =	vadd.f32 $1.441267130e+00, v42;
	v20 =	vmul.f32 v36, v20  }
0x8d: {  	v60 =	vadd.f32 $1.441267130e+00, v40;
	v21 =	vmul.f32 v37, v21;
	v25 =	vmul.f32 v43, v25  }
0x8e: {  	v24 =	vmul.f32 v39, v24;
	v26 =	vmul.f32 v59, v26;
	v20 =	vadd.f32 $3.193085650e-05, v20  }
0x8f: {  	v23 =	vmul.f32 v38, v23;
	v61 =	vadd.f32 $3.193085650e-05, v21;
	v21 =	vadd.f32 $3.193085650e-05, v25  }
0x90: {  	v24 =	vadd.f32 $3.193085650e-05, v24;
	v25 =	vadd.f32 $3.193085650e-05, v26;
	v26 =	vmul.f32 v60, v27  }
0x91: {  	v22 =	vmul.f32 v41, v22;
	v27 =	vadd.f32 $3.193085650e-05, v23;
	v21 =	vadd.f32 v35, v21  }
0x92: {  	v23 =	vadd.f32 v32, v25;
	v25 =	vcvt.s32.f32 v33;
	v26 =	vadd.f32 $3.193085650e-05, v26  }
0x93: {  	v22 =	vadd.f32 $3.193085650e-05, v22;
	v62 =	vmul.f32 $6.931471820e-01, v21;
	v21 =	vadd.f32 v31, v20  }
0x94: {  	v20 =	vadd.f32 v28, v61;
	v28 =	vmul.f32 $6.931471820e-01, v23;
	v26 =	vadd.f32 v25, v26  }
0x95: {  	v23 =	vadd.f32 v30, v24;
	v24 =	vadd.f32 v34, v22;
	v63 =	vmul.f32 v62, v19  }
0x96: {  	s22 =	simm.s32 $0x70;
	v22 =	vadd.f32 v29, v27;
	v25 =	vmul.f32 v28, v14;
	v27 =	vmul.f32 $6.931471820e-01, v26  }
0x97: {  	s24 =	simm.s32 $0x0;
	s23 =	simm.s32 $0x70;
	s25 =	simm.s32 $0xC0;
	v19 =	vsel vm0, v19, v17;
	v26 =	vsub.f32 v15, v63;
	v15 =	vsel vm0, v18, v16  }
.LBB2_4:
0x98: {  	v18 =	vld [tilespmem:s25+$0x30];
	vm0 =	vgt.f32 v14, v19;
	v16 =	vmul.f32 v27, v13;
	v17 =	vmul.f32 $6.931471820e-01, v24  }
0x99: {  	s21 =	sadd.s32 $0x80, s21;
	v24 =	vld [tilespmem:s25+$0x20];
	v25 =	vsub.f32 v26, v25;
	v14 =	vsel vm0, v14, v19;
	v11 =	vsel vm0, v11, v15  }
0x9a: {  	v19 =	vld [tilespmem:s21+$0x30];
	vm0 =	vgt.f32 v13, v14;
	v15 =	vmul.f32 v17, v12;
	v17 =	vmul.f32 $6.931471820e-01, v22  }
0x9b: {  	v22 =	vld [tilespmem:s25+$0x10];
	v16 =	vsub.f32 v25, v16;
	v13 =	vsel vm0, v13, v14;
	v9 =	vsel vm0, v9, v11  }
0x9c: {  	v11 =	vld [tilespmem:s21+$0x20];
	vm0 =	vgt.f32 v12, v13;
	v14 =	vmul.f32 v17, v10;
	v17 =	vmul.f32 $6.931471820e-01, v23  }
0x9d: {  	v23 =	vld [tilespmem:s25+$0x0];
	v15 =	vsub.f32 v16, v15;
	v12 =	vsel vm0, v12, v13;
	v6 =	vsel vm0, v6, v9  }
0x9e: {  	v16 =	vmul.f32 $6.931471820e-01, v21;
	v9 =	vld [tilespmem:s21+$0x10];
	vm0 =	vgt.f32 v10, v12;
	v13 =	vmul.f32 v17, v8  }
0x9f: {  	v21 =	vld [tilespmem:s25+$0xFFFFFFF0];
	v14 =	vsub.f32 v15, v14;
	v10 =	vsel vm0, v10, v12;
	v3 =	vsel vm0, v3, v6  }
0xa0: {  	v6 =	vmul.f32 v16, v7;
	v15 =	vmul.f32 $6.931471820e-01, v20;
	v12 =	vld [tilespmem:s21+$0x0];
	vm0 =	vgt.f32 v8, v10  }
0xa1: {  	s26 =	sadd.s32 $0xFFFFFFF0, s23;
	v20 =	vld [tilespmem:s25+$0xFFFFFFE0];
	v13 =	vsub.f32 v14, v13;
	v8 =	vsel vm0, v8, v10;
	v2 =	vsel vm0, v2, v3  }
0xa2: {  	s23 =	sadd.s32 $0x80, s23;
	v3 =	vor.u32 s26, v1;
	v14 =	vmul.f32 v15, v5;
	v10 =	vld [tilespmem:s21+$0xFFFFFFF0];
	vm0 =	vgt.f32 v7, v8  }
0xa3: {  	s26 =	sadd.s32 $0xFFFFFFE0, s23;
	v25 =	vld [tilespmem:s21+$0xFFFFFFE0];
	v6 =	vsub.f32 v13, v6;
	v7 =	vsel vm0, v7, v8;
	v3 =	vsel vm0, v3, v2  }
0xa4: {  	v2 =	vor.u32 s26, v1;
	v13 =	vor.u32 s22, v1;
	s22 =	smov.u32 s23;
	v8 =	vld [tilespmem:s21+$0xFFFFFFD0];
	vm0 =	vgt.f32 v5, v7  }
0xa5: {  	s26 =	sadd.s32 $0xFFFFFFD0, s23;
	v26 =	vld [tilespmem:s21+$0xFFFFFFC0];
	v15 =	vsub.f32 v6, v14;
	v16 =	vsel vm0, v5, v7;
	v17 =	vsel vm0, v13, v3  }
0xa6: {  	s28 =	sadd.s32 $0xFFFFFFC0, s23;
	v3 =	vor.u32 s26, v1;
	v7 =	vsub.f32 $1.000000000e+00, v11;
	v13 =	vsub.f32 $1.000000000e+00, v19;
	v5 =	vld [tilespmem:s25+$0xFFFFFFD0]  }
0xa7: {  	s26 =	sadd.s32 $0xFFFFFFB0, s23;
	v6 =	vor.u32 s28, v1;
	v12 =	vsub.f32 $1.000000000e+00, v12;
	v19 =	vsub.f32 $1.000000000e+00, v9;
	v14 =	vld [tilespmem:s25+$0xFFFFFFC0]  }
0xa8: {  	v9 =	vor.u32 s26, v1;
	v10 =	vsub.f32 $1.000000000e+00, v10;
	v25 =	vsub.f32 $1.000000000e+00, v25  }
0xa9: {  	v27 =	vsub.f32 $1.000000000e+00, v8;
	v8 =	vmul.f32 v7, v24;
	v24 =	vmul.f32 v13, v18  }
0xaa: {  	s26 =	sadd.s32 $0xFFFFFFA0, s23;
	v23 =	vmul.f32 v12, v23;
	v22 =	vmul.f32 v19, v22;
	v26 =	vsub.f32 $1.000000000e+00, v26  }
0xab: {  	s28 =	sadd.s32 $0xFFFFFF90, s23;
	v11 =	vor.u32 s26, v1;
	v21 =	vmul.f32 v10, v21;
	v20 =	vmul.f32 v25, v20  }
0xac: {  	v18 =	vor.u32 s28, v1;
	v28 =	vmul.f32 v27, v5;
	v14 =	vmul.f32 v26, v14  }
0xad: {  	v19 =	vsel vm12, v19, v22;
	v7 =	vsel vm12, v7, v8;
	v5 =	vsel vm12, v13, v24  }
0xae: {  	v10 =	vsel vm12, v10, v21;
	v13 =	vsel vm12, v12, v23;
	v5 =	vmul.f32 v5, v4  }
0xaf: {  	v8 =	vmul.f32 v19, v4;
	v20 =	vsel vm12, v25, v20;
	v7 =	vmul.f32 v7, v4  }
0xb0: {  	v12 =	vmul.f32 v10, v4;
	v10 =	vmul.f32 v13, v4;
	v19 =	vsel vm12, v27, v28  }
0xb1: {  	v13 =	vmul.f32 v20, v4;
	v21 =	vsel vm12, v26, v14;
	v14 =	vmul.f32 v19, v4  }
0xb2: {  	v20 =	vmax.f32 v7, $1.192092900e-07;
	v19 =	vmul.f32 v21, v4;
	v21 =	vmax.f32 v5, $1.192092900e-07  }
0xb3: {  	v24 =	vmax.f32 v8, $1.192092900e-07;
	v22 =	vmax.f32 v12, $1.192092900e-07;
	v23 =	vmax.f32 v10, $1.192092900e-07  }
0xb4: {  	v27 =	vmax.f32 v13, $1.192092900e-07;
	v26 =	vmax.f32 v14, $1.192092900e-07;
	v25 =	vmax.f32 v19, $1.192092900e-07  }
0xb5: {  	v24 =	vmin.f32 v24, $9.999998800e-01;
	v20 =	vmin.f32 v20, $9.999998800e-01;
	v21 =	vmin.f32 v21, $9.999998800e-01  }
0xb6: {  	v22 =	vmin.f32 v22, $9.999998800e-01;
	v23 =	vmin.f32 v23, $9.999998800e-01;
	v27 =	vmin.f32 v27, $9.999998800e-01  }
0xb7: {  	v26 =	vmin.f32 v26, $9.999998800e-01;
	v28 =	vshra.s32 v21, $0x17;
	v25 =	vmin.f32 v25, $9.999998800e-01  }
0xb8: {  	v30 =	vshra.s32 v24, $0x17;
	v29 =	vshra.s32 v23, $0x17;
	v31 =	vshra.s32 v20, $0x17  }
0xb9: {  	v34 =	vshra.s32 v22, $0x17;
	v33 =	vshra.s32 v27, $0x17;
	v32 =	vshra.s32 v26, $0x17  }
0xba: {  	v36 =	vand.u32 $0x7FFFFF, v20;
	v37 =	vand.u32 $0x7FFFFF, v21;
	v35 =	vshra.s32 v25, $0x17  }
0xbb: {  	s24 =	sadd.s32 $0x8, s24;
	v24 =	vand.u32 $0x7FFFFF, v24;
	v22 =	vand.u32 $0x7FFFFF, v22;
	v23 =	vand.u32 $0x7FFFFF, v23  }
0xbc: {  	p0 =	slt.u32 s24, $0x78;
	v27 =	vand.u32 $0x7FFFFF, v27;
	v26 =	vand.u32 $0x7FFFFF, v26;
	v25 =	vand.u32 $0x7FFFFF, v25  }
0xbd: {  	v30 =	vadd.s32 $0xFFFFFF81, v30;
	v31 =	vadd.s32 $0xFFFFFF81, v31;
	v28 =	vadd.s32 $0xFFFFFF81, v28  }
0xbe: {  	v21 =	vadd.s32 $0xFFFFFF81, v34;
	v29 =	vadd.s32 $0xFFFFFF81, v29;
	v20 =	vadd.s32 $0xFFFFFF81, v33  }
0xbf: {  	v34 =	vor.u32 $0x3F800000, v37;
	v32 =	vadd.s32 $0xFFFFFF81, v32;
	v33 =	vadd.s32 $0xFFFFFF81, v35  }
0xc0: {  	v36 =	vor.u32 $0x3F800000, v36;
	v37 =	vor.u32 $0x3F800000, v24;
	v35 =	vor.u32 $0x3F800000, v23  }
0xc1: {  	v38 =	vor.u32 $0x3F800000, v22;
	v27 =	vor.u32 $0x3F800000, v27;
	v26 =	vor.u32 $0x3F800000, v26  }
0xc2: {  	v24 =	vcvt.s32.f32 v31;
	v39 =	vor.u32 $0x3F800000, v25;
	v25 =	vcvt.s32.f32 v28  }
0xc3: {  	v22 =	vcvt.s32.f32 v29;
	v23 =	vcvt.s32.f32 v30;
	v28 =	vadd.f32 $-1.000000000e+00, v34  }
0xc4: {  	v31 =	vadd.f32 $-1.000000000e+00, v36;
	v29 =	vcvt.s32.f32 v32;
	v30 =	vadd.f32 $-1.000000000e+00, v37  }
0xc5: {  	v32 =	vcvt.s32.f32 v33;
	v33 =	vadd.f32 $-1.000000000e+00, v38;
	v34 =	vadd.f32 $-1.000000000e+00, v35  }
0xc6: {  	v27 =	vadd.f32 $-1.000000000e+00, v27;
	v35 =	vmul.f32 $4.342836510e-02, v31;
	v36 =	vmul.f32 $4.342836510e-02, v28  }
0xc7: {  	v26 =	vadd.f32 $-1.000000000e+00, v26;
	v38 =	vmul.f32 $4.342836510e-02, v30;
	v37 =	vmul.f32 $4.342836510e-02, v34  }
0xc8: {  	v39 =	vadd.f32 $-1.000000000e+00, v39;
	v40 =	vmul.f32 $4.342836510e-02, v27;
	v41 =	vmul.f32 $4.342836510e-02, v33  }
0xc9: {  	v42 =	vmul.f32 $4.342836510e-02, v26;
	v35 =	vadd.f32 $-1.877204920e-01, v35;
	v36 =	vadd.f32 $-1.877204920e-01, v36  }
0xca: {  	v43 =	vmul.f32 $4.342836510e-02, v39;
	v38 =	vadd.f32 $-1.877204920e-01, v38;
	v37 =	vadd.f32 $-1.877204920e-01, v37  }
0xcb: {  	v40 =	vadd.f32 $-1.877204920e-01, v40;
	v41 =	vadd.f32 $-1.877204920e-01, v41;
	v36 =	vmul.f32 v36, v28  }
0xcc: {  	v42 =	vadd.f32 $-1.877204920e-01, v42;
	v35 =	vmul.f32 v35, v31;
	v38 =	vmul.f32 v38, v30  }
0xcd: {  	v43 =	vadd.f32 $-1.877204920e-01, v43;
	v41 =	vmul.f32 v41, v33;
	v37 =	vmul.f32 v37, v34  }
0xce: {  	v40 =	vmul.f32 v40, v27;
	v35 =	vadd.f32 $4.087189440e-01, v35;
	v36 =	vadd.f32 $4.087189440e-01, v36  }
0xcf: {  	v42 =	vmul.f32 v42, v26;
	v38 =	vadd.f32 $4.087189440e-01, v38;
	v37 =	vadd.f32 $4.087189440e-01, v37  }
0xd0: {  	v43 =	vmul.f32 v43, v39;
	v40 =	vadd.f32 $4.087189440e-01, v40;
	v41 =	vadd.f32 $4.087189440e-01, v41  }
0xd1: {  	v42 =	vadd.f32 $4.087189440e-01, v42;
	v35 =	vmul.f32 v35, v31;
	v36 =	vmul.f32 v36, v28  }
0xd2: {  	v43 =	vadd.f32 $4.087189440e-01, v43;
	v38 =	vmul.f32 v38, v30;
	v37 =	vmul.f32 v37, v34  }
0xd3: {  	v40 =	vmul.f32 v40, v27;
	v41 =	vmul.f32 v41, v33;
	v36 =	vadd.f32 $-7.057026020e-01, v36  }
0xd4: {  	v42 =	vmul.f32 v42, v26;
	v35 =	vadd.f32 $-7.057026020e-01, v35;
	v38 =	vadd.f32 $-7.057026020e-01, v38  }
0xd5: {  	v43 =	vmul.f32 v43, v39;
	v41 =	vadd.f32 $-7.057026020e-01, v41;
	v37 =	vadd.f32 $-7.057026020e-01, v37  }
0xd6: {  	v40 =	vadd.f32 $-7.057026020e-01, v40;
	v35 =	vmul.f32 v35, v31;
	v36 =	vmul.f32 v36, v28  }
0xd7: {  	v43 =	vadd.f32 $-7.057026020e-01, v43;
	v38 =	vmul.f32 v38, v30;
	v37 =	vmul.f32 v37, v34  }
0xd8: {  	v42 =	vadd.f32 $-7.057026020e-01, v42;
	v40 =	vmul.f32 v40, v27;
	v41 =	vmul.f32 v41, v33  }
0xd9: {  	v43 =	vmul.f32 v43, v39;
	v35 =	vadd.f32 $1.441267130e+00, v35;
	v36 =	vadd.f32 $1.441267130e+00, v36  }
0xda: {  	v42 =	vmul.f32 v42, v26;
	v38 =	vadd.f32 $1.441267130e+00, v38;
	v37 =	vadd.f32 $1.441267130e+00, v37  }
0xdb: {  	v43 =	vadd.f32 $1.441267130e+00, v43;
	v41 =	vadd.f32 $1.441267130e+00, v41;
	v28 =	vmul.f32 v36, v28  }
0xdc: {  	v31 =	vmul.f32 v35, v31;
	v36 =	vadd.f32 $1.441267130e+00, v42;
	v30 =	vmul.f32 v38, v30  }
0xdd: {  	v38 =	vadd.f32 $1.441267130e+00, v40;
	v35 =	vmul.f32 v43, v39;
	v34 =	vmul.f32 v37, v34  }
0xde: {  	v31 =	vadd.f32 $3.193085650e-05, v31;
	v26 =	vmul.f32 v36, v26;
	v28 =	vadd.f32 $3.193085650e-05, v28  }
0xdf: {  	v33 =	vmul.f32 v41, v33;
	v30 =	vadd.f32 $3.193085650e-05, v30;
	v35 =	vadd.f32 $3.193085650e-05, v35  }
0xe0: {  	v27 =	vmul.f32 v38, v27;
	v34 =	vadd.f32 $3.193085650e-05, v34;
	v26 =	vadd.f32 $3.193085650e-05, v26  }
0xe1: {  	v33 =	vadd.f32 $3.193085650e-05, v33;
	v32 =	vadd.f32 v32, v35;
	v35 =	vcvt.s32.f32 v21  }
0xe2: {  	v27 =	vadd.f32 $3.193085650e-05, v27;
	v26 =	vadd.f32 v29, v26;
	v29 =	vcvt.s32.f32 v20  }
.Ltmp1:
0xe3: {  	v21 =	vadd.f32 v24, v31;
	v20 =	vadd.f32 v25, v28;
	v32 =	vmul.f32 $6.931471820e-01, v32;
	(pc) =	sbr.rel @p0 .LBB2_4-.Ltmp1, $4  }
0xe4: {  	v23 =	vadd.f32 v23, v30;
	v25 =	vmul.f32 $6.931471820e-01, v26;
	v26 =	vadd.f32 v29, v27  }
0xe5: {  	v22 =	vadd.f32 v22, v34;
	v24 =	vadd.f32 v35, v33;
	v28 =	vmul.f32 v32, v19  }
0xe6: {  	vm0 =	vgt.f32 v19, v16;
	v25 =	vmul.f32 v25, v14;
	v27 =	vmul.f32 $6.931471820e-01, v26  }
0xe7: {  	s25 =	sadd.s32 $0x80, s25;
	v19 =	vsel vm0, v19, v16;
	v26 =	vsub.f32 v15, v28;
	v15 =	vsel vm0, v18, v17  }
0xe8: {  	[tilespmem:s1], [sflag:$0x1] =	stream.strided.gather [hbm4b:s5+s13], $0x800, s14, s13, $0x38;
	[tilespmem:$0x1080] =	vst v63  }
0xe9: {  	_ = 	snop  }
0xea: {  	[tilespmem:s15], [sflag:$0x2] =	stream.strided.gather [hbm4b:s6+s13], $0x800, s14, s13, $0x38;
	[tilespmem:$0x1080] =	vst v63  }
0xeb: {  	_ =	swait.ge [sflag:s16], $0x800  }
0xec: {  	vm0 =	vgt.f32 v14, v19;
	[sflag:s16] =	ssyncset.done $0x0  }
0xed: {  	v4 =	vmul.f32 $6.931471820e-01, v24;
	v16 =	vmul.f32 v27, v13;
	v17 =	vsub.f32 v26, v25;
	[sflag:s16] =	ssyncadd.s32 $0xFFFFF800  }
0xee: {  	v14 =	vsel vm0, v14, v19;
	v11 =	vsel vm0, v11, v15;
	v15 =	vmul.f32 $6.931471820e-01, v22;
	_ =	swait.ge [sflag:s17], $0x800  }
0xef: {  	vm0 =	vgt.f32 v13, v14;
	v4 =	vmul.f32 v4, v12;
	v16 =	vsub.f32 v17, v16;
	[sflag:s17] =	ssyncset.done $0x0  }
0xf0: {  	s24 =	simm.s32 $0x840;
	v13 =	vsel vm0, v13, v14;
	v9 =	vsel vm0, v9, v11;
	v11 =	vmul.f32 v15, v10;
	[sflag:s17] =	ssyncadd.s32 $0xFFFFF800  }
0xf1: {  	s21 =	sadd.s32 $0xFFFFFFF0, s23;
	v14 =	vmul.f32 $6.931471820e-01, v23;
	vm0 =	vgt.f32 v12, v13;
	v4 =	vsub.f32 v16, v4;
	v15 =	vld [tilespmem:s24+$0xFFFFFFC0]  }
0xf2: {  	v12 =	vsel vm0, v12, v13;
	v6 =	vsel vm0, v6, v9;
	v9 =	vor.u32 s21, v1;
	s21 =	simm.s32 $0x40;
	v13 =	vld [tilespmem:s24+$0xFFFFFFD0]  }
0xf3: {  	v14 =	vmul.f32 v14, v8;
	v16 =	vmul.f32 $6.931471820e-01, v21;
	vm0 =	vgt.f32 v10, v12;
	v17 =	vld [tilespmem:s21+$0xFFFFFFC0]  }
0xf4: {  	v4 =	vsub.f32 v4, v11;
	v10 =	vsel vm0, v10, v12;
	v3 =	vsel vm0, v3, v6;
	v6 =	vld [tilespmem:s24+$0xFFFFFFE0]  }
0xf5: {  	v11 =	vmul.f32 v16, v7;
	v12 =	vmul.f32 $6.931471820e-01, v20;
	vm0 =	vgt.f32 v8, v10;
	v16 =	vld [tilespmem:s21+$0xFFFFFFD0]  }
0xf6: {  	v4 =	vsub.f32 v4, v14;
	v8 =	vsel vm0, v8, v10;
	v14 =	vld [tilespmem:s24+$0xFFFFFFF0]  }
0xf7: {  	v2 =	vsel vm0, v2, v3;
	v3 =	vmul.f32 v12, v5;
	v12 =	vld [tilespmem:s21+$0xFFFFFFE0];
	v10 =	vsub.f32 $1.000000000e+00, v15  }
0xf8: {  	vm0 =	vgt.f32 v7, v8;
	v4 =	vsub.f32 v4, v11;
	v11 =	vsub.f32 $1.000000000e+00, v13  }
0xf9: {  	v7 =	vsel vm0, v7, v8;
	v15 =	vld [tilespmem:s24+$0x0];
	v61 =	vsub.f32 $1.000000000e+00, v6;
	v13 =	vmul.f32 v10, v17  }
0xfa: {  	v18 =	vld [tilespmem:s21+$0xFFFFFFF0];
	v17 =	vsel vm0, v9, v2;
	v2 =	vimm.f32 $0.0e+00;
	v9 =	vmul.f32 v11, v16  }
0xfb: {  	v16 =	vld [tilespmem:s24+$0x10];
	vm0 =	vgt.f32 v5, v7;
	v62 =	vadd.f32 v10, v2;
	v6 =	vadd.f32 v13, v2  }
0xfc: {  	v8 =	vld [tilespmem:s21+$0x0];
	v12 =	vmul.f32 v61, v12;
	v2 =	vsel vm0, v5, v7;
	v5 =	vsub.f32 $1.000000000e+00, v14  }
0xfd: {  	v10 =	vld [tilespmem:s24+$0x20];
	v13 =	vor.u32 s22, v1;
	v7 =	vadd.f32 v11, v62;
	v63 =	vadd.f32 v9, v6  }
0xfe: {  	v4 =	vsub.f32 v4, v3;
	v3 =	vsel vm0, v13, v17;
	v9 =	vld [tilespmem:s21+$0x10];
	v6 =	vsub.f32 $1.000000000e+00, v15  }
0xff: {  	v11 =	vld [tilespmem:s24+$0x30];
	v15 =	vmul.f32 v5, v18;
	v13 =	vadd.f32 v61, v7;
	v14 =	vadd.f32 v12, v63  }
0x100: {  	s23 =	simm.s32 $0x8C0;
	s22 =	simm.s32 $0x0;
	v7 =	vsub.f32 $1.000000000e+00, v16;
	v12 =	vld [tilespmem:s21+$0x20]  }
.LBB2_6:
0x101: {  	v16 =	vld [tilespmem:s23+$0xFFFFFFC0];
	v14 =	vadd.f32 v15, v14;
	v5 =	vadd.f32 v5, v13;
	v8 =	vmul.f32 v6, v8  }
0x102: {  	s22 =	sadd.s32 $0x8, s22;
	v10 =	vsub.f32 $1.000000000e+00, v10;
	v13 =	vld [tilespmem:s21+$0x30]  }
0x103: {  	p0 =	slt.u32 s22, $0x78;
	s21 =	sadd.s32 $0x80, s21;
	v15 =	vld [tilespmem:s23+$0xFFFFFFD0];
	v8 =	vadd.f32 v8, v14;
	v5 =	vadd.f32 v6, v5;
	v6 =	vmul.f32 v7, v9  }
0x104: {  	v9 =	vld [tilespmem:s21+$0xFFFFFFC0];
	v11 =	vsub.f32 $1.000000000e+00, v11  }
0x105: {  	v14 =	vld [tilespmem:s23+$0xFFFFFFE0];
	v6 =	vadd.f32 v6, v8;
	v5 =	vadd.f32 v7, v5;
	v7 =	vmul.f32 v10, v12  }
0x106: {  	v8 =	vsub.f32 $1.000000000e+00, v16;
	v12 =	vld [tilespmem:s21+$0xFFFFFFD0]  }
0x107: {  	v16 =	vld [tilespmem:s23+$0xFFFFFFF0];
	v6 =	vadd.f32 v7, v6;
	v5 =	vadd.f32 v10, v5;
	v7 =	vmul.f32 v11, v13  }
0x108: {  	v10 =	vsub.f32 $1.000000000e+00, v15;
	v13 =	vld [tilespmem:s21+$0xFFFFFFE0]  }
0x109: {  	v9 =	vmul.f32 v8, v9;
	v15 =	vld [tilespmem:s23+$0x0];
	v6 =	vadd.f32 v7, v6;
	v5 =	vadd.f32 v11, v5  }
0x10a: {  	v7 =	vsub.f32 $1.000000000e+00, v14;
	v11 =	vld [tilespmem:s21+$0xFFFFFFF0]  }
0x10b: {  	v6 =	vadd.f32 v9, v6;
	v9 =	vadd.f32 v8, v5;
	v12 =	vmul.f32 v10, v12;
	v17 =	vld [tilespmem:s23+$0x10]  }
.Ltmp2:
0x10c: {  	v5 =	vsub.f32 $1.000000000e+00, v16;
	v8 =	vld [tilespmem:s21+$0x0];
	(pc) =	sbr.rel @p0 .LBB2_6-.Ltmp2, $4  }
0x10d: {  	v12 =	vadd.f32 v12, v6;
	v16 =	vadd.f32 v10, v9;
	v13 =	vmul.f32 v7, v13;
	v10 =	vld [tilespmem:s23+$0x20]  }
0x10e: {  	v6 =	vsub.f32 $1.000000000e+00, v15;
	v9 =	vld [tilespmem:s21+$0x10]  }
0x10f: {  	v14 =	vadd.f32 v13, v12;
	v13 =	vadd.f32 v7, v16;
	v15 =	vmul.f32 v5, v11;
	v11 =	vld [tilespmem:s23+$0x30]  }
0x110: {  	s23 =	sadd.s32 $0x80, s23;
	v7 =	vsub.f32 $1.000000000e+00, v17;
	v12 =	vld [tilespmem:s21+$0x20]  }
0x111: {  	v14 =	vadd.f32 v15, v14;
	v8 =	vmul.f32 v6, v8  }
0x112: {  	v15 =	vld [tilespmem:s21+$0x30]  }
0x113: {  	v10 =	vsub.f32 $1.000000000e+00, v10;
	v8 =	vadd.f32 v8, v14;
	v9 =	vmul.f32 v7, v9  }
0x114: {  	v5 =	vadd.f32 v5, v13  }
0x115: {  	v11 =	vsub.f32 $1.000000000e+00, v11;
	v8 =	vadd.f32 v9, v8;
	v9 =	vmul.f32 v10, v12;
	_ =	sdelay $0x1  }
0x116: {  	v5 =	vadd.f32 v6, v5;
	v8 =	vadd.f32 v9, v8;
	v9 =	vmul.f32 v11, v15;
	_ =	sdelay $0x1  }
0x117: {  	v5 =	vadd.f32 v7, v5;
	v8 =	vadd.f32 v9, v8;
	_ =	sdelay $0x1  }
0x118: {  	v5 =	vadd.f32 v10, v5;
	(xrf2) =	vadd.scan.msk.f32 $0xffff, v8;
	_ =	sdelay $0x1  }
0x119: {  	v5 =	vadd.f32 v11, v5;
	_ =	sdelay $0x1  }
0x11a: {  	(xrf2) =	vadd.scan.msk.f32 $0xffff, v5;
	_ =	sdelay $0x5  }
0x11b: {  	v5, _, _ =	vpop (xrf2)  }
0x11c: {  	(v2sf) =	vpush v5, $0xF;
	_ =	sdelay $0x2  }
0x11d: {  	v5, _, _ =	vpop (xrf2)  }
0x11e: {  	(v2sf) =	vpush v5, $0xF;
	_ =	sdelay $0x3  }
0x11f: {  	s22 =	simm.s32 $0x40  }
0x120: {  	v13 =	vld [tilespmem:s22+$0x0]  }
0x121: {  	s21 =	simm.s32 $0x840;
	v16 =	vld [tilespmem:s22+$0xFFFFFFE0]  }
0x122: {  	v17 =	vld [tilespmem:s21+$0xFFFFFFF0]  }
0x123: {  	v21 =	vld [tilespmem:s21+$0xFFFFFFE0]  }
0x124: {  	v22 =	vld [tilespmem:s21+$0xFFFFFFD0]  }
0x125: {  	v23 =	vld [tilespmem:s21+$0xFFFFFFC0]  }
0x126: {  	v24 =	vld [tilespmem:s22+$0xFFFFFFD0];
	s23 =	spop (v2sf)  }
0x127: {  	v26 =	vld [tilespmem:s22+$0xFFFFFFC0];
	p0 =	slt.f32 s23, $9.999999740e-05  }
0x128: {  	s24 =	simm.f32 $1.000000000e+00;
	v14 =	vld [tilespmem:s21+$0x0]  }
0x129: {  	v7 =	vld [tilespmem:s22+$0x30];
	s24 =	simm.s32 @!p0 $0x0  }
0x12a: {  	v12 =	vld [tilespmem:s21+$0x10];
	v5 =	vmov s24;
	s24 =	spop (v2sf)  }
0x12b: {  	v18 =	vimm.f32 $0.0e+00;
	v20 =	vimm.f32 $-1.000000000e+00;
	v10 =	vld [tilespmem:s22+$0x10];
	s23 =	smov.u32 @p0 s24  }
0x12c: {  	v19 =	vimm.s32 $0x0;
	v29 =	vsub.f32 $1.000000000e+00, v21;
	v9 =	vld [tilespmem:s21+$0x30];
	v6 =	vmov s23  }
0x12d: {  	s31 =	simm.s32 $0x0;
	v17 =	vsub.f32 $1.000000000e+00, v17;
	v23 =	vsub.f32 $1.000000000e+00, v23;
	v11 =	vld [tilespmem:s21+$0x20];
	(erf) = vrcp.f32 v6  }
0x12e: {  	s30 =	simm.s32 $0x10;
	v15 =	vld [tilespmem:s22+$0xFFFFFFF0];
	v22 =	vsub.f32 $1.000000000e+00, v22;
	v21 =	vor.u32 s31, v1;
	v27 =	vsub.f32 $1.000000000e+00, v14  }
0x12f: {  	v14 =	vor.u32 s30, v1;
	v16 =	vmul.f32 v29, v16;
	v26 =	vmul.f32 v23, v26;
	v8 =	vld [tilespmem:s22+$0x20]  }
0x130: {  	s29 =	simm.s32 $0x20;
	v24 =	vmul.f32 v22, v24;
	v28 =	vsub.f32 $1.000000000e+00, v12;
	vm0 =	vgt.f32 v5, $5.000000000e-01  }
0x131: {  	v12 =	vor.u32 s29, v1;
	v13 =	vmul.f32 v27, v13;
	v5 =	vsel vm0, $0x1, v0  }
0x132: {  	s28 =	simm.s32 $0x30;
	v11 =	vsub.f32 $1.000000000e+00, v11;
	v25 =	vsub.f32 $1.000000000e+00, v9;
	v5 =	vbroadcast v5, $0x0  }
0x133: {  	v10 =	vmul.f32 v28, v10;
	v15 =	vmul.f32 v17, v15;
	v9 =	vor.u32 s28, v1  }
0x134: {  	s25 =	simm.s32 $0x50;
	s26 =	simm.s32 $0x40;
	v8 =	vmul.f32 v11, v8;
	v30 =	vmul.f32 v25, v7;
	v5 =	vand.u32 $0x1, v5  }
0x135: {  	v6 =	vor.u32 s26, v1;
	vm12 =	veq.s32 v5, $0x1;
	v5 =	vor.u32 s25, v1  }
0x136: {  	v10 =	vsel vm12, v28, v10;
	v28 =	vsel vm12, v11, v8;
	v8 =	vsel vm12, v25, v30;
	v7 =	vpop (erf)  }
0x137: {  	v15 =	vsel vm12, v17, v15;
	v13 =	vsel vm12, v27, v13;
	v8 =	vmul.f32 v8, v7  }
0x138: {  	v16 =	vsel vm12, v29, v16;
	v11 =	vmul.f32 v10, v7;
	v10 =	vmul.f32 v28, v7  }
0x139: {  	v17 =	vsel vm12, v22, v24;
	v15 =	vmul.f32 v15, v7;
	v13 =	vmul.f32 v13, v7  }
0x13a: {  	v22 =	vsel vm12, v23, v26;
	v17 =	vmul.f32 v17, v7;
	v16 =	vmul.f32 v16, v7  }
0x13b: {  	v22 =	vmul.f32 v22, v7;
	v23 =	vmax.f32 v10, $1.192092900e-07;
	v24 =	vmax.f32 v8, $1.192092900e-07  }
0x13c: {  	v25 =	vmax.f32 v15, $1.192092900e-07;
	v26 =	vmax.f32 v13, $1.192092900e-07;
	v27 =	vmax.f32 v11, $1.192092900e-07  }
0x13d: {  	v28 =	vmax.f32 v22, $1.192092900e-07;
	v29 =	vmax.f32 v17, $1.192092900e-07;
	v30 =	vmax.f32 v16, $1.192092900e-07  }
0x13e: {  	vm0 =	vgt.f32 v22, v20;
	v27 =	vmin.f32 v27, $9.999998800e-01;
	v23 =	vmin.f32 v23, $9.999998800e-01  }
0x13f: {  	v24 =	vmin.f32 v24, $9.999998800e-01;
	v30 =	vmin.f32 v30, $9.999998800e-01;
	v25 =	vmin.f32 v25, $9.999998800e-01  }
0x140: {  	v26 =	vmin.f32 v26, $9.999998800e-01;
	v28 =	vmin.f32 v28, $9.999998800e-01;
	v29 =	vmin.f32 v29, $9.999998800e-01  }
0x141: {  	v31 =	vshra.s32 v24, $0x17;
	v32 =	vshra.s32 v26, $0x17;
	v33 =	vshra.s32 v27, $0x17  }
0x142: {  	v34 =	vshra.s32 v23, $0x17;
	v35 =	vshra.s32 v29, $0x17;
	v36 =	vshra.s32 v30, $0x17  }
0x143: {  	v37 =	vshra.s32 v25, $0x17;
	v38 =	vshra.s32 v28, $0x17;
	v23 =	vand.u32 $0x7FFFFF, v23  }
0x144: {  	v24 =	vand.u32 $0x7FFFFF, v24;
	v25 =	vand.u32 $0x7FFFFF, v25;
	v26 =	vand.u32 $0x7FFFFF, v26  }
0x145: {  	v27 =	vand.u32 $0x7FFFFF, v27;
	v28 =	vand.u32 $0x7FFFFF, v28;
	v29 =	vand.u32 $0x7FFFFF, v29  }
0x146: {  	v30 =	vand.u32 $0x7FFFFF, v30;
	v33 =	vadd.s32 $0xFFFFFF81, v33;
	v34 =	vadd.s32 $0xFFFFFF81, v34  }
0x147: {  	v31 =	vadd.s32 $0xFFFFFF81, v31;
	v36 =	vadd.s32 $0xFFFFFF81, v36;
	v37 =	vadd.s32 $0xFFFFFF81, v37  }
0x148: {  	v32 =	vadd.s32 $0xFFFFFF81, v32;
	v38 =	vadd.s32 $0xFFFFFF81, v38;
	v35 =	vadd.s32 $0xFFFFFF81, v35  }
0x149: {  	v24 =	vor.u32 $0x3F800000, v24;
	v26 =	vor.u32 $0x3F800000, v26;
	v27 =	vor.u32 $0x3F800000, v27  }
0x14a: {  	v23 =	vor.u32 $0x3F800000, v23;
	v29 =	vor.u32 $0x3F800000, v29;
	v30 =	vor.u32 $0x3F800000, v30  }
0x14b: {  	v25 =	vor.u32 $0x3F800000, v25;
	v34 =	vcvt.s32.f32 v34;
	v31 =	vcvt.s32.f32 v31  }
0x14c: {  	v28 =	vor.u32 $0x3F800000, v28;
	v32 =	vcvt.s32.f32 v32;
	v33 =	vcvt.s32.f32 v33  }
0x14d: {  	v24 =	vadd.f32 $-1.000000000e+00, v24;
	v35 =	vcvt.s32.f32 v35;
	v27 =	vadd.f32 $-1.000000000e+00, v27  }
0x14e: {  	v23 =	vadd.f32 $-1.000000000e+00, v23;
	v38 =	vcvt.s32.f32 v38;
	v25 =	vadd.f32 $-1.000000000e+00, v25  }
0x14f: {  	v26 =	vadd.f32 $-1.000000000e+00, v26;
	v30 =	vadd.f32 $-1.000000000e+00, v30;
	v37 =	vcvt.s32.f32 v37  }
0x150: {  	v29 =	vadd.f32 $-1.000000000e+00, v29;
	v39 =	vmul.f32 $4.342836510e-02, v23;
	v40 =	vmul.f32 $4.342836510e-02, v24  }
0x151: {  	v28 =	vadd.f32 $-1.000000000e+00, v28;
	v41 =	vmul.f32 $4.342836510e-02, v26;
	v42 =	vmul.f32 $4.342836510e-02, v27  }
0x152: {  	v43 =	vmul.f32 $4.342836510e-02, v30;
	v44 =	vmul.f32 $4.342836510e-02, v25;
	v39 =	vadd.f32 $-1.877204920e-01, v39  }
0x153: {  	v45 =	vmul.f32 $4.342836510e-02, v29;
	v40 =	vadd.f32 $-1.877204920e-01, v40;
	v42 =	vadd.f32 $-1.877204920e-01, v42  }
0x154: {  	v46 =	vmul.f32 $4.342836510e-02, v28;
	v41 =	vadd.f32 $-1.877204920e-01, v41;
	v44 =	vadd.f32 $-1.877204920e-01, v44  }
0x155: {  	v43 =	vadd.f32 $-1.877204920e-01, v43;
	v40 =	vmul.f32 v40, v24;
	v42 =	vmul.f32 v42, v27  }
0x156: {  	v45 =	vadd.f32 $-1.877204920e-01, v45;
	v39 =	vmul.f32 v39, v23;
	v44 =	vmul.f32 v44, v25  }
0x157: {  	v46 =	vadd.f32 $-1.877204920e-01, v46;
	v41 =	vmul.f32 v41, v26;
	v43 =	vmul.f32 v43, v30  }
0x158: {  	v45 =	vmul.f32 v45, v29;
	v39 =	vadd.f32 $4.087189440e-01, v39;
	v40 =	vadd.f32 $4.087189440e-01, v40  }
0x159: {  	v46 =	vmul.f32 v46, v28;
	v41 =	vadd.f32 $4.087189440e-01, v41;
	v42 =	vadd.f32 $4.087189440e-01, v42  }
0x15a: {  	v43 =	vadd.f32 $4.087189440e-01, v43;
	v44 =	vadd.f32 $4.087189440e-01, v44;
	v39 =	vmul.f32 v39, v23  }
0x15b: {  	v45 =	vadd.f32 $4.087189440e-01, v45;
	v40 =	vmul.f32 v40, v24;
	v42 =	vmul.f32 v42, v27  }
0x15c: {  	v46 =	vadd.f32 $4.087189440e-01, v46;
	v41 =	vmul.f32 v41, v26;
	v44 =	vmul.f32 v44, v25  }
0x15d: {  	v43 =	vmul.f32 v43, v30;
	v40 =	vadd.f32 $-7.057026020e-01, v40;
	v42 =	vadd.f32 $-7.057026020e-01, v42  }
0x15e: {  	v46 =	vmul.f32 v46, v28;
	v39 =	vadd.f32 $-7.057026020e-01, v39;
	v44 =	vadd.f32 $-7.057026020e-01, v44  }
0x15f: {  	v45 =	vmul.f32 v45, v29;
	v41 =	vadd.f32 $-7.057026020e-01, v41;
	v43 =	vadd.f32 $-7.057026020e-01, v43  }
0x160: {  	v46 =	vadd.f32 $-7.057026020e-01, v46;
	v39 =	vmul.f32 v39, v23;
	v40 =	vmul.f32 v40, v24  }
0x161: {  	v45 =	vadd.f32 $-7.057026020e-01, v45;
	v41 =	vmul.f32 v41, v26;
	v42 =	vmul.f32 v42, v27  }
0x162: {  	v44 =	vmul.f32 v44, v25;
	v46 =	vmul.f32 v46, v28;
	v39 =	vadd.f32 $1.441267130e+00, v39  }
0x163: {  	v45 =	vmul.f32 v45, v29;
	v40 =	vadd.f32 $1.441267130e+00, v40;
	v41 =	vadd.f32 $1.441267130e+00, v41  }
0x164: {  	v43 =	vmul.f32 v43, v30;
	v42 =	vadd.f32 $1.441267130e+00, v42;
	v46 =	vadd.f32 $1.441267130e+00, v46  }
0x165: {  	v44 =	vadd.f32 $1.441267130e+00, v44;
	v59 =	vadd.f32 $1.441267130e+00, v45;
	v23 =	vmul.f32 v39, v23  }
0x166: {  	v60 =	vadd.f32 $1.441267130e+00, v43;
	v24 =	vmul.f32 v40, v24;
	v28 =	vmul.f32 v46, v28  }
0x167: {  	v27 =	vmul.f32 v42, v27;
	v29 =	vmul.f32 v59, v29;
	v23 =	vadd.f32 $3.193085650e-05, v23  }
0x168: {  	v26 =	vmul.f32 v41, v26;
	v61 =	vadd.f32 $3.193085650e-05, v24;
	v24 =	vadd.f32 $3.193085650e-05, v28  }
0x169: {  	v27 =	vadd.f32 $3.193085650e-05, v27;
	v28 =	vadd.f32 $3.193085650e-05, v29;
	v29 =	vmul.f32 v60, v30  }
0x16a: {  	v25 =	vmul.f32 v44, v25;
	v30 =	vadd.f32 $3.193085650e-05, v26;
	v24 =	vadd.f32 v38, v24  }
0x16b: {  	v26 =	vadd.f32 v35, v28;
	v28 =	vcvt.s32.f32 v36;
	v29 =	vadd.f32 $3.193085650e-05, v29  }
0x16c: {  	v25 =	vadd.f32 $3.193085650e-05, v25;
	v62 =	vmul.f32 $6.931471820e-01, v24;
	v24 =	vadd.f32 v34, v23  }
0x16d: {  	v23 =	vadd.f32 v31, v61;
	v31 =	vmul.f32 $6.931471820e-01, v26;
	v29 =	vadd.f32 v28, v29  }
0x16e: {  	v26 =	vadd.f32 v33, v27;
	v27 =	vadd.f32 v37, v25;
	v63 =	vmul.f32 v62, v22  }
0x16f: {  	s22 =	simm.s32 $0x70;
	v25 =	vadd.f32 v32, v30;
	v28 =	vmul.f32 v31, v17;
	v30 =	vmul.f32 $6.931471820e-01, v29  }
0x170: {  	s24 =	simm.s32 $0x0;
	s23 =	simm.s32 $0x70;
	s25 =	simm.s32 $0xC0;
	v22 =	vsel vm0, v22, v20;
	v29 =	vsub.f32 v18, v63;
	v18 =	vsel vm0, v21, v19  }
.LBB2_8:
0x171: {  	v21 =	vld [tilespmem:s25+$0x30];
	vm0 =	vgt.f32 v17, v22;
	v19 =	vmul.f32 v30, v16;
	v20 =	vmul.f32 $6.931471820e-01, v27  }
0x172: {  	s21 =	sadd.s32 $0x80, s21;
	v27 =	vld [tilespmem:s25+$0x20];
	v28 =	vsub.f32 v29, v28;
	v17 =	vsel vm0, v17, v22;
	v14 =	vsel vm0, v14, v18  }
0x173: {  	v22 =	vld [tilespmem:s21+$0x30];
	vm0 =	vgt.f32 v16, v17;
	v18 =	vmul.f32 v20, v15;
	v20 =	vmul.f32 $6.931471820e-01, v25  }
0x174: {  	v25 =	vld [tilespmem:s25+$0x10];
	v19 =	vsub.f32 v28, v19;
	v16 =	vsel vm0, v16, v17;
	v12 =	vsel vm0, v12, v14  }
0x175: {  	v14 =	vld [tilespmem:s21+$0x20];
	vm0 =	vgt.f32 v15, v16;
	v17 =	vmul.f32 v20, v13;
	v20 =	vmul.f32 $6.931471820e-01, v26  }
0x176: {  	v26 =	vld [tilespmem:s25+$0x0];
	v18 =	vsub.f32 v19, v18;
	v15 =	vsel vm0, v15, v16;
	v9 =	vsel vm0, v9, v12  }
0x177: {  	v19 =	vmul.f32 $6.931471820e-01, v24;
	v12 =	vld [tilespmem:s21+$0x10];
	vm0 =	vgt.f32 v13, v15;
	v16 =	vmul.f32 v20, v11  }
0x178: {  	v24 =	vld [tilespmem:s25+$0xFFFFFFF0];
	v17 =	vsub.f32 v18, v17;
	v13 =	vsel vm0, v13, v15;
	v6 =	vsel vm0, v6, v9  }
0x179: {  	v9 =	vmul.f32 v19, v10;
	v18 =	vmul.f32 $6.931471820e-01, v23;
	v15 =	vld [tilespmem:s21+$0x0];
	vm0 =	vgt.f32 v11, v13  }
0x17a: {  	s26 =	sadd.s32 $0xFFFFFFF0, s23;
	v23 =	vld [tilespmem:s25+$0xFFFFFFE0];
	v16 =	vsub.f32 v17, v16;
	v11 =	vsel vm0, v11, v13;
	v5 =	vsel vm0, v5, v6  }
0x17b: {  	s23 =	sadd.s32 $0x80, s23;
	v6 =	vor.u32 s26, v1;
	v17 =	vmul.f32 v18, v8;
	v13 =	vld [tilespmem:s21+$0xFFFFFFF0];
	vm0 =	vgt.f32 v10, v11  }
0x17c: {  	s26 =	sadd.s32 $0xFFFFFFE0, s23;
	v28 =	vld [tilespmem:s21+$0xFFFFFFE0];
	v9 =	vsub.f32 v16, v9;
	v10 =	vsel vm0, v10, v11;
	v6 =	vsel vm0, v6, v5  }
0x17d: {  	v5 =	vor.u32 s26, v1;
	v16 =	vor.u32 s22, v1;
	s22 =	smov.u32 s23;
	v11 =	vld [tilespmem:s21+$0xFFFFFFD0];
	vm0 =	vgt.f32 v8, v10  }
0x17e: {  	s26 =	sadd.s32 $0xFFFFFFD0, s23;
	v29 =	vld [tilespmem:s21+$0xFFFFFFC0];
	v18 =	vsub.f32 v9, v17;
	v19 =	vsel vm0, v8, v10;
	v20 =	vsel vm0, v16, v6  }
0x17f: {  	s28 =	sadd.s32 $0xFFFFFFC0, s23;
	v6 =	vor.u32 s26, v1;
	v10 =	vsub.f32 $1.000000000e+00, v14;
	v16 =	vsub.f32 $1.000000000e+00, v22;
	v8 =	vld [tilespmem:s25+$0xFFFFFFD0]  }
0x180: {  	s26 =	sadd.s32 $0xFFFFFFB0, s23;
	v9 =	vor.u32 s28, v1;
	v15 =	vsub.f32 $1.000000000e+00, v15;
	v22 =	vsub.f32 $1.000000000e+00, v12;
	v17 =	vld [tilespmem:s25+$0xFFFFFFC0]  }
0x181: {  	v12 =	vor.u32 s26, v1;
	v13 =	vsub.f32 $1.000000000e+00, v13;
	v28 =	vsub.f32 $1.000000000e+00, v28  }
0x182: {  	v30 =	vsub.f32 $1.000000000e+00, v11;
	v11 =	vmul.f32 v10, v27;
	v27 =	vmul.f32 v16, v21  }
0x183: {  	s26 =	sadd.s32 $0xFFFFFFA0, s23;
	v26 =	vmul.f32 v15, v26;
	v25 =	vmul.f32 v22, v25;
	v29 =	vsub.f32 $1.000000000e+00, v29  }
0x184: {  	s28 =	sadd.s32 $0xFFFFFF90, s23;
	v14 =	vor.u32 s26, v1;
	v24 =	vmul.f32 v13, v24;
	v23 =	vmul.f32 v28, v23  }
0x185: {  	v21 =	vor.u32 s28, v1;
	v31 =	vmul.f32 v30, v8;
	v17 =	vmul.f32 v29, v17  }
0x186: {  	v22 =	vsel vm12, v22, v25;
	v10 =	vsel vm12, v10, v11;
	v8 =	vsel vm12, v16, v27  }
0x187: {  	v13 =	vsel vm12, v13, v24;
	v16 =	vsel vm12, v15, v26;
	v8 =	vmul.f32 v8, v7  }
0x188: {  	v11 =	vmul.f32 v22, v7;
	v23 =	vsel vm12, v28, v23;
	v10 =	vmul.f32 v10, v7  }
0x189: {  	v15 =	vmul.f32 v13, v7;
	v13 =	vmul.f32 v16, v7;
	v22 =	vsel vm12, v30, v31  }
0x18a: {  	v16 =	vmul.f32 v23, v7;
	v24 =	vsel vm12, v29, v17;
	v17 =	vmul.f32 v22, v7  }
0x18b: {  	v23 =	vmax.f32 v10, $1.192092900e-07;
	v22 =	vmul.f32 v24, v7;
	v24 =	vmax.f32 v8, $1.192092900e-07  }
0x18c: {  	v27 =	vmax.f32 v11, $1.192092900e-07;
	v25 =	vmax.f32 v15, $1.192092900e-07;
	v26 =	vmax.f32 v13, $1.192092900e-07  }
0x18d: {  	v30 =	vmax.f32 v16, $1.192092900e-07;
	v29 =	vmax.f32 v17, $1.192092900e-07;
	v28 =	vmax.f32 v22, $1.192092900e-07  }
0x18e: {  	v27 =	vmin.f32 v27, $9.999998800e-01;
	v23 =	vmin.f32 v23, $9.999998800e-01;
	v24 =	vmin.f32 v24, $9.999998800e-01  }
0x18f: {  	v25 =	vmin.f32 v25, $9.999998800e-01;
	v26 =	vmin.f32 v26, $9.999998800e-01;
	v30 =	vmin.f32 v30, $9.999998800e-01  }
0x190: {  	v29 =	vmin.f32 v29, $9.999998800e-01;
	v31 =	vshra.s32 v24, $0x17;
	v28 =	vmin.f32 v28, $9.999998800e-01  }
0x191: {  	v33 =	vshra.s32 v27, $0x17;
	v32 =	vshra.s32 v26, $0x17;
	v34 =	vshra.s32 v23, $0x17  }
0x192: {  	v37 =	vshra.s32 v25, $0x17;
	v36 =	vshra.s32 v30, $0x17;
	v35 =	vshra.s32 v29, $0x17  }
0x193: {  	v39 =	vand.u32 $0x7FFFFF, v23;
	v40 =	vand.u32 $0x7FFFFF, v24;
	v38 =	vshra.s32 v28, $0x17  }
0x194: {  	s24 =	sadd.s32 $0x8, s24;
	v27 =	vand.u32 $0x7FFFFF, v27;
	v25 =	vand.u32 $0x7FFFFF, v25;
	v26 =	vand.u32 $0x7FFFFF, v26  }
0x195: {  	p0 =	slt.u32 s24, $0x78;
	v30 =	vand.u32 $0x7FFFFF, v30;
	v29 =	vand.u32 $0x7FFFFF, v29;
	v28 =	vand.u32 $0x7FFFFF, v28  }
0x196: {  	v33 =	vadd.s32 $0xFFFFFF81, v33;
	v34 =	vadd.s32 $0xFFFFFF81, v34;
	v31 =	vadd.s32 $0xFFFFFF81, v31  }
0x197: {  	v24 =	vadd.s32 $0xFFFFFF81, v37;
	v32 =	vadd.s32 $0xFFFFFF81, v32;
	v23 =	vadd.s32 $0xFFFFFF81, v36  }
0x198: {  	v37 =	vor.u32 $0x3F800000, v40;
	v35 =	vadd.s32 $0xFFFFFF81, v35;
	v36 =	vadd.s32 $0xFFFFFF81, v38  }
0x199: {  	v39 =	vor.u32 $0x3F800000, v39;
	v40 =	vor.u32 $0x3F800000, v27;
	v38 =	vor.u32 $0x3F800000, v26  }
0x19a: {  	v41 =	vor.u32 $0x3F800000, v25;
	v30 =	vor.u32 $0x3F800000, v30;
	v29 =	vor.u32 $0x3F800000, v29  }
0x19b: {  	v27 =	vcvt.s32.f32 v34;
	v42 =	vor.u32 $0x3F800000, v28;
	v28 =	vcvt.s32.f32 v31  }
0x19c: {  	v25 =	vcvt.s32.f32 v32;
	v26 =	vcvt.s32.f32 v33;
	v31 =	vadd.f32 $-1.000000000e+00, v37  }
0x19d: {  	v34 =	vadd.f32 $-1.000000000e+00, v39;
	v32 =	vcvt.s32.f32 v35;
	v33 =	vadd.f32 $-1.000000000e+00, v40  }
0x19e: {  	v35 =	vcvt.s32.f32 v36;
	v36 =	vadd.f32 $-1.000000000e+00, v41;
	v37 =	vadd.f32 $-1.000000000e+00, v38  }
0x19f: {  	v30 =	vadd.f32 $-1.000000000e+00, v30;
	v38 =	vmul.f32 $4.342836510e-02, v34;
	v39 =	vmul.f32 $4.342836510e-02, v31  }
0x1a0: {  	v29 =	vadd.f32 $-1.000000000e+00, v29;
	v41 =	vmul.f32 $4.342836510e-02, v33;
	v40 =	vmul.f32 $4.342836510e-02, v37  }
0x1a1: {  	v42 =	vadd.f32 $-1.000000000e+00, v42;
	v43 =	vmul.f32 $4.342836510e-02, v30;
	v44 =	vmul.f32 $4.342836510e-02, v36  }
0x1a2: {  	v45 =	vmul.f32 $4.342836510e-02, v29;
	v38 =	vadd.f32 $-1.877204920e-01, v38;
	v39 =	vadd.f32 $-1.877204920e-01, v39  }
0x1a3: {  	v46 =	vmul.f32 $4.342836510e-02, v42;
	v41 =	vadd.f32 $-1.877204920e-01, v41;
	v40 =	vadd.f32 $-1.877204920e-01, v40  }
0x1a4: {  	v43 =	vadd.f32 $-1.877204920e-01, v43;
	v44 =	vadd.f32 $-1.877204920e-01, v44;
	v39 =	vmul.f32 v39, v31  }
0x1a5: {  	v45 =	vadd.f32 $-1.877204920e-01, v45;
	v38 =	vmul.f32 v38, v34;
	v41 =	vmul.f32 v41, v33  }
0x1a6: {  	v46 =	vadd.f32 $-1.877204920e-01, v46;
	v44 =	vmul.f32 v44, v36;
	v40 =	vmul.f32 v40, v37  }
0x1a7: {  	v43 =	vmul.f32 v43, v30;
	v38 =	vadd.f32 $4.087189440e-01, v38;
	v39 =	vadd.f32 $4.087189440e-01, v39  }
0x1a8: {  	v45 =	vmul.f32 v45, v29;
	v41 =	vadd.f32 $4.087189440e-01, v41;
	v40 =	vadd.f32 $4.087189440e-01, v40  }
0x1a9: {  	v46 =	vmul.f32 v46, v42;
	v43 =	vadd.f32 $4.087189440e-01, v43;
	v44 =	vadd.f32 $4.087189440e-01, v44  }
0x1aa: {  	v45 =	vadd.f32 $4.087189440e-01, v45;
	v38 =	vmul.f32 v38, v34;
	v39 =	vmul.f32 v39, v31  }
0x1ab: {  	v46 =	vadd.f32 $4.087189440e-01, v46;
	v41 =	vmul.f32 v41, v33;
	v40 =	vmul.f32 v40, v37  }
0x1ac: {  	v43 =	vmul.f32 v43, v30;
	v44 =	vmul.f32 v44, v36;
	v39 =	vadd.f32 $-7.057026020e-01, v39  }
0x1ad: {  	v45 =	vmul.f32 v45, v29;
	v38 =	vadd.f32 $-7.057026020e-01, v38;
	v41 =	vadd.f32 $-7.057026020e-01, v41  }
0x1ae: {  	v46 =	vmul.f32 v46, v42;
	v44 =	vadd.f32 $-7.057026020e-01, v44;
	v40 =	vadd.f32 $-7.057026020e-01, v40  }
0x1af: {  	v43 =	vadd.f32 $-7.057026020e-01, v43;
	v38 =	vmul.f32 v38, v34;
	v39 =	vmul.f32 v39, v31  }
0x1b0: {  	v46 =	vadd.f32 $-7.057026020e-01, v46;
	v41 =	vmul.f32 v41, v33;
	v40 =	vmul.f32 v40, v37  }
0x1b1: {  	v45 =	vadd.f32 $-7.057026020e-01, v45;
	v43 =	vmul.f32 v43, v30;
	v44 =	vmul.f32 v44, v36  }
0x1b2: {  	v46 =	vmul.f32 v46, v42;
	v38 =	vadd.f32 $1.441267130e+00, v38;
	v39 =	vadd.f32 $1.441267130e+00, v39  }
0x1b3: {  	v45 =	vmul.f32 v45, v29;
	v41 =	vadd.f32 $1.441267130e+00, v41;
	v40 =	vadd.f32 $1.441267130e+00, v40  }
0x1b4: {  	v46 =	vadd.f32 $1.441267130e+00, v46;
	v44 =	vadd.f32 $1.441267130e+00, v44;
	v31 =	vmul.f32 v39, v31  }
0x1b5: {  	v34 =	vmul.f32 v38, v34;
	v39 =	vadd.f32 $1.441267130e+00, v45;
	v33 =	vmul.f32 v41, v33  }
0x1b6: {  	v41 =	vadd.f32 $1.441267130e+00, v43;
	v38 =	vmul.f32 v46, v42;
	v37 =	vmul.f32 v40, v37  }
0x1b7: {  	v34 =	vadd.f32 $3.193085650e-05, v34;
	v29 =	vmul.f32 v39, v29;
	v31 =	vadd.f32 $3.193085650e-05, v31  }
0x1b8: {  	v36 =	vmul.f32 v44, v36;
	v33 =	vadd.f32 $3.193085650e-05, v33;
	v38 =	vadd.f32 $3.193085650e-05, v38  }
0x1b9: {  	v30 =	vmul.f32 v41, v30;
	v37 =	vadd.f32 $3.193085650e-05, v37;
	v29 =	vadd.f32 $3.193085650e-05, v29  }
0x1ba: {  	v36 =	vadd.f32 $3.193085650e-05, v36;
	v35 =	vadd.f32 v35, v38;
	v38 =	vcvt.s32.f32 v24  }
0x1bb: {  	v30 =	vadd.f32 $3.193085650e-05, v30;
	v29 =	vadd.f32 v32, v29;
	v32 =	vcvt.s32.f32 v23  }
.Ltmp3:
0x1bc: {  	v24 =	vadd.f32 v27, v34;
	v23 =	vadd.f32 v28, v31;
	v35 =	vmul.f32 $6.931471820e-01, v35;
	(pc) =	sbr.rel @p0 .LBB2_8-.Ltmp3, $4  }
0x1bd: {  	v26 =	vadd.f32 v26, v33;
	v28 =	vmul.f32 $6.931471820e-01, v29;
	v29 =	vadd.f32 v32, v30  }
0x1be: {  	v25 =	vadd.f32 v25, v37;
	v27 =	vadd.f32 v38, v36;
	v31 =	vmul.f32 v35, v22  }
0x1bf: {  	vm0 =	vgt.f32 v22, v19;
	v28 =	vmul.f32 v28, v17;
	v30 =	vmul.f32 $6.931471820e-01, v29  }
0x1c0: {  	s25 =	sadd.s32 $0x80, s25;
	v22 =	vsel vm0, v22, v19;
	v29 =	vsub.f32 v18, v31;
	v18 =	vsel vm0, v21, v20  }
0x1c1: {  	[tilespmem:s1], [sflag:$0x1] =	stream.strided.gather [hbm4b:s7+s13], $0x800, s14, s13, $0x38;
	[tilespmem:$0x1080] =	vst v63  }
0x1c2: {  	_ = 	snop  }
0x1c3: {  	[tilespmem:s15], [sflag:$0x2] =	stream.strided.gather [hbm4b:s8+s13], $0x800, s14, s13, $0x38;
	[tilespmem:$0x1080] =	vst v63  }
0x1c4: {  	_ =	swait.ge [sflag:s16], $0x800  }
0x1c5: {  	vm0 =	vgt.f32 v17, v22;
	[sflag:s16] =	ssyncset.done $0x0  }
0x1c6: {  	v7 =	vmul.f32 $6.931471820e-01, v27;
	v19 =	vmul.f32 v30, v16;
	v20 =	vsub.f32 v29, v28;
	[sflag:s16] =	ssyncadd.s32 $0xFFFFF800  }
0x1c7: {  	v17 =	vsel vm0, v17, v22;
	v14 =	vsel vm0, v14, v18;
	v18 =	vmul.f32 $6.931471820e-01, v25;
	_ =	swait.ge [sflag:s17], $0x800  }
0x1c8: {  	vm0 =	vgt.f32 v16, v17;
	v7 =	vmul.f32 v7, v15;
	v19 =	vsub.f32 v20, v19;
	[sflag:s17] =	ssyncset.done $0x0  }
0x1c9: {  	s24 =	simm.s32 $0x840;
	v16 =	vsel vm0, v16, v17;
	v12 =	vsel vm0, v12, v14;
	v14 =	vmul.f32 v18, v13;
	[sflag:s17] =	ssyncadd.s32 $0xFFFFF800  }
0x1ca: {  	s21 =	sadd.s32 $0xFFFFFFF0, s23;
	v17 =	vmul.f32 $6.931471820e-01, v26;
	vm0 =	vgt.f32 v15, v16;
	v7 =	vsub.f32 v19, v7;
	v18 =	vld [tilespmem:s24+$0xFFFFFFC0]  }
0x1cb: {  	v15 =	vsel vm0, v15, v16;
	v9 =	vsel vm0, v9, v12;
	v12 =	vor.u32 s21, v1;
	s21 =	simm.s32 $0x40;
	v16 =	vld [tilespmem:s24+$0xFFFFFFD0]  }
0x1cc: {  	v17 =	vmul.f32 v17, v11;
	v19 =	vmul.f32 $6.931471820e-01, v24;
	vm0 =	vgt.f32 v13, v15;
	v20 =	vld [tilespmem:s21+$0xFFFFFFC0]  }
0x1cd: {  	v7 =	vsub.f32 v7, v14;
	v13 =	vsel vm0, v13, v15;
	v6 =	vsel vm0, v6, v9;
	v9 =	vld [tilespmem:s24+$0xFFFFFFE0]  }
0x1ce: {  	v14 =	vmul.f32 v19, v10;
	v15 =	vmul.f32 $6.931471820e-01, v23;
	vm0 =	vgt.f32 v11, v13;
	v19 =	vld [tilespmem:s21+$0xFFFFFFD0]  }
0x1cf: {  	v7 =	vsub.f32 v7, v17;
	v11 =	vsel vm0, v11, v13;
	v17 =	vld [tilespmem:s24+$0xFFFFFFF0]  }
0x1d0: {  	v5 =	vsel vm0, v5, v6;
	v6 =	vmul.f32 v15, v8;
	v15 =	vld [tilespmem:s21+$0xFFFFFFE0];
	v13 =	vsub.f32 $1.000000000e+00, v18  }
0x1d1: {  	vm0 =	vgt.f32 v10, v11;
	v7 =	vsub.f32 v7, v14;
	v14 =	vsub.f32 $1.000000000e+00, v16  }
0x1d2: {  	v10 =	vsel vm0, v10, v11;
	v18 =	vld [tilespmem:s24+$0x0];
	v61 =	vsub.f32 $1.000000000e+00, v9;
	v16 =	vmul.f32 v13, v20  }
0x1d3: {  	v21 =	vld [tilespmem:s21+$0xFFFFFFF0];
	v20 =	vsel vm0, v12, v5;
	v5 =	vimm.f32 $0.0e+00;
	v12 =	vmul.f32 v14, v19  }
0x1d4: {  	v19 =	vld [tilespmem:s24+$0x10];
	vm0 =	vgt.f32 v8, v10;
	v62 =	vadd.f32 v13, v5;
	v9 =	vadd.f32 v16, v5  }
0x1d5: {  	v11 =	vld [tilespmem:s21+$0x0];
	v15 =	vmul.f32 v61, v15;
	v5 =	vsel vm0, v8, v10;
	v8 =	vsub.f32 $1.000000000e+00, v17  }
0x1d6: {  	v13 =	vld [tilespmem:s24+$0x20];
	v16 =	vor.u32 s22, v1;
	v10 =	vadd.f32 v14, v62;
	v63 =	vadd.f32 v12, v9  }
0x1d7: {  	v7 =	vsub.f32 v7, v6;
	v6 =	vsel vm0, v16, v20;
	v12 =	vld [tilespmem:s21+$0x10];
	v9 =	vsub.f32 $1.000000000e+00, v18  }
0x1d8: {  	v14 =	vld [tilespmem:s24+$0x30];
	v18 =	vmul.f32 v8, v21;
	v16 =	vadd.f32 v61, v10;
	v17 =	vadd.f32 v15, v63  }
0x1d9: {  	s23 =	simm.s32 $0x8C0;
	s22 =	simm.s32 $0x0;
	v10 =	vsub.f32 $1.000000000e+00, v19;
	v15 =	vld [tilespmem:s21+$0x20]  }
.LBB2_10:
0x1da: {  	v19 =	vld [tilespmem:s23+$0xFFFFFFC0];
	v17 =	vadd.f32 v18, v17;
	v8 =	vadd.f32 v8, v16;
	v11 =	vmul.f32 v9, v11  }
0x1db: {  	s22 =	sadd.s32 $0x8, s22;
	v13 =	vsub.f32 $1.000000000e+00, v13;
	v16 =	vld [tilespmem:s21+$0x30]  }
0x1dc: {  	p0 =	slt.u32 s22, $0x78;
	s21 =	sadd.s32 $0x80, s21;
	v18 =	vld [tilespmem:s23+$0xFFFFFFD0];
	v11 =	vadd.f32 v11, v17;
	v8 =	vadd.f32 v9, v8;
	v9 =	vmul.f32 v10, v12  }
0x1dd: {  	v12 =	vld [tilespmem:s21+$0xFFFFFFC0];
	v14 =	vsub.f32 $1.000000000e+00, v14  }
0x1de: {  	v17 =	vld [tilespmem:s23+$0xFFFFFFE0];
	v9 =	vadd.f32 v9, v11;
	v8 =	vadd.f32 v10, v8;
	v10 =	vmul.f32 v13, v15  }
0x1df: {  	v11 =	vsub.f32 $1.000000000e+00, v19;
	v15 =	vld [tilespmem:s21+$0xFFFFFFD0]  }
0x1e0: {  	v19 =	vld [tilespmem:s23+$0xFFFFFFF0];
	v9 =	vadd.f32 v10, v9;
	v8 =	vadd.f32 v13, v8;
	v10 =	vmul.f32 v14, v16  }
0x1e1: {  	v13 =	vsub.f32 $1.000000000e+00, v18;
	v16 =	vld [tilespmem:s21+$0xFFFFFFE0]  }
0x1e2: {  	v12 =	vmul.f32 v11, v12;
	v18 =	vld [tilespmem:s23+$0x0];
	v9 =	vadd.f32 v10, v9;
	v8 =	vadd.f32 v14, v8  }
0x1e3: {  	v10 =	vsub.f32 $1.000000000e+00, v17;
	v14 =	vld [tilespmem:s21+$0xFFFFFFF0]  }
0x1e4: {  	v9 =	vadd.f32 v12, v9;
	v12 =	vadd.f32 v11, v8;
	v15 =	vmul.f32 v13, v15;
	v20 =	vld [tilespmem:s23+$0x10]  }
.Ltmp4:
0x1e5: {  	v8 =	vsub.f32 $1.000000000e+00, v19;
	v11 =	vld [tilespmem:s21+$0x0];
	(pc) =	sbr.rel @p0 .LBB2_10-.Ltmp4, $4  }
0x1e6: {  	v15 =	vadd.f32 v15, v9;
	v19 =	vadd.f32 v13, v12;
	v16 =	vmul.f32 v10, v16;
	v13 =	vld [tilespmem:s23+$0x20]  }
0x1e7: {  	v9 =	vsub.f32 $1.000000000e+00, v18;
	v12 =	vld [tilespmem:s21+$0x10]  }
0x1e8: {  	v17 =	vadd.f32 v16, v15;
	v16 =	vadd.f32 v10, v19;
	v18 =	vmul.f32 v8, v14;
	v14 =	vld [tilespmem:s23+$0x30]  }
0x1e9: {  	s23 =	sadd.s32 $0x80, s23;
	v10 =	vsub.f32 $1.000000000e+00, v20;
	v15 =	vld [tilespmem:s21+$0x20]  }
0x1ea: {  	v17 =	vadd.f32 v18, v17;
	v11 =	vmul.f32 v9, v11  }
0x1eb: {  	v18 =	vld [tilespmem:s21+$0x30]  }
0x1ec: {  	v13 =	vsub.f32 $1.000000000e+00, v13;
	v11 =	vadd.f32 v11, v17;
	v12 =	vmul.f32 v10, v12  }
0x1ed: {  	v8 =	vadd.f32 v8, v16  }
0x1ee: {  	v14 =	vsub.f32 $1.000000000e+00, v14;
	v11 =	vadd.f32 v12, v11;
	v12 =	vmul.f32 v13, v15;
	_ =	sdelay $0x1  }
0x1ef: {  	v8 =	vadd.f32 v9, v8;
	v11 =	vadd.f32 v12, v11;
	v12 =	vmul.f32 v14, v18;
	_ =	sdelay $0x1  }
0x1f0: {  	v8 =	vadd.f32 v10, v8;
	v11 =	vadd.f32 v12, v11;
	_ =	sdelay $0x1  }
0x1f1: {  	v8 =	vadd.f32 v13, v8;
	(xrf2) =	vadd.scan.msk.f32 $0xffff, v11;
	_ =	sdelay $0x1  }
0x1f2: {  	v8 =	vadd.f32 v14, v8;
	_ =	sdelay $0x1  }
0x1f3: {  	(xrf2) =	vadd.scan.msk.f32 $0xffff, v8;
	_ =	sdelay $0x5  }
0x1f4: {  	v8, _, _ =	vpop (xrf2)  }
0x1f5: {  	(v2sf) =	vpush v8, $0xF;
	_ =	sdelay $0x2  }
0x1f6: {  	v8, _, _ =	vpop (xrf2)  }
0x1f7: {  	(v2sf) =	vpush v8, $0xF;
	_ =	sdelay $0x3  }
0x1f8: {  	s22 =	simm.s32 $0x40  }
0x1f9: {  	v16 =	vld [tilespmem:s22+$0x0]  }
0x1fa: {  	s21 =	simm.s32 $0x840;
	v19 =	vld [tilespmem:s22+$0xFFFFFFE0]  }
0x1fb: {  	v20 =	vld [tilespmem:s21+$0xFFFFFFF0]  }
0x1fc: {  	v24 =	vld [tilespmem:s21+$0xFFFFFFE0]  }
0x1fd: {  	v25 =	vld [tilespmem:s21+$0xFFFFFFD0]  }
0x1fe: {  	v26 =	vld [tilespmem:s21+$0xFFFFFFC0]  }
0x1ff: {  	v27 =	vld [tilespmem:s22+$0xFFFFFFD0];
	s23 =	spop (v2sf)  }
0x200: {  	v29 =	vld [tilespmem:s22+$0xFFFFFFC0];
	p0 =	slt.f32 s23, $9.999999740e-05  }
0x201: {  	s24 =	simm.f32 $1.000000000e+00;
	v17 =	vld [tilespmem:s21+$0x0]  }
0x202: {  	v10 =	vld [tilespmem:s22+$0x30];
	s24 =	simm.s32 @!p0 $0x0  }
0x203: {  	v15 =	vld [tilespmem:s21+$0x10];
	v8 =	vmov s24;
	s24 =	spop (v2sf)  }
0x204: {  	v21 =	vimm.f32 $0.0e+00;
	v23 =	vimm.f32 $-1.000000000e+00;
	v13 =	vld [tilespmem:s22+$0x10];
	s23 =	smov.u32 @p0 s24  }
0x205: {  	v22 =	vimm.s32 $0x0;
	v32 =	vsub.f32 $1.000000000e+00, v24;
	v12 =	vld [tilespmem:s21+$0x30];
	v9 =	vmov s23  }
0x206: {  	s31 =	simm.s32 $0x0;
	v20 =	vsub.f32 $1.000000000e+00, v20;
	v26 =	vsub.f32 $1.000000000e+00, v26;
	v14 =	vld [tilespmem:s21+$0x20];
	(erf) = vrcp.f32 v9  }
0x207: {  	s30 =	simm.s32 $0x10;
	v18 =	vld [tilespmem:s22+$0xFFFFFFF0];
	v25 =	vsub.f32 $1.000000000e+00, v25;
	v24 =	vor.u32 s31, v1;
	v30 =	vsub.f32 $1.000000000e+00, v17  }
0x208: {  	v17 =	vor.u32 s30, v1;
	v19 =	vmul.f32 v32, v19;
	v29 =	vmul.f32 v26, v29;
	v11 =	vld [tilespmem:s22+$0x20]  }
0x209: {  	s29 =	simm.s32 $0x20;
	v27 =	vmul.f32 v25, v27;
	v31 =	vsub.f32 $1.000000000e+00, v15;
	vm0 =	vgt.f32 v8, $5.000000000e-01  }
0x20a: {  	v15 =	vor.u32 s29, v1;
	v16 =	vmul.f32 v30, v16;
	v8 =	vsel vm0, $0x1, v0  }
0x20b: {  	s28 =	simm.s32 $0x30;
	v14 =	vsub.f32 $1.000000000e+00, v14;
	v28 =	vsub.f32 $1.000000000e+00, v12;
	v8 =	vbroadcast v8, $0x0  }
0x20c: {  	v13 =	vmul.f32 v31, v13;
	v18 =	vmul.f32 v20, v18;
	v12 =	vor.u32 s28, v1  }
0x20d: {  	s25 =	simm.s32 $0x50;
	s26 =	simm.s32 $0x40;
	v11 =	vmul.f32 v14, v11;
	v33 =	vmul.f32 v28, v10;
	v8 =	vand.u32 $0x1, v8  }
0x20e: {  	v9 =	vor.u32 s26, v1;
	vm12 =	veq.s32 v8, $0x1;
	v8 =	vor.u32 s25, v1  }
0x20f: {  	v13 =	vsel vm12, v31, v13;
	v31 =	vsel vm12, v14, v11;
	v11 =	vsel vm12, v28, v33;
	v10 =	vpop (erf)  }
0x210: {  	v18 =	vsel vm12, v20, v18;
	v16 =	vsel vm12, v30, v16;
	v11 =	vmul.f32 v11, v10  }
0x211: {  	v19 =	vsel vm12, v32, v19;
	v14 =	vmul.f32 v13, v10;
	v13 =	vmul.f32 v31, v10  }
0x212: {  	v20 =	vsel vm12, v25, v27;
	v18 =	vmul.f32 v18, v10;
	v16 =	vmul.f32 v16, v10  }
0x213: {  	v25 =	vsel vm12, v26, v29;
	v20 =	vmul.f32 v20, v10;
	v19 =	vmul.f32 v19, v10  }
0x214: {  	v25 =	vmul.f32 v25, v10;
	v26 =	vmax.f32 v13, $1.192092900e-07;
	v27 =	vmax.f32 v11, $1.192092900e-07  }
0x215: {  	v28 =	vmax.f32 v18, $1.192092900e-07;
	v29 =	vmax.f32 v16, $1.192092900e-07;
	v30 =	vmax.f32 v14, $1.192092900e-07  }
0x216: {  	v31 =	vmax.f32 v25, $1.192092900e-07;
	v54 =	vmax.f32 v20, $1.192092900e-07;
	v55 =	vmax.f32 v19, $1.192092900e-07  }
0x217: {  	vm0 =	vgt.f32 v25, v23;
	v30 =	vmin.f32 v30, $9.999998800e-01;
	v26 =	vmin.f32 v26, $9.999998800e-01  }
0x218: {  	v27 =	vmin.f32 v27, $9.999998800e-01;
	v33 =	vmin.f32 v55, $9.999998800e-01;
	v28 =	vmin.f32 v28, $9.999998800e-01  }
0x219: {  	v29 =	vmin.f32 v29, $9.999998800e-01;
	v31 =	vmin.f32 v31, $9.999998800e-01;
	v32 =	vmin.f32 v54, $9.999998800e-01  }
0x21a: {  	v34 =	vshra.s32 v27, $0x17;
	v35 =	vshra.s32 v29, $0x17;
	v36 =	vshra.s32 v30, $0x17  }
0x21b: {  	v37 =	vshra.s32 v26, $0x17;
	v38 =	vshra.s32 v32, $0x17;
	v39 =	vshra.s32 v33, $0x17  }
0x21c: {  	v40 =	vshra.s32 v28, $0x17;
	v41 =	vshra.s32 v31, $0x17;
	v26 =	vand.u32 $0x7FFFFF, v26  }
0x21d: {  	v27 =	vand.u32 $0x7FFFFF, v27;
	v28 =	vand.u32 $0x7FFFFF, v28;
	v29 =	vand.u32 $0x7FFFFF, v29  }
0x21e: {  	v30 =	vand.u32 $0x7FFFFF, v30;
	v31 =	vand.u32 $0x7FFFFF, v31;
	v32 =	vand.u32 $0x7FFFFF, v32  }
0x21f: {  	v33 =	vand.u32 $0x7FFFFF, v33;
	v36 =	vadd.s32 $0xFFFFFF81, v36;
	v37 =	vadd.s32 $0xFFFFFF81, v37  }
0x220: {  	v34 =	vadd.s32 $0xFFFFFF81, v34;
	v39 =	vadd.s32 $0xFFFFFF81, v39;
	v40 =	vadd.s32 $0xFFFFFF81, v40  }
0x221: {  	v35 =	vadd.s32 $0xFFFFFF81, v35;
	v41 =	vadd.s32 $0xFFFFFF81, v41;
	v38 =	vadd.s32 $0xFFFFFF81, v38  }
0x222: {  	v27 =	vor.u32 $0x3F800000, v27;
	v29 =	vor.u32 $0x3F800000, v29;
	v30 =	vor.u32 $0x3F800000, v30  }
0x223: {  	v26 =	vor.u32 $0x3F800000, v26;
	v32 =	vor.u32 $0x3F800000, v32;
	v33 =	vor.u32 $0x3F800000, v33  }
0x224: {  	v28 =	vor.u32 $0x3F800000, v28;
	v37 =	vcvt.s32.f32 v37;
	v34 =	vcvt.s32.f32 v34  }
0x225: {  	v31 =	vor.u32 $0x3F800000, v31;
	v35 =	vcvt.s32.f32 v35;
	v36 =	vcvt.s32.f32 v36  }
0x226: {  	v27 =	vadd.f32 $-1.000000000e+00, v27;
	v38 =	vcvt.s32.f32 v38;
	v30 =	vadd.f32 $-1.000000000e+00, v30  }
0x227: {  	v26 =	vadd.f32 $-1.000000000e+00, v26;
	v41 =	vcvt.s32.f32 v41;
	v28 =	vadd.f32 $-1.000000000e+00, v28  }
0x228: {  	v29 =	vadd.f32 $-1.000000000e+00, v29;
	v33 =	vadd.f32 $-1.000000000e+00, v33;
	v40 =	vcvt.s32.f32 v40  }
0x229: {  	v32 =	vadd.f32 $-1.000000000e+00, v32;
	v42 =	vmul.f32 $4.342836510e-02, v26;
	v43 =	vmul.f32 $4.342836510e-02, v27  }
0x22a: {  	v31 =	vadd.f32 $-1.000000000e+00, v31;
	v44 =	vmul.f32 $4.342836510e-02, v29;
	v45 =	vmul.f32 $4.342836510e-02, v30  }
0x22b: {  	v46 =	vmul.f32 $4.342836510e-02, v33;
	v47 =	vmul.f32 $4.342836510e-02, v28;
	v42 =	vadd.f32 $-1.877204920e-01, v42  }
0x22c: {  	v48 =	vmul.f32 $4.342836510e-02, v32;
	v43 =	vadd.f32 $-1.877204920e-01, v43;
	v45 =	vadd.f32 $-1.877204920e-01, v45  }
0x22d: {  	v49 =	vmul.f32 $4.342836510e-02, v31;
	v44 =	vadd.f32 $-1.877204920e-01, v44;
	v47 =	vadd.f32 $-1.877204920e-01, v47  }
0x22e: {  	v46 =	vadd.f32 $-1.877204920e-01, v46;
	v43 =	vmul.f32 v43, v27;
	v45 =	vmul.f32 v45, v30  }
0x22f: {  	v48 =	vadd.f32 $-1.877204920e-01, v48;
	v42 =	vmul.f32 v42, v26;
	v47 =	vmul.f32 v47, v28  }
0x230: {  	v49 =	vadd.f32 $-1.877204920e-01, v49;
	v44 =	vmul.f32 v44, v29;
	v46 =	vmul.f32 v46, v33  }
0x231: {  	v48 =	vmul.f32 v48, v32;
	v42 =	vadd.f32 $4.087189440e-01, v42;
	v43 =	vadd.f32 $4.087189440e-01, v43  }
0x232: {  	v49 =	vmul.f32 v49, v31;
	v44 =	vadd.f32 $4.087189440e-01, v44;
	v45 =	vadd.f32 $4.087189440e-01, v45  }
0x233: {  	v46 =	vadd.f32 $4.087189440e-01, v46;
	v47 =	vadd.f32 $4.087189440e-01, v47;
	v42 =	vmul.f32 v42, v26  }
0x234: {  	v48 =	vadd.f32 $4.087189440e-01, v48;
	v43 =	vmul.f32 v43, v27;
	v45 =	vmul.f32 v45, v30  }
0x235: {  	v49 =	vadd.f32 $4.087189440e-01, v49;
	v44 =	vmul.f32 v44, v29;
	v47 =	vmul.f32 v47, v28  }
0x236: {  	v46 =	vmul.f32 v46, v33;
	v43 =	vadd.f32 $-7.057026020e-01, v43;
	v45 =	vadd.f32 $-7.057026020e-01, v45  }
0x237: {  	v49 =	vmul.f32 v49, v31;
	v42 =	vadd.f32 $-7.057026020e-01, v42;
	v47 =	vadd.f32 $-7.057026020e-01, v47  }
0x238: {  	v48 =	vmul.f32 v48, v32;
	v44 =	vadd.f32 $-7.057026020e-01, v44;
	v46 =	vadd.f32 $-7.057026020e-01, v46  }
0x239: {  	v49 =	vadd.f32 $-7.057026020e-01, v49;
	v42 =	vmul.f32 v42, v26;
	v43 =	vmul.f32 v43, v27  }
0x23a: {  	v48 =	vadd.f32 $-7.057026020e-01, v48;
	v44 =	vmul.f32 v44, v29;
	v45 =	vmul.f32 v45, v30  }
0x23b: {  	v47 =	vmul.f32 v47, v28;
	v49 =	vmul.f32 v49, v31;
	v42 =	vadd.f32 $1.441267130e+00, v42  }
0x23c: {  	v48 =	vmul.f32 v48, v32;
	v43 =	vadd.f32 $1.441267130e+00, v43;
	v44 =	vadd.f32 $1.441267130e+00, v44  }
0x23d: {  	v46 =	vmul.f32 v46, v33;
	v45 =	vadd.f32 $1.441267130e+00, v45;
	v49 =	vadd.f32 $1.441267130e+00, v49  }
0x23e: {  	v47 =	vadd.f32 $1.441267130e+00, v47;
	v56 =	vadd.f32 $1.441267130e+00, v48;
	v26 =	vmul.f32 v42, v26  }
0x23f: {  	v57 =	vadd.f32 $1.441267130e+00, v46;
	v27 =	vmul.f32 v43, v27;
	v31 =	vmul.f32 v49, v31  }
0x240: {  	v30 =	vmul.f32 v45, v30;
	v32 =	vmul.f32 v56, v32;
	v26 =	vadd.f32 $3.193085650e-05, v26  }
0x241: {  	v29 =	vmul.f32 v44, v29;
	v58 =	vadd.f32 $3.193085650e-05, v27;
	v27 =	vadd.f32 $3.193085650e-05, v31  }
0x242: {  	v59 =	vmul.f32 v57, v33;
	v30 =	vadd.f32 $3.193085650e-05, v30;
	v31 =	vadd.f32 $3.193085650e-05, v32  }
0x243: {  	v28 =	vmul.f32 v47, v28;
	v60 =	vadd.f32 $3.193085650e-05, v29;
	v27 =	vadd.f32 v41, v27  }
0x244: {  	v32 =	vadd.f32 $3.193085650e-05, v59;
	v29 =	vadd.f32 v38, v31;
	v31 =	vcvt.s32.f32 v39  }
0x245: {  	v28 =	vadd.f32 $3.193085650e-05, v28;
	v61 =	vmul.f32 $6.931471820e-01, v27;
	v27 =	vadd.f32 v37, v26  }
0x246: {  	v26 =	vadd.f32 v34, v58;
	v62 =	vmul.f32 $6.931471820e-01, v29;
	v32 =	vadd.f32 v31, v32  }
0x247: {  	v29 =	vadd.f32 v36, v30;
	v30 =	vadd.f32 v40, v28;
	v63 =	vmul.f32 v61, v25  }
0x248: {  	s22 =	simm.s32 $0x70;
	v28 =	vadd.f32 v35, v60;
	v31 =	vmul.f32 v62, v20;
	v33 =	vmul.f32 $6.931471820e-01, v32  }
0x249: {  	s24 =	simm.s32 $0x0;
	s23 =	simm.s32 $0x70;
	s25 =	simm.s32 $0xC0;
	v25 =	vsel vm0, v25, v23;
	v32 =	vsub.f32 v21, v63;
	v21 =	vsel vm0, v24, v22  }
.LBB2_12:
0x24a: {  	v24 =	vld [tilespmem:s25+$0x30];
	vm0 =	vgt.f32 v20, v25;
	v22 =	vmul.f32 v33, v19;
	v23 =	vmul.f32 $6.931471820e-01, v30  }
0x24b: {  	s21 =	sadd.s32 $0x80, s21;
	v30 =	vld [tilespmem:s25+$0x20];
	v31 =	vsub.f32 v32, v31;
	v20 =	vsel vm0, v20, v25;
	v17 =	vsel vm0, v17, v21  }
0x24c: {  	v25 =	vld [tilespmem:s21+$0x30];
	vm0 =	vgt.f32 v19, v20;
	v21 =	vmul.f32 v23, v18;
	v23 =	vmul.f32 $6.931471820e-01, v28  }
0x24d: {  	v28 =	vld [tilespmem:s25+$0x10];
	v22 =	vsub.f32 v31, v22;
	v19 =	vsel vm0, v19, v20;
	v15 =	vsel vm0, v15, v17  }
0x24e: {  	v17 =	vld [tilespmem:s21+$0x20];
	vm0 =	vgt.f32 v18, v19;
	v20 =	vmul.f32 v23, v16;
	v23 =	vmul.f32 $6.931471820e-01, v29  }
0x24f: {  	v29 =	vld [tilespmem:s25+$0x0];
	v21 =	vsub.f32 v22, v21;
	v18 =	vsel vm0, v18, v19;
	v12 =	vsel vm0, v12, v15  }
0x250: {  	v22 =	vmul.f32 $6.931471820e-01, v27;
	v15 =	vld [tilespmem:s21+$0x10];
	vm0 =	vgt.f32 v16, v18;
	v19 =	vmul.f32 v23, v14  }
0x251: {  	v27 =	vld [tilespmem:s25+$0xFFFFFFF0];
	v20 =	vsub.f32 v21, v20;
	v16 =	vsel vm0, v16, v18;
	v9 =	vsel vm0, v9, v12  }
0x252: {  	v12 =	vmul.f32 v22, v13;
	v21 =	vmul.f32 $6.931471820e-01, v26;
	v18 =	vld [tilespmem:s21+$0x0];
	vm0 =	vgt.f32 v14, v16  }
0x253: {  	s26 =	sadd.s32 $0xFFFFFFF0, s23;
	v26 =	vld [tilespmem:s25+$0xFFFFFFE0];
	v19 =	vsub.f32 v20, v19;
	v14 =	vsel vm0, v14, v16;
	v8 =	vsel vm0, v8, v9  }
0x254: {  	s23 =	sadd.s32 $0x80, s23;
	v9 =	vor.u32 s26, v1;
	v20 =	vmul.f32 v21, v11;
	v16 =	vld [tilespmem:s21+$0xFFFFFFF0];
	vm0 =	vgt.f32 v13, v14  }
0x255: {  	s26 =	sadd.s32 $0xFFFFFFE0, s23;
	v31 =	vld [tilespmem:s21+$0xFFFFFFE0];
	v12 =	vsub.f32 v19, v12;
	v13 =	vsel vm0, v13, v14;
	v9 =	vsel vm0, v9, v8  }
0x256: {  	v8 =	vor.u32 s26, v1;
	v19 =	vor.u32 s22, v1;
	s22 =	smov.u32 s23;
	v14 =	vld [tilespmem:s21+$0xFFFFFFD0];
	vm0 =	vgt.f32 v11, v13  }
0x257: {  	s26 =	sadd.s32 $0xFFFFFFD0, s23;
	v32 =	vld [tilespmem:s21+$0xFFFFFFC0];
	v21 =	vsub.f32 v12, v20;
	v22 =	vsel vm0, v11, v13;
	v23 =	vsel vm0, v19, v9  }
0x258: {  	s28 =	sadd.s32 $0xFFFFFFC0, s23;
	v9 =	vor.u32 s26, v1;
	v13 =	vsub.f32 $1.000000000e+00, v17;
	v19 =	vsub.f32 $1.000000000e+00, v25;
	v11 =	vld [tilespmem:s25+$0xFFFFFFD0]  }
0x259: {  	s26 =	sadd.s32 $0xFFFFFFB0, s23;
	v12 =	vor.u32 s28, v1;
	v18 =	vsub.f32 $1.000000000e+00, v18;
	v25 =	vsub.f32 $1.000000000e+00, v15;
	v20 =	vld [tilespmem:s25+$0xFFFFFFC0]  }
0x25a: {  	v15 =	vor.u32 s26, v1;
	v16 =	vsub.f32 $1.000000000e+00, v16;
	v31 =	vsub.f32 $1.000000000e+00, v31  }
0x25b: {  	v33 =	vsub.f32 $1.000000000e+00, v14;
	v14 =	vmul.f32 v13, v30;
	v30 =	vmul.f32 v19, v24  }
0x25c: {  	s26 =	sadd.s32 $0xFFFFFFA0, s23;
	v29 =	vmul.f32 v18, v29;
	v28 =	vmul.f32 v25, v28;
	v32 =	vsub.f32 $1.000000000e+00, v32  }
0x25d: {  	s28 =	sadd.s32 $0xFFFFFF90, s23;
	v17 =	vor.u32 s26, v1;
	v27 =	vmul.f32 v16, v27;
	v26 =	vmul.f32 v31, v26  }
0x25e: {  	v24 =	vor.u32 s28, v1;
	v34 =	vmul.f32 v33, v11;
	v20 =	vmul.f32 v32, v20  }
0x25f: {  	v25 =	vsel vm12, v25, v28;
	v13 =	vsel vm12, v13, v14;
	v11 =	vsel vm12, v19, v30  }
0x260: {  	v16 =	vsel vm12, v16, v27;
	v19 =	vsel vm12, v18, v29;
	v11 =	vmul.f32 v11, v10  }
0x261: {  	v14 =	vmul.f32 v25, v10;
	v26 =	vsel vm12, v31, v26;
	v13 =	vmul.f32 v13, v10  }
0x262: {  	v18 =	vmul.f32 v16, v10;
	v16 =	vmul.f32 v19, v10;
	v25 =	vsel vm12, v33, v34  }
0x263: {  	v19 =	vmul.f32 v26, v10;
	v27 =	vsel vm12, v32, v20;
	v20 =	vmul.f32 v25, v10  }
0x264: {  	v26 =	vmax.f32 v13, $1.192092900e-07;
	v25 =	vmul.f32 v27, v10;
	v27 =	vmax.f32 v11, $1.192092900e-07  }
0x265: {  	v30 =	vmax.f32 v14, $1.192092900e-07;
	v28 =	vmax.f32 v18, $1.192092900e-07;
	v29 =	vmax.f32 v16, $1.192092900e-07  }
0x266: {  	v33 =	vmax.f32 v19, $1.192092900e-07;
	v32 =	vmax.f32 v20, $1.192092900e-07;
	v31 =	vmax.f32 v25, $1.192092900e-07  }
0x267: {  	v30 =	vmin.f32 v30, $9.999998800e-01;
	v26 =	vmin.f32 v26, $9.999998800e-01;
	v27 =	vmin.f32 v27, $9.999998800e-01  }
0x268: {  	v28 =	vmin.f32 v28, $9.999998800e-01;
	v29 =	vmin.f32 v29, $9.999998800e-01;
	v33 =	vmin.f32 v33, $9.999998800e-01  }
0x269: {  	v32 =	vmin.f32 v32, $9.999998800e-01;
	v34 =	vshra.s32 v27, $0x17;
	v31 =	vmin.f32 v31, $9.999998800e-01  }
0x26a: {  	v36 =	vshra.s32 v30, $0x17;
	v35 =	vshra.s32 v29, $0x17;
	v37 =	vshra.s32 v26, $0x17  }
0x26b: {  	v40 =	vshra.s32 v28, $0x17;
	v39 =	vshra.s32 v33, $0x17;
	v38 =	vshra.s32 v32, $0x17  }
0x26c: {  	v42 =	vand.u32 $0x7FFFFF, v26;
	v43 =	vand.u32 $0x7FFFFF, v27;
	v41 =	vshra.s32 v31, $0x17  }
0x26d: {  	s24 =	sadd.s32 $0x8, s24;
	v30 =	vand.u32 $0x7FFFFF, v30;
	v28 =	vand.u32 $0x7FFFFF, v28;
	v29 =	vand.u32 $0x7FFFFF, v29  }
0x26e: {  	p0 =	slt.u32 s24, $0x78;
	v33 =	vand.u32 $0x7FFFFF, v33;
	v32 =	vand.u32 $0x7FFFFF, v32;
	v31 =	vand.u32 $0x7FFFFF, v31  }
0x26f: {  	v36 =	vadd.s32 $0xFFFFFF81, v36;
	v37 =	vadd.s32 $0xFFFFFF81, v37;
	v34 =	vadd.s32 $0xFFFFFF81, v34  }
0x270: {  	v27 =	vadd.s32 $0xFFFFFF81, v40;
	v35 =	vadd.s32 $0xFFFFFF81, v35;
	v26 =	vadd.s32 $0xFFFFFF81, v39  }
0x271: {  	v40 =	vor.u32 $0x3F800000, v43;
	v38 =	vadd.s32 $0xFFFFFF81, v38;
	v39 =	vadd.s32 $0xFFFFFF81, v41  }
0x272: {  	v42 =	vor.u32 $0x3F800000, v42;
	v43 =	vor.u32 $0x3F800000, v30;
	v41 =	vor.u32 $0x3F800000, v29  }
0x273: {  	v44 =	vor.u32 $0x3F800000, v28;
	v33 =	vor.u32 $0x3F800000, v33;
	v32 =	vor.u32 $0x3F800000, v32  }
0x274: {  	v30 =	vcvt.s32.f32 v37;
	v45 =	vor.u32 $0x3F800000, v31;
	v31 =	vcvt.s32.f32 v34  }
0x275: {  	v28 =	vcvt.s32.f32 v35;
	v29 =	vcvt.s32.f32 v36;
	v34 =	vadd.f32 $-1.000000000e+00, v40  }
0x276: {  	v37 =	vadd.f32 $-1.000000000e+00, v42;
	v35 =	vcvt.s32.f32 v38;
	v36 =	vadd.f32 $-1.000000000e+00, v43  }
0x277: {  	v38 =	vcvt.s32.f32 v39;
	v39 =	vadd.f32 $-1.000000000e+00, v44;
	v40 =	vadd.f32 $-1.000000000e+00, v41  }
0x278: {  	v33 =	vadd.f32 $-1.000000000e+00, v33;
	v41 =	vmul.f32 $4.342836510e-02, v37;
	v42 =	vmul.f32 $4.342836510e-02, v34  }
0x279: {  	v32 =	vadd.f32 $-1.000000000e+00, v32;
	v44 =	vmul.f32 $4.342836510e-02, v36;
	v43 =	vmul.f32 $4.342836510e-02, v40  }
0x27a: {  	v45 =	vadd.f32 $-1.000000000e+00, v45;
	v46 =	vmul.f32 $4.342836510e-02, v33;
	v47 =	vmul.f32 $4.342836510e-02, v39  }
0x27b: {  	v48 =	vmul.f32 $4.342836510e-02, v32;
	v41 =	vadd.f32 $-1.877204920e-01, v41;
	v42 =	vadd.f32 $-1.877204920e-01, v42  }
0x27c: {  	v49 =	vmul.f32 $4.342836510e-02, v45;
	v44 =	vadd.f32 $-1.877204920e-01, v44;
	v43 =	vadd.f32 $-1.877204920e-01, v43  }
0x27d: {  	v46 =	vadd.f32 $-1.877204920e-01, v46;
	v47 =	vadd.f32 $-1.877204920e-01, v47;
	v42 =	vmul.f32 v42, v34  }
0x27e: {  	v48 =	vadd.f32 $-1.877204920e-01, v48;
	v41 =	vmul.f32 v41, v37;
	v44 =	vmul.f32 v44, v36  }
0x27f: {  	v49 =	vadd.f32 $-1.877204920e-01, v49;
	v47 =	vmul.f32 v47, v39;
	v43 =	vmul.f32 v43, v40  }
0x280: {  	v46 =	vmul.f32 v46, v33;
	v41 =	vadd.f32 $4.087189440e-01, v41;
	v42 =	vadd.f32 $4.087189440e-01, v42  }
0x281: {  	v48 =	vmul.f32 v48, v32;
	v44 =	vadd.f32 $4.087189440e-01, v44;
	v43 =	vadd.f32 $4.087189440e-01, v43  }
0x282: {  	v49 =	vmul.f32 v49, v45;
	v46 =	vadd.f32 $4.087189440e-01, v46;
	v47 =	vadd.f32 $4.087189440e-01, v47  }
0x283: {  	v48 =	vadd.f32 $4.087189440e-01, v48;
	v41 =	vmul.f32 v41, v37;
	v42 =	vmul.f32 v42, v34  }
0x284: {  	v49 =	vadd.f32 $4.087189440e-01, v49;
	v44 =	vmul.f32 v44, v36;
	v43 =	vmul.f32 v43, v40  }
0x285: {  	v46 =	vmul.f32 v46, v33;
	v47 =	vmul.f32 v47, v39;
	v42 =	vadd.f32 $-7.057026020e-01, v42  }
0x286: {  	v48 =	vmul.f32 v48, v32;
	v41 =	vadd.f32 $-7.057026020e-01, v41;
	v44 =	vadd.f32 $-7.057026020e-01, v44  }
0x287: {  	v49 =	vmul.f32 v49, v45;
	v47 =	vadd.f32 $-7.057026020e-01, v47;
	v43 =	vadd.f32 $-7.057026020e-01, v43  }
0x288: {  	v46 =	vadd.f32 $-7.057026020e-01, v46;
	v41 =	vmul.f32 v41, v37;
	v42 =	vmul.f32 v42, v34  }
0x289: {  	v49 =	vadd.f32 $-7.057026020e-01, v49;
	v44 =	vmul.f32 v44, v36;
	v43 =	vmul.f32 v43, v40  }
0x28a: {  	v48 =	vadd.f32 $-7.057026020e-01, v48;
	v46 =	vmul.f32 v46, v33;
	v47 =	vmul.f32 v47, v39  }
0x28b: {  	v49 =	vmul.f32 v49, v45;
	v41 =	vadd.f32 $1.441267130e+00, v41;
	v42 =	vadd.f32 $1.441267130e+00, v42  }
0x28c: {  	v48 =	vmul.f32 v48, v32;
	v44 =	vadd.f32 $1.441267130e+00, v44;
	v43 =	vadd.f32 $1.441267130e+00, v43  }
0x28d: {  	v49 =	vadd.f32 $1.441267130e+00, v49;
	v47 =	vadd.f32 $1.441267130e+00, v47;
	v34 =	vmul.f32 v42, v34  }
0x28e: {  	v37 =	vmul.f32 v41, v37;
	v42 =	vadd.f32 $1.441267130e+00, v48;
	v36 =	vmul.f32 v44, v36  }
0x28f: {  	v44 =	vadd.f32 $1.441267130e+00, v46;
	v41 =	vmul.f32 v49, v45;
	v40 =	vmul.f32 v43, v40  }
0x290: {  	v37 =	vadd.f32 $3.193085650e-05, v37;
	v32 =	vmul.f32 v42, v32;
	v34 =	vadd.f32 $3.193085650e-05, v34  }
0x291: {  	v39 =	vmul.f32 v47, v39;
	v36 =	vadd.f32 $3.193085650e-05, v36;
	v41 =	vadd.f32 $3.193085650e-05, v41  }
0x292: {  	v33 =	vmul.f32 v44, v33;
	v40 =	vadd.f32 $3.193085650e-05, v40;
	v32 =	vadd.f32 $3.193085650e-05, v32  }
0x293: {  	v39 =	vadd.f32 $3.193085650e-05, v39;
	v38 =	vadd.f32 v38, v41;
	v41 =	vcvt.s32.f32 v27  }
0x294: {  	v33 =	vadd.f32 $3.193085650e-05, v33;
	v32 =	vadd.f32 v35, v32;
	v35 =	vcvt.s32.f32 v26  }
.Ltmp5:
0x295: {  	v27 =	vadd.f32 v30, v37;
	v26 =	vadd.f32 v31, v34;
	v38 =	vmul.f32 $6.931471820e-01, v38;
	(pc) =	sbr.rel @p0 .LBB2_12-.Ltmp5, $4  }
0x296: {  	v29 =	vadd.f32 v29, v36;
	v31 =	vmul.f32 $6.931471820e-01, v32;
	v32 =	vadd.f32 v35, v33  }
0x297: {  	v28 =	vadd.f32 v28, v40;
	v30 =	vadd.f32 v41, v39;
	v34 =	vmul.f32 v38, v25  }
0x298: {  	vm0 =	vgt.f32 v25, v22;
	v31 =	vmul.f32 v31, v20;
	v33 =	vmul.f32 $6.931471820e-01, v32  }
0x299: {  	s25 =	sadd.s32 $0x80, s25;
	v25 =	vsel vm0, v25, v22;
	v32 =	vsub.f32 v21, v34;
	v21 =	vsel vm0, v24, v23  }
0x29a: {  	[tilespmem:s1], [sflag:$0x1] =	stream.strided.gather [hbm4b:s9+s13], $0x800, s14, s13, $0x38;
	[tilespmem:$0x1080] =	vst v63  }
0x29b: {  	_ = 	snop  }
0x29c: {  	[tilespmem:s15], [sflag:$0x2] =	stream.strided.gather [hbm4b:s10+s13], $0x800, s14, s13, $0x38;
	[tilespmem:$0x1080] =	vst v63  }
0x29d: {  	_ =	swait.ge [sflag:s16], $0x800  }
0x29e: {  	vm0 =	vgt.f32 v20, v25;
	[sflag:s16] =	ssyncset.done $0x0  }
0x29f: {  	v10 =	vmul.f32 $6.931471820e-01, v30;
	v22 =	vmul.f32 v33, v19;
	v23 =	vsub.f32 v32, v31;
	[sflag:s16] =	ssyncadd.s32 $0xFFFFF800  }
0x2a0: {  	v20 =	vsel vm0, v20, v25;
	v17 =	vsel vm0, v17, v21;
	v21 =	vmul.f32 $6.931471820e-01, v28;
	_ =	swait.ge [sflag:s17], $0x800  }
0x2a1: {  	vm0 =	vgt.f32 v19, v20;
	v10 =	vmul.f32 v10, v18;
	v22 =	vsub.f32 v23, v22;
	[sflag:s17] =	ssyncset.done $0x0  }
0x2a2: {  	s24 =	simm.s32 $0x840;
	v19 =	vsel vm0, v19, v20;
	v15 =	vsel vm0, v15, v17;
	v17 =	vmul.f32 v21, v16;
	[sflag:s17] =	ssyncadd.s32 $0xFFFFF800  }
0x2a3: {  	s21 =	sadd.s32 $0xFFFFFFF0, s23;
	v20 =	vmul.f32 $6.931471820e-01, v29;
	vm0 =	vgt.f32 v18, v19;
	v10 =	vsub.f32 v22, v10;
	v21 =	vld [tilespmem:s24+$0xFFFFFFC0]  }
0x2a4: {  	v18 =	vsel vm0, v18, v19;
	v12 =	vsel vm0, v12, v15;
	v15 =	vor.u32 s21, v1;
	s21 =	simm.s32 $0x40;
	v19 =	vld [tilespmem:s24+$0xFFFFFFD0]  }
0x2a5: {  	v20 =	vmul.f32 v20, v14;
	v22 =	vmul.f32 $6.931471820e-01, v27;
	vm0 =	vgt.f32 v16, v18;
	v23 =	vld [tilespmem:s21+$0xFFFFFFC0]  }
0x2a6: {  	v10 =	vsub.f32 v10, v17;
	v16 =	vsel vm0, v16, v18;
	v9 =	vsel vm0, v9, v12;
	v12 =	vld [tilespmem:s24+$0xFFFFFFE0]  }
0x2a7: {  	v17 =	vmul.f32 v22, v13;
	v18 =	vmul.f32 $6.931471820e-01, v26;
	vm0 =	vgt.f32 v14, v16;
	v22 =	vld [tilespmem:s21+$0xFFFFFFD0]  }
0x2a8: {  	v10 =	vsub.f32 v10, v20;
	v14 =	vsel vm0, v14, v16;
	v20 =	vld [tilespmem:s24+$0xFFFFFFF0]  }
0x2a9: {  	v8 =	vsel vm0, v8, v9;
	v9 =	vmul.f32 v18, v11;
	v18 =	vld [tilespmem:s21+$0xFFFFFFE0];
	v16 =	vsub.f32 $1.000000000e+00, v21  }
0x2aa: {  	vm0 =	vgt.f32 v13, v14;
	v10 =	vsub.f32 v10, v17;
	v17 =	vsub.f32 $1.000000000e+00, v19  }
0x2ab: {  	v13 =	vsel vm0, v13, v14;
	v21 =	vld [tilespmem:s24+$0x0];
	v61 =	vsub.f32 $1.000000000e+00, v12;
	v19 =	vmul.f32 v16, v23  }
0x2ac: {  	v24 =	vld [tilespmem:s21+$0xFFFFFFF0];
	v23 =	vsel vm0, v15, v8;
	v8 =	vimm.f32 $0.0e+00;
	v15 =	vmul.f32 v17, v22  }
0x2ad: {  	v22 =	vld [tilespmem:s24+$0x10];
	vm0 =	vgt.f32 v11, v13;
	v62 =	vadd.f32 v16, v8;
	v12 =	vadd.f32 v19, v8  }
0x2ae: {  	v14 =	vld [tilespmem:s21+$0x0];
	v18 =	vmul.f32 v61, v18;
	v8 =	vsel vm0, v11, v13;
	v11 =	vsub.f32 $1.000000000e+00, v20  }
0x2af: {  	v16 =	vld [tilespmem:s24+$0x20];
	v19 =	vor.u32 s22, v1;
	v13 =	vadd.f32 v17, v62;
	v63 =	vadd.f32 v15, v12  }
0x2b0: {  	v10 =	vsub.f32 v10, v9;
	v9 =	vsel vm0, v19, v23;
	v15 =	vld [tilespmem:s21+$0x10];
	v12 =	vsub.f32 $1.000000000e+00, v21  }
0x2b1: {  	v17 =	vld [tilespmem:s24+$0x30];
	v21 =	vmul.f32 v11, v24;
	v19 =	vadd.f32 v61, v13;
	v20 =	vadd.f32 v18, v63  }
0x2b2: {  	s23 =	simm.s32 $0x8C0;
	s22 =	simm.s32 $0x0;
	v13 =	vsub.f32 $1.000000000e+00, v22;
	v18 =	vld [tilespmem:s21+$0x20]  }
.LBB2_14:
0x2b3: {  	v22 =	vld [tilespmem:s23+$0xFFFFFFC0];
	v20 =	vadd.f32 v21, v20;
	v11 =	vadd.f32 v11, v19;
	v14 =	vmul.f32 v12, v14  }
0x2b4: {  	s22 =	sadd.s32 $0x8, s22;
	v16 =	vsub.f32 $1.000000000e+00, v16;
	v19 =	vld [tilespmem:s21+$0x30]  }
0x2b5: {  	p0 =	slt.u32 s22, $0x78;
	s21 =	sadd.s32 $0x80, s21;
	v21 =	vld [tilespmem:s23+$0xFFFFFFD0];
	v14 =	vadd.f32 v14, v20;
	v11 =	vadd.f32 v12, v11;
	v12 =	vmul.f32 v13, v15  }
0x2b6: {  	v15 =	vld [tilespmem:s21+$0xFFFFFFC0];
	v17 =	vsub.f32 $1.000000000e+00, v17  }
0x2b7: {  	v20 =	vld [tilespmem:s23+$0xFFFFFFE0];
	v12 =	vadd.f32 v12, v14;
	v11 =	vadd.f32 v13, v11;
	v13 =	vmul.f32 v16, v18  }
0x2b8: {  	v14 =	vsub.f32 $1.000000000e+00, v22;
	v18 =	vld [tilespmem:s21+$0xFFFFFFD0]  }
0x2b9: {  	v22 =	vld [tilespmem:s23+$0xFFFFFFF0];
	v12 =	vadd.f32 v13, v12;
	v11 =	vadd.f32 v16, v11;
	v13 =	vmul.f32 v17, v19  }
0x2ba: {  	v16 =	vsub.f32 $1.000000000e+00, v21;
	v19 =	vld [tilespmem:s21+$0xFFFFFFE0]  }
0x2bb: {  	v15 =	vmul.f32 v14, v15;
	v21 =	vld [tilespmem:s23+$0x0];
	v12 =	vadd.f32 v13, v12;
	v11 =	vadd.f32 v17, v11  }
0x2bc: {  	v13 =	vsub.f32 $1.000000000e+00, v20;
	v17 =	vld [tilespmem:s21+$0xFFFFFFF0]  }
0x2bd: {  	v12 =	vadd.f32 v15, v12;
	v15 =	vadd.f32 v14, v11;
	v18 =	vmul.f32 v16, v18;
	v23 =	vld [tilespmem:s23+$0x10]  }
.Ltmp6:
0x2be: {  	v11 =	vsub.f32 $1.000000000e+00, v22;
	v14 =	vld [tilespmem:s21+$0x0];
	(pc) =	sbr.rel @p0 .LBB2_14-.Ltmp6, $4  }
0x2bf: {  	v18 =	vadd.f32 v18, v12;
	v22 =	vadd.f32 v16, v15;
	v19 =	vmul.f32 v13, v19;
	v16 =	vld [tilespmem:s23+$0x20]  }
0x2c0: {  	v12 =	vsub.f32 $1.000000000e+00, v21;
	v15 =	vld [tilespmem:s21+$0x10]  }
0x2c1: {  	v20 =	vadd.f32 v19, v18;
	v19 =	vadd.f32 v13, v22;
	v21 =	vmul.f32 v11, v17;
	v17 =	vld [tilespmem:s23+$0x30]  }
0x2c2: {  	s23 =	sadd.s32 $0x80, s23;
	v13 =	vsub.f32 $1.000000000e+00, v23;
	v18 =	vld [tilespmem:s21+$0x20]  }
0x2c3: {  	v20 =	vadd.f32 v21, v20;
	v14 =	vmul.f32 v12, v14  }
0x2c4: {  	v21 =	vld [tilespmem:s21+$0x30]  }
0x2c5: {  	v16 =	vsub.f32 $1.000000000e+00, v16;
	v14 =	vadd.f32 v14, v20;
	v15 =	vmul.f32 v13, v15  }
0x2c6: {  	v11 =	vadd.f32 v11, v19  }
0x2c7: {  	v17 =	vsub.f32 $1.000000000e+00, v17;
	v14 =	vadd.f32 v15, v14;
	v15 =	vmul.f32 v16, v18;
	_ =	sdelay $0x1  }
0x2c8: {  	v11 =	vadd.f32 v12, v11;
	v14 =	vadd.f32 v15, v14;
	v15 =	vmul.f32 v17, v21;
	_ =	sdelay $0x1  }
0x2c9: {  	v11 =	vadd.f32 v13, v11;
	v14 =	vadd.f32 v15, v14;
	_ =	sdelay $0x1  }
0x2ca: {  	v11 =	vadd.f32 v16, v11;
	(xrf2) =	vadd.scan.msk.f32 $0xffff, v14;
	_ =	sdelay $0x1  }
0x2cb: {  	v11 =	vadd.f32 v17, v11;
	_ =	sdelay $0x1  }
0x2cc: {  	(xrf2) =	vadd.scan.msk.f32 $0xffff, v11;
	_ =	sdelay $0x5  }
0x2cd: {  	v11, _, _ =	vpop (xrf2)  }
0x2ce: {  	(v2sf) =	vpush v11, $0xF;
	_ =	sdelay $0x2  }
0x2cf: {  	v11, _, _ =	vpop (xrf2)  }
0x2d0: {  	(v2sf) =	vpush v11, $0xF;
	_ =	sdelay $0x3  }
0x2d1: {  	s21 =	simm.s32 $0x840  }
0x2d2: {  	s22 =	simm.s32 $0x40;
	v19 =	vld [tilespmem:s21+$0x10]  }
0x2d3: {  	v22 =	vld [tilespmem:s22+$0xFFFFFFE0]  }
0x2d4: {  	v23 =	vld [tilespmem:s21+$0xFFFFFFF0]  }
0x2d5: {  	v27 =	vld [tilespmem:s21+$0xFFFFFFE0]  }
0x2d6: {  	v28 =	vld [tilespmem:s21+$0xFFFFFFD0]  }
0x2d7: {  	v29 =	vld [tilespmem:s21+$0xFFFFFFC0]  }
0x2d8: {  	v30 =	vld [tilespmem:s22+$0xFFFFFFD0];
	s23 =	spop (v2sf)  }
0x2d9: {  	v33 =	vld [tilespmem:s22+$0xFFFFFFC0];
	p0 =	slt.f32 s23, $9.999999740e-05  }
0x2da: {  	s24 =	simm.f32 $1.000000000e+00;
	v20 =	vld [tilespmem:s22+$0xFFFFFFF0]  }
0x2db: {  	v13 =	vld [tilespmem:s21+$0x30];
	s24 =	simm.s32 @!p0 $0x0  }
0x2dc: {  	v18 =	vld [tilespmem:s22+$0x0];
	v11 =	vmov s24;
	s24 =	spop (v2sf)  }
0x2dd: {  	v24 =	vimm.f32 $0.0e+00;
	v26 =	vimm.f32 $-1.000000000e+00;
	v21 =	vld [tilespmem:s21+$0x0];
	s23 =	smov.u32 @p0 s24  }
0x2de: {  	v25 =	vimm.s32 $0x0;
	v34 =	vsub.f32 $1.000000000e+00, v27;
	v15 =	vld [tilespmem:s22+$0x30];
	v12 =	vmov s23  }
0x2df: {  	v23 =	vsub.f32 $1.000000000e+00, v23;
	v29 =	vsub.f32 $1.000000000e+00, v29;
	v14 =	vld [tilespmem:s21+$0x20];
	(erf) = vrcp.f32 v12  }
0x2e0: {  	s31 =	simm.s32 $0x0;
	v19 =	vsub.f32 $1.000000000e+00, v19;
	v28 =	vsub.f32 $1.000000000e+00, v28;
	v17 =	vld [tilespmem:s22+$0x10];
	v36 =	vmul.f32 v34, v22  }
0x2e1: {  	v16 =	vld [tilespmem:s22+$0x20];
	v27 =	vor.u32 s31, v1;
	v20 =	vmul.f32 v23, v20;
	v33 =	vmul.f32 v29, v33  }
0x2e2: {  	s28 =	simm.s32 $0x30;
	v30 =	vmul.f32 v28, v30;
	v32 =	vsub.f32 $1.000000000e+00, v13;
	vm0 =	vgt.f32 v11, $5.000000000e-01  }
0x2e3: {  	v13 =	vor.u32 s28, v1;
	v21 =	vsub.f32 $1.000000000e+00, v21;
	v11 =	vsel vm0, $0x1, v0  }
0x2e4: {  	s30 =	simm.s32 $0x10;
	v15 =	vmul.f32 v32, v15;
	v31 =	vsub.f32 $1.000000000e+00, v14;
	v11 =	vbroadcast v11, $0x0  }
0x2e5: {  	s29 =	simm.s32 $0x20;
	v18 =	vmul.f32 v21, v18;
	v35 =	vmul.f32 v19, v17;
	v17 =	vor.u32 s30, v1  }
0x2e6: {  	s25 =	simm.s32 $0x50;
	s26 =	simm.s32 $0x40;
	v14 =	vor.u32 s29, v1;
	v16 =	vmul.f32 v31, v16;
	v11 =	vand.u32 $0x1, v11  }
0x2e7: {  	v12 =	vor.u32 s26, v1;
	vm12 =	veq.s32 v11, $0x1;
	v11 =	vor.u32 s25, v1  }
0x2e8: {  	v19 =	vsel vm12, v19, v35;
	v16 =	vsel vm12, v31, v16;
	v15 =	vsel vm12, v32, v15;
	v22 =	vpop (erf)  }
0x2e9: {  	v20 =	vsel vm12, v23, v20;
	v21 =	vsel vm12, v21, v18;
	v15 =	vmul.f32 v15, v22  }
0x2ea: {  	v31 =	vsel vm12, v34, v36;
	v18 =	vmul.f32 v19, v22;
	v16 =	vmul.f32 v16, v22  }
0x2eb: {  	v23 =	vsel vm12, v28, v30;
	v20 =	vmul.f32 v20, v22;
	v19 =	vmul.f32 v21, v22  }
0x2ec: {  	v28 =	vsel vm12, v29, v33;
	v23 =	vmul.f32 v23, v22;
	v21 =	vmul.f32 v31, v22  }
0x2ed: {  	v30 =	vmul.f32 v28, v22;
	v28 =	vmax.f32 v16, $1.192092900e-07;
	v29 =	vmax.f32 v15, $1.192092900e-07  }
0x2ee: {  	v31 =	vmax.f32 v20, $1.192092900e-07;
	v48 =	vmax.f32 v19, $1.192092900e-07;
	v49 =	vmax.f32 v18, $1.192092900e-07  }
0x2ef: {  	v50 =	vmax.f32 v30, $1.192092900e-07;
	v51 =	vmax.f32 v23, $1.192092900e-07;
	v52 =	vmax.f32 v21, $1.192092900e-07  }
0x2f0: {  	vm0 =	vgt.f32 v30, v26;
	v33 =	vmin.f32 v49, $9.999998800e-01;
	v28 =	vmin.f32 v28, $9.999998800e-01  }
0x2f1: {  	v29 =	vmin.f32 v29, $9.999998800e-01;
	v36 =	vmin.f32 v52, $9.999998800e-01;
	v31 =	vmin.f32 v31, $9.999998800e-01  }
0x2f2: {  	v32 =	vmin.f32 v48, $9.999998800e-01;
	v34 =	vmin.f32 v50, $9.999998800e-01;
	v35 =	vmin.f32 v51, $9.999998800e-01  }
0x2f3: {  	v37 =	vshra.s32 v29, $0x17;
	v38 =	vshra.s32 v32, $0x17;
	v39 =	vshra.s32 v33, $0x17  }
0x2f4: {  	v40 =	vshra.s32 v28, $0x17;
	v41 =	vshra.s32 v35, $0x17;
	v42 =	vshra.s32 v36, $0x17  }
0x2f5: {  	v43 =	vshra.s32 v31, $0x17;
	v44 =	vshra.s32 v34, $0x17;
	v28 =	vand.u32 $0x7FFFFF, v28  }
0x2f6: {  	v29 =	vand.u32 $0x7FFFFF, v29;
	v31 =	vand.u32 $0x7FFFFF, v31;
	v32 =	vand.u32 $0x7FFFFF, v32  }
0x2f7: {  	v33 =	vand.u32 $0x7FFFFF, v33;
	v34 =	vand.u32 $0x7FFFFF, v34;
	v35 =	vand.u32 $0x7FFFFF, v35  }
0x2f8: {  	v36 =	vand.u32 $0x7FFFFF, v36;
	v39 =	vadd.s32 $0xFFFFFF81, v39;
	v40 =	vadd.s32 $0xFFFFFF81, v40  }
0x2f9: {  	v37 =	vadd.s32 $0xFFFFFF81, v37;
	v42 =	vadd.s32 $0xFFFFFF81, v42;
	v43 =	vadd.s32 $0xFFFFFF81, v43  }
0x2fa: {  	v38 =	vadd.s32 $0xFFFFFF81, v38;
	v44 =	vadd.s32 $0xFFFFFF81, v44;
	v41 =	vadd.s32 $0xFFFFFF81, v41  }
0x2fb: {  	v29 =	vor.u32 $0x3F800000, v29;
	v32 =	vor.u32 $0x3F800000, v32;
	v33 =	vor.u32 $0x3F800000, v33  }
0x2fc: {  	v28 =	vor.u32 $0x3F800000, v28;
	v35 =	vor.u32 $0x3F800000, v35;
	v36 =	vor.u32 $0x3F800000, v36  }
0x2fd: {  	v31 =	vor.u32 $0x3F800000, v31;
	v40 =	vcvt.s32.f32 v40;
	v37 =	vcvt.s32.f32 v37  }
0x2fe: {  	v34 =	vor.u32 $0x3F800000, v34;
	v38 =	vcvt.s32.f32 v38;
	v39 =	vcvt.s32.f32 v39  }
0x2ff: {  	v29 =	vadd.f32 $-1.000000000e+00, v29;
	v41 =	vcvt.s32.f32 v41;
	v33 =	vadd.f32 $-1.000000000e+00, v33  }
0x300: {  	v28 =	vadd.f32 $-1.000000000e+00, v28;
	v44 =	vcvt.s32.f32 v44;
	v31 =	vadd.f32 $-1.000000000e+00, v31  }
0x301: {  	v32 =	vadd.f32 $-1.000000000e+00, v32;
	v36 =	vadd.f32 $-1.000000000e+00, v36;
	v60 =	vcvt.s32.f32 v42  }
0x302: {  	v35 =	vadd.f32 $-1.000000000e+00, v35;
	v45 =	vmul.f32 $4.342836510e-02, v28;
	v46 =	vmul.f32 $4.342836510e-02, v29  }
0x303: {  	v34 =	vadd.f32 $-1.000000000e+00, v34;
	v47 =	vmul.f32 $4.342836510e-02, v32;
	v48 =	vmul.f32 $4.342836510e-02, v33  }
0x304: {  	v49 =	vmul.f32 $4.342836510e-02, v36;
	v50 =	vmul.f32 $4.342836510e-02, v31;
	v45 =	vadd.f32 $-1.877204920e-01, v45  }
0x305: {  	v51 =	vmul.f32 $4.342836510e-02, v35;
	v46 =	vadd.f32 $-1.877204920e-01, v46;
	v48 =	vadd.f32 $-1.877204920e-01, v48  }
0x306: {  	v52 =	vmul.f32 $4.342836510e-02, v34;
	v47 =	vadd.f32 $-1.877204920e-01, v47;
	v50 =	vadd.f32 $-1.877204920e-01, v50  }
0x307: {  	v49 =	vadd.f32 $-1.877204920e-01, v49;
	v46 =	vmul.f32 v46, v29;
	v48 =	vmul.f32 v48, v33  }
0x308: {  	v51 =	vadd.f32 $-1.877204920e-01, v51;
	v45 =	vmul.f32 v45, v28;
	v50 =	vmul.f32 v50, v31  }
0x309: {  	v52 =	vadd.f32 $-1.877204920e-01, v52;
	v47 =	vmul.f32 v47, v32;
	v49 =	vmul.f32 v49, v36  }
0x30a: {  	v51 =	vmul.f32 v51, v35;
	v45 =	vadd.f32 $4.087189440e-01, v45;
	v46 =	vadd.f32 $4.087189440e-01, v46  }
0x30b: {  	v52 =	vmul.f32 v52, v34;
	v47 =	vadd.f32 $4.087189440e-01, v47;
	v48 =	vadd.f32 $4.087189440e-01, v48  }
0x30c: {  	v49 =	vadd.f32 $4.087189440e-01, v49;
	v50 =	vadd.f32 $4.087189440e-01, v50;
	v45 =	vmul.f32 v45, v28  }
0x30d: {  	v51 =	vadd.f32 $4.087189440e-01, v51;
	v46 =	vmul.f32 v46, v29;
	v48 =	vmul.f32 v48, v33  }
0x30e: {  	v52 =	vadd.f32 $4.087189440e-01, v52;
	v47 =	vmul.f32 v47, v32;
	v50 =	vmul.f32 v50, v31  }
0x30f: {  	v49 =	vmul.f32 v49, v36;
	v46 =	vadd.f32 $-7.057026020e-01, v46;
	v48 =	vadd.f32 $-7.057026020e-01, v48  }
0x310: {  	v52 =	vmul.f32 v52, v34;
	v45 =	vadd.f32 $-7.057026020e-01, v45;
	v50 =	vadd.f32 $-7.057026020e-01, v50  }
0x311: {  	v51 =	vmul.f32 v51, v35;
	v47 =	vadd.f32 $-7.057026020e-01, v47;
	v49 =	vadd.f32 $-7.057026020e-01, v49  }
0x312: {  	v52 =	vadd.f32 $-7.057026020e-01, v52;
	v45 =	vmul.f32 v45, v28;
	v46 =	vmul.f32 v46, v29  }
0x313: {  	v51 =	vadd.f32 $-7.057026020e-01, v51;
	v47 =	vmul.f32 v47, v32;
	v48 =	vmul.f32 v48, v33  }
0x314: {  	v50 =	vmul.f32 v50, v31;
	v52 =	vmul.f32 v52, v34;
	v45 =	vadd.f32 $1.441267130e+00, v45  }
0x315: {  	v51 =	vmul.f32 v51, v35;
	v46 =	vadd.f32 $1.441267130e+00, v46;
	v47 =	vadd.f32 $1.441267130e+00, v47  }
0x316: {  	v49 =	vmul.f32 v49, v36;
	v48 =	vadd.f32 $1.441267130e+00, v48;
	v52 =	vadd.f32 $1.441267130e+00, v52  }
0x317: {  	v50 =	vadd.f32 $1.441267130e+00, v50;
	v53 =	vadd.f32 $1.441267130e+00, v51;
	v28 =	vmul.f32 v45, v28  }
0x318: {  	v54 =	vadd.f32 $1.441267130e+00, v49;
	v29 =	vmul.f32 v46, v29;
	v34 =	vmul.f32 v52, v34  }
0x319: {  	v32 =	vmul.f32 v47, v32;
	v35 =	vmul.f32 v53, v35;
	v28 =	vadd.f32 $3.193085650e-05, v28  }
0x31a: {  	v57 =	vmul.f32 v54, v36;
	v55 =	vadd.f32 $3.193085650e-05, v29;
	v29 =	vadd.f32 $3.193085650e-05, v34  }
0x31b: {  	v31 =	vmul.f32 v50, v31;
	v56 =	vadd.f32 $3.193085650e-05, v35;
	v32 =	vadd.f32 $3.193085650e-05, v32  }
0x31c: {  	v33 =	vmul.f32 v48, v33;
	v35 =	vadd.f32 $3.193085650e-05, v57;
	v29 =	vadd.f32 v44, v29  }
0x31d: {  	v58 =	vcvt.s32.f32 v43;
	v59 =	vadd.f32 $3.193085650e-05, v31;
	v31 =	vadd.f32 v41, v56  }
0x31e: {  	v33 =	vadd.f32 $3.193085650e-05, v33;
	v35 =	vadd.f32 v60, v35;
	v61 =	vmul.f32 $6.931471820e-01, v29  }
0x31f: {  	v32 =	vadd.f32 v38, v32;
	v29 =	vadd.f32 v40, v28;
	v62 =	vmul.f32 $6.931471820e-01, v31  }
0x320: {  	v28 =	vadd.f32 v37, v55;
	v31 =	vadd.f32 v39, v33;
	v63 =	vmul.f32 v61, v30  }
0x321: {  	s22 =	simm.s32 $0x70;
	v33 =	vadd.f32 v58, v59;
	v36 =	vmul.f32 $6.931471820e-01, v35;
	v34 =	vmul.f32 v62, v23  }
0x322: {  	s24 =	simm.s32 $0x0;
	s23 =	simm.s32 $0x70;
	s25 =	simm.s32 $0xC0;
	v30 =	vsel vm0, v30, v26;
	v35 =	vsub.f32 v24, v63;
	v24 =	vsel vm0, v27, v25  }
.LBB2_16:
0x323: {  	v27 =	vld [tilespmem:s25+$0x30];
	vm0 =	vgt.f32 v23, v30;
	v25 =	vmul.f32 v36, v21;
	v26 =	vmul.f32 $6.931471820e-01, v33  }
0x324: {  	s21 =	sadd.s32 $0x80, s21;
	v33 =	vld [tilespmem:s25+$0x20];
	v34 =	vsub.f32 v35, v34;
	v23 =	vsel vm0, v23, v30;
	v17 =	vsel vm0, v17, v24  }
0x325: {  	v30 =	vld [tilespmem:s21+$0x30];
	vm0 =	vgt.f32 v21, v23;
	v24 =	vmul.f32 v26, v20;
	v26 =	vmul.f32 $6.931471820e-01, v32  }
0x326: {  	v32 =	vld [tilespmem:s25+$0x10];
	v25 =	vsub.f32 v34, v25;
	v21 =	vsel vm0, v21, v23;
	v14 =	vsel vm0, v14, v17  }
0x327: {  	v17 =	vld [tilespmem:s21+$0x20];
	vm0 =	vgt.f32 v20, v21;
	v23 =	vmul.f32 v26, v19;
	v26 =	vmul.f32 $6.931471820e-01, v31  }
0x328: {  	v31 =	vld [tilespmem:s25+$0x0];
	v24 =	vsub.f32 v25, v24;
	v20 =	vsel vm0, v20, v21;
	v13 =	vsel vm0, v13, v14  }
0x329: {  	v25 =	vmul.f32 $6.931471820e-01, v29;
	v14 =	vld [tilespmem:s21+$0x10];
	vm0 =	vgt.f32 v19, v20;
	v21 =	vmul.f32 v26, v18  }
0x32a: {  	v29 =	vld [tilespmem:s25+$0xFFFFFFF0];
	v23 =	vsub.f32 v24, v23;
	v19 =	vsel vm0, v19, v20;
	v12 =	vsel vm0, v12, v13  }
0x32b: {  	v13 =	vmul.f32 v25, v16;
	v24 =	vmul.f32 $6.931471820e-01, v28;
	v20 =	vld [tilespmem:s21+$0x0];
	vm0 =	vgt.f32 v18, v19  }
0x32c: {  	s26 =	sadd.s32 $0xFFFFFFF0, s22;
	v28 =	vld [tilespmem:s25+$0xFFFFFFE0];
	v21 =	vsub.f32 v23, v21;
	v18 =	vsel vm0, v18, v19;
	v11 =	vsel vm0, v11, v12  }
0x32d: {  	s22 =	sadd.s32 $0x80, s22;
	v12 =	vor.u32 s26, v1;
	v23 =	vmul.f32 v24, v15;
	v19 =	vld [tilespmem:s21+$0xFFFFFFF0];
	vm0 =	vgt.f32 v16, v18  }
0x32e: {  	s26 =	sadd.s32 $0xFFFFFFE0, s22;
	v34 =	vld [tilespmem:s21+$0xFFFFFFE0];
	v13 =	vsub.f32 v21, v13;
	v16 =	vsel vm0, v16, v18;
	v12 =	vsel vm0, v12, v11  }
0x32f: {  	v11 =	vor.u32 s26, v1;
	v21 =	vor.u32 s23, v1;
	s23 =	smov.u32 s22;
	v18 =	vld [tilespmem:s21+$0xFFFFFFD0];
	vm0 =	vgt.f32 v15, v16  }
0x330: {  	s26 =	sadd.s32 $0xFFFFFFD0, s22;
	v35 =	vld [tilespmem:s21+$0xFFFFFFC0];
	v24 =	vsub.f32 v13, v23;
	v25 =	vsel vm0, v15, v16;
	v26 =	vsel vm0, v21, v12  }
0x331: {  	s28 =	sadd.s32 $0xFFFFFFC0, s22;
	v12 =	vor.u32 s26, v1;
	v16 =	vsub.f32 $1.000000000e+00, v17;
	v21 =	vsub.f32 $1.000000000e+00, v30;
	v15 =	vld [tilespmem:s25+$0xFFFFFFD0]  }
0x332: {  	s26 =	sadd.s32 $0xFFFFFFB0, s22;
	v13 =	vor.u32 s28, v1;
	v20 =	vsub.f32 $1.000000000e+00, v20;
	v30 =	vsub.f32 $1.000000000e+00, v14;
	v23 =	vld [tilespmem:s25+$0xFFFFFFC0]  }
0x333: {  	v14 =	vor.u32 s26, v1;
	v19 =	vsub.f32 $1.000000000e+00, v19;
	v34 =	vsub.f32 $1.000000000e+00, v34  }
0x334: {  	v36 =	vsub.f32 $1.000000000e+00, v18;
	v18 =	vmul.f32 v16, v33;
	v33 =	vmul.f32 v21, v27  }
0x335: {  	s26 =	sadd.s32 $0xFFFFFFA0, s22;
	v31 =	vmul.f32 v20, v31;
	v32 =	vmul.f32 v30, v32;
	v35 =	vsub.f32 $1.000000000e+00, v35  }
0x336: {  	s28 =	sadd.s32 $0xFFFFFF90, s22;
	v17 =	vor.u32 s26, v1;
	v29 =	vmul.f32 v19, v29;
	v28 =	vmul.f32 v34, v28  }
0x337: {  	v27 =	vor.u32 s28, v1;
	v37 =	vmul.f32 v36, v15;
	v23 =	vmul.f32 v35, v23  }
0x338: {  	v30 =	vsel vm12, v30, v32;
	v16 =	vsel vm12, v16, v18;
	v15 =	vsel vm12, v21, v33  }
0x339: {  	v19 =	vsel vm12, v19, v29;
	v21 =	vsel vm12, v20, v31;
	v15 =	vmul.f32 v15, v22  }
0x33a: {  	v18 =	vmul.f32 v30, v22;
	v28 =	vsel vm12, v34, v28;
	v16 =	vmul.f32 v16, v22  }
0x33b: {  	v20 =	vmul.f32 v19, v22;
	v19 =	vmul.f32 v21, v22;
	v29 =	vsel vm12, v36, v37  }
0x33c: {  	v21 =	vmul.f32 v28, v22;
	v30 =	vsel vm12, v35, v23;
	v23 =	vmul.f32 v29, v22  }
0x33d: {  	v28 =	vmax.f32 v16, $1.192092900e-07;
	v29 =	vmax.f32 v15, $1.192092900e-07;
	v30 =	vmul.f32 v30, v22  }
0x33e: {  	v33 =	vmax.f32 v18, $1.192092900e-07;
	v31 =	vmax.f32 v20, $1.192092900e-07;
	v32 =	vmax.f32 v19, $1.192092900e-07  }
0x33f: {  	v36 =	vmax.f32 v21, $1.192092900e-07;
	v35 =	vmax.f32 v23, $1.192092900e-07;
	v34 =	vmax.f32 v30, $1.192092900e-07  }
0x340: {  	v33 =	vmin.f32 v33, $9.999998800e-01;
	v28 =	vmin.f32 v28, $9.999998800e-01;
	v29 =	vmin.f32 v29, $9.999998800e-01  }
0x341: {  	v31 =	vmin.f32 v31, $9.999998800e-01;
	v32 =	vmin.f32 v32, $9.999998800e-01;
	v36 =	vmin.f32 v36, $9.999998800e-01  }
0x342: {  	v37 =	vshra.s32 v29, $0x17;
	v35 =	vmin.f32 v35, $9.999998800e-01;
	v34 =	vmin.f32 v34, $9.999998800e-01  }
0x343: {  	v39 =	vshra.s32 v33, $0x17;
	v38 =	vshra.s32 v32, $0x17;
	v40 =	vshra.s32 v28, $0x17  }
0x344: {  	v43 =	vshra.s32 v31, $0x17;
	v42 =	vshra.s32 v36, $0x17;
	v41 =	vshra.s32 v35, $0x17  }
0x345: {  	v45 =	vand.u32 $0x7FFFFF, v28;
	v46 =	vand.u32 $0x7FFFFF, v29;
	v44 =	vshra.s32 v34, $0x17  }
0x346: {  	s24 =	sadd.s32 $0x8, s24;
	v33 =	vand.u32 $0x7FFFFF, v33;
	v31 =	vand.u32 $0x7FFFFF, v31;
	v32 =	vand.u32 $0x7FFFFF, v32  }
0x347: {  	p0 =	slt.u32 s24, $0x78;
	v36 =	vand.u32 $0x7FFFFF, v36;
	v35 =	vand.u32 $0x7FFFFF, v35;
	v34 =	vand.u32 $0x7FFFFF, v34  }
0x348: {  	v39 =	vadd.s32 $0xFFFFFF81, v39;
	v40 =	vadd.s32 $0xFFFFFF81, v40;
	v37 =	vadd.s32 $0xFFFFFF81, v37  }
0x349: {  	v29 =	vadd.s32 $0xFFFFFF81, v43;
	v38 =	vadd.s32 $0xFFFFFF81, v38;
	v28 =	vadd.s32 $0xFFFFFF81, v42  }
0x34a: {  	v43 =	vor.u32 $0x3F800000, v46;
	v41 =	vadd.s32 $0xFFFFFF81, v41;
	v42 =	vadd.s32 $0xFFFFFF81, v44  }
0x34b: {  	v46 =	vor.u32 $0x3F800000, v33;
	v45 =	vor.u32 $0x3F800000, v45;
	v44 =	vor.u32 $0x3F800000, v32  }
0x34c: {  	v47 =	vor.u32 $0x3F800000, v31;
	v36 =	vor.u32 $0x3F800000, v36;
	v35 =	vor.u32 $0x3F800000, v35  }
0x34d: {  	v33 =	vcvt.s32.f32 v40;
	v48 =	vor.u32 $0x3F800000, v34;
	v34 =	vcvt.s32.f32 v37  }
0x34e: {  	v31 =	vcvt.s32.f32 v39;
	v32 =	vcvt.s32.f32 v38;
	v37 =	vadd.f32 $-1.000000000e+00, v43  }
0x34f: {  	v39 =	vadd.f32 $-1.000000000e+00, v46;
	v40 =	vadd.f32 $-1.000000000e+00, v45;
	v38 =	vcvt.s32.f32 v41  }
0x350: {  	v41 =	vcvt.s32.f32 v42;
	v42 =	vadd.f32 $-1.000000000e+00, v47;
	v43 =	vadd.f32 $-1.000000000e+00, v44  }
0x351: {  	v36 =	vadd.f32 $-1.000000000e+00, v36;
	v44 =	vmul.f32 $4.342836510e-02, v40;
	v45 =	vmul.f32 $4.342836510e-02, v37  }
0x352: {  	v35 =	vadd.f32 $-1.000000000e+00, v35;
	v47 =	vmul.f32 $4.342836510e-02, v39;
	v46 =	vmul.f32 $4.342836510e-02, v43  }
0x353: {  	v48 =	vadd.f32 $-1.000000000e+00, v48;
	v49 =	vmul.f32 $4.342836510e-02, v36;
	v50 =	vmul.f32 $4.342836510e-02, v42  }
0x354: {  	v51 =	vmul.f32 $4.342836510e-02, v35;
	v44 =	vadd.f32 $-1.877204920e-01, v44;
	v45 =	vadd.f32 $-1.877204920e-01, v45  }
0x355: {  	v52 =	vmul.f32 $4.342836510e-02, v48;
	v47 =	vadd.f32 $-1.877204920e-01, v47;
	v46 =	vadd.f32 $-1.877204920e-01, v46  }
0x356: {  	v49 =	vadd.f32 $-1.877204920e-01, v49;
	v50 =	vadd.f32 $-1.877204920e-01, v50;
	v45 =	vmul.f32 v45, v37  }
0x357: {  	v51 =	vadd.f32 $-1.877204920e-01, v51;
	v47 =	vmul.f32 v47, v39;
	v44 =	vmul.f32 v44, v40  }
0x358: {  	v52 =	vadd.f32 $-1.877204920e-01, v52;
	v50 =	vmul.f32 v50, v42;
	v46 =	vmul.f32 v46, v43  }
0x359: {  	v49 =	vmul.f32 v49, v36;
	v44 =	vadd.f32 $4.087189440e-01, v44;
	v45 =	vadd.f32 $4.087189440e-01, v45  }
0x35a: {  	v51 =	vmul.f32 v51, v35;
	v47 =	vadd.f32 $4.087189440e-01, v47;
	v46 =	vadd.f32 $4.087189440e-01, v46  }
0x35b: {  	v52 =	vmul.f32 v52, v48;
	v49 =	vadd.f32 $4.087189440e-01, v49;
	v50 =	vadd.f32 $4.087189440e-01, v50  }
0x35c: {  	v51 =	vadd.f32 $4.087189440e-01, v51;
	v44 =	vmul.f32 v44, v40;
	v45 =	vmul.f32 v45, v37  }
0x35d: {  	v52 =	vadd.f32 $4.087189440e-01, v52;
	v47 =	vmul.f32 v47, v39;
	v46 =	vmul.f32 v46, v43  }
0x35e: {  	v49 =	vmul.f32 v49, v36;
	v50 =	vmul.f32 v50, v42;
	v45 =	vadd.f32 $-7.057026020e-01, v45  }
0x35f: {  	v51 =	vmul.f32 v51, v35;
	v47 =	vadd.f32 $-7.057026020e-01, v47;
	v44 =	vadd.f32 $-7.057026020e-01, v44  }
0x360: {  	v52 =	vmul.f32 v52, v48;
	v50 =	vadd.f32 $-7.057026020e-01, v50;
	v46 =	vadd.f32 $-7.057026020e-01, v46  }
0x361: {  	v49 =	vadd.f32 $-7.057026020e-01, v49;
	v44 =	vmul.f32 v44, v40;
	v45 =	vmul.f32 v45, v37  }
0x362: {  	v52 =	vadd.f32 $-7.057026020e-01, v52;
	v47 =	vmul.f32 v47, v39;
	v46 =	vmul.f32 v46, v43  }
0x363: {  	v51 =	vadd.f32 $-7.057026020e-01, v51;
	v49 =	vmul.f32 v49, v36;
	v50 =	vmul.f32 v50, v42  }
0x364: {  	v52 =	vmul.f32 v52, v48;
	v44 =	vadd.f32 $1.441267130e+00, v44;
	v45 =	vadd.f32 $1.441267130e+00, v45  }
0x365: {  	v51 =	vmul.f32 v51, v35;
	v47 =	vadd.f32 $1.441267130e+00, v47;
	v46 =	vadd.f32 $1.441267130e+00, v46  }
0x366: {  	v52 =	vadd.f32 $1.441267130e+00, v52;
	v50 =	vadd.f32 $1.441267130e+00, v50;
	v37 =	vmul.f32 v45, v37  }
0x367: {  	v39 =	vmul.f32 v47, v39;
	v40 =	vmul.f32 v44, v40;
	v45 =	vadd.f32 $1.441267130e+00, v51  }
0x368: {  	v47 =	vadd.f32 $1.441267130e+00, v49;
	v44 =	vmul.f32 v52, v48;
	v43 =	vmul.f32 v46, v43  }
0x369: {  	v40 =	vadd.f32 $3.193085650e-05, v40;
	v35 =	vmul.f32 v45, v35;
	v37 =	vadd.f32 $3.193085650e-05, v37  }
0x36a: {  	v42 =	vmul.f32 v50, v42;
	v39 =	vadd.f32 $3.193085650e-05, v39;
	v44 =	vadd.f32 $3.193085650e-05, v44  }
0x36b: {  	v36 =	vmul.f32 v47, v36;
	v43 =	vadd.f32 $3.193085650e-05, v43;
	v35 =	vadd.f32 $3.193085650e-05, v35  }
0x36c: {  	v42 =	vadd.f32 $3.193085650e-05, v42;
	v41 =	vadd.f32 v41, v44;
	v44 =	vcvt.s32.f32 v29  }
0x36d: {  	v36 =	vadd.f32 $3.193085650e-05, v36;
	v35 =	vadd.f32 v38, v35;
	v38 =	vcvt.s32.f32 v28  }
.Ltmp7:
0x36e: {  	v29 =	vadd.f32 v33, v40;
	v28 =	vadd.f32 v34, v37;
	v41 =	vmul.f32 $6.931471820e-01, v41;
	(pc) =	sbr.rel @p0 .LBB2_16-.Ltmp7, $4  }
0x36f: {  	v31 =	vadd.f32 v31, v39;
	v34 =	vmul.f32 $6.931471820e-01, v35;
	v35 =	vadd.f32 v38, v36  }
0x370: {  	v32 =	vadd.f32 v32, v43;
	v33 =	vadd.f32 v44, v42;
	v37 =	vmul.f32 v41, v30  }
0x371: {  	vm0 =	vgt.f32 v30, v25;
	v34 =	vmul.f32 v34, v23;
	v36 =	vmul.f32 $6.931471820e-01, v35  }
0x372: {  	s25 =	sadd.s32 $0x80, s25;
	v30 =	vsel vm0, v30, v25;
	v35 =	vsub.f32 v24, v37;
	v24 =	vsel vm0, v27, v26  }
0x373: {  	(xrf0) =	vmax.scan.msk.f32 $0xffff, v2;
	_ =	sdelay $0x5  }
0x374: {  	v22, _, _ =	vpop (xrf0)  }
0x375: {  	v22 =	vbroadcast v22, $0xF;
	_ =	sdelay $0x1  }
0x376: {  	v25 =	vmax.f32 v22, $1.192092900e-07  }
0x377: {  	v25 =	vmin.f32 v25, $9.999998800e-01  }
0x378: {  	v26 =	vand.u32 $0x7FFFFF, v25  }
0x379: {  	v26 =	vor.u32 $0x3F800000, v26  }
0x37a: {  	v26 =	vadd.f32 $-1.000000000e+00, v26;
	_ =	sdelay $0x1  }
0x37b: {  	v27 =	vmul.f32 $4.342836510e-02, v26;
	_ =	sdelay $0x1  }
0x37c: {  	v27 =	vadd.f32 $-1.877204920e-01, v27;
	_ =	sdelay $0x1  }
0x37d: {  	v27 =	vmul.f32 v27, v26;
	_ =	sdelay $0x1  }
0x37e: {  	v27 =	vadd.f32 $4.087189440e-01, v27;
	_ =	sdelay $0x1  }
0x37f: {  	v27 =	vmul.f32 v27, v26;
	_ =	sdelay $0x1  }
0x380: {  	v27 =	vadd.f32 $-7.057026020e-01, v27  }
0x381: {  	(xrf2) =	vadd.scan.msk.f32 $0xffff, v4  }
0x382: {  	v39 =	vmul.f32 v27, v26;
	_ =	sdelay $0x1  }
0x383: {  	v4 =	vadd.f32 $1.441267130e+00, v39;
	_ =	sdelay $0x1  }
0x384: {  	v25 =	vshra.s32 v25, $0x17;
	v4 =	vmul.f32 v4, v26  }
0x385: {  	v25 =	vadd.s32 $0xFFFFFF81, v25  }
0x386: {  	v25 =	vcvt.s32.f32 v25;
	v4 =	vadd.f32 $3.193085650e-05, v4;
	_ =	sdelay $0x1  }
0x387: {  	v4 =	vadd.f32 v25, v4  }
0x388: {  	vm0 =	veq.f32 v2, v22;
	v2 =	vxor.u32 $0x80000000, v3;
	v40, _, _ =	vpop (xrf2)  }
0x389: {  	v2 =	vnsel vm0, $0xC0000000, v2;
	v41 =	vxor.u32 $0x80000000, v40;
	v3 =	vmul.f32 $-6.931471820e-01, v4  }
0x38a: {  	(xrf0) =	vmin.scan.msk.u32 $0xffff, v2;
	v2 =	vbroadcast v41, $0xF  }
0x38b: {  	(xrf0) =	vmax.scan.msk.u32 $0xffff, v3  }
0x38c: {  	(xrf0) =	vmax.scan.msk.u32 $0xffff, v2  }
0x38d: {  	(xrf0) =	vmax.scan.msk.f32 $0xffff, v5;
	_ =	sdelay $0x2  }
0x38e: {  	v4, _, _ =	vpop (xrf0)  }
0x38f: {  	v3, _, _ =	vpop (xrf0)  }
0x390: {  	v2, _, _ =	vpop (xrf0)  }
0x391: {  	v42, _, _ =	vpop (xrf0)  }
0x392: {  	v22 =	vbroadcast v42, $0xF;
	_ =	sdelay $0x1  }
0x393: {  	v43 =	vmax.f32 v22, $1.192092900e-07  }
0x394: {  	v25 =	vmin.f32 v43, $9.999998800e-01  }
0x395: {  	v44 =	vand.u32 $0x7FFFFF, v25  }
0x396: {  	v26 =	vor.u32 $0x3F800000, v44  }
0x397: {  	v26 =	vadd.f32 $-1.000000000e+00, v26;
	_ =	sdelay $0x1  }
0x398: {  	v45 =	vmul.f32 $4.342836510e-02, v26;
	_ =	sdelay $0x1  }
0x399: {  	v27 =	vadd.f32 $-1.877204920e-01, v45;
	_ =	sdelay $0x1  }
0x39a: {  	v27 =	vmul.f32 v27, v26;
	_ =	sdelay $0x1  }
0x39b: {  	v27 =	vadd.f32 $4.087189440e-01, v27;
	_ =	sdelay $0x1  }
0x39c: {  	v27 =	vmul.f32 v27, v26;
	_ =	sdelay $0x1  }
0x39d: {  	v27 =	vadd.f32 $-7.057026020e-01, v27  }
0x39e: {  	(xrf2) =	vadd.scan.msk.f32 $0xffff, v7  }
0x39f: {  	v46 =	vmul.f32 v27, v26;
	_ =	sdelay $0x1  }
0x3a0: {  	v7 =	vadd.f32 $1.441267130e+00, v46;
	_ =	sdelay $0x1  }
0x3a1: {  	v25 =	vshra.s32 v25, $0x17;
	v7 =	vmul.f32 v7, v26  }
0x3a2: {  	v25 =	vadd.s32 $0xFFFFFF81, v25  }
0x3a3: {  	v25 =	vcvt.s32.f32 v25;
	v7 =	vadd.f32 $3.193085650e-05, v7;
	_ =	sdelay $0x1  }
0x3a4: {  	v7 =	vadd.f32 v25, v7  }
0x3a5: {  	v48 =	vxor.u32 $0x80000000, v6;
	v47, _, _ =	vpop (xrf2);
	vm0 =	veq.f32 v5, v22  }
0x3a6: {  	v50 =	vxor.u32 $0x80000000, v47;
	v5 =	vnsel vm0, $0xC0000000, v48;
	v49 =	vmul.f32 $-6.931471820e-01, v7  }
0x3a7: {  	v51 =	vbroadcast v50, $0xF;
	(xrf0) =	vmin.scan.msk.u32 $0xffff, v5  }
0x3a8: {  	(xrf0) =	vmax.scan.msk.u32 $0xffff, v49  }
0x3a9: {  	(xrf0) =	vmax.scan.msk.u32 $0xffff, v51  }
0x3aa: {  	(xrf0) =	vmax.scan.msk.f32 $0xffff, v8;
	_ =	sdelay $0x2  }
0x3ab: {  	v5, _, _ =	vpop (xrf0)  }
0x3ac: {  	v6, _, _ =	vpop (xrf0)  }
0x3ad: {  	v7, _, _ =	vpop (xrf0)  }
0x3ae: {  	v52, _, _ =	vpop (xrf0)  }
0x3af: {  	v22 =	vbroadcast v52, $0xF;
	_ =	sdelay $0x1  }
0x3b0: {  	v53 =	vmax.f32 v22, $1.192092900e-07  }
0x3b1: {  	v25 =	vmin.f32 v53, $9.999998800e-01  }
0x3b2: {  	v54 =	vand.u32 $0x7FFFFF, v25  }
0x3b3: {  	v26 =	vor.u32 $0x3F800000, v54  }
0x3b4: {  	v26 =	vadd.f32 $-1.000000000e+00, v26;
	_ =	sdelay $0x1  }
0x3b5: {  	v55 =	vmul.f32 $4.342836510e-02, v26;
	_ =	sdelay $0x1  }
0x3b6: {  	v27 =	vadd.f32 $-1.877204920e-01, v55;
	_ =	sdelay $0x1  }
0x3b7: {  	v27 =	vmul.f32 v27, v26;
	_ =	sdelay $0x1  }
0x3b8: {  	v27 =	vadd.f32 $4.087189440e-01, v27;
	_ =	sdelay $0x1  }
0x3b9: {  	v27 =	vmul.f32 v27, v26;
	_ =	sdelay $0x1  }
0x3ba: {  	(xrf2) =	vadd.scan.msk.f32 $0xffff, v10;
	v27 =	vadd.f32 $-7.057026020e-01, v27;
	_ =	sdelay $0x1  }
0x3bb: {  	vm12 =	vgt.f32 v23, v30;
	v57 =	vmul.f32 v27, v26  }
0x3bc: {  	v56 =	vsel vm12, v23, v30  }
0x3bd: {  	vm13 =	vgt.f32 v21, v56;
	v23 =	vadd.f32 $1.441267130e+00, v57  }
0x3be: {  	v10 =	vsel vm13, v21, v56  }
0x3bf: {  	vm14 =	vgt.f32 v20, v10;
	v25 =	vshra.s32 v25, $0x17;
	v23 =	vmul.f32 v23, v26  }
0x3c0: {  	v10 =	vsel vm14, v20, v10;
	v25 =	vadd.s32 $0xFFFFFF81, v25  }
0x3c1: {  	vm0 =	vgt.f32 v19, v10;
	v25 =	vcvt.s32.f32 v25;
	v23 =	vadd.f32 $3.193085650e-05, v23  }
0x3c2: {  	v10 =	vsel vm0, v19, v10  }
0x3c3: {  	v59 =	vxor.u32 $0x80000000, v9;
	v58, _, _ =	vpop (xrf2);
	vm1 =	vgt.f32 v18, v10;
	v23 =	vadd.f32 v25, v23  }
0x3c4: {  	v61 =	vxor.u32 $0x80000000, v58;
	v10 =	vsel vm1, v18, v10;
	vm2 =	veq.f32 v8, v22  }
0x3c5: {  	vm15 =	vgt.f32 v16, v10;
	v8 =	vnsel vm2, $0xC0000000, v59;
	v60 =	vmul.f32 $-6.931471820e-01, v23  }
0x3c6: {  	v62 =	vbroadcast v61, $0xF;
	v10 =	vsel vm15, v16, v10;
	(xrf0) =	vmin.scan.msk.u32 $0xffff, v8  }
0x3c7: {  	vm2 =	vgt.f32 v15, v10;
	(xrf0) =	vmax.scan.msk.u32 $0xffff, v60  }
0x3c8: {  	v63 =	vsel vm2, v15, v10;
	(xrf0) =	vmax.scan.msk.u32 $0xffff, v62  }
0x3c9: {  	(xrf0) =	vmax.scan.msk.f32 $0xffff, v63;
	_ =	sdelay $0x2  }
0x3ca: {  	v8, _, _ =	vpop (xrf0)  }
0x3cb: {  	v10, _, _ =	vpop (xrf0)  }
0x3cc: {  	v22, _, _ =	vpop (xrf0)  }
0x3cd: {  	v27, _, _ =	vpop (xrf0)  }
0x3ce: {  	v23 =	vbroadcast v27, $0xF;
	_ =	sdelay $0x1  }
0x3cf: {  	v30 =	vmax.f32 v23, $1.192092900e-07  }
0x3d0: {  	v25 =	vmin.f32 v30, $9.999998800e-01  }
0x3d1: {  	v37 =	vmul.f32 v36, v21;
	v38 =	vand.u32 $0x7FFFFF, v25  }
0x3d2: {  	v40 =	vmul.f32 $6.931471820e-01, v33;
	v39 =	vsub.f32 v35, v34;
	v26 =	vor.u32 $0x3F800000, v38  }
0x3d3: {  	v26 =	vadd.f32 $-1.000000000e+00, v26  }
0x3d4: {  	v41 =	vmul.f32 v40, v20;
	v21 =	vsub.f32 v39, v37;
	v42 =	vmul.f32 $6.931471820e-01, v32  }
0x3d5: {  	v43 =	vmul.f32 $4.342836510e-02, v26  }
0x3d6: {  	v20 =	vsub.f32 v21, v41;
	v44 =	vmul.f32 v42, v19;
	v45 =	vmul.f32 $6.931471820e-01, v31  }
0x3d7: {  	v27 =	vadd.f32 $-1.877204920e-01, v43  }
0x3d8: {  	v47 =	vmul.f32 $6.931471820e-01, v29;
	v19 =	vsub.f32 v20, v44;
	v46 =	vmul.f32 v45, v18  }
0x3d9: {  	v48 =	vmul.f32 v27, v26  }
0x3da: {  	v50 =	vmul.f32 $6.931471820e-01, v28;
	v18 =	vsub.f32 v19, v46;
	v49 =	vmul.f32 v47, v16  }
0x3db: {  	v51 =	vadd.f32 $4.087189440e-01, v48  }
0x3dc: {  	v16 =	vsub.f32 v18, v49;
	v52 =	vmul.f32 v50, v15  }
0x3dd: {  	v53 =	vmul.f32 v51, v26  }
0x3de: {  	v15 =	vsub.f32 v16, v52  }
0x3df: {  	v54 =	vadd.f32 $-7.057026020e-01, v53  }
0x3e0: {  	(xrf2) =	vadd.scan.msk.f32 $0xffff, v15  }
0x3e1: {  	v55 =	vmul.f32 v54, v26  }
0x3e2: {  	v56 =	vsel vm12, v17, v24  }
0x3e3: {  	v14 =	vsel vm13, v14, v56;
	v15 =	vadd.f32 $1.441267130e+00, v55  }
0x3e4: {  	v13 =	vsel vm14, v13, v14  }
0x3e5: {  	v12 =	vsel vm0, v12, v13;
	v57 =	vshra.s32 v25, $0x17;
	v58 =	vmul.f32 v15, v26  }
0x3e6: {  	s21 =	sadd.s32 $0xFFFFFFF0, s22;
	v11 =	vsel vm1, v11, v12;
	v59 =	vadd.s32 $0xFFFFFF81, v57  }
0x3e7: {  	v60 =	vor.u32 s21, v1;
	v12 =	vcvt.s32.f32 v59;
	v14 =	vadd.f32 $3.193085650e-05, v58  }
0x3e8: {  	v61 =	vor.u32 s23, v1;
	v11 =	vsel vm15, v60, v11  }
0x3e9: {  	(v2sf) =	vpush v4, $0xF;
	v11 =	vsel vm2, v61, v11;
	v62 =	vadd.f32 v12, v14  }
0x3ea: {  	(v2sf) =	vpush v3, $0xF;
	v3, _, _ =	vpop (xrf2);
	vm0 =	veq.f32 v63, v23;
	v63 =	vxor.u32 $0x80000000, v11  }
0x3eb: {  	v3 =	vxor.u32 $0x80000000, v3;
	v9 =	vnsel vm0, $0xC0000000, v63;
	v4 =	vmul.f32 $-6.931471820e-01, v62  }
0x3ec: {  	(v2sf) =	vpush v2, $0xF;
	v2 =	vbroadcast v3, $0xF;
	(xrf0) =	vmin.scan.msk.u32 $0xffff, v9  }
0x3ed: {  	(v2sf) =	vpush v5, $0xF;
	(xrf0) =	vmax.scan.msk.u32 $0xffff, v4  }
0x3ee: {  	(v2sf) =	vpush v6, $0xF;
	(xrf0) =	vmax.scan.msk.u32 $0xffff, v2  }
0x3ef: {  	(v2sf) =	vpush v7, $0xF  }
0x3f0: {  	(v2sf) =	vpush v8, $0xF  }
0x3f1: {  	(v2sf) =	vpush v10, $0xF  }
0x3f2: {  	(v2sf) =	vpush v22, $0xF;
	v2, _, _ =	vpop (xrf0)  }
0x3f3: {  	(v2sf) =	vpush v2, $0xF;
	v3, _, _ =	vpop (xrf0)  }
0x3f4: {  	(v2sf) =	vpush v3, $0xF;
	v2, _, _ =	vpop (xrf0)  }
0x3f5: {  	(v2sf) =	vpush v2, $0xF;
	_ =	sdelay $0x2  }
0x3f6: {  	s25 =	spop (v2sf)  }
0x3f7: {  	s21 =	sxor.u32 $0x80000000, s25  }
0x3f8: {  	s26 =	spop (v2sf);
	vm0 =	vcmask $0x300;
	v2 =	vmov s21  }
0x3f9: {  	s28 =	spop (v2sf);
	s22 =	sxor.u32 $0x80000000, s26;
	v2 =	vnsel vm0, $0x0, v2;
	vm0 =	vcmask $0x704  }
0x3fa: {  	s29 =	spop (v2sf);
	s21 =	sxor.u32 $0x80000000, s28;
	v2 =	vsel vm0, s22, v2;
	vm0 =	vcmask $0xB08  }
0x3fb: {  	s23 =	sxor.u32 $0x80000000, s29;
	s30 =	spop (v2sf);
	v2 =	vsel vm0, s21, v2  }
0x3fc: {  	s31 =	spop (v2sf);
	s22 =	sxor.u32 $0x80000000, s30;
	v2 =	vsel vm3, s23, v2  }
0x3fd: {  	s24 =	spop (v2sf);
	s21 =	sxor.u32 $0x80000000, s31;
	v2 =	vsel vm4, s22, v2  }
0x3fe: {  	s25 =	spop (v2sf);
	s23 =	sxor.u32 $0x80000000, s24;
	v2 =	vsel vm5, s21, v2  }
0x3ff: {  	s26 =	spop (v2sf);
	s22 =	sxor.u32 $0x80000000, s25;
	v2 =	vsel vm6, s23, v2  }
0x400: {  	s21 =	sxor.u32 $0x80000000, s26;
	v2 =	vsel vm7, s22, v2;
	s28 =	spop (v2sf)  }
0x401: {  	v2 =	vsel vm8, s21, v2;
	s23 =	sxor.u32 $0x80000000, s28;
	s29 =	spop (v2sf)  }
0x402: {  	v2 =	vsel vm9, s23, v2;
	s30 =	sxor.u32 $0x80000000, s29;
	s31 =	spop (v2sf)  }
0x403: {  	s20 =	sadd.s32 $0x1, s20;
	s22 =	sxor.u32 $0x80000000, s31;
	v2 =	vsel vm10, s30, v2  }
0x404: {  	p0 =	sne.s32 s20, s12;
	v2 =	vsel vm11, s22, v2  }
.Ltmp8:
0x405: {  	[tilespmem:$0x1000] =	vst v2;
	(pc) =	sbr.rel @p0 .LBB2_1-.Ltmp8, $4  }
0x406: {  	[hbm4b:s11+s1] =	stream.linear.scatter [tilespmem:s18], [sflag:$0x3], $0x80, $0x38;
	[tilespmem:$0x1080] =	vst v63  }
0x407: {  	_ =	swait.ge [sflag:s19], $0x80  }
0x408: {  	[sflag:s19] =	ssyncset.done $0x0  }
0x409: {  	[sflag:s19] =	ssyncadd.s32 $0xFFFFFF80  }
0x40a: {  	_ =	sfence.sel $0x180000  }
0x40b: {  	[bflag:$0x0] =	sbarrier.arrive $0xFFFF  }
0x40c: {  	p0 =	sne.s32 s2, $0x0;
	_ =	strace $0x90000047  }
0x40d: {  	s0 =	sadd.s32 @!p0 $0x100000, s0;
	[bflag:$0x2] =	sbarrier.arrive $0xFFFF  }
0x40e: {  	[sflag:s0] =	ssyncadd.tile.s32 @!p0 $0x1;
	_ =	shalt  }
.Lfunc_end2:
_tile_overlayer_lowered:
.L_overlay_start_2:
0x40f: {  	(tag) =	ssettag $0x2  }
0x410: {  	s0 =	rddreg [dreg:$0x0];
	s2 =	stileid.u32  }
0x411: {  	s1 =	rddreg [dreg:$0x1];
	p0 =	sne.s32 s2, $0x0  }
0x412: {  	s3 =	rddreg [dreg:$0x2];
	[bflag:$0x3] =	sbarrier.arrive $0xFFFF;
	s2 =	simm.s32 @!p0 $0x1C03  }
0x413: {  	[timem:s3], [sflag:s2] =	dma.local @!p0 [hbm:s0], s1  }
0x414: {  	s0 =	simm.s32 @!p0 $0x3  }
0x415: {  	_ =	swait.ge @!p0 [sflag:s0], s1  }
0x416: {  	s1 =	ssub.s32 @!p0 $0x0, s1;
	[sflag:s0] =	ssyncset.done @!p0 $0x0  }
0x417: {  	[sflag:s0] =	ssyncadd.s32 @!p0 s1  }
0x418: {  	[bflag:$0x3] =	sbarrier.arrive $0xFFFF  }
0x419: {  	_ =	shalt  }

</sc_bundles>
